<compile_context>
chip_gen: v7x
topology: tpu7x:2x2x1
jax: 0.10.2.dev20260603
libtpu: 0.0.44.dev20260713+nightly
codegen_flags: <defaults>
</compile_context>

<pallas_src>
import functools

import jax
import jax.numpy as jnp
from jax import lax
from jax.experimental import pallas as pl
from jax.experimental.pallas import tpu as pltpu
from jax.experimental.pallas import tpu_sc as plsc

N = 10000
E = 320000
HID = 128
NC = 6
L = 4

NCORES = 2
NSUB = 16
NTILES = NCORES * NSUB
CHUNK = 128
NCH0 = 128
NCH1 = 30
EPAD = NSUB * (NCH0 + NCH1) * CHUNK
NCH_D = EPAD // NTILES // CHUNK
EPT_D = NCH_D * CHUNK
NPAD = 10240
RPT = NPAD // NSUB

BN_SCALE = 1.0 / (1.0 + 1e-5) ** 0.5

_mesh = plsc.VectorSubcoreMesh(core_axis_name="c", subcore_axis_name="s")



@functools.partial(
    pl.kernel,
    out_type=jax.ShapeDtypeStruct((NCORES * NPAD,), jnp.float32),
    mesh=_mesh,
    scratch_types=[
        pltpu.VMEM((CHUNK,), jnp.int32),
        pltpu.VMEM((CHUNK,), jnp.float32),
        pltpu.VMEM((RPT,), jnp.float32),
        pltpu.VMEM_SHARED((NPAD,), jnp.float32),
        pltpu.SemaphoreType.DMA,
    ],
)
def _sc_degree(dst_hbm, ones_hbm, zeros_hbm, out_hbm, dst_v, ones_v, stage_v,
               deg_sh, sem):
    c = lax.axis_index("c")
    s = lax.axis_index("s")
    wid = c * NSUB + s
    pltpu.sync_copy(zeros_hbm.at[pl.ds(s * RPT, RPT)], stage_v)
    pltpu.sync_copy(stage_v, deg_sh.at[pl.ds(s * RPT, RPT)])
    pltpu.sync_copy(ones_hbm, ones_v)
    plsc.subcore_barrier()

    def step(j, carry):
        base = wid * EPT_D + j * CHUNK
        pltpu.sync_copy(dst_hbm.at[pl.ds(base, CHUNK)], dst_v)
        pltpu.sync_copy(ones_v, deg_sh.at[dst_v], add=True)
        return carry

    lax.fori_loop(0, NCH_D, step, 0)
    plsc.subcore_barrier()
    pltpu.sync_copy(deg_sh.at[pl.ds(s * RPT, RPT)], stage_v)
    pltpu.sync_copy(stage_v, out_hbm.at[pl.ds(c * NPAD + s * RPT, RPT)])


@functools.partial(
    pl.kernel,
    out_type=pltpu.MemorySpace.HBM((NCORES, NPAD, HID), jnp.float32),
    mesh=_mesh,
    scratch_types=[
        pltpu.VMEM((2 * CHUNK,), jnp.int32),
        pltpu.VMEM((2 * CHUNK,), jnp.int32),
        pltpu.VMEM((CHUNK,), jnp.int32),
        pltpu.VMEM((CHUNK,), jnp.int32),
        pltpu.VMEM((CHUNK, HID), jnp.float32),
        pltpu.VMEM((CHUNK, HID), jnp.float32),
        pltpu.VMEM_SHARED((NPAD, HID), jnp.float32),
        pltpu.SemaphoreType.DMA,
        pltpu.SemaphoreType.DMA,
        pltpu.SemaphoreType.DMA,
        pltpu.SemaphoreType.DMA,
        pltpu.SemaphoreType.DMA,
        pltpu.SemaphoreType.DMA,
    ],
)
def _sc_scatter(y_hbm, sd_hbm, zeros_hbm, out_hbm,
                ibuf0, ibuf1, dstl0, dstl1, buf0, buf1, z_sh,
                isem0, isem1, gsem0, gsem1, ssem0, ssem1):
    c = lax.axis_index("c")
    s = lax.axis_index("s")
    nch = jnp.where(c == 0, NCH0, NCH1)
    base = jnp.where(c == 0, s * NCH0, NSUB * NCH0 + s * NCH1)

    pltpu.sync_copy(zeros_hbm, buf0)
    for k in range(RPT // CHUNK):
        pltpu.async_copy(buf0, z_sh.at[pl.ds(s * RPT + k * CHUNK, CHUNK)],
                         isem0)
    for k in range(RPT // CHUNK):
        pltpu.make_async_copy(
            buf0, z_sh.at[pl.ds(s * RPT + k * CHUNK, CHUNK)], isem0).wait()
    plsc.subcore_barrier()

    ibufs = (ibuf0, ibuf1)
    isems = (isem0, isem1)
    bufs = (buf0, buf1)
    gsems = (gsem0, gsem1)
    dstls = (dstl0, dstl1)
    ssems = (ssem0, ssem1)

    pltpu.sync_copy(sd_hbm.at[pl.ds(base * 2 * CHUNK, 2 * CHUNK)], ibuf0)
    pltpu.async_copy(sd_hbm.at[pl.ds((base + 1) * 2 * CHUNK, 2 * CHUNK)],
                     ibuf1, isem1)
    pltpu.async_copy(y_hbm.at[ibuf0.at[pl.ds(0, CHUNK)]], buf0, gsem0)

    def outer(jo, carry):
        for b in range(2):
            nb = 1 - b
            j = jo * 2 + b
            pltpu.make_async_copy(
                y_hbm.at[ibufs[b].at[pl.ds(0, CHUNK)]], bufs[b],
                gsems[b]).wait()
            for q in range(CHUNK // 16):
                dstls[b][pl.ds(q * 16, 16)] = \
                    ibufs[b][pl.ds(CHUNK + q * 16, 16)]

            @pl.when(j + 2 < nch)
            def _():
                pltpu.async_copy(
                    sd_hbm.at[pl.ds((base + j + 2) * 2 * CHUNK, 2 * CHUNK)],
                    ibufs[b], isems[b])

            @pl.when(j + 1 < nch)
            def _():
                pltpu.make_async_copy(
                    sd_hbm.at[pl.ds(base * 2 * CHUNK, 2 * CHUNK)],
                    ibufs[nb], isems[nb]).wait()

                @pl.when(j >= 1)
                def _():
                    pltpu.make_async_copy(
                        bufs[nb], z_sh.at[dstls[nb]], ssems[nb]).wait()

                pltpu.async_copy(y_hbm.at[ibufs[nb].at[pl.ds(0, CHUNK)]],
                                 bufs[nb], gsems[nb])

            pltpu.async_copy(bufs[b], z_sh.at[dstls[b]], ssems[b], add=True)
        return carry

    lax.fori_loop(0, nch // 2, outer, 0)
    pltpu.make_async_copy(bufs[0], z_sh.at[dstls[0]], ssems[0]).wait()
    pltpu.make_async_copy(bufs[1], z_sh.at[dstls[1]], ssems[1]).wait()
    plsc.subcore_barrier()
    NK = RPT // CHUNK
    pltpu.async_copy(z_sh.at[pl.ds(s * RPT, CHUNK)], buf0, gsems[0])
    for k in range(NK):
        r = s * RPT + k * CHUNK
        pltpu.make_async_copy(z_sh.at[pl.ds(r, CHUNK)], bufs[k % 2],
                              gsems[k % 2]).wait()
        pltpu.async_copy(bufs[k % 2], out_hbm.at[c, pl.ds(r, CHUNK)],
                         ssems[k % 2])
        if k + 1 < NK:
            if k >= 1:
                pltpu.make_async_copy(
                    bufs[(k + 1) % 2],
                    out_hbm.at[c, pl.ds(r, CHUNK)], ssems[(k + 1) % 2]).wait()
            pltpu.async_copy(z_sh.at[pl.ds(r + CHUNK, CHUNK)],
                             bufs[(k + 1) % 2], gsems[(k + 1) % 2])
    pltpu.make_async_copy(bufs[(NK - 1) % 2],
                          out_hbm.at[c, pl.ds(s * RPT, CHUNK)],
                          ssems[(NK - 1) % 2]).wait()
    pltpu.make_async_copy(bufs[(NK - 2) % 2],
                          out_hbm.at[c, pl.ds(s * RPT, CHUNK)],
                          ssems[(NK - 2) % 2]).wait()



_ROWS = 1000
_GRID = N // _ROWS


_ROWBLK = pl.BlockSpec((_ROWS, HID), lambda i: (i, 0))
_COLBLK = pl.BlockSpec((_ROWS, 1), lambda i: (i, 0))
_WBLK = pl.BlockSpec((HID, HID), lambda i: (0, 0))
_CBLK = pl.BlockSpec((1, HID), lambda i: (0, 0))


def _emb_body(h_ref, emb_ref, da_ref, db_ref, x_ref, dinv_ref):
    hb = h_ref[...][:, 0]
    iota = lax.broadcasted_iota(jnp.int32, (_ROWS, HID), 1)
    oh = (iota == hb[:, None]).astype(jnp.float32)
    x_ref[...] = jnp.dot(oh, emb_ref[...], preferred_element_type=jnp.float32)
    dinv_ref[...] = lax.rsqrt(da_ref[...] + db_ref[...])


def _emb_lookup(h2, emb, da, db):
    return pl.pallas_call(
        _emb_body,
        grid=(_GRID,),
        in_specs=[_COLBLK, _WBLK, _COLBLK, _COLBLK],
        out_specs=[_ROWBLK, _COLBLK],
        out_shape=[
            jax.ShapeDtypeStruct((N, HID), jnp.float32),
            jax.ShapeDtypeStruct((N, 1), jnp.float32),
        ],
    )(h2, emb, da, db)


def _y_body(x_ref, w_ref, dinv_ref, y_ref):
    y_ref[...] = jnp.dot(x_ref[...], w_ref[...],
                         preferred_element_type=jnp.float32) * dinv_ref[...]


def _y_pass(x, w, dinv):
    return pl.pallas_call(
        _y_body,
        grid=(_GRID,),
        in_specs=[_ROWBLK, _WBLK, _COLBLK],
        out_specs=_ROWBLK,
        out_shape=jax.ShapeDtypeStruct((N, HID), jnp.float32),
    )(x, w, dinv)


def _upd_body(x_ref, za_ref, zb_ref, y_ref, dinv_ref, b_ref, g_ref, bt_ref,
              o_ref):
    agg = dinv_ref[...] * (za_ref[...] + zb_ref[...] + y_ref[...]) + b_ref[...]
    bn = agg * (g_ref[...] * BN_SCALE) + bt_ref[...]
    o_ref[...] = x_ref[...] + jnp.maximum(bn, 0.0)


def _update(x, za, zb, y, dinv, bi, gi, bti):
    return pl.pallas_call(
        _upd_body,
        grid=(_GRID,),
        in_specs=[_ROWBLK, _ROWBLK, _ROWBLK, _ROWBLK, _COLBLK,
                  _CBLK, _CBLK, _CBLK],
        out_specs=_ROWBLK,
        out_shape=jax.ShapeDtypeStruct((N, HID), jnp.float32),
    )(x, za, zb, y, dinv, bi, gi, bti)


def _mlp_body(x_ref, w0_ref, b0_ref, w1_ref, b1_ref, w2_ref, b2_ref, o_ref):
    t = jnp.maximum(jnp.dot(x_ref[...], w0_ref[...],
                            preferred_element_type=jnp.float32) + b0_ref[...], 0.0)
    t = jnp.maximum(jnp.dot(t, w1_ref[...],
                            preferred_element_type=jnp.float32) + b1_ref[...], 0.0)
    o_ref[...] = jnp.dot(t, w2_ref[...],
                         preferred_element_type=jnp.float32) + b2_ref[...]


def _mlp(x, w0, b0, w1, b1, w2p, b2p):
    return pl.pallas_call(
        _mlp_body,
        grid=(_GRID,),
        in_specs=[
            _ROWBLK,
            pl.BlockSpec((HID, 64), lambda i: (0, 0)),
            pl.BlockSpec((1, 64), lambda i: (0, 0)),
            pl.BlockSpec((64, 32), lambda i: (0, 0)),
            pl.BlockSpec((1, 32), lambda i: (0, 0)),
            pl.BlockSpec((32, HID), lambda i: (0, 0)),
            _CBLK,
        ],
        out_specs=_ROWBLK,
        out_shape=jax.ShapeDtypeStruct((N, HID), jnp.float32),
    )(x, w0, b0, w1, b1, w2p, b2p)



def kernel(h, edge_index, e, emb, W, b, gamma, beta, mW0, mb0, mW1, mb1, mW2, mb2):
    del e
    src = edge_index[0].astype(jnp.int32)
    dst = edge_index[1].astype(jnp.int32)
    pad = EPAD - E
    srcp = jnp.concatenate([src, jnp.zeros((pad,), jnp.int32)])
    dstp = jnp.concatenate([dst, jnp.full((pad,), N, jnp.int32)])

    zeros1 = jnp.zeros((NPAD,), jnp.float32)
    zeros2 = jnp.zeros((CHUNK, HID), jnp.float32)
    ones_c = jnp.ones((CHUNK,), jnp.float32)
    src_r = srcp.reshape(-1, CHUNK)
    dst_r = dstp.reshape(-1, CHUNK)
    sd = jnp.stack([src_r, dst_r], axis=1).reshape(-1)

    degp = _sc_degree(dstp, ones_c, zeros1).reshape(NCORES, NPAD)
    da = degp[0, :N].reshape(N, 1) + 1.0
    db = degp[1, :N].reshape(N, 1)

    h2 = h.astype(jnp.int32).reshape(N, 1)
    x, dinv = _emb_lookup(h2, emb, da, db)

    for i in range(L):
        y = _y_pass(x, W[i], dinv)
        zp = _sc_scatter(y, sd, zeros2)
        x = _update(x, zp[0, :N], zp[1, :N], y, dinv,
                    b[i].reshape(1, HID), gamma[i].reshape(1, HID),
                    beta[i].reshape(1, HID))

    w2p = jnp.pad(mW2, ((0, 0), (0, HID - NC)))
    b2p = jnp.pad(mb2, (0, HID - NC)).reshape(1, HID)
    out = _mlp(x, mW0, mb0.reshape(1, 64), mW1, mb1.reshape(1, 32), w2p, b2p)
    return out[:, :NC]

# --- scband reference (transcript-rebuilt; emitter-appended) ---
"""Pipeline reference for scband-gcnnet-pyg-58858231824976 (READ-ONLY COPY).

The authoritative reference and input builder live on the scoring server;
editing this copy changes nothing except your own understanding.
"""

import jax, jax.numpy as jnp
import numpy as np

N = 10000
E = 320000
HID = 128
IN_DIM = 128
NC = 6
L = 4
D_EDGE = 4


def setup_inputs(seed: int = 0) -> dict:
    key = jax.random.key(seed)
    ks = jax.random.split(key, 16)
    h = jax.random.randint(ks[0], (N,), 0, IN_DIM, dtype=jnp.int64 if jax.config.jax_enable_x64 else jnp.int32)
    edge_index = jax.random.randint(ks[1], (2, E), 0, N, dtype=jnp.int64 if jax.config.jax_enable_x64 else jnp.int32)
    e = jax.random.normal(ks[2], (E, D_EDGE), dtype=jnp.float32)
    emb = jax.random.normal(ks[3], (IN_DIM, HID), dtype=jnp.float32) * 0.05
    W = jax.random.normal(ks[4], (L, HID, HID), dtype=jnp.float32) * 0.05
    b = jnp.zeros((L, HID), dtype=jnp.float32)
    gamma = jnp.ones((L, HID), dtype=jnp.float32)
    beta = jnp.zeros((L, HID), dtype=jnp.float32)
    mW0 = jax.random.normal(ks[5], (HID, HID // 2), dtype=jnp.float32) * 0.05
    mb0 = jnp.zeros((HID // 2,), dtype=jnp.float32)
    mW1 = jax.random.normal(ks[6], (HID // 2, HID // 4), dtype=jnp.float32) * 0.05
    mb1 = jnp.zeros((HID // 4,), dtype=jnp.float32)
    mW2 = jax.random.normal(ks[7], (HID // 4, NC), dtype=jnp.float32) * 0.05
    mb2 = jnp.zeros((NC,), dtype=jnp.float32)
    return {"h": h, "edge_index": edge_index, "e": e, "emb": emb, "W": W, "b": b,
            "gamma": gamma, "beta": beta, "mW0": mW0, "mb0": mb0, "mW1": mW1,
            "mb1": mb1, "mW2": mW2, "mb2": mb2}


def _gcn_conv(x, src, dst, W, b):
    # PyG GCNConv (improved=False): add self-loops, symmetric normalization
    n = x.shape[0]
    loop = jnp.arange(n, dtype=src.dtype)
    s = jnp.concatenate([src, loop])
    d = jnp.concatenate([dst, loop])
    deg = jnp.zeros((n,), dtype=x.dtype).at[d].add(1.0)
    dinv = jnp.where(deg > 0, 1.0 / jnp.sqrt(deg), 0.0)
    norm = dinv[s] * dinv[d]
    xw = x @ W
    msg = xw[s] * norm[:, None]
    out = jnp.zeros((n, xw.shape[1]), dtype=x.dtype).at[d].add(msg)
    return out + b


def reference(h, edge_index, e, emb, W, b, gamma, beta, mW0, mb0, mW1, mb1, mW2, mb2):
    # e (edge features) is accepted but unused, as in the original forward
    x = emb[h]  # embedding lookup; in_feat_dropout is identity in eval mode
    src = edge_index[0]
    dst = edge_index[1]
    eps = 1e-5
    for i in range(L):
        x_in = x
        x = _gcn_conv(x, src, dst, W[i], b[i])
        # BatchNorm1d in eval mode with running_mean=0, running_var=1
        x = (x - 0.0) / jnp.sqrt(1.0 + eps) * gamma[i] + beta[i]
        x = jax.nn.relu(x)
        x = x_in + x  # residual; dropout is identity in eval mode
    # MLPReadout: 128 -> 64 -> 32 -> n_classes
    x = jax.nn.relu(x @ mW0 + mb0)
    x = jax.nn.relu(x @ mW1 + mb1)
    x = x @ mW2 + mb2
    return x

if __name__ == "__main__":
    import jax
    _d = setup_inputs()
    print(jax.jit(kernel)(*tuple(_d.values())))

</pallas_src>

<mosaic_0001>
#map = affine_map<(d0, d1) -> (0, 0)>
#map1 = affine_map<(d0, d1) -> (0)>
#map2 = affine_map<(d0, d1) -> (0, 0, 0)>
module attributes {stable_mosaic.version = 14 : i64} {
  func.func @_sc_scatter(%arg0: i32, %arg1: i32, %arg2: memref<10000x128xf32, #tpu.memory_space<hbm>>, %arg3: memref<647168xi32, #tpu.memory_space<hbm>>, %arg4: memref<128x128xf32, #tpu.memory_space<hbm>>, %arg5: memref<2x10240x128xf32, #tpu.memory_space<hbm>>, %arg6: memref<256xi32, #tpu.memory_space<vmem>>, %arg7: memref<256xi32, #tpu.memory_space<vmem>>, %arg8: memref<128xi32, #tpu.memory_space<vmem>>, %arg9: memref<128xi32, #tpu.memory_space<vmem>>, %arg10: memref<128x128xf32, #tpu.memory_space<vmem>>, %arg11: memref<128x128xf32, #tpu.memory_space<vmem>>, %arg12: memref<10240x128xf32, #tpu.memory_space<vmem_shared>>, %arg13: memref<!tpu.dma_semaphore, #tpu.memory_space<semaphore_mem>>, %arg14: memref<!tpu.dma_semaphore, #tpu.memory_space<semaphore_mem>>, %arg15: memref<!tpu.dma_semaphore, #tpu.memory_space<semaphore_mem>>, %arg16: memref<!tpu.dma_semaphore, #tpu.memory_space<semaphore_mem>>, %arg17: memref<!tpu.dma_semaphore, #tpu.memory_space<semaphore_mem>>, %arg18: memref<!tpu.dma_semaphore, #tpu.memory_space<semaphore_mem>>) attributes {dimension_semantics = [#tpu.dimension_semantics<core_parallel>, #tpu.dimension_semantics<subcore_parallel>], iteration_bounds = array<i64: 2, 16>, scalar_prefetch = 0 : i64, scratch_operands = 13 : i64, tpu.core_type = #tpu.core_type<sc_vector_subcore>, window_params = [{transform_indices = #map}, {transform_indices = #map1}, {transform_indices = #map}, {transform_indices = #map2}]} {
    %eq3A = arith.constant 0 : i32
    %eq3A_0 = arith.cmpi eq, %arg0, %eq3A : i32
    %jit3A = arith.constant 128 : i32
    %jit3A_1 = arith.constant 30 : i32
    %select_n3A = arith.select %eq3A_0, %jit3A, %jit3A_1 : i32
    %eq3A_2 = arith.constant 0 : i32
    %eq3A_3 = arith.cmpi eq, %arg0, %eq3A_2 : i32
    %mul3A = arith.constant 128 : i32
    %mul3A_4 = arith.muli %arg1, %mul3A : i32
    %mul3A_5 = arith.constant 30 : i32
    %mul3A_6 = arith.muli %arg1, %mul3A_5 : i32
    %add3A = arith.constant 2048 : i32
    %add3A_7 = arith.addi %add3A, %mul3A_6 : i32
    %select_n3A_8 = arith.select %eq3A_3, %mul3A_4, %add3A_7 : i32
    "tpu.region"() ({
      %run_scoped3A = tpu.sem_alloc : memref<!tpu.dma_semaphore, #tpu.memory_space<semaphore_mem>>
      tpu.enqueue_dma source(%arg4 : memref<128x128xf32, #tpu.memory_space<hbm>>) target(%arg10 : memref<128x128xf32, #tpu.memory_space<vmem>>) target_semaphore(%run_scoped3A : memref<!tpu.dma_semaphore, #tpu.memory_space<semaphore_mem>>)
      tpu.wait_dma2 semaphore(%run_scoped3A : memref<!tpu.dma_semaphore, #tpu.memory_space<semaphore_mem>>) src(%arg4 : memref<128x128xf32, #tpu.memory_space<hbm>>) dst(%arg10 : memref<128x128xf32, #tpu.memory_space<vmem>>)
      tpu.yield
    }) : () -> ()
    %mul3A_9 = arith.constant 640 : i32
    %mul3A_10 = arith.muli %arg1, %mul3A_9 : i32
    %add3A_11 = arith.constant 0 : i32
    %add3A_12 = arith.addi %mul3A_10, %add3A_11 : i32
    %dma_start3A = arith.constant 0 : i32
    %dma_start3A_13 = tpu.memref_slice %arg12[%add3A_12, %dma_start3A] : memref<10240x128xf32, #tpu.memory_space<vmem_shared>> -> memref<128x128xf32, #tpu.memory_space<vmem_shared>>
    %dma_start3A_14 = arith.constant 0 : i32
    %dma_start3A_15 = tpu.memref_slice %arg12[%add3A_12, %dma_start3A_14] : memref<10240x128xf32, #tpu.memory_space<vmem_shared>> -> memref<128x128xf32, #tpu.memory_space<vmem_shared>>
    tpu.enqueue_dma source(%arg10 : memref<128x128xf32, #tpu.memory_space<vmem>>) target(%dma_start3A_15 : memref<128x128xf32, #tpu.memory_space<vmem_shared>>) target_semaphore(%arg13 : memref<!tpu.dma_semaphore, #tpu.memory_space<semaphore_mem>>)
    %mul3A_16 = arith.constant 640 : i32
    %mul3A_17 = arith.muli %arg1, %mul3A_16 : i32
    %add3A_18 = arith.constant 128 : i32
    %add3A_19 = arith.addi %mul3A_17, %add3A_18 : i32
    %dma_start3A_20 = arith.constant 0 : i32
    %dma_start3A_21 = tpu.memref_slice %arg12[%add3A_19, %dma_start3A_20] : memref<10240x128xf32, #tpu.memory_space<vmem_shared>> -> memref<128x128xf32, #tpu.memory_space<vmem_shared>>
    %dma_start3A_22 = arith.constant 0 : i32
    %dma_start3A_23 = tpu.memref_slice %arg12[%add3A_19, %dma_start3A_22] : memref<10240x128xf32, #tpu.memory_space<vmem_shared>> -> memref<128x128xf32, #tpu.memory_space<vmem_shared>>
    tpu.enqueue_dma source(%arg10 : memref<128x128xf32, #tpu.memory_space<vmem>>) target(%dma_start3A_23 : memref<128x128xf32, #tpu.memory_space<vmem_shared>>) target_semaphore(%arg13 : memref<!tpu.dma_semaphore, #tpu.memory_space<semaphore_mem>>)
    %mul3A_24 = arith.constant 640 : i32
    %mul3A_25 = arith.muli %arg1, %mul3A_24 : i32
    %add3A_26 = arith.constant 256 : i32
    %add3A_27 = arith.addi %mul3A_25, %add3A_26 : i32
    %dma_start3A_28 = arith.constant 0 : i32
    %dma_start3A_29 = tpu.memref_slice %arg12[%add3A_27, %dma_start3A_28] : memref<10240x128xf32, #tpu.memory_space<vmem_shared>> -> memref<128x128xf32, #tpu.memory_space<vmem_shared>>
    %dma_start3A_30 = arith.constant 0 : i32
    %dma_start3A_31 = tpu.memref_slice %arg12[%add3A_27, %dma_start3A_30] : memref<10240x128xf32, #tpu.memory_space<vmem_shared>> -> memref<128x128xf32, #tpu.memory_space<vmem_shared>>
    tpu.enqueue_dma source(%arg10 : memref<128x128xf32, #tpu.memory_space<vmem>>) target(%dma_start3A_31 : memref<128x128xf32, #tpu.memory_space<vmem_shared>>) target_semaphore(%arg13 : memref<!tpu.dma_semaphore, #tpu.memory_space<semaphore_mem>>)
    %mul3A_32 = arith.constant 640 : i32
    %mul3A_33 = arith.muli %arg1, %mul3A_32 : i32
    %add3A_34 = arith.constant 384 : i32
    %add3A_35 = arith.addi %mul3A_33, %add3A_34 : i32
    %dma_start3A_36 = arith.constant 0 : i32
    %dma_start3A_37 = tpu.memref_slice %arg12[%add3A_35, %dma_start3A_36] : memref<10240x128xf32, #tpu.memory_space<vmem_shared>> -> memref<128x128xf32, #tpu.memory_space<vmem_shared>>
    %dma_start3A_38 = arith.constant 0 : i32
    %dma_start3A_39 = tpu.memref_slice %arg12[%add3A_35, %dma_start3A_38] : memref<10240x128xf32, #tpu.memory_space<vmem_shared>> -> memref<128x128xf32, #tpu.memory_space<vmem_shared>>
    tpu.enqueue_dma source(%arg10 : memref<128x128xf32, #tpu.memory_space<vmem>>) target(%dma_start3A_39 : memref<128x128xf32, #tpu.memory_space<vmem_shared>>) target_semaphore(%arg13 : memref<!tpu.dma_semaphore, #tpu.memory_space<semaphore_mem>>)
    %mul3A_40 = arith.constant 640 : i32
    %mul3A_41 = arith.muli %arg1, %mul3A_40 : i32
    %add3A_42 = arith.constant 512 : i32
    %add3A_43 = arith.addi %mul3A_41, %add3A_42 : i32
    %dma_start3A_44 = arith.constant 0 : i32
    %dma_start3A_45 = tpu.memref_slice %arg12[%add3A_43, %dma_start3A_44] : memref<10240x128xf32, #tpu.memory_space<vmem_shared>> -> memref<128x128xf32, #tpu.memory_space<vmem_shared>>
    %dma_start3A_46 = arith.constant 0 : i32
    %dma_start3A_47 = tpu.memref_slice %arg12[%add3A_43, %dma_start3A_46] : memref<10240x128xf32, #tpu.memory_space<vmem_shared>> -> memref<128x128xf32, #tpu.memory_space<vmem_shared>>
    tpu.enqueue_dma source(%arg10 : memref<128x128xf32, #tpu.memory_space<vmem>>) target(%dma_start3A_47 : memref<128x128xf32, #tpu.memory_space<vmem_shared>>) target_semaphore(%arg13 : memref<!tpu.dma_semaphore, #tpu.memory_space<semaphore_mem>>)
    %mul3A_48 = arith.constant 640 : i32
    %mul3A_49 = arith.muli %arg1, %mul3A_48 : i32
    %add3A_50 = arith.constant 0 : i32
    %add3A_51 = arith.addi %mul3A_49, %add3A_50 : i32
    %dma_wait3A = arith.constant 0 : i32
    %dma_wait3A_52 = tpu.memref_slice %arg12[%add3A_51, %dma_wait3A] : memref<10240x128xf32, #tpu.memory_space<vmem_shared>> -> memref<128x128xf32, #tpu.memory_space<vmem_shared>>
    %dma_wait3A_53 = arith.constant 0 : i32
    %dma_wait3A_54 = tpu.memref_slice %arg12[%add3A_51, %dma_wait3A_53] : memref<10240x128xf32, #tpu.memory_space<vmem_shared>> -> memref<128x128xf32, #tpu.memory_space<vmem_shared>>
    tpu.wait_dma2 semaphore(%arg13 : memref<!tpu.dma_semaphore, #tpu.memory_space<semaphore_mem>>) src(%arg10 : memref<128x128xf32, #tpu.memory_space<vmem>>) dst(%dma_wait3A_54 : memref<128x128xf32, #tpu.memory_space<vmem_shared>>)
    %mul3A_55 = arith.constant 640 : i32
    %mul3A_56 = arith.muli %arg1, %mul3A_55 : i32
    %add3A_57 = arith.constant 128 : i32
    %add3A_58 = arith.addi %mul3A_56, %add3A_57 : i32
    %dma_wait3A_59 = arith.constant 0 : i32
    %dma_wait3A_60 = tpu.memref_slice %arg12[%add3A_58, %dma_wait3A_59] : memref<10240x128xf32, #tpu.memory_space<vmem_shared>> -> memref<128x128xf32, #tpu.memory_space<vmem_shared>>
    %dma_wait3A_61 = arith.constant 0 : i32
    %dma_wait3A_62 = tpu.memref_slice %arg12[%add3A_58, %dma_wait3A_61] : memref<10240x128xf32, #tpu.memory_space<vmem_shared>> -> memref<128x128xf32, #tpu.memory_space<vmem_shared>>
    tpu.wait_dma2 semaphore(%arg13 : memref<!tpu.dma_semaphore, #tpu.memory_space<semaphore_mem>>) src(%arg10 : memref<128x128xf32, #tpu.memory_space<vmem>>) dst(%dma_wait3A_62 : memref<128x128xf32, #tpu.memory_space<vmem_shared>>)
    %mul3A_63 = arith.constant 640 : i32
    %mul3A_64 = arith.muli %arg1, %mul3A_63 : i32
    %add3A_65 = arith.constant 256 : i32
    %add3A_66 = arith.addi %mul3A_64, %add3A_65 : i32
    %dma_wait3A_67 = arith.constant 0 : i32
    %dma_wait3A_68 = tpu.memref_slice %arg12[%add3A_66, %dma_wait3A_67] : memref<10240x128xf32, #tpu.memory_space<vmem_shared>> -> memref<128x128xf32, #tpu.memory_space<vmem_shared>>
    %dma_wait3A_69 = arith.constant 0 : i32
    %dma_wait3A_70 = tpu.memref_slice %arg12[%add3A_66, %dma_wait3A_69] : memref<10240x128xf32, #tpu.memory_space<vmem_shared>> -> memref<128x128xf32, #tpu.memory_space<vmem_shared>>
    tpu.wait_dma2 semaphore(%arg13 : memref<!tpu.dma_semaphore, #tpu.memory_space<semaphore_mem>>) src(%arg10 : memref<128x128xf32, #tpu.memory_space<vmem>>) dst(%dma_wait3A_70 : memref<128x128xf32, #tpu.memory_space<vmem_shared>>)
    %mul3A_71 = arith.constant 640 : i32
    %mul3A_72 = arith.muli %arg1, %mul3A_71 : i32
    %add3A_73 = arith.constant 384 : i32
    %add3A_74 = arith.addi %mul3A_72, %add3A_73 : i32
    %dma_wait3A_75 = arith.constant 0 : i32
    %dma_wait3A_76 = tpu.memref_slice %arg12[%add3A_74, %dma_wait3A_75] : memref<10240x128xf32, #tpu.memory_space<vmem_shared>> -> memref<128x128xf32, #tpu.memory_space<vmem_shared>>
    %dma_wait3A_77 = arith.constant 0 : i32
    %dma_wait3A_78 = tpu.memref_slice %arg12[%add3A_74, %dma_wait3A_77] : memref<10240x128xf32, #tpu.memory_space<vmem_shared>> -> memref<128x128xf32, #tpu.memory_space<vmem_shared>>
    tpu.wait_dma2 semaphore(%arg13 : memref<!tpu.dma_semaphore, #tpu.memory_space<semaphore_mem>>) src(%arg10 : memref<128x128xf32, #tpu.memory_space<vmem>>) dst(%dma_wait3A_78 : memref<128x128xf32, #tpu.memory_space<vmem_shared>>)
    %mul3A_79 = arith.constant 640 : i32
    %mul3A_80 = arith.muli %arg1, %mul3A_79 : i32
    %add3A_81 = arith.constant 512 : i32
    %add3A_82 = arith.addi %mul3A_80, %add3A_81 : i32
    %dma_wait3A_83 = arith.constant 0 : i32
    %dma_wait3A_84 = tpu.memref_slice %arg12[%add3A_82, %dma_wait3A_83] : memref<10240x128xf32, #tpu.memory_space<vmem_shared>> -> memref<128x128xf32, #tpu.memory_space<vmem_shared>>
    %dma_wait3A_85 = arith.constant 0 : i32
    %dma_wait3A_86 = tpu.memref_slice %arg12[%add3A_82, %dma_wait3A_85] : memref<10240x128xf32, #tpu.memory_space<vmem_shared>> -> memref<128x128xf32, #tpu.memory_space<vmem_shared>>
    tpu.wait_dma2 semaphore(%arg13 : memref<!tpu.dma_semaphore, #tpu.memory_space<semaphore_mem>>) src(%arg10 : memref<128x128xf32, #tpu.memory_space<vmem>>) dst(%dma_wait3A_86 : memref<128x128xf32, #tpu.memory_space<vmem_shared>>)
    %barrier3A = arith.constant 0 : index
    tpu.barrier barrier_id(%barrier3A)
    %mul3A_87 = arith.constant 2 : i32
    %mul3A_88 = arith.muli %select_n3A_8, %mul3A_87 : i32
    %mul3A_89 = arith.constant 128 : i32
    %mul3A_90 = arith.muli %mul3A_88, %mul3A_89 : i32
    "tpu.region"() ({
      %run_scoped3A = tpu.sem_alloc : memref<!tpu.dma_semaphore, #tpu.memory_space<semaphore_mem>>
      %dma_start3A_272 = tpu.memref_slice %arg3[%mul3A_90] : memref<647168xi32, #tpu.memory_space<hbm>> -> memref<256xi32, #tpu.memory_space<hbm>>
      %dma_start3A_273 = tpu.memref_slice %arg3[%mul3A_90] : memref<647168xi32, #tpu.memory_space<hbm>> -> memref<256xi32, #tpu.memory_space<hbm>>
      tpu.enqueue_dma source(%dma_start3A_273 : memref<256xi32, #tpu.memory_space<hbm>>) target(%arg6 : memref<256xi32, #tpu.memory_space<vmem>>) target_semaphore(%run_scoped3A : memref<!tpu.dma_semaphore, #tpu.memory_space<semaphore_mem>>)
      %dma_wait3A_274 = tpu.memref_slice %arg3[%mul3A_90] : memref<647168xi32, #tpu.memory_space<hbm>> -> memref<256xi32, #tpu.memory_space<hbm>>
      %dma_wait3A_275 = tpu.memref_slice %arg3[%mul3A_90] : memref<647168xi32, #tpu.memory_space<hbm>> -> memref<256xi32, #tpu.memory_space<hbm>>
      tpu.wait_dma2 semaphore(%run_scoped3A : memref<!tpu.dma_semaphore, #tpu.memory_space<semaphore_mem>>) src(%dma_wait3A_275 : memref<256xi32, #tpu.memory_space<hbm>>) dst(%arg6 : memref<256xi32, #tpu.memory_space<vmem>>)
      tpu.yield
    }) : () -> ()
    %add3A_91 = arith.constant 1 : i32
    %add3A_92 = arith.addi %select_n3A_8, %add3A_91 : i32
    %mul3A_93 = arith.constant 2 : i32
    %mul3A_94 = arith.muli %add3A_92, %mul3A_93 : i32
    %mul3A_95 = arith.constant 128 : i32
    %mul3A_96 = arith.muli %mul3A_94, %mul3A_95 : i32
    %dma_start3A_97 = tpu.memref_slice %arg3[%mul3A_96] : memref<647168xi32, #tpu.memory_space<hbm>> -> memref<256xi32, #tpu.memory_space<hbm>>
    %dma_start3A_98 = tpu.memref_slice %arg3[%mul3A_96] : memref<647168xi32, #tpu.memory_space<hbm>> -> memref<256xi32, #tpu.memory_space<hbm>>
    tpu.enqueue_dma source(%dma_start3A_98 : memref<256xi32, #tpu.memory_space<hbm>>) target(%arg7 : memref<256xi32, #tpu.memory_space<vmem>>) target_semaphore(%arg14 : memref<!tpu.dma_semaphore, #tpu.memory_space<semaphore_mem>>)
    %dma_start3A_99 = arith.constant 0 : i32
    %dma_start3A_100 = tpu.memref_slice %arg6[%dma_start3A_99] : memref<256xi32, #tpu.memory_space<vmem>> -> memref<128xi32, #tpu.memory_space<vmem>>
    %dma_start3A_101 = arith.constant 0 : i32
    %dma_start3A_102 = arith.constant 0 : i32
    %dma_start3A_103 = tpu.memref_slice %arg2[%dma_start3A_101, %dma_start3A_102] : memref<10000x128xf32, #tpu.memory_space<hbm>> -> memref<10000x128xf32, #tpu.memory_space<hbm>>
    tpu.enqueue_indirect_dma source(%dma_start3A_103 : memref<10000x128xf32, #tpu.memory_space<hbm>>) target(%arg10 : memref<128x128xf32, #tpu.memory_space<vmem>>) offsets(%dma_start3A_100 : memref<128xi32, #tpu.memory_space<vmem>>) semaphore(%arg15 : memref<!tpu.dma_semaphore, #tpu.memory_space<semaphore_mem>>)
    %jit3A_104 = arith.constant 2 : i32
    %div3A = arith.divsi %select_n3A, %jit3A_104 : i32
    %sign3A = arith.constant 0 : i32
    %sign3A_105 = arith.cmpi sgt, %select_n3A, %sign3A : i32
    %sign3A_106 = arith.extui %sign3A_105 : i1 to i32
    %sign3A_107 = arith.constant 0 : i32
    %sign3A_108 = arith.cmpi slt, %select_n3A, %sign3A_107 : i32
    %sign3A_109 = arith.extui %sign3A_108 : i1 to i32
    %sign3A_110 = arith.subi %sign3A_106, %sign3A_109 : i32
    %sign3A_111 = arith.constant 0 : i32
    %sign3A_112 = arith.cmpi sgt, %jit3A_104, %sign3A_111 : i32
    %sign3A_113 = arith.extui %sign3A_112 : i1 to i32
    %sign3A_114 = arith.constant 0 : i32
    %sign3A_115 = arith.cmpi slt, %jit3A_104, %sign3A_114 : i32
    %sign3A_116 = arith.extui %sign3A_115 : i1 to i32
    %sign3A_117 = arith.subi %sign3A_113, %sign3A_116 : i32
    %ne3A = arith.cmpi ne, %sign3A_110, %sign3A_117 : i32
    %rem3A = arith.remsi %select_n3A, %jit3A_104 : i32
    %ne3A_118 = arith.constant 0 : i32
    %ne3A_119 = arith.cmpi ne, %rem3A, %ne3A_118 : i32
    %and3A = arith.andi %ne3A, %ne3A_119 : i1
    %sub3A = arith.constant 1 : i32
    %sub3A_120 = arith.subi %div3A, %sub3A : i32
    %select_n3A_121 = arith.select %and3A, %sub3A_120, %div3A : i32
    %while3A = arith.constant 0 : i32
    %while3A_122 = arith.constant 0 : i32
    %while3A_123 = arith.subi %select_n3A_121, %while3A_122 : i32
    %while3A_124 = arith.addi %while3A_122, %while3A_123 : i32
    %while3A_125 = arith.constant 1 : i32
    %while3A_126 = arith.divsi %while3A_123, %while3A_125 : i32
    %while3A_127 = arith.muli %while3A_126, %while3A_125 : i32
    %while3A_128 = arith.addi %while3A_122, %while3A_127 : i32
    %while3A_129 = arith.constant 1 : i32
    scf.for %while3A_272 = %while3A_122 to %while3A_128 step %while3A_129  : i32 {
      %mul3A_273 = arith.constant 2 : i32
      %mul3A_274 = arith.muli %while3A_272, %mul3A_273 : i32
      %add3A_275 = arith.constant 0 : i32
      %add3A_276 = arith.addi %mul3A_274, %add3A_275 : i32
      %dma_wait3A_277 = arith.constant 0 : i32
      %dma_wait3A_278 = tpu.memref_slice %arg6[%dma_wait3A_277] : memref<256xi32, #tpu.memory_space<vmem>> -> memref<128xi32, #tpu.memory_space<vmem>>
      %dma_wait3A_279 = arith.constant 0 : i32
      %dma_wait3A_280 = arith.constant 0 : i32
      %dma_wait3A_281 = tpu.memref_slice %arg2[%dma_wait3A_279, %dma_wait3A_280] : memref<10000x128xf32, #tpu.memory_space<hbm>> -> memref<10000x128xf32, #tpu.memory_space<hbm>>
      tpu.wait_indirect_dma semaphore(%arg15 : memref<!tpu.dma_semaphore, #tpu.memory_space<semaphore_mem>>) src(%dma_wait3A_281 : memref<10000x128xf32, #tpu.memory_space<hbm>>) dst(%arg10 : memref<128x128xf32, #tpu.memory_space<vmem>>)
      %get3A = arith.constant 128 : index
      %get3A_282 = tpu.vector_load %arg6[%get3A] {strides = array<i32>} : memref<256xi32, #tpu.memory_space<vmem>>, vector<16xi32>,
      %get3A_283 = vector.shape_cast %get3A_282 : vector<16xi32> to vector<16xi32>
      %swap3A = arith.constant 0 : index
      %swap3A_284 = tpu.vector_load %arg8[%swap3A] {strides = array<i32>} : memref<128xi32, #tpu.memory_space<vmem>>, vector<16xi32>,
      %swap3A_285 = vector.shape_cast %swap3A_284 : vector<16xi32> to vector<16xi32>
      %swap3A_286 = vector.shape_cast %get3A_283 : vector<16xi32> to vector<16xi32>
      tpu.vector_store %arg8[%swap3A], %swap3A_286 {strides = array<i32>} : memref<128xi32, #tpu.memory_space<vmem>>, vector<16xi32>,
      %get3A_287 = arith.constant 144 : index
      %get3A_288 = tpu.vector_load %arg6[%get3A_287] {strides = array<i32>} : memref<256xi32, #tpu.memory_space<vmem>>, vector<16xi32>,
      %get3A_289 = vector.shape_cast %get3A_288 : vector<16xi32> to vector<16xi32>
      %swap3A_290 = arith.constant 16 : index
      %swap3A_291 = tpu.vector_load %arg8[%swap3A_290] {strides = array<i32>} : memref<128xi32, #tpu.memory_space<vmem>>, vector<16xi32>,
      %swap3A_292 = vector.shape_cast %swap3A_291 : vector<16xi32> to vector<16xi32>
      %swap3A_293 = vector.shape_cast %get3A_289 : vector<16xi32> to vector<16xi32>
      tpu.vector_store %arg8[%swap3A_290], %swap3A_293 {strides = array<i32>} : memref<128xi32, #tpu.memory_space<vmem>>, vector<16xi32>,
      %get3A_294 = arith.constant 160 : index
      %get3A_295 = tpu.vector_load %arg6[%get3A_294] {strides = array<i32>} : memref<256xi32, #tpu.memory_space<vmem>>, vector<16xi32>,
      %get3A_296 = vector.shape_cast %get3A_295 : vector<16xi32> to vector<16xi32>
      %swap3A_297 = arith.constant 32 : index
      %swap3A_298 = tpu.vector_load %arg8[%swap3A_297] {strides = array<i32>} : memref<128xi32, #tpu.memory_space<vmem>>, vector<16xi32>,
      %swap3A_299 = vector.shape_cast %swap3A_298 : vector<16xi32> to vector<16xi32>
      %swap3A_300 = vector.shape_cast %get3A_296 : vector<16xi32> to vector<16xi32>
      tpu.vector_store %arg8[%swap3A_297], %swap3A_300 {strides = array<i32>} : memref<128xi32, #tpu.memory_space<vmem>>, vector<16xi32>,
      %get3A_301 = arith.constant 176 : index
      %get3A_302 = tpu.vector_load %arg6[%get3A_301] {strides = array<i32>} : memref<256xi32, #tpu.memory_space<vmem>>, vector<16xi32>,
      %get3A_303 = vector.shape_cast %get3A_302 : vector<16xi32> to vector<16xi32>
      %swap3A_304 = arith.constant 48 : index
      %swap3A_305 = tpu.vector_load %arg8[%swap3A_304] {strides = array<i32>} : memref<128xi32, #tpu.memory_space<vmem>>, vector<16xi32>,
      %swap3A_306 = vector.shape_cast %swap3A_305 : vector<16xi32> to vector<16xi32>
      %swap3A_307 = vector.shape_cast %get3A_303 : vector<16xi32> to vector<16xi32>
      tpu.vector_store %arg8[%swap3A_304], %swap3A_307 {strides = array<i32>} : memref<128xi32, #tpu.memory_space<vmem>>, vector<16xi32>,
      %get3A_308 = arith.constant 192 : index
      %get3A_309 = tpu.vector_load %arg6[%get3A_308] {strides = array<i32>} : memref<256xi32, #tpu.memory_space<vmem>>, vector<16xi32>,
      %get3A_310 = vector.shape_cast %get3A_309 : vector<16xi32> to vector<16xi32>
      %swap3A_311 = arith.constant 64 : index
      %swap3A_312 = tpu.vector_load %arg8[%swap3A_311] {strides = array<i32>} : memref<128xi32, #tpu.memory_space<vmem>>, vector<16xi32>,
      %swap3A_313 = vector.shape_cast %swap3A_312 : vector<16xi32> to vector<16xi32>
      %swap3A_314 = vector.shape_cast %get3A_310 : vector<16xi32> to vector<16xi32>
      tpu.vector_store %arg8[%swap3A_311], %swap3A_314 {strides = array<i32>} : memref<128xi32, #tpu.memory_space<vmem>>, vector<16xi32>,
      %get3A_315 = arith.constant 208 : index
      %get3A_316 = tpu.vector_load %arg6[%get3A_315] {strides = array<i32>} : memref<256xi32, #tpu.memory_space<vmem>>, vector<16xi32>,
      %get3A_317 = vector.shape_cast %get3A_316 : vector<16xi32> to vector<16xi32>
      %swap3A_318 = arith.constant 80 : index
      %swap3A_319 = tpu.vector_load %arg8[%swap3A_318] {strides = array<i32>} : memref<128xi32, #tpu.memory_space<vmem>>, vector<16xi32>,
      %swap3A_320 = vector.shape_cast %swap3A_319 : vector<16xi32> to vector<16xi32>
      %swap3A_321 = vector.shape_cast %get3A_317 : vector<16xi32> to vector<16xi32>
      tpu.vector_store %arg8[%swap3A_318], %swap3A_321 {strides = array<i32>} : memref<128xi32, #tpu.memory_space<vmem>>, vector<16xi32>,
      %get3A_322 = arith.constant 224 : index
      %get3A_323 = tpu.vector_load %arg6[%get3A_322] {strides = array<i32>} : memref<256xi32, #tpu.memory_space<vmem>>, vector<16xi32>,
      %get3A_324 = vector.shape_cast %get3A_323 : vector<16xi32> to vector<16xi32>
      %swap3A_325 = arith.constant 96 : index
      %swap3A_326 = tpu.vector_load %arg8[%swap3A_325] {strides = array<i32>} : memref<128xi32, #tpu.memory_space<vmem>>, vector<16xi32>,
      %swap3A_327 = vector.shape_cast %swap3A_326 : vector<16xi32> to vector<16xi32>
      %swap3A_328 = vector.shape_cast %get3A_324 : vector<16xi32> to vector<16xi32>
      tpu.vector_store %arg8[%swap3A_325], %swap3A_328 {strides = array<i32>} : memref<128xi32, #tpu.memory_space<vmem>>, vector<16xi32>,
      %get3A_329 = arith.constant 240 : index
      %get3A_330 = tpu.vector_load %arg6[%get3A_329] {strides = array<i32>} : memref<256xi32, #tpu.memory_space<vmem>>, vector<16xi32>,
      %get3A_331 = vector.shape_cast %get3A_330 : vector<16xi32> to vector<16xi32>
      %swap3A_332 = arith.constant 112 : index
      %swap3A_333 = tpu.vector_load %arg8[%swap3A_332] {strides = array<i32>} : memref<128xi32, #tpu.memory_space<vmem>>, vector<16xi32>,
      %swap3A_334 = vector.shape_cast %swap3A_333 : vector<16xi32> to vector<16xi32>
      %swap3A_335 = vector.shape_cast %get3A_331 : vector<16xi32> to vector<16xi32>
      tpu.vector_store %arg8[%swap3A_332], %swap3A_335 {strides = array<i32>} : memref<128xi32, #tpu.memory_space<vmem>>, vector<16xi32>,
      %add3A_336 = arith.constant 2 : i32
      %add3A_337 = arith.addi %add3A_276, %add3A_336 : i32
      %lt3A = arith.cmpi slt, %add3A_337, %select_n3A : i32
      %convert_element_type3A = arith.extui %lt3A : i1 to i32
      %cond3A = arith.constant 0 : i32
      %cond3A_338 = arith.cmpi ne, %convert_element_type3A, %cond3A : i32
      scf.if %cond3A_338 {
        %add3A_428 = arith.addi %select_n3A_8, %add3A_276 : i32
        %add3A_429 = arith.constant 2 : i32
        %add3A_430 = arith.addi %add3A_428, %add3A_429 : i32
        %mul3A_431 = arith.constant 2 : i32
        %mul3A_432 = arith.muli %add3A_430, %mul3A_431 : i32
        %mul3A_433 = arith.constant 128 : i32
        %mul3A_434 = arith.muli %mul3A_432, %mul3A_433 : i32
        %dma_start3A_435 = tpu.memref_slice %arg3[%mul3A_434] : memref<647168xi32, #tpu.memory_space<hbm>> -> memref<256xi32, #tpu.memory_space<hbm>>
        %dma_start3A_436 = tpu.memref_slice %arg3[%mul3A_434] : memref<647168xi32, #tpu.memory_space<hbm>> -> memref<256xi32, #tpu.memory_space<hbm>>
        tpu.enqueue_dma source(%dma_start3A_436 : memref<256xi32, #tpu.memory_space<hbm>>) target(%arg6 : memref<256xi32, #tpu.memory_space<vmem>>) target_semaphore(%arg13 : memref<!tpu.dma_semaphore, #tpu.memory_space<semaphore_mem>>)
      } else {
      }
      %add3A_339 = arith.constant 1 : i32
      %add3A_340 = arith.addi %add3A_276, %add3A_339 : i32
      %lt3A_341 = arith.cmpi slt, %add3A_340, %select_n3A : i32
      %convert_element_type3A_342 = arith.extui %lt3A_341 : i1 to i32
      %cond3A_343 = arith.constant 0 : i32
      %cond3A_344 = arith.cmpi ne, %convert_element_type3A_342, %cond3A_343 : i32
      scf.if %cond3A_344 {
        %mul3A_428 = arith.constant 2 : i32
        %mul3A_429 = arith.muli %select_n3A_8, %mul3A_428 : i32
        %mul3A_430 = arith.constant 128 : i32
        %mul3A_431 = arith.muli %mul3A_429, %mul3A_430 : i32
        %dma_wait3A_432 = tpu.memref_slice %arg3[%mul3A_431] : memref<647168xi32, #tpu.memory_space<hbm>> -> memref<256xi32, #tpu.memory_space<hbm>>
        %dma_wait3A_433 = tpu.memref_slice %arg3[%mul3A_431] : memref<647168xi32, #tpu.memory_space<hbm>> -> memref<256xi32, #tpu.memory_space<hbm>>
        tpu.wait_dma2 semaphore(%arg14 : memref<!tpu.dma_semaphore, #tpu.memory_space<semaphore_mem>>) src(%dma_wait3A_433 : memref<256xi32, #tpu.memory_space<hbm>>) dst(%arg7 : memref<256xi32, #tpu.memory_space<vmem>>)
        %ge3A = arith.constant 1 : i32
        %ge3A_434 = arith.cmpi sge, %add3A_276, %ge3A : i32
        %convert_element_type3A_435 = arith.extui %ge3A_434 : i1 to i32
        %cond3A_436 = arith.constant 0 : i32
        %cond3A_437 = arith.cmpi ne, %convert_element_type3A_435, %cond3A_436 : i32
        scf.if %cond3A_437 {
          %dma_wait3A_443 = arith.constant 0 : i32
          %dma_wait3A_444 = arith.constant 0 : i32
          %dma_wait3A_445 = tpu.memref_slice %arg12[%dma_wait3A_443, %dma_wait3A_444] : memref<10240x128xf32, #tpu.memory_space<vmem_shared>> -> memref<10240x128xf32, #tpu.memory_space<vmem_shared>>
          tpu.wait_indirect_dma semaphore(%arg18 : memref<!tpu.dma_semaphore, #tpu.memory_space<semaphore_mem>>) src(%arg11 : memref<128x128xf32, #tpu.memory_space<vmem>>) dst(%dma_wait3A_445 : memref<10240x128xf32, #tpu.memory_space<vmem_shared>>)
        } else {
        }
        %dma_start3A_438 = arith.constant 0 : i32
        %dma_start3A_439 = tpu.memref_slice %arg7[%dma_start3A_438] : memref<256xi32, #tpu.memory_space<vmem>> -> memref<128xi32, #tpu.memory_space<vmem>>
        %dma_start3A_440 = arith.constant 0 : i32
        %dma_start3A_441 = arith.constant 0 : i32
        %dma_start3A_442 = tpu.memref_slice %arg2[%dma_start3A_440, %dma_start3A_441] : memref<10000x128xf32, #tpu.memory_space<hbm>> -> memref<10000x128xf32, #tpu.memory_space<hbm>>
        tpu.enqueue_indirect_dma source(%dma_start3A_442 : memref<10000x128xf32, #tpu.memory_space<hbm>>) target(%arg11 : memref<128x128xf32, #tpu.memory_space<vmem>>) offsets(%dma_start3A_439 : memref<128xi32, #tpu.memory_space<vmem>>) semaphore(%arg16 : memref<!tpu.dma_semaphore, #tpu.memory_space<semaphore_mem>>)
      } else {
      }
      %dma_start3A_345 = arith.constant 0 : i32
      %dma_start3A_346 = arith.constant 0 : i32
      %dma_start3A_347 = tpu.memref_slice %arg12[%dma_start3A_345, %dma_start3A_346] : memref<10240x128xf32, #tpu.memory_space<vmem_shared>> -> memref<10240x128xf32, #tpu.memory_space<vmem_shared>>
      tpu.enqueue_indirect_dma source(%arg10 : memref<128x128xf32, #tpu.memory_space<vmem>>) target(%dma_start3A_347 : memref<10240x128xf32, #tpu.memory_space<vmem_shared>>) offsets(%arg8 : memref<128xi32, #tpu.memory_space<vmem>>) semaphore(%arg17 : memref<!tpu.dma_semaphore, #tpu.memory_space<semaphore_mem>>) {add = true}
      %mul3A_348 = arith.constant 2 : i32
      %mul3A_349 = arith.muli %while3A_272, %mul3A_348 : i32
      %add3A_350 = arith.constant 1 : i32
      %add3A_351 = arith.addi %mul3A_349, %add3A_350 : i32
      %dma_wait3A_352 = arith.constant 0 : i32
      %dma_wait3A_353 = tpu.memref_slice %arg7[%dma_wait3A_352] : memref<256xi32, #tpu.memory_space<vmem>> -> memref<128xi32, #tpu.memory_space<vmem>>
      %dma_wait3A_354 = arith.constant 0 : i32
      %dma_wait3A_355 = arith.constant 0 : i32
      %dma_wait3A_356 = tpu.memref_slice %arg2[%dma_wait3A_354, %dma_wait3A_355] : memref<10000x128xf32, #tpu.memory_space<hbm>> -> memref<10000x128xf32, #tpu.memory_space<hbm>>
      tpu.wait_indirect_dma semaphore(%arg16 : memref<!tpu.dma_semaphore, #tpu.memory_space<semaphore_mem>>) src(%dma_wait3A_356 : memref<10000x128xf32, #tpu.memory_space<hbm>>) dst(%arg11 : memref<128x128xf32, #tpu.memory_space<vmem>>)
      %get3A_357 = arith.constant 128 : index
      %get3A_358 = tpu.vector_load %arg7[%get3A_357] {strides = array<i32>} : memref<256xi32, #tpu.memory_space<vmem>>, vector<16xi32>,
      %get3A_359 = vector.shape_cast %get3A_358 : vector<16xi32> to vector<16xi32>
      %swap3A_360 = arith.constant 0 : index
      %swap3A_361 = tpu.vector_load %arg9[%swap3A_360] {strides = array<i32>} : memref<128xi32, #tpu.memory_space<vmem>>, vector<16xi32>,
      %swap3A_362 = vector.shape_cast %swap3A_361 : vector<16xi32> to vector<16xi32>
      %swap3A_363 = vector.shape_cast %get3A_359 : vector<16xi32> to vector<16xi32>
      tpu.vector_store %arg9[%swap3A_360], %swap3A_363 {strides = array<i32>} : memref<128xi32, #tpu.memory_space<vmem>>, vector<16xi32>,
      %get3A_364 = arith.constant 144 : index
      %get3A_365 = tpu.vector_load %arg7[%get3A_364] {strides = array<i32>} : memref<256xi32, #tpu.memory_space<vmem>>, vector<16xi32>,
      %get3A_366 = vector.shape_cast %get3A_365 : vector<16xi32> to vector<16xi32>
      %swap3A_367 = arith.constant 16 : index
      %swap3A_368 = tpu.vector_load %arg9[%swap3A_367] {strides = array<i32>} : memref<128xi32, #tpu.memory_space<vmem>>, vector<16xi32>,
      %swap3A_369 = vector.shape_cast %swap3A_368 : vector<16xi32> to vector<16xi32>
      %swap3A_370 = vector.shape_cast %get3A_366 : vector<16xi32> to vector<16xi32>
      tpu.vector_store %arg9[%swap3A_367], %swap3A_370 {strides = array<i32>} : memref<128xi32, #tpu.memory_space<vmem>>, vector<16xi32>,
      %get3A_371 = arith.constant 160 : index
      %get3A_372 = tpu.vector_load %arg7[%get3A_371] {strides = array<i32>} : memref<256xi32, #tpu.memory_space<vmem>>, vector<16xi32>,
      %get3A_373 = vector.shape_cast %get3A_372 : vector<16xi32> to vector<16xi32>
      %swap3A_374 = arith.constant 32 : index
      %swap3A_375 = tpu.vector_load %arg9[%swap3A_374] {strides = array<i32>} : memref<128xi32, #tpu.memory_space<vmem>>, vector<16xi32>,
      %swap3A_376 = vector.shape_cast %swap3A_375 : vector<16xi32> to vector<16xi32>
      %swap3A_377 = vector.shape_cast %get3A_373 : vector<16xi32> to vector<16xi32>
      tpu.vector_store %arg9[%swap3A_374], %swap3A_377 {strides = array<i32>} : memref<128xi32, #tpu.memory_space<vmem>>, vector<16xi32>,
      %get3A_378 = arith.constant 176 : index
      %get3A_379 = tpu.vector_load %arg7[%get3A_378] {strides = array<i32>} : memref<256xi32, #tpu.memory_space<vmem>>, vector<16xi32>,
      %get3A_380 = vector.shape_cast %get3A_379 : vector<16xi32> to vector<16xi32>
      %swap3A_381 = arith.constant 48 : index
      %swap3A_382 = tpu.vector_load %arg9[%swap3A_381] {strides = array<i32>} : memref<128xi32, #tpu.memory_space<vmem>>, vector<16xi32>,
      %swap3A_383 = vector.shape_cast %swap3A_382 : vector<16xi32> to vector<16xi32>
      %swap3A_384 = vector.shape_cast %get3A_380 : vector<16xi32> to vector<16xi32>
      tpu.vector_store %arg9[%swap3A_381], %swap3A_384 {strides = array<i32>} : memref<128xi32, #tpu.memory_space<vmem>>, vector<16xi32>,
      %get3A_385 = arith.constant 192 : index
      %get3A_386 = tpu.vector_load %arg7[%get3A_385] {strides = array<i32>} : memref<256xi32, #tpu.memory_space<vmem>>, vector<16xi32>,
      %get3A_387 = vector.shape_cast %get3A_386 : vector<16xi32> to vector<16xi32>
      %swap3A_388 = arith.constant 64 : index
      %swap3A_389 = tpu.vector_load %arg9[%swap3A_388] {strides = array<i32>} : memref<128xi32, #tpu.memory_space<vmem>>, vector<16xi32>,
      %swap3A_390 = vector.shape_cast %swap3A_389 : vector<16xi32> to vector<16xi32>
      %swap3A_391 = vector.shape_cast %get3A_387 : vector<16xi32> to vector<16xi32>
      tpu.vector_store %arg9[%swap3A_388], %swap3A_391 {strides = array<i32>} : memref<128xi32, #tpu.memory_space<vmem>>, vector<16xi32>,
      %get3A_392 = arith.constant 208 : index
      %get3A_393 = tpu.vector_load %arg7[%get3A_392] {strides = array<i32>} : memref<256xi32, #tpu.memory_space<vmem>>, vector<16xi32>,
      %get3A_394 = vector.shape_cast %get3A_393 : vector<16xi32> to vector<16xi32>
      %swap3A_395 = arith.constant 80 : index
      %swap3A_396 = tpu.vector_load %arg9[%swap3A_395] {strides = array<i32>} : memref<128xi32, #tpu.memory_space<vmem>>, vector<16xi32>,
      %swap3A_397 = vector.shape_cast %swap3A_396 : vector<16xi32> to vector<16xi32>
      %swap3A_398 = vector.shape_cast %get3A_394 : vector<16xi32> to vector<16xi32>
      tpu.vector_store %arg9[%swap3A_395], %swap3A_398 {strides = array<i32>} : memref<128xi32, #tpu.memory_space<vmem>>, vector<16xi32>,
      %get3A_399 = arith.constant 224 : index
      %get3A_400 = tpu.vector_load %arg7[%get3A_399] {strides = array<i32>} : memref<256xi32, #tpu.memory_space<vmem>>, vector<16xi32>,
      %get3A_401 = vector.shape_cast %get3A_400 : vector<16xi32> to vector<16xi32>
      %swap3A_402 = arith.constant 96 : index
      %swap3A_403 = tpu.vector_load %arg9[%swap3A_402] {strides = array<i32>} : memref<128xi32, #tpu.memory_space<vmem>>, vector<16xi32>,
      %swap3A_404 = vector.shape_cast %swap3A_403 : vector<16xi32> to vector<16xi32>
      %swap3A_405 = vector.shape_cast %get3A_401 : vector<16xi32> to vector<16xi32>
      tpu.vector_store %arg9[%swap3A_402], %swap3A_405 {strides = array<i32>} : memref<128xi32, #tpu.memory_space<vmem>>, vector<16xi32>,
      %get3A_406 = arith.constant 240 : index
      %get3A_407 = tpu.vector_load %arg7[%get3A_406] {strides = array<i32>} : memref<256xi32, #tpu.memory_space<vmem>>, vector<16xi32>,
      %get3A_408 = vector.shape_cast %get3A_407 : vector<16xi32> to vector<16xi32>
      %swap3A_409 = arith.constant 112 : index
      %swap3A_410 = tpu.vector_load %arg9[%swap3A_409] {strides = array<i32>} : memref<128xi32, #tpu.memory_space<vmem>>, vector<16xi32>,
      %swap3A_411 = vector.shape_cast %swap3A_410 : vector<16xi32> to vector<16xi32>
      %swap3A_412 = vector.shape_cast %get3A_408 : vector<16xi32> to vector<16xi32>
      tpu.vector_store %arg9[%swap3A_409], %swap3A_412 {strides = array<i32>} : memref<128xi32, #tpu.memory_space<vmem>>, vector<16xi32>,
      %add3A_413 = arith.constant 2 : i32
      %add3A_414 = arith.addi %add3A_351, %add3A_413 : i32
      %lt3A_415 = arith.cmpi slt, %add3A_414, %select_n3A : i32
      %convert_element_type3A_416 = arith.extui %lt3A_415 : i1 to i32
      %cond3A_417 = arith.constant 0 : i32
      %cond3A_418 = arith.cmpi ne, %convert_element_type3A_416, %cond3A_417 : i32
      scf.if %cond3A_418 {
        %add3A_428 = arith.addi %select_n3A_8, %add3A_351 : i32
        %add3A_429 = arith.constant 2 : i32
        %add3A_430 = arith.addi %add3A_428, %add3A_429 : i32
        %mul3A_431 = arith.constant 2 : i32
        %mul3A_432 = arith.muli %add3A_430, %mul3A_431 : i32
        %mul3A_433 = arith.constant 128 : i32
        %mul3A_434 = arith.muli %mul3A_432, %mul3A_433 : i32
        %dma_start3A_435 = tpu.memref_slice %arg3[%mul3A_434] : memref<647168xi32, #tpu.memory_space<hbm>> -> memref<256xi32, #tpu.memory_space<hbm>>
        %dma_start3A_436 = tpu.memref_slice %arg3[%mul3A_434] : memref<647168xi32, #tpu.memory_space<hbm>> -> memref<256xi32, #tpu.memory_space<hbm>>
        tpu.enqueue_dma source(%dma_start3A_436 : memref<256xi32, #tpu.memory_space<hbm>>) target(%arg7 : memref<256xi32, #tpu.memory_space<vmem>>) target_semaphore(%arg14 : memref<!tpu.dma_semaphore, #tpu.memory_space<semaphore_mem>>)
      } else {
      }
      %add3A_419 = arith.constant 1 : i32
      %add3A_420 = arith.addi %add3A_351, %add3A_419 : i32
      %lt3A_421 = arith.cmpi slt, %add3A_420, %select_n3A : i32
      %convert_element_type3A_422 = arith.extui %lt3A_421 : i1 to i32
      %cond3A_423 = arith.constant 0 : i32
      %cond3A_424 = arith.cmpi ne, %convert_element_type3A_422, %cond3A_423 : i32
      scf.if %cond3A_424 {
        %mul3A_428 = arith.constant 2 : i32
        %mul3A_429 = arith.muli %select_n3A_8, %mul3A_428 : i32
        %mul3A_430 = arith.constant 128 : i32
        %mul3A_431 = arith.muli %mul3A_429, %mul3A_430 : i32
        %dma_wait3A_432 = tpu.memref_slice %arg3[%mul3A_431] : memref<647168xi32, #tpu.memory_space<hbm>> -> memref<256xi32, #tpu.memory_space<hbm>>
        %dma_wait3A_433 = tpu.memref_slice %arg3[%mul3A_431] : memref<647168xi32, #tpu.memory_space<hbm>> -> memref<256xi32, #tpu.memory_space<hbm>>
        tpu.wait_dma2 semaphore(%arg13 : memref<!tpu.dma_semaphore, #tpu.memory_space<semaphore_mem>>) src(%dma_wait3A_433 : memref<256xi32, #tpu.memory_space<hbm>>) dst(%arg6 : memref<256xi32, #tpu.memory_space<vmem>>)
        %ge3A = arith.constant 1 : i32
        %ge3A_434 = arith.cmpi sge, %add3A_351, %ge3A : i32
        %convert_element_type3A_435 = arith.extui %ge3A_434 : i1 to i32
        %cond3A_436 = arith.constant 0 : i32
        %cond3A_437 = arith.cmpi ne, %convert_element_type3A_435, %cond3A_436 : i32
        scf.if %cond3A_437 {
          %dma_wait3A_443 = arith.constant 0 : i32
          %dma_wait3A_444 = arith.constant 0 : i32
          %dma_wait3A_445 = tpu.memref_slice %arg12[%dma_wait3A_443, %dma_wait3A_444] : memref<10240x128xf32, #tpu.memory_space<vmem_shared>> -> memref<10240x128xf32, #tpu.memory_space<vmem_shared>>
          tpu.wait_indirect_dma semaphore(%arg17 : memref<!tpu.dma_semaphore, #tpu.memory_space<semaphore_mem>>) src(%arg10 : memref<128x128xf32, #tpu.memory_space<vmem>>) dst(%dma_wait3A_445 : memref<10240x128xf32, #tpu.memory_space<vmem_shared>>)
        } else {
        }
        %dma_start3A_438 = arith.constant 0 : i32
        %dma_start3A_439 = tpu.memref_slice %arg6[%dma_start3A_438] : memref<256xi32, #tpu.memory_space<vmem>> -> memref<128xi32, #tpu.memory_space<vmem>>
        %dma_start3A_440 = arith.constant 0 : i32
        %dma_start3A_441 = arith.constant 0 : i32
        %dma_start3A_442 = tpu.memref_slice %arg2[%dma_start3A_440, %dma_start3A_441] : memref<10000x128xf32, #tpu.memory_space<hbm>> -> memref<10000x128xf32, #tpu.memory_space<hbm>>
        tpu.enqueue_indirect_dma source(%dma_start3A_442 : memref<10000x128xf32, #tpu.memory_space<hbm>>) target(%arg10 : memref<128x128xf32, #tpu.memory_space<vmem>>) offsets(%dma_start3A_439 : memref<128xi32, #tpu.memory_space<vmem>>) semaphore(%arg15 : memref<!tpu.dma_semaphore, #tpu.memory_space<semaphore_mem>>)
      } else {
      }
      %dma_start3A_425 = arith.constant 0 : i32
      %dma_start3A_426 = arith.constant 0 : i32
      %dma_start3A_427 = tpu.memref_slice %arg12[%dma_start3A_425, %dma_start3A_426] : memref<10240x128xf32, #tpu.memory_space<vmem_shared>> -> memref<10240x128xf32, #tpu.memory_space<vmem_shared>>
      tpu.enqueue_indirect_dma source(%arg11 : memref<128x128xf32, #tpu.memory_space<vmem>>) target(%dma_start3A_427 : memref<10240x128xf32, #tpu.memory_space<vmem_shared>>) offsets(%arg9 : memref<128xi32, #tpu.memory_space<vmem>>) semaphore(%arg18 : memref<!tpu.dma_semaphore, #tpu.memory_space<semaphore_mem>>) {add = true}
    }
    %while3A_130 = arith.constant 1 : i32
    scf.for %while3A_272 = %while3A_128 to %while3A_124 step %while3A_130  : i32 {
      %mul3A_273 = arith.constant 2 : i32
      %mul3A_274 = arith.muli %while3A_272, %mul3A_273 : i32
      %add3A_275 = arith.constant 0 : i32
      %add3A_276 = arith.addi %mul3A_274, %add3A_275 : i32
      %dma_wait3A_277 = arith.constant 0 : i32
      %dma_wait3A_278 = tpu.memref_slice %arg6[%dma_wait3A_277] : memref<256xi32, #tpu.memory_space<vmem>> -> memref<128xi32, #tpu.memory_space<vmem>>
      %dma_wait3A_279 = arith.constant 0 : i32
      %dma_wait3A_280 = arith.constant 0 : i32
      %dma_wait3A_281 = tpu.memref_slice %arg2[%dma_wait3A_279, %dma_wait3A_280] : memref<10000x128xf32, #tpu.memory_space<hbm>> -> memref<10000x128xf32, #tpu.memory_space<hbm>>
      tpu.wait_indirect_dma semaphore(%arg15 : memref<!tpu.dma_semaphore, #tpu.memory_space<semaphore_mem>>) src(%dma_wait3A_281 : memref<10000x128xf32, #tpu.memory_space<hbm>>) dst(%arg10 : memref<128x128xf32, #tpu.memory_space<vmem>>)
      %get3A = arith.constant 128 : index
      %get3A_282 = tpu.vector_load %arg6[%get3A] {strides = array<i32>} : memref<256xi32, #tpu.memory_space<vmem>>, vector<16xi32>,
      %get3A_283 = vector.shape_cast %get3A_282 : vector<16xi32> to vector<16xi32>
      %swap3A = arith.constant 0 : index
      %swap3A_284 = tpu.vector_load %arg8[%swap3A] {strides = array<i32>} : memref<128xi32, #tpu.memory_space<vmem>>, vector<16xi32>,
      %swap3A_285 = vector.shape_cast %swap3A_284 : vector<16xi32> to vector<16xi32>
      %swap3A_286 = vector.shape_cast %get3A_283 : vector<16xi32> to vector<16xi32>
      tpu.vector_store %arg8[%swap3A], %swap3A_286 {strides = array<i32>} : memref<128xi32, #tpu.memory_space<vmem>>, vector<16xi32>,
      %get3A_287 = arith.constant 144 : index
      %get3A_288 = tpu.vector_load %arg6[%get3A_287] {strides = array<i32>} : memref<256xi32, #tpu.memory_space<vmem>>, vector<16xi32>,
      %get3A_289 = vector.shape_cast %get3A_288 : vector<16xi32> to vector<16xi32>
      %swap3A_290 = arith.constant 16 : index
      %swap3A_291 = tpu.vector_load %arg8[%swap3A_290] {strides = array<i32>} : memref<128xi32, #tpu.memory_space<vmem>>, vector<16xi32>,
      %swap3A_292 = vector.shape_cast %swap3A_291 : vector<16xi32> to vector<16xi32>
      %swap3A_293 = vector.shape_cast %get3A_289 : vector<16xi32> to vector<16xi32>
      tpu.vector_store %arg8[%swap3A_290], %swap3A_293 {strides = array<i32>} : memref<128xi32, #tpu.memory_space<vmem>>, vector<16xi32>,
      %get3A_294 = arith.constant 160 : index
      %get3A_295 = tpu.vector_load %arg6[%get3A_294] {strides = array<i32>} : memref<256xi32, #tpu.memory_space<vmem>>, vector<16xi32>,
      %get3A_296 = vector.shape_cast %get3A_295 : vector<16xi32> to vector<16xi32>
      %swap3A_297 = arith.constant 32 : index
      %swap3A_298 = tpu.vector_load %arg8[%swap3A_297] {strides = array<i32>} : memref<128xi32, #tpu.memory_space<vmem>>, vector<16xi32>,
      %swap3A_299 = vector.shape_cast %swap3A_298 : vector<16xi32> to vector<16xi32>
      %swap3A_300 = vector.shape_cast %get3A_296 : vector<16xi32> to vector<16xi32>
      tpu.vector_store %arg8[%swap3A_297], %swap3A_300 {strides = array<i32>} : memref<128xi32, #tpu.memory_space<vmem>>, vector<16xi32>,
      %get3A_301 = arith.constant 176 : index
      %get3A_302 = tpu.vector_load %arg6[%get3A_301] {strides = array<i32>} : memref<256xi32, #tpu.memory_space<vmem>>, vector<16xi32>,
      %get3A_303 = vector.shape_cast %get3A_302 : vector<16xi32> to vector<16xi32>
      %swap3A_304 = arith.constant 48 : index
      %swap3A_305 = tpu.vector_load %arg8[%swap3A_304] {strides = array<i32>} : memref<128xi32, #tpu.memory_space<vmem>>, vector<16xi32>,
      %swap3A_306 = vector.shape_cast %swap3A_305 : vector<16xi32> to vector<16xi32>
      %swap3A_307 = vector.shape_cast %get3A_303 : vector<16xi32> to vector<16xi32>
      tpu.vector_store %arg8[%swap3A_304], %swap3A_307 {strides = array<i32>} : memref<128xi32, #tpu.memory_space<vmem>>, vector<16xi32>,
      %get3A_308 = arith.constant 192 : index
      %get3A_309 = tpu.vector_load %arg6[%get3A_308] {strides = array<i32>} : memref<256xi32, #tpu.memory_space<vmem>>, vector<16xi32>,
      %get3A_310 = vector.shape_cast %get3A_309 : vector<16xi32> to vector<16xi32>
      %swap3A_311 = arith.constant 64 : index
      %swap3A_312 = tpu.vector_load %arg8[%swap3A_311] {strides = array<i32>} : memref<128xi32, #tpu.memory_space<vmem>>, vector<16xi32>,
      %swap3A_313 = vector.shape_cast %swap3A_312 : vector<16xi32> to vector<16xi32>
      %swap3A_314 = vector.shape_cast %get3A_310 : vector<16xi32> to vector<16xi32>
      tpu.vector_store %arg8[%swap3A_311], %swap3A_314 {strides = array<i32>} : memref<128xi32, #tpu.memory_space<vmem>>, vector<16xi32>,
      %get3A_315 = arith.constant 208 : index
      %get3A_316 = tpu.vector_load %arg6[%get3A_315] {strides = array<i32>} : memref<256xi32, #tpu.memory_space<vmem>>, vector<16xi32>,
      %get3A_317 = vector.shape_cast %get3A_316 : vector<16xi32> to vector<16xi32>
      %swap3A_318 = arith.constant 80 : index
      %swap3A_319 = tpu.vector_load %arg8[%swap3A_318] {strides = array<i32>} : memref<128xi32, #tpu.memory_space<vmem>>, vector<16xi32>,
      %swap3A_320 = vector.shape_cast %swap3A_319 : vector<16xi32> to vector<16xi32>
      %swap3A_321 = vector.shape_cast %get3A_317 : vector<16xi32> to vector<16xi32>
      tpu.vector_store %arg8[%swap3A_318], %swap3A_321 {strides = array<i32>} : memref<128xi32, #tpu.memory_space<vmem>>, vector<16xi32>,
      %get3A_322 = arith.constant 224 : index
      %get3A_323 = tpu.vector_load %arg6[%get3A_322] {strides = array<i32>} : memref<256xi32, #tpu.memory_space<vmem>>, vector<16xi32>,
      %get3A_324 = vector.shape_cast %get3A_323 : vector<16xi32> to vector<16xi32>
      %swap3A_325 = arith.constant 96 : index
      %swap3A_326 = tpu.vector_load %arg8[%swap3A_325] {strides = array<i32>} : memref<128xi32, #tpu.memory_space<vmem>>, vector<16xi32>,
      %swap3A_327 = vector.shape_cast %swap3A_326 : vector<16xi32> to vector<16xi32>
      %swap3A_328 = vector.shape_cast %get3A_324 : vector<16xi32> to vector<16xi32>
      tpu.vector_store %arg8[%swap3A_325], %swap3A_328 {strides = array<i32>} : memref<128xi32, #tpu.memory_space<vmem>>, vector<16xi32>,
      %get3A_329 = arith.constant 240 : index
      %get3A_330 = tpu.vector_load %arg6[%get3A_329] {strides = array<i32>} : memref<256xi32, #tpu.memory_space<vmem>>, vector<16xi32>,
      %get3A_331 = vector.shape_cast %get3A_330 : vector<16xi32> to vector<16xi32>
      %swap3A_332 = arith.constant 112 : index
      %swap3A_333 = tpu.vector_load %arg8[%swap3A_332] {strides = array<i32>} : memref<128xi32, #tpu.memory_space<vmem>>, vector<16xi32>,
      %swap3A_334 = vector.shape_cast %swap3A_333 : vector<16xi32> to vector<16xi32>
      %swap3A_335 = vector.shape_cast %get3A_331 : vector<16xi32> to vector<16xi32>
      tpu.vector_store %arg8[%swap3A_332], %swap3A_335 {strides = array<i32>} : memref<128xi32, #tpu.memory_space<vmem>>, vector<16xi32>,
      %add3A_336 = arith.constant 2 : i32
      %add3A_337 = arith.addi %add3A_276, %add3A_336 : i32
      %lt3A = arith.cmpi slt, %add3A_337, %select_n3A : i32
      %convert_element_type3A = arith.extui %lt3A : i1 to i32
      %cond3A = arith.constant 0 : i32
      %cond3A_338 = arith.cmpi ne, %convert_element_type3A, %cond3A : i32
      scf.if %cond3A_338 {
        %add3A_428 = arith.addi %select_n3A_8, %add3A_276 : i32
        %add3A_429 = arith.constant 2 : i32
        %add3A_430 = arith.addi %add3A_428, %add3A_429 : i32
        %mul3A_431 = arith.constant 2 : i32
        %mul3A_432 = arith.muli %add3A_430, %mul3A_431 : i32
        %mul3A_433 = arith.constant 128 : i32
        %mul3A_434 = arith.muli %mul3A_432, %mul3A_433 : i32
        %dma_start3A_435 = tpu.memref_slice %arg3[%mul3A_434] : memref<647168xi32, #tpu.memory_space<hbm>> -> memref<256xi32, #tpu.memory_space<hbm>>
        %dma_start3A_436 = tpu.memref_slice %arg3[%mul3A_434] : memref<647168xi32, #tpu.memory_space<hbm>> -> memref<256xi32, #tpu.memory_space<hbm>>
        tpu.enqueue_dma source(%dma_start3A_436 : memref<256xi32, #tpu.memory_space<hbm>>) target(%arg6 : memref<256xi32, #tpu.memory_space<vmem>>) target_semaphore(%arg13 : memref<!tpu.dma_semaphore, #tpu.memory_space<semaphore_mem>>)
      } else {
      }
      %add3A_339 = arith.constant 1 : i32
      %add3A_340 = arith.addi %add3A_276, %add3A_339 : i32
      %lt3A_341 = arith.cmpi slt, %add3A_340, %select_n3A : i32
      %convert_element_type3A_342 = arith.extui %lt3A_341 : i1 to i32
      %cond3A_343 = arith.constant 0 : i32
      %cond3A_344 = arith.cmpi ne, %convert_element_type3A_342, %cond3A_343 : i32
      scf.if %cond3A_344 {
        %mul3A_428 = arith.constant 2 : i32
        %mul3A_429 = arith.muli %select_n3A_8, %mul3A_428 : i32
        %mul3A_430 = arith.constant 128 : i32
        %mul3A_431 = arith.muli %mul3A_429, %mul3A_430 : i32
        %dma_wait3A_432 = tpu.memref_slice %arg3[%mul3A_431] : memref<647168xi32, #tpu.memory_space<hbm>> -> memref<256xi32, #tpu.memory_space<hbm>>
        %dma_wait3A_433 = tpu.memref_slice %arg3[%mul3A_431] : memref<647168xi32, #tpu.memory_space<hbm>> -> memref<256xi32, #tpu.memory_space<hbm>>
        tpu.wait_dma2 semaphore(%arg14 : memref<!tpu.dma_semaphore, #tpu.memory_space<semaphore_mem>>) src(%dma_wait3A_433 : memref<256xi32, #tpu.memory_space<hbm>>) dst(%arg7 : memref<256xi32, #tpu.memory_space<vmem>>)
        %ge3A = arith.constant 1 : i32
        %ge3A_434 = arith.cmpi sge, %add3A_276, %ge3A : i32
        %convert_element_type3A_435 = arith.extui %ge3A_434 : i1 to i32
        %cond3A_436 = arith.constant 0 : i32
        %cond3A_437 = arith.cmpi ne, %convert_element_type3A_435, %cond3A_436 : i32
        scf.if %cond3A_437 {
          %dma_wait3A_443 = arith.constant 0 : i32
          %dma_wait3A_444 = arith.constant 0 : i32
          %dma_wait3A_445 = tpu.memref_slice %arg12[%dma_wait3A_443, %dma_wait3A_444] : memref<10240x128xf32, #tpu.memory_space<vmem_shared>> -> memref<10240x128xf32, #tpu.memory_space<vmem_shared>>
          tpu.wait_indirect_dma semaphore(%arg18 : memref<!tpu.dma_semaphore, #tpu.memory_space<semaphore_mem>>) src(%arg11 : memref<128x128xf32, #tpu.memory_space<vmem>>) dst(%dma_wait3A_445 : memref<10240x128xf32, #tpu.memory_space<vmem_shared>>)
        } else {
        }
        %dma_start3A_438 = arith.constant 0 : i32
        %dma_start3A_439 = tpu.memref_slice %arg7[%dma_start3A_438] : memref<256xi32, #tpu.memory_space<vmem>> -> memref<128xi32, #tpu.memory_space<vmem>>
        %dma_start3A_440 = arith.constant 0 : i32
        %dma_start3A_441 = arith.constant 0 : i32
        %dma_start3A_442 = tpu.memref_slice %arg2[%dma_start3A_440, %dma_start3A_441] : memref<10000x128xf32, #tpu.memory_space<hbm>> -> memref<10000x128xf32, #tpu.memory_space<hbm>>
        tpu.enqueue_indirect_dma source(%dma_start3A_442 : memref<10000x128xf32, #tpu.memory_space<hbm>>) target(%arg11 : memref<128x128xf32, #tpu.memory_space<vmem>>) offsets(%dma_start3A_439 : memref<128xi32, #tpu.memory_space<vmem>>) semaphore(%arg16 : memref<!tpu.dma_semaphore, #tpu.memory_space<semaphore_mem>>)
      } else {
      }
      %dma_start3A_345 = arith.constant 0 : i32
      %dma_start3A_346 = arith.constant 0 : i32
      %dma_start3A_347 = tpu.memref_slice %arg12[%dma_start3A_345, %dma_start3A_346] : memref<10240x128xf32, #tpu.memory_space<vmem_shared>> -> memref<10240x128xf32, #tpu.memory_space<vmem_shared>>
      tpu.enqueue_indirect_dma source(%arg10 : memref<128x128xf32, #tpu.memory_space<vmem>>) target(%dma_start3A_347 : memref<10240x128xf32, #tpu.memory_space<vmem_shared>>) offsets(%arg8 : memref<128xi32, #tpu.memory_space<vmem>>) semaphore(%arg17 : memref<!tpu.dma_semaphore, #tpu.memory_space<semaphore_mem>>) {add = true}
      %mul3A_348 = arith.constant 2 : i32
      %mul3A_349 = arith.muli %while3A_272, %mul3A_348 : i32
      %add3A_350 = arith.constant 1 : i32
      %add3A_351 = arith.addi %mul3A_349, %add3A_350 : i32
      %dma_wait3A_352 = arith.constant 0 : i32
      %dma_wait3A_353 = tpu.memref_slice %arg7[%dma_wait3A_352] : memref<256xi32, #tpu.memory_space<vmem>> -> memref<128xi32, #tpu.memory_space<vmem>>
      %dma_wait3A_354 = arith.constant 0 : i32
      %dma_wait3A_355 = arith.constant 0 : i32
      %dma_wait3A_356 = tpu.memref_slice %arg2[%dma_wait3A_354, %dma_wait3A_355] : memref<10000x128xf32, #tpu.memory_space<hbm>> -> memref<10000x128xf32, #tpu.memory_space<hbm>>
      tpu.wait_indirect_dma semaphore(%arg16 : memref<!tpu.dma_semaphore, #tpu.memory_space<semaphore_mem>>) src(%dma_wait3A_356 : memref<10000x128xf32, #tpu.memory_space<hbm>>) dst(%arg11 : memref<128x128xf32, #tpu.memory_space<vmem>>)
      %get3A_357 = arith.constant 128 : index
      %get3A_358 = tpu.vector_load %arg7[%get3A_357] {strides = array<i32>} : memref<256xi32, #tpu.memory_space<vmem>>, vector<16xi32>,
      %get3A_359 = vector.shape_cast %get3A_358 : vector<16xi32> to vector<16xi32>
      %swap3A_360 = arith.constant 0 : index
      %swap3A_361 = tpu.vector_load %arg9[%swap3A_360] {strides = array<i32>} : memref<128xi32, #tpu.memory_space<vmem>>, vector<16xi32>,
      %swap3A_362 = vector.shape_cast %swap3A_361 : vector<16xi32> to vector<16xi32>
      %swap3A_363 = vector.shape_cast %get3A_359 : vector<16xi32> to vector<16xi32>
      tpu.vector_store %arg9[%swap3A_360], %swap3A_363 {strides = array<i32>} : memref<128xi32, #tpu.memory_space<vmem>>, vector<16xi32>,
      %get3A_364 = arith.constant 144 : index
      %get3A_365 = tpu.vector_load %arg7[%get3A_364] {strides = array<i32>} : memref<256xi32, #tpu.memory_space<vmem>>, vector<16xi32>,
      %get3A_366 = vector.shape_cast %get3A_365 : vector<16xi32> to vector<16xi32>
      %swap3A_367 = arith.constant 16 : index
      %swap3A_368 = tpu.vector_load %arg9[%swap3A_367] {strides = array<i32>} : memref<128xi32, #tpu.memory_space<vmem>>, vector<16xi32>,
      %swap3A_369 = vector.shape_cast %swap3A_368 : vector<16xi32> to vector<16xi32>
      %swap3A_370 = vector.shape_cast %get3A_366 : vector<16xi32> to vector<16xi32>
      tpu.vector_store %arg9[%swap3A_367], %swap3A_370 {strides = array<i32>} : memref<128xi32, #tpu.memory_space<vmem>>, vector<16xi32>,
      %get3A_371 = arith.constant 160 : index
      %get3A_372 = tpu.vector_load %arg7[%get3A_371] {strides = array<i32>} : memref<256xi32, #tpu.memory_space<vmem>>, vector<16xi32>,
      %get3A_373 = vector.shape_cast %get3A_372 : vector<16xi32> to vector<16xi32>
      %swap3A_374 = arith.constant 32 : index
      %swap3A_375 = tpu.vector_load %arg9[%swap3A_374] {strides = array<i32>} : memref<128xi32, #tpu.memory_space<vmem>>, vector<16xi32>,
      %swap3A_376 = vector.shape_cast %swap3A_375 : vector<16xi32> to vector<16xi32>
      %swap3A_377 = vector.shape_cast %get3A_373 : vector<16xi32> to vector<16xi32>
      tpu.vector_store %arg9[%swap3A_374], %swap3A_377 {strides = array<i32>} : memref<128xi32, #tpu.memory_space<vmem>>, vector<16xi32>,
      %get3A_378 = arith.constant 176 : index
      %get3A_379 = tpu.vector_load %arg7[%get3A_378] {strides = array<i32>} : memref<256xi32, #tpu.memory_space<vmem>>, vector<16xi32>,
      %get3A_380 = vector.shape_cast %get3A_379 : vector<16xi32> to vector<16xi32>
      %swap3A_381 = arith.constant 48 : index
      %swap3A_382 = tpu.vector_load %arg9[%swap3A_381] {strides = array<i32>} : memref<128xi32, #tpu.memory_space<vmem>>, vector<16xi32>,
      %swap3A_383 = vector.shape_cast %swap3A_382 : vector<16xi32> to vector<16xi32>
      %swap3A_384 = vector.shape_cast %get3A_380 : vector<16xi32> to vector<16xi32>
      tpu.vector_store %arg9[%swap3A_381], %swap3A_384 {strides = array<i32>} : memref<128xi32, #tpu.memory_space<vmem>>, vector<16xi32>,
      %get3A_385 = arith.constant 192 : index
      %get3A_386 = tpu.vector_load %arg7[%get3A_385] {strides = array<i32>} : memref<256xi32, #tpu.memory_space<vmem>>, vector<16xi32>,
      %get3A_387 = vector.shape_cast %get3A_386 : vector<16xi32> to vector<16xi32>
      %swap3A_388 = arith.constant 64 : index
      %swap3A_389 = tpu.vector_load %arg9[%swap3A_388] {strides = array<i32>} : memref<128xi32, #tpu.memory_space<vmem>>, vector<16xi32>,
      %swap3A_390 = vector.shape_cast %swap3A_389 : vector<16xi32> to vector<16xi32>
      %swap3A_391 = vector.shape_cast %get3A_387 : vector<16xi32> to vector<16xi32>
      tpu.vector_store %arg9[%swap3A_388], %swap3A_391 {strides = array<i32>} : memref<128xi32, #tpu.memory_space<vmem>>, vector<16xi32>,
      %get3A_392 = arith.constant 208 : index
      %get3A_393 = tpu.vector_load %arg7[%get3A_392] {strides = array<i32>} : memref<256xi32, #tpu.memory_space<vmem>>, vector<16xi32>,
      %get3A_394 = vector.shape_cast %get3A_393 : vector<16xi32> to vector<16xi32>
      %swap3A_395 = arith.constant 80 : index
      %swap3A_396 = tpu.vector_load %arg9[%swap3A_395] {strides = array<i32>} : memref<128xi32, #tpu.memory_space<vmem>>, vector<16xi32>,
      %swap3A_397 = vector.shape_cast %swap3A_396 : vector<16xi32> to vector<16xi32>
      %swap3A_398 = vector.shape_cast %get3A_394 : vector<16xi32> to vector<16xi32>
      tpu.vector_store %arg9[%swap3A_395], %swap3A_398 {strides = array<i32>} : memref<128xi32, #tpu.memory_space<vmem>>, vector<16xi32>,
      %get3A_399 = arith.constant 224 : index
      %get3A_400 = tpu.vector_load %arg7[%get3A_399] {strides = array<i32>} : memref<256xi32, #tpu.memory_space<vmem>>, vector<16xi32>,
      %get3A_401 = vector.shape_cast %get3A_400 : vector<16xi32> to vector<16xi32>
      %swap3A_402 = arith.constant 96 : index
      %swap3A_403 = tpu.vector_load %arg9[%swap3A_402] {strides = array<i32>} : memref<128xi32, #tpu.memory_space<vmem>>, vector<16xi32>,
      %swap3A_404 = vector.shape_cast %swap3A_403 : vector<16xi32> to vector<16xi32>
      %swap3A_405 = vector.shape_cast %get3A_401 : vector<16xi32> to vector<16xi32>
      tpu.vector_store %arg9[%swap3A_402], %swap3A_405 {strides = array<i32>} : memref<128xi32, #tpu.memory_space<vmem>>, vector<16xi32>,
      %get3A_406 = arith.constant 240 : index
      %get3A_407 = tpu.vector_load %arg7[%get3A_406] {strides = array<i32>} : memref<256xi32, #tpu.memory_space<vmem>>, vector<16xi32>,
      %get3A_408 = vector.shape_cast %get3A_407 : vector<16xi32> to vector<16xi32>
      %swap3A_409 = arith.constant 112 : index
      %swap3A_410 = tpu.vector_load %arg9[%swap3A_409] {strides = array<i32>} : memref<128xi32, #tpu.memory_space<vmem>>, vector<16xi32>,
      %swap3A_411 = vector.shape_cast %swap3A_410 : vector<16xi32> to vector<16xi32>
      %swap3A_412 = vector.shape_cast %get3A_408 : vector<16xi32> to vector<16xi32>
      tpu.vector_store %arg9[%swap3A_409], %swap3A_412 {strides = array<i32>} : memref<128xi32, #tpu.memory_space<vmem>>, vector<16xi32>,
      %add3A_413 = arith.constant 2 : i32
      %add3A_414 = arith.addi %add3A_351, %add3A_413 : i32
      %lt3A_415 = arith.cmpi slt, %add3A_414, %select_n3A : i32
      %convert_element_type3A_416 = arith.extui %lt3A_415 : i1 to i32
      %cond3A_417 = arith.constant 0 : i32
      %cond3A_418 = arith.cmpi ne, %convert_element_type3A_416, %cond3A_417 : i32
      scf.if %cond3A_418 {
        %add3A_428 = arith.addi %select_n3A_8, %add3A_351 : i32
        %add3A_429 = arith.constant 2 : i32
        %add3A_430 = arith.addi %add3A_428, %add3A_429 : i32
        %mul3A_431 = arith.constant 2 : i32
        %mul3A_432 = arith.muli %add3A_430, %mul3A_431 : i32
        %mul3A_433 = arith.constant 128 : i32
        %mul3A_434 = arith.muli %mul3A_432, %mul3A_433 : i32
        %dma_start3A_435 = tpu.memref_slice %arg3[%mul3A_434] : memref<647168xi32, #tpu.memory_space<hbm>> -> memref<256xi32, #tpu.memory_space<hbm>>
        %dma_start3A_436 = tpu.memref_slice %arg3[%mul3A_434] : memref<647168xi32, #tpu.memory_space<hbm>> -> memref<256xi32, #tpu.memory_space<hbm>>
        tpu.enqueue_dma source(%dma_start3A_436 : memref<256xi32, #tpu.memory_space<hbm>>) target(%arg7 : memref<256xi32, #tpu.memory_space<vmem>>) target_semaphore(%arg14 : memref<!tpu.dma_semaphore, #tpu.memory_space<semaphore_mem>>)
      } else {
      }
      %add3A_419 = arith.constant 1 : i32
      %add3A_420 = arith.addi %add3A_351, %add3A_419 : i32
      %lt3A_421 = arith.cmpi slt, %add3A_420, %select_n3A : i32
      %convert_element_type3A_422 = arith.extui %lt3A_421 : i1 to i32
      %cond3A_423 = arith.constant 0 : i32
      %cond3A_424 = arith.cmpi ne, %convert_element_type3A_422, %cond3A_423 : i32
      scf.if %cond3A_424 {
        %mul3A_428 = arith.constant 2 : i32
        %mul3A_429 = arith.muli %select_n3A_8, %mul3A_428 : i32
        %mul3A_430 = arith.constant 128 : i32
        %mul3A_431 = arith.muli %mul3A_429, %mul3A_430 : i32
        %dma_wait3A_432 = tpu.memref_slice %arg3[%mul3A_431] : memref<647168xi32, #tpu.memory_space<hbm>> -> memref<256xi32, #tpu.memory_space<hbm>>
        %dma_wait3A_433 = tpu.memref_slice %arg3[%mul3A_431] : memref<647168xi32, #tpu.memory_space<hbm>> -> memref<256xi32, #tpu.memory_space<hbm>>
        tpu.wait_dma2 semaphore(%arg13 : memref<!tpu.dma_semaphore, #tpu.memory_space<semaphore_mem>>) src(%dma_wait3A_433 : memref<256xi32, #tpu.memory_space<hbm>>) dst(%arg6 : memref<256xi32, #tpu.memory_space<vmem>>)
        %ge3A = arith.constant 1 : i32
        %ge3A_434 = arith.cmpi sge, %add3A_351, %ge3A : i32
        %convert_element_type3A_435 = arith.extui %ge3A_434 : i1 to i32
        %cond3A_436 = arith.constant 0 : i32
        %cond3A_437 = arith.cmpi ne, %convert_element_type3A_435, %cond3A_436 : i32
        scf.if %cond3A_437 {
          %dma_wait3A_443 = arith.constant 0 : i32
          %dma_wait3A_444 = arith.constant 0 : i32
          %dma_wait3A_445 = tpu.memref_slice %arg12[%dma_wait3A_443, %dma_wait3A_444] : memref<10240x128xf32, #tpu.memory_space<vmem_shared>> -> memref<10240x128xf32, #tpu.memory_space<vmem_shared>>
          tpu.wait_indirect_dma semaphore(%arg17 : memref<!tpu.dma_semaphore, #tpu.memory_space<semaphore_mem>>) src(%arg10 : memref<128x128xf32, #tpu.memory_space<vmem>>) dst(%dma_wait3A_445 : memref<10240x128xf32, #tpu.memory_space<vmem_shared>>)
        } else {
        }
        %dma_start3A_438 = arith.constant 0 : i32
        %dma_start3A_439 = tpu.memref_slice %arg6[%dma_start3A_438] : memref<256xi32, #tpu.memory_space<vmem>> -> memref<128xi32, #tpu.memory_space<vmem>>
        %dma_start3A_440 = arith.constant 0 : i32
        %dma_start3A_441 = arith.constant 0 : i32
        %dma_start3A_442 = tpu.memref_slice %arg2[%dma_start3A_440, %dma_start3A_441] : memref<10000x128xf32, #tpu.memory_space<hbm>> -> memref<10000x128xf32, #tpu.memory_space<hbm>>
        tpu.enqueue_indirect_dma source(%dma_start3A_442 : memref<10000x128xf32, #tpu.memory_space<hbm>>) target(%arg10 : memref<128x128xf32, #tpu.memory_space<vmem>>) offsets(%dma_start3A_439 : memref<128xi32, #tpu.memory_space<vmem>>) semaphore(%arg15 : memref<!tpu.dma_semaphore, #tpu.memory_space<semaphore_mem>>)
      } else {
      }
      %dma_start3A_425 = arith.constant 0 : i32
      %dma_start3A_426 = arith.constant 0 : i32
      %dma_start3A_427 = tpu.memref_slice %arg12[%dma_start3A_425, %dma_start3A_426] : memref<10240x128xf32, #tpu.memory_space<vmem_shared>> -> memref<10240x128xf32, #tpu.memory_space<vmem_shared>>
      tpu.enqueue_indirect_dma source(%arg11 : memref<128x128xf32, #tpu.memory_space<vmem>>) target(%dma_start3A_427 : memref<10240x128xf32, #tpu.memory_space<vmem_shared>>) offsets(%arg9 : memref<128xi32, #tpu.memory_space<vmem>>) semaphore(%arg18 : memref<!tpu.dma_semaphore, #tpu.memory_space<semaphore_mem>>) {add = true}
    }
    %dma_wait3A_131 = arith.constant 0 : i32
    %dma_wait3A_132 = arith.constant 0 : i32
    %dma_wait3A_133 = tpu.memref_slice %arg12[%dma_wait3A_131, %dma_wait3A_132] : memref<10240x128xf32, #tpu.memory_space<vmem_shared>> -> memref<10240x128xf32, #tpu.memory_space<vmem_shared>>
    tpu.wait_indirect_dma semaphore(%arg17 : memref<!tpu.dma_semaphore, #tpu.memory_space<semaphore_mem>>) src(%arg10 : memref<128x128xf32, #tpu.memory_space<vmem>>) dst(%dma_wait3A_133 : memref<10240x128xf32, #tpu.memory_space<vmem_shared>>)
    %dma_wait3A_134 = arith.constant 0 : i32
    %dma_wait3A_135 = arith.constant 0 : i32
    %dma_wait3A_136 = tpu.memref_slice %arg12[%dma_wait3A_134, %dma_wait3A_135] : memref<10240x128xf32, #tpu.memory_space<vmem_shared>> -> memref<10240x128xf32, #tpu.memory_space<vmem_shared>>
    tpu.wait_indirect_dma semaphore(%arg18 : memref<!tpu.dma_semaphore, #tpu.memory_space<semaphore_mem>>) src(%arg11 : memref<128x128xf32, #tpu.memory_space<vmem>>) dst(%dma_wait3A_136 : memref<10240x128xf32, #tpu.memory_space<vmem_shared>>)
    %barrier3A_137 = arith.constant 0 : index
    tpu.barrier barrier_id(%barrier3A_137)
    %mul3A_138 = arith.constant 640 : i32
    %mul3A_139 = arith.muli %arg1, %mul3A_138 : i32
    %dma_start3A_140 = arith.constant 0 : i32
    %dma_start3A_141 = tpu.memref_slice %arg12[%mul3A_139, %dma_start3A_140] : memref<10240x128xf32, #tpu.memory_space<vmem_shared>> -> memref<128x128xf32, #tpu.memory_space<vmem_shared>>
    %dma_start3A_142 = arith.constant 0 : i32
    %dma_start3A_143 = tpu.memref_slice %arg12[%mul3A_139, %dma_start3A_142] : memref<10240x128xf32, #tpu.memory_space<vmem_shared>> -> memref<128x128xf32, #tpu.memory_space<vmem_shared>>
    tpu.enqueue_dma source(%dma_start3A_143 : memref<128x128xf32, #tpu.memory_space<vmem_shared>>) target(%arg10 : memref<128x128xf32, #tpu.memory_space<vmem>>) target_semaphore(%arg15 : memref<!tpu.dma_semaphore, #tpu.memory_space<semaphore_mem>>)
    %mul3A_144 = arith.constant 640 : i32
    %mul3A_145 = arith.muli %arg1, %mul3A_144 : i32
    %add3A_146 = arith.constant 0 : i32
    %add3A_147 = arith.addi %mul3A_145, %add3A_146 : i32
    %dma_wait3A_148 = arith.constant 0 : i32
    %dma_wait3A_149 = tpu.memref_slice %arg12[%add3A_147, %dma_wait3A_148] : memref<10240x128xf32, #tpu.memory_space<vmem_shared>> -> memref<128x128xf32, #tpu.memory_space<vmem_shared>>
    %dma_wait3A_150 = arith.constant 0 : i32
    %dma_wait3A_151 = tpu.memref_slice %arg12[%add3A_147, %dma_wait3A_150] : memref<10240x128xf32, #tpu.memory_space<vmem_shared>> -> memref<128x128xf32, #tpu.memory_space<vmem_shared>>
    tpu.wait_dma2 semaphore(%arg15 : memref<!tpu.dma_semaphore, #tpu.memory_space<semaphore_mem>>) src(%dma_wait3A_151 : memref<128x128xf32, #tpu.memory_space<vmem_shared>>) dst(%arg10 : memref<128x128xf32, #tpu.memory_space<vmem>>)
    %dma_start3A_152 = arith.constant 0 : i32
    %dma_start3A_153 = tpu.memref_slice %arg5[%arg0, %add3A_147, %dma_start3A_152] : memref<2x10240x128xf32, #tpu.memory_space<hbm>> -> memref<1x128x128xf32, #tpu.memory_space<hbm>>
    %dma_start3A_154 = tpu.memref_squeeze %dma_start3A_153 : memref<1x128x128xf32, #tpu.memory_space<hbm>> -> memref<128x128xf32, #tpu.memory_space<hbm>>
    %dma_start3A_155 = arith.constant 0 : i32
    %dma_start3A_156 = tpu.memref_slice %arg5[%arg0, %add3A_147, %dma_start3A_155] : memref<2x10240x128xf32, #tpu.memory_space<hbm>> -> memref<1x128x128xf32, #tpu.memory_space<hbm>>
    %dma_start3A_157 = tpu.memref_squeeze %dma_start3A_156 : memref<1x128x128xf32, #tpu.memory_space<hbm>> -> memref<128x128xf32, #tpu.memory_space<hbm>>
    tpu.enqueue_dma source(%arg10 : memref<128x128xf32, #tpu.memory_space<vmem>>) target(%dma_start3A_157 : memref<128x128xf32, #tpu.memory_space<hbm>>) target_semaphore(%arg17 : memref<!tpu.dma_semaphore, #tpu.memory_space<semaphore_mem>>)
    %add3A_158 = arith.constant 128 : i32
    %add3A_159 = arith.addi %add3A_147, %add3A_158 : i32
    %dma_start3A_160 = arith.constant 0 : i32
    %dma_start3A_161 = tpu.memref_slice %arg12[%add3A_159, %dma_start3A_160] : memref<10240x128xf32, #tpu.memory_space<vmem_shared>> -> memref<128x128xf32, #tpu.memory_space<vmem_shared>>
    %dma_start3A_162 = arith.constant 0 : i32
    %dma_start3A_163 = tpu.memref_slice %arg12[%add3A_159, %dma_start3A_162] : memref<10240x128xf32, #tpu.memory_space<vmem_shared>> -> memref<128x128xf32, #tpu.memory_space<vmem_shared>>
    tpu.enqueue_dma source(%dma_start3A_163 : memref<128x128xf32, #tpu.memory_space<vmem_shared>>) target(%arg11 : memref<128x128xf32, #tpu.memory_space<vmem>>) target_semaphore(%arg16 : memref<!tpu.dma_semaphore, #tpu.memory_space<semaphore_mem>>)
    %mul3A_164 = arith.constant 640 : i32
    %mul3A_165 = arith.muli %arg1, %mul3A_164 : i32
    %add3A_166 = arith.constant 128 : i32
    %add3A_167 = arith.addi %mul3A_165, %add3A_166 : i32
    %dma_wait3A_168 = arith.constant 0 : i32
    %dma_wait3A_169 = tpu.memref_slice %arg12[%add3A_167, %dma_wait3A_168] : memref<10240x128xf32, #tpu.memory_space<vmem_shared>> -> memref<128x128xf32, #tpu.memory_space<vmem_shared>>
    %dma_wait3A_170 = arith.constant 0 : i32
    %dma_wait3A_171 = tpu.memref_slice %arg12[%add3A_167, %dma_wait3A_170] : memref<10240x128xf32, #tpu.memory_space<vmem_shared>> -> memref<128x128xf32, #tpu.memory_space<vmem_shared>>
    tpu.wait_dma2 semaphore(%arg16 : memref<!tpu.dma_semaphore, #tpu.memory_space<semaphore_mem>>) src(%dma_wait3A_171 : memref<128x128xf32, #tpu.memory_space<vmem_shared>>) dst(%arg11 : memref<128x128xf32, #tpu.memory_space<vmem>>)
    %dma_start3A_172 = arith.constant 0 : i32
    %dma_start3A_173 = tpu.memref_slice %arg5[%arg0, %add3A_167, %dma_start3A_172] : memref<2x10240x128xf32, #tpu.memory_space<hbm>> -> memref<1x128x128xf32, #tpu.memory_space<hbm>>
    %dma_start3A_174 = tpu.memref_squeeze %dma_start3A_173 : memref<1x128x128xf32, #tpu.memory_space<hbm>> -> memref<128x128xf32, #tpu.memory_space<hbm>>
    %dma_start3A_175 = arith.constant 0 : i32
    %dma_start3A_176 = tpu.memref_slice %arg5[%arg0, %add3A_167, %dma_start3A_175] : memref<2x10240x128xf32, #tpu.memory_space<hbm>> -> memref<1x128x128xf32, #tpu.memory_space<hbm>>
    %dma_start3A_177 = tpu.memref_squeeze %dma_start3A_176 : memref<1x128x128xf32, #tpu.memory_space<hbm>> -> memref<128x128xf32, #tpu.memory_space<hbm>>
    tpu.enqueue_dma source(%arg11 : memref<128x128xf32, #tpu.memory_space<vmem>>) target(%dma_start3A_177 : memref<128x128xf32, #tpu.memory_space<hbm>>) target_semaphore(%arg18 : memref<!tpu.dma_semaphore, #tpu.memory_space<semaphore_mem>>)
    %dma_wait3A_178 = arith.constant 0 : i32
    %dma_wait3A_179 = tpu.memref_slice %arg5[%arg0, %add3A_167, %dma_wait3A_178] : memref<2x10240x128xf32, #tpu.memory_space<hbm>> -> memref<1x128x128xf32, #tpu.memory_space<hbm>>
    %dma_wait3A_180 = tpu.memref_squeeze %dma_wait3A_179 : memref<1x128x128xf32, #tpu.memory_space<hbm>> -> memref<128x128xf32, #tpu.memory_space<hbm>>
    %dma_wait3A_181 = arith.constant 0 : i32
    %dma_wait3A_182 = tpu.memref_slice %arg5[%arg0, %add3A_167, %dma_wait3A_181] : memref<2x10240x128xf32, #tpu.memory_space<hbm>> -> memref<1x128x128xf32, #tpu.memory_space<hbm>>
    %dma_wait3A_183 = tpu.memref_squeeze %dma_wait3A_182 : memref<1x128x128xf32, #tpu.memory_space<hbm>> -> memref<128x128xf32, #tpu.memory_space<hbm>>
    tpu.wait_dma2 semaphore(%arg17 : memref<!tpu.dma_semaphore, #tpu.memory_space<semaphore_mem>>) src(%arg10 : memref<128x128xf32, #tpu.memory_space<vmem>>) dst(%dma_wait3A_183 : memref<128x128xf32, #tpu.memory_space<hbm>>)
    %add3A_184 = arith.constant 128 : i32
    %add3A_185 = arith.addi %add3A_167, %add3A_184 : i32
    %dma_start3A_186 = arith.constant 0 : i32
    %dma_start3A_187 = tpu.memref_slice %arg12[%add3A_185, %dma_start3A_186] : memref<10240x128xf32, #tpu.memory_space<vmem_shared>> -> memref<128x128xf32, #tpu.memory_space<vmem_shared>>
    %dma_start3A_188 = arith.constant 0 : i32
    %dma_start3A_189 = tpu.memref_slice %arg12[%add3A_185, %dma_start3A_188] : memref<10240x128xf32, #tpu.memory_space<vmem_shared>> -> memref<128x128xf32, #tpu.memory_space<vmem_shared>>
    tpu.enqueue_dma source(%dma_start3A_189 : memref<128x128xf32, #tpu.memory_space<vmem_shared>>) target(%arg10 : memref<128x128xf32, #tpu.memory_space<vmem>>) target_semaphore(%arg15 : memref<!tpu.dma_semaphore, #tpu.memory_space<semaphore_mem>>)
    %mul3A_190 = arith.constant 640 : i32
    %mul3A_191 = arith.muli %arg1, %mul3A_190 : i32
    %add3A_192 = arith.constant 256 : i32
    %add3A_193 = arith.addi %mul3A_191, %add3A_192 : i32
    %dma_wait3A_194 = arith.constant 0 : i32
    %dma_wait3A_195 = tpu.memref_slice %arg12[%add3A_193, %dma_wait3A_194] : memref<10240x128xf32, #tpu.memory_space<vmem_shared>> -> memref<128x128xf32, #tpu.memory_space<vmem_shared>>
    %dma_wait3A_196 = arith.constant 0 : i32
    %dma_wait3A_197 = tpu.memref_slice %arg12[%add3A_193, %dma_wait3A_196] : memref<10240x128xf32, #tpu.memory_space<vmem_shared>> -> memref<128x128xf32, #tpu.memory_space<vmem_shared>>
    tpu.wait_dma2 semaphore(%arg15 : memref<!tpu.dma_semaphore, #tpu.memory_space<semaphore_mem>>) src(%dma_wait3A_197 : memref<128x128xf32, #tpu.memory_space<vmem_shared>>) dst(%arg10 : memref<128x128xf32, #tpu.memory_space<vmem>>)
    %dma_start3A_198 = arith.constant 0 : i32
    %dma_start3A_199 = tpu.memref_slice %arg5[%arg0, %add3A_193, %dma_start3A_198] : memref<2x10240x128xf32, #tpu.memory_space<hbm>> -> memref<1x128x128xf32, #tpu.memory_space<hbm>>
    %dma_start3A_200 = tpu.memref_squeeze %dma_start3A_199 : memref<1x128x128xf32, #tpu.memory_space<hbm>> -> memref<128x128xf32, #tpu.memory_space<hbm>>
    %dma_start3A_201 = arith.constant 0 : i32
    %dma_start3A_202 = tpu.memref_slice %arg5[%arg0, %add3A_193, %dma_start3A_201] : memref<2x10240x128xf32, #tpu.memory_space<hbm>> -> memref<1x128x128xf32, #tpu.memory_space<hbm>>
    %dma_start3A_203 = tpu.memref_squeeze %dma_start3A_202 : memref<1x128x128xf32, #tpu.memory_space<hbm>> -> memref<128x128xf32, #tpu.memory_space<hbm>>
    tpu.enqueue_dma source(%arg10 : memref<128x128xf32, #tpu.memory_space<vmem>>) target(%dma_start3A_203 : memref<128x128xf32, #tpu.memory_space<hbm>>) target_semaphore(%arg17 : memref<!tpu.dma_semaphore, #tpu.memory_space<semaphore_mem>>)
    %dma_wait3A_204 = arith.constant 0 : i32
    %dma_wait3A_205 = tpu.memref_slice %arg5[%arg0, %add3A_193, %dma_wait3A_204] : memref<2x10240x128xf32, #tpu.memory_space<hbm>> -> memref<1x128x128xf32, #tpu.memory_space<hbm>>
    %dma_wait3A_206 = tpu.memref_squeeze %dma_wait3A_205 : memref<1x128x128xf32, #tpu.memory_space<hbm>> -> memref<128x128xf32, #tpu.memory_space<hbm>>
    %dma_wait3A_207 = arith.constant 0 : i32
    %dma_wait3A_208 = tpu.memref_slice %arg5[%arg0, %add3A_193, %dma_wait3A_207] : memref<2x10240x128xf32, #tpu.memory_space<hbm>> -> memref<1x128x128xf32, #tpu.memory_space<hbm>>
    %dma_wait3A_209 = tpu.memref_squeeze %dma_wait3A_208 : memref<1x128x128xf32, #tpu.memory_space<hbm>> -> memref<128x128xf32, #tpu.memory_space<hbm>>
    tpu.wait_dma2 semaphore(%arg18 : memref<!tpu.dma_semaphore, #tpu.memory_space<semaphore_mem>>) src(%arg11 : memref<128x128xf32, #tpu.memory_space<vmem>>) dst(%dma_wait3A_209 : memref<128x128xf32, #tpu.memory_space<hbm>>)
    %add3A_210 = arith.constant 128 : i32
    %add3A_211 = arith.addi %add3A_193, %add3A_210 : i32
    %dma_start3A_212 = arith.constant 0 : i32
    %dma_start3A_213 = tpu.memref_slice %arg12[%add3A_211, %dma_start3A_212] : memref<10240x128xf32, #tpu.memory_space<vmem_shared>> -> memref<128x128xf32, #tpu.memory_space<vmem_shared>>
    %dma_start3A_214 = arith.constant 0 : i32
    %dma_start3A_215 = tpu.memref_slice %arg12[%add3A_211, %dma_start3A_214] : memref<10240x128xf32, #tpu.memory_space<vmem_shared>> -> memref<128x128xf32, #tpu.memory_space<vmem_shared>>
    tpu.enqueue_dma source(%dma_start3A_215 : memref<128x128xf32, #tpu.memory_space<vmem_shared>>) target(%arg11 : memref<128x128xf32, #tpu.memory_space<vmem>>) target_semaphore(%arg16 : memref<!tpu.dma_semaphore, #tpu.memory_space<semaphore_mem>>)
    %mul3A_216 = arith.constant 640 : i32
    %mul3A_217 = arith.muli %arg1, %mul3A_216 : i32
    %add3A_218 = arith.constant 384 : i32
    %add3A_219 = arith.addi %mul3A_217, %add3A_218 : i32
    %dma_wait3A_220 = arith.constant 0 : i32
    %dma_wait3A_221 = tpu.memref_slice %arg12[%add3A_219, %dma_wait3A_220] : memref<10240x128xf32, #tpu.memory_space<vmem_shared>> -> memref<128x128xf32, #tpu.memory_space<vmem_shared>>
    %dma_wait3A_222 = arith.constant 0 : i32
    %dma_wait3A_223 = tpu.memref_slice %arg12[%add3A_219, %dma_wait3A_222] : memref<10240x128xf32, #tpu.memory_space<vmem_shared>> -> memref<128x128xf32, #tpu.memory_space<vmem_shared>>
    tpu.wait_dma2 semaphore(%arg16 : memref<!tpu.dma_semaphore, #tpu.memory_space<semaphore_mem>>) src(%dma_wait3A_223 : memref<128x128xf32, #tpu.memory_space<vmem_shared>>) dst(%arg11 : memref<128x128xf32, #tpu.memory_space<vmem>>)
    %dma_start3A_224 = arith.constant 0 : i32
    %dma_start3A_225 = tpu.memref_slice %arg5[%arg0, %add3A_219, %dma_start3A_224] : memref<2x10240x128xf32, #tpu.memory_space<hbm>> -> memref<1x128x128xf32, #tpu.memory_space<hbm>>
    %dma_start3A_226 = tpu.memref_squeeze %dma_start3A_225 : memref<1x128x128xf32, #tpu.memory_space<hbm>> -> memref<128x128xf32, #tpu.memory_space<hbm>>
    %dma_start3A_227 = arith.constant 0 : i32
    %dma_start3A_228 = tpu.memref_slice %arg5[%arg0, %add3A_219, %dma_start3A_227] : memref<2x10240x128xf32, #tpu.memory_space<hbm>> -> memref<1x128x128xf32, #tpu.memory_space<hbm>>
    %dma_start3A_229 = tpu.memref_squeeze %dma_start3A_228 : memref<1x128x128xf32, #tpu.memory_space<hbm>> -> memref<128x128xf32, #tpu.memory_space<hbm>>
    tpu.enqueue_dma source(%arg11 : memref<128x128xf32, #tpu.memory_space<vmem>>) target(%dma_start3A_229 : memref<128x128xf32, #tpu.memory_space<hbm>>) target_semaphore(%arg18 : memref<!tpu.dma_semaphore, #tpu.memory_space<semaphore_mem>>)
    %dma_wait3A_230 = arith.constant 0 : i32
    %dma_wait3A_231 = tpu.memref_slice %arg5[%arg0, %add3A_219, %dma_wait3A_230] : memref<2x10240x128xf32, #tpu.memory_space<hbm>> -> memref<1x128x128xf32, #tpu.memory_space<hbm>>
    %dma_wait3A_232 = tpu.memref_squeeze %dma_wait3A_231 : memref<1x128x128xf32, #tpu.memory_space<hbm>> -> memref<128x128xf32, #tpu.memory_space<hbm>>
    %dma_wait3A_233 = arith.constant 0 : i32
    %dma_wait3A_234 = tpu.memref_slice %arg5[%arg0, %add3A_219, %dma_wait3A_233] : memref<2x10240x128xf32, #tpu.memory_space<hbm>> -> memref<1x128x128xf32, #tpu.memory_space<hbm>>
    %dma_wait3A_235 = tpu.memref_squeeze %dma_wait3A_234 : memref<1x128x128xf32, #tpu.memory_space<hbm>> -> memref<128x128xf32, #tpu.memory_space<hbm>>
    tpu.wait_dma2 semaphore(%arg17 : memref<!tpu.dma_semaphore, #tpu.memory_space<semaphore_mem>>) src(%arg10 : memref<128x128xf32, #tpu.memory_space<vmem>>) dst(%dma_wait3A_235 : memref<128x128xf32, #tpu.memory_space<hbm>>)
    %add3A_236 = arith.constant 128 : i32
    %add3A_237 = arith.addi %add3A_219, %add3A_236 : i32
    %dma_start3A_238 = arith.constant 0 : i32
    %dma_start3A_239 = tpu.memref_slice %arg12[%add3A_237, %dma_start3A_238] : memref<10240x128xf32, #tpu.memory_space<vmem_shared>> -> memref<128x128xf32, #tpu.memory_space<vmem_shared>>
    %dma_start3A_240 = arith.constant 0 : i32
    %dma_start3A_241 = tpu.memref_slice %arg12[%add3A_237, %dma_start3A_240] : memref<10240x128xf32, #tpu.memory_space<vmem_shared>> -> memref<128x128xf32, #tpu.memory_space<vmem_shared>>
    tpu.enqueue_dma source(%dma_start3A_241 : memref<128x128xf32, #tpu.memory_space<vmem_shared>>) target(%arg10 : memref<128x128xf32, #tpu.memory_space<vmem>>) target_semaphore(%arg15 : memref<!tpu.dma_semaphore, #tpu.memory_space<semaphore_mem>>)
    %mul3A_242 = arith.constant 640 : i32
    %mul3A_243 = arith.muli %arg1, %mul3A_242 : i32
    %add3A_244 = arith.constant 512 : i32
    %add3A_245 = arith.addi %mul3A_243, %add3A_244 : i32
    %dma_wait3A_246 = arith.constant 0 : i32
    %dma_wait3A_247 = tpu.memref_slice %arg12[%add3A_245, %dma_wait3A_246] : memref<10240x128xf32, #tpu.memory_space<vmem_shared>> -> memref<128x128xf32, #tpu.memory_space<vmem_shared>>
    %dma_wait3A_248 = arith.constant 0 : i32
    %dma_wait3A_249 = tpu.memref_slice %arg12[%add3A_245, %dma_wait3A_248] : memref<10240x128xf32, #tpu.memory_space<vmem_shared>> -> memref<128x128xf32, #tpu.memory_space<vmem_shared>>
    tpu.wait_dma2 semaphore(%arg15 : memref<!tpu.dma_semaphore, #tpu.memory_space<semaphore_mem>>) src(%dma_wait3A_249 : memref<128x128xf32, #tpu.memory_space<vmem_shared>>) dst(%arg10 : memref<128x128xf32, #tpu.memory_space<vmem>>)
    %dma_start3A_250 = arith.constant 0 : i32
    %dma_start3A_251 = tpu.memref_slice %arg5[%arg0, %add3A_245, %dma_start3A_250] : memref<2x10240x128xf32, #tpu.memory_space<hbm>> -> memref<1x128x128xf32, #tpu.memory_space<hbm>>
    %dma_start3A_252 = tpu.memref_squeeze %dma_start3A_251 : memref<1x128x128xf32, #tpu.memory_space<hbm>> -> memref<128x128xf32, #tpu.memory_space<hbm>>
    %dma_start3A_253 = arith.constant 0 : i32
    %dma_start3A_254 = tpu.memref_slice %arg5[%arg0, %add3A_245, %dma_start3A_253] : memref<2x10240x128xf32, #tpu.memory_space<hbm>> -> memref<1x128x128xf32, #tpu.memory_space<hbm>>
    %dma_start3A_255 = tpu.memref_squeeze %dma_start3A_254 : memref<1x128x128xf32, #tpu.memory_space<hbm>> -> memref<128x128xf32, #tpu.memory_space<hbm>>
    tpu.enqueue_dma source(%arg10 : memref<128x128xf32, #tpu.memory_space<vmem>>) target(%dma_start3A_255 : memref<128x128xf32, #tpu.memory_space<hbm>>) target_semaphore(%arg17 : memref<!tpu.dma_semaphore, #tpu.memory_space<semaphore_mem>>)
    %mul3A_256 = arith.constant 640 : i32
    %mul3A_257 = arith.muli %arg1, %mul3A_256 : i32
    %dma_wait3A_258 = arith.constant 0 : i32
    %dma_wait3A_259 = tpu.memref_slice %arg5[%arg0, %mul3A_257, %dma_wait3A_258] : memref<2x10240x128xf32, #tpu.memory_space<hbm>> -> memref<1x128x128xf32, #tpu.memory_space<hbm>>
    %dma_wait3A_260 = tpu.memref_squeeze %dma_wait3A_259 : memref<1x128x128xf32, #tpu.memory_space<hbm>> -> memref<128x128xf32, #tpu.memory_space<hbm>>
    %dma_wait3A_261 = arith.constant 0 : i32
    %dma_wait3A_262 = tpu.memref_slice %arg5[%arg0, %mul3A_257, %dma_wait3A_261] : memref<2x10240x128xf32, #tpu.memory_space<hbm>> -> memref<1x128x128xf32, #tpu.memory_space<hbm>>
    %dma_wait3A_263 = tpu.memref_squeeze %dma_wait3A_262 : memref<1x128x128xf32, #tpu.memory_space<hbm>> -> memref<128x128xf32, #tpu.memory_space<hbm>>
    tpu.wait_dma2 semaphore(%arg17 : memref<!tpu.dma_semaphore, #tpu.memory_space<semaphore_mem>>) src(%arg10 : memref<128x128xf32, #tpu.memory_space<vmem>>) dst(%dma_wait3A_263 : memref<128x128xf32, #tpu.memory_space<hbm>>)
    %mul3A_264 = arith.constant 640 : i32
    %mul3A_265 = arith.muli %arg1, %mul3A_264 : i32
    %dma_wait3A_266 = arith.constant 0 : i32
    %dma_wait3A_267 = tpu.memref_slice %arg5[%arg0, %mul3A_265, %dma_wait3A_266] : memref<2x10240x128xf32, #tpu.memory_space<hbm>> -> memref<1x128x128xf32, #tpu.memory_space<hbm>>
    %dma_wait3A_268 = tpu.memref_squeeze %dma_wait3A_267 : memref<1x128x128xf32, #tpu.memory_space<hbm>> -> memref<128x128xf32, #tpu.memory_space<hbm>>
    %dma_wait3A_269 = arith.constant 0 : i32
    %dma_wait3A_270 = tpu.memref_slice %arg5[%arg0, %mul3A_265, %dma_wait3A_269] : memref<2x10240x128xf32, #tpu.memory_space<hbm>> -> memref<1x128x128xf32, #tpu.memory_space<hbm>>
    %dma_wait3A_271 = tpu.memref_squeeze %dma_wait3A_270 : memref<1x128x128xf32, #tpu.memory_space<hbm>> -> memref<128x128xf32, #tpu.memory_space<hbm>>
    tpu.wait_dma2 semaphore(%arg18 : memref<!tpu.dma_semaphore, #tpu.memory_space<semaphore_mem>>) src(%arg11 : memref<128x128xf32, #tpu.memory_space<vmem>>) dst(%dma_wait3A_271 : memref<128x128xf32, #tpu.memory_space<hbm>>)
    return
  }
}

#map = affine_map<(d0, d1) -> (0, 0)>
#map1 = affine_map<(d0, d1) -> (0)>
#map2 = affine_map<(d0, d1) -> (0, 0, 0)>
module attributes {stable_mosaic.version = 14 : i64} {
  func.func @_sc_scatter(%arg0: i32, %arg1: i32, %arg2: memref<10000x128xf32, #tpu.memory_space<hbm>>, %arg3: memref<647168xi32, #tpu.memory_space<hbm>>, %arg4: memref<128x128xf32, #tpu.memory_space<hbm>>, %arg5: memref<2x10240x128xf32, #tpu.memory_space<hbm>>, %arg6: memref<256xi32, #tpu.memory_space<vmem>>, %arg7: memref<256xi32, #tpu.memory_space<vmem>>, %arg8: memref<128xi32, #tpu.memory_space<vmem>>, %arg9: memref<128xi32, #tpu.memory_space<vmem>>, %arg10: memref<128x128xf32, #tpu.memory_space<vmem>>, %arg11: memref<128x128xf32, #tpu.memory_space<vmem>>, %arg12: memref<10240x128xf32, #tpu.memory_space<vmem_shared>>, %arg13: memref<!tpu.dma_semaphore, #tpu.memory_space<semaphore_mem>>, %arg14: memref<!tpu.dma_semaphore, #tpu.memory_space<semaphore_mem>>, %arg15: memref<!tpu.dma_semaphore, #tpu.memory_space<semaphore_mem>>, %arg16: memref<!tpu.dma_semaphore, #tpu.memory_space<semaphore_mem>>, %arg17: memref<!tpu.dma_semaphore, #tpu.memory_space<semaphore_mem>>, %arg18: memref<!tpu.dma_semaphore, #tpu.memory_space<semaphore_mem>>) attributes {dimension_semantics = [#tpu.dimension_semantics<core_parallel>, #tpu.dimension_semantics<subcore_parallel>], iteration_bounds = array<i64: 2, 16>, scalar_prefetch = 0 : i64, scratch_operands = 13 : i64, tpu.core_type = #tpu.core_type<sc_vector_subcore>, window_params = [{transform_indices = #map}, {transform_indices = #map1}, {transform_indices = #map}, {transform_indices = #map2}]} {
    %eq3A = arith.constant 0 : i32
    %eq3A_0 = arith.cmpi eq, %arg0, %eq3A : i32
    %jit3A = arith.constant 128 : i32
    %jit3A_1 = arith.constant 30 : i32
    %select_n3A = arith.select %eq3A_0, %jit3A, %jit3A_1 : i32
    %eq3A_2 = arith.constant 0 : i32
    %eq3A_3 = arith.cmpi eq, %arg0, %eq3A_2 : i32
    %mul3A = arith.constant 128 : i32
    %mul3A_4 = arith.muli %arg1, %mul3A : i32
    %mul3A_5 = arith.constant 30 : i32
    %mul3A_6 = arith.muli %arg1, %mul3A_5 : i32
    %add3A = arith.constant 2048 : i32
    %add3A_7 = arith.addi %add3A, %mul3A_6 : i32
    %select_n3A_8 = arith.select %eq3A_3, %mul3A_4, %add3A_7 : i32
    "tpu.region"() ({
      %run_scoped3A = tpu.sem_alloc : memref<!tpu.dma_semaphore, #tpu.memory_space<semaphore_mem>>
      tpu.enqueue_dma source(%arg4 : memref<128x128xf32, #tpu.memory_space<hbm>>) target(%arg10 : memref<128x128xf32, #tpu.memory_space<vmem>>) target_semaphore(%run_scoped3A : memref<!tpu.dma_semaphore, #tpu.memory_space<semaphore_mem>>)
      tpu.wait_dma2 semaphore(%run_scoped3A : memref<!tpu.dma_semaphore, #tpu.memory_space<semaphore_mem>>) src(%arg4 : memref<128x128xf32, #tpu.memory_space<hbm>>) dst(%arg10 : memref<128x128xf32, #tpu.memory_space<vmem>>)
      tpu.yield
    }) : () -> ()
    %mul3A_9 = arith.constant 640 : i32
    %mul3A_10 = arith.muli %arg1, %mul3A_9 : i32
    %add3A_11 = arith.constant 0 : i32
    %add3A_12 = arith.addi %mul3A_10, %add3A_11 : i32
    %dma_start3A = arith.constant 0 : i32
    %dma_start3A_13 = tpu.memref_slice %arg12[%add3A_12, %dma_start3A] : memref<10240x128xf32, #tpu.memory_space<vmem_shared>> -> memref<128x128xf32, #tpu.memory_space<vmem_shared>>
    %dma_start3A_14 = arith.constant 0 : i32
    %dma_start3A_15 = tpu.memref_slice %arg12[%add3A_12, %dma_start3A_14] : memref<10240x128xf32, #tpu.memory_space<vmem_shared>> -> memref<128x128xf32, #tpu.memory_space<vmem_shared>>
    tpu.enqueue_dma source(%arg10 : memref<128x128xf32, #tpu.memory_space<vmem>>) target(%dma_start3A_15 : memref<128x128xf32, #tpu.memory_space<vmem_shared>>) target_semaphore(%arg13 : memref<!tpu.dma_semaphore, #tpu.memory_space<semaphore_mem>>)
    %mul3A_16 = arith.constant 640 : i32
    %mul3A_17 = arith.muli %arg1, %mul3A_16 : i32
    %add3A_18 = arith.constant 128 : i32
    %add3A_19 = arith.addi %mul3A_17, %add3A_18 : i32
    %dma_start3A_20 = arith.constant 0 : i32
    %dma_start3A_21 = tpu.memref_slice %arg12[%add3A_19, %dma_start3A_20] : memref<10240x128xf32, #tpu.memory_space<vmem_shared>> -> memref<128x128xf32, #tpu.memory_space<vmem_shared>>
    %dma_start3A_22 = arith.constant 0 : i32
    %dma_start3A_23 = tpu.memref_slice %arg12[%add3A_19, %dma_start3A_22] : memref<10240x128xf32, #tpu.memory_space<vmem_shared>> -> memref<128x128xf32, #tpu.memory_space<vmem_shared>>
    tpu.enqueue_dma source(%arg10 : memref<128x128xf32, #tpu.memory_space<vmem>>) target(%dma_start3A_23 : memref<128x128xf32, #tpu.memory_space<vmem_shared>>) target_semaphore(%arg13 : memref<!tpu.dma_semaphore, #tpu.memory_space<semaphore_mem>>)
    %mul3A_24 = arith.constant 640 : i32
    %mul3A_25 = arith.muli %arg1, %mul3A_24 : i32
    %add3A_26 = arith.constant 256 : i32
    %add3A_27 = arith.addi %mul3A_25, %add3A_26 : i32
    %dma_start3A_28 = arith.constant 0 : i32
    %dma_start3A_29 = tpu.memref_slice %arg12[%add3A_27, %dma_start3A_28] : memref<10240x128xf32, #tpu.memory_space<vmem_shared>> -> memref<128x128xf32, #tpu.memory_space<vmem_shared>>
    %dma_start3A_30 = arith.constant 0 : i32
    %dma_start3A_31 = tpu.memref_slice %arg12[%add3A_27, %dma_start3A_30] : memref<10240x128xf32, #tpu.memory_space<vmem_shared>> -> memref<128x128xf32, #tpu.memory_space<vmem_shared>>
    tpu.enqueue_dma source(%arg10 : memref<128x128xf32, #tpu.memory_space<vmem>>) target(%dma_start3A_31 : memref<128x128xf32, #tpu.memory_space<vmem_shared>>) target_semaphore(%arg13 : memref<!tpu.dma_semaphore, #tpu.memory_space<semaphore_mem>>)
    %mul3A_32 = arith.constant 640 : i32
    %mul3A_33 = arith.muli %arg1, %mul3A_32 : i32
    %add3A_34 = arith.constant 384 : i32
    %add3A_35 = arith.addi %mul3A_33, %add3A_34 : i32
    %dma_start3A_36 = arith.constant 0 : i32
    %dma_start3A_37 = tpu.memref_slice %arg12[%add3A_35, %dma_start3A_36] : memref<10240x128xf32, #tpu.memory_space<vmem_shared>> -> memref<128x128xf32, #tpu.memory_space<vmem_shared>>
    %dma_start3A_38 = arith.constant 0 : i32
    %dma_start3A_39 = tpu.memref_slice %arg12[%add3A_35, %dma_start3A_38] : memref<10240x128xf32, #tpu.memory_space<vmem_shared>> -> memref<128x128xf32, #tpu.memory_space<vmem_shared>>
    tpu.enqueue_dma source(%arg10 : memref<128x128xf32, #tpu.memory_space<vmem>>) target(%dma_start3A_39 : memref<128x128xf32, #tpu.memory_space<vmem_shared>>) target_semaphore(%arg13 : memref<!tpu.dma_semaphore, #tpu.memory_space<semaphore_mem>>)
    %mul3A_40 = arith.constant 640 : i32
    %mul3A_41 = arith.muli %arg1, %mul3A_40 : i32
    %add3A_42 = arith.constant 512 : i32
    %add3A_43 = arith.addi %mul3A_41, %add3A_42 : i32
    %dma_start3A_44 = arith.constant 0 : i32
    %dma_start3A_45 = tpu.memref_slice %arg12[%add3A_43, %dma_start3A_44] : memref<10240x128xf32, #tpu.memory_space<vmem_shared>> -> memref<128x128xf32, #tpu.memory_space<vmem_shared>>
    %dma_start3A_46 = arith.constant 0 : i32
    %dma_start3A_47 = tpu.memref_slice %arg12[%add3A_43, %dma_start3A_46] : memref<10240x128xf32, #tpu.memory_space<vmem_shared>> -> memref<128x128xf32, #tpu.memory_space<vmem_shared>>
    tpu.enqueue_dma source(%arg10 : memref<128x128xf32, #tpu.memory_space<vmem>>) target(%dma_start3A_47 : memref<128x128xf32, #tpu.memory_space<vmem_shared>>) target_semaphore(%arg13 : memref<!tpu.dma_semaphore, #tpu.memory_space<semaphore_mem>>)
    %mul3A_48 = arith.constant 640 : i32
    %mul3A_49 = arith.muli %arg1, %mul3A_48 : i32
    %add3A_50 = arith.constant 0 : i32
    %add3A_51 = arith.addi %mul3A_49, %add3A_50 : i32
    %dma_wait3A = arith.constant 0 : i32
    %dma_wait3A_52 = tpu.memref_slice %arg12[%add3A_51, %dma_wait3A] : memref<10240x128xf32, #tpu.memory_space<vmem_shared>> -> memref<128x128xf32, #tpu.memory_space<vmem_shared>>
    %dma_wait3A_53 = arith.constant 0 : i32
    %dma_wait3A_54 = tpu.memref_slice %arg12[%add3A_51, %dma_wait3A_53] : memref<10240x128xf32, #tpu.memory_space<vmem_shared>> -> memref<128x128xf32, #tpu.memory_space<vmem_shared>>
    tpu.wait_dma2 semaphore(%arg13 : memref<!tpu.dma_semaphore, #tpu.memory_space<semaphore_mem>>) src(%arg10 : memref<128x128xf32, #tpu.memory_space<vmem>>) dst(%dma_wait3A_54 : memref<128x128xf32, #tpu.memory_space<vmem_shared>>)
    %mul3A_55 = arith.constant 640 : i32
    %mul3A_56 = arith.muli %arg1, %mul3A_55 : i32
    %add3A_57 = arith.constant 128 : i32
    %add3A_58 = arith.addi %mul3A_56, %add3A_57 : i32
    %dma_wait3A_59 = arith.constant 0 : i32
    %dma_wait3A_60 = tpu.memref_slice %arg12[%add3A_58, %dma_wait3A_59] : memref<10240x128xf32, #tpu.memory_space<vmem_shared>> -> memref<128x128xf32, #tpu.memory_space<vmem_shared>>
    %dma_wait3A_61 = arith.constant 0 : i32
    %dma_wait3A_62 = tpu.memref_slice %arg12[%add3A_58, %dma_wait3A_61] : memref<10240x128xf32, #tpu.memory_space<vmem_shared>> -> memref<128x128xf32, #tpu.memory_space<vmem_shared>>
    tpu.wait_dma2 semaphore(%arg13 : memref<!tpu.dma_semaphore, #tpu.memory_space<semaphore_mem>>) src(%arg10 : memref<128x128xf32, #tpu.memory_space<vmem>>) dst(%dma_wait3A_62 : memref<128x128xf32, #tpu.memory_space<vmem_shared>>)
    %mul3A_63 = arith.constant 640 : i32
    %mul3A_64 = arith.muli %arg1, %mul3A_63 : i32
    %add3A_65 = arith.constant 256 : i32
    %add3A_66 = arith.addi %mul3A_64, %add3A_65 : i32
    %dma_wait3A_67 = arith.constant 0 : i32
    %dma_wait3A_68 = tpu.memref_slice %arg12[%add3A_66, %dma_wait3A_67] : memref<10240x128xf32, #tpu.memory_space<vmem_shared>> -> memref<128x128xf32, #tpu.memory_space<vmem_shared>>
    %dma_wait3A_69 = arith.constant 0 : i32
    %dma_wait3A_70 = tpu.memref_slice %arg12[%add3A_66, %dma_wait3A_69] : memref<10240x128xf32, #tpu.memory_space<vmem_shared>> -> memref<128x128xf32, #tpu.memory_space<vmem_shared>>
    tpu.wait_dma2 semaphore(%arg13 : memref<!tpu.dma_semaphore, #tpu.memory_space<semaphore_mem>>) src(%arg10 : memref<128x128xf32, #tpu.memory_space<vmem>>) dst(%dma_wait3A_70 : memref<128x128xf32, #tpu.memory_space<vmem_shared>>)
    %mul3A_71 = arith.constant 640 : i32
    %mul3A_72 = arith.muli %arg1, %mul3A_71 : i32
    %add3A_73 = arith.constant 384 : i32
    %add3A_74 = arith.addi %mul3A_72, %add3A_73 : i32
    %dma_wait3A_75 = arith.constant 0 : i32
    %dma_wait3A_76 = tpu.memref_slice %arg12[%add3A_74, %dma_wait3A_75] : memref<10240x128xf32, #tpu.memory_space<vmem_shared>> -> memref<128x128xf32, #tpu.memory_space<vmem_shared>>
    %dma_wait3A_77 = arith.constant 0 : i32
    %dma_wait3A_78 = tpu.memref_slice %arg12[%add3A_74, %dma_wait3A_77] : memref<10240x128xf32, #tpu.memory_space<vmem_shared>> -> memref<128x128xf32, #tpu.memory_space<vmem_shared>>
    tpu.wait_dma2 semaphore(%arg13 : memref<!tpu.dma_semaphore, #tpu.memory_space<semaphore_mem>>) src(%arg10 : memref<128x128xf32, #tpu.memory_space<vmem>>) dst(%dma_wait3A_78 : memref<128x128xf32, #tpu.memory_space<vmem_shared>>)
    %mul3A_79 = arith.constant 640 : i32
    %mul3A_80 = arith.muli %arg1, %mul3A_79 : i32
    %add3A_81 = arith.constant 512 : i32
    %add3A_82 = arith.addi %mul3A_80, %add3A_81 : i32
    %dma_wait3A_83 = arith.constant 0 : i32
    %dma_wait3A_84 = tpu.memref_slice %arg12[%add3A_82, %dma_wait3A_83] : memref<10240x128xf32, #tpu.memory_space<vmem_shared>> -> memref<128x128xf32, #tpu.memory_space<vmem_shared>>
    %dma_wait3A_85 = arith.constant 0 : i32
    %dma_wait3A_86 = tpu.memref_slice %arg12[%add3A_82, %dma_wait3A_85] : memref<10240x128xf32, #tpu.memory_space<vmem_shared>> -> memref<128x128xf32, #tpu.memory_space<vmem_shared>>
    tpu.wait_dma2 semaphore(%arg13 : memref<!tpu.dma_semaphore, #tpu.memory_space<semaphore_mem>>) src(%arg10 : memref<128x128xf32, #tpu.memory_space<vmem>>) dst(%dma_wait3A_86 : memref<128x128xf32, #tpu.memory_space<vmem_shared>>)
    %barrier3A = arith.constant 0 : index
    tpu.barrier barrier_id(%barrier3A)
    %mul3A_87 = arith.constant 2 : i32
    %mul3A_88 = arith.muli %select_n3A_8, %mul3A_87 : i32
    %mul3A_89 = arith.constant 128 : i32
    %mul3A_90 = arith.muli %mul3A_88, %mul3A_89 : i32
    "tpu.region"() ({
      %run_scoped3A = tpu.sem_alloc : memref<!tpu.dma_semaphore, #tpu.memory_space<semaphore_mem>>
      %dma_start3A_272 = tpu.memref_slice %arg3[%mul3A_90] : memref<647168xi32, #tpu.memory_space<hbm>> -> memref<256xi32, #tpu.memory_space<hbm>>
      %dma_start3A_273 = tpu.memref_slice %arg3[%mul3A_90] : memref<647168xi32, #tpu.memory_space<hbm>> -> memref<256xi32, #tpu.memory_space<hbm>>
      tpu.enqueue_dma source(%dma_start3A_273 : memref<256xi32, #tpu.memory_space<hbm>>) target(%arg6 : memref<256xi32, #tpu.memory_space<vmem>>) target_semaphore(%run_scoped3A : memref<!tpu.dma_semaphore, #tpu.memory_space<semaphore_mem>>)
      %dma_wait3A_274 = tpu.memref_slice %arg3[%mul3A_90] : memref<647168xi32, #tpu.memory_space<hbm>> -> memref<256xi32, #tpu.memory_space<hbm>>
      %dma_wait3A_275 = tpu.memref_slice %arg3[%mul3A_90] : memref<647168xi32, #tpu.memory_space<hbm>> -> memref<256xi32, #tpu.memory_space<hbm>>
      tpu.wait_dma2 semaphore(%run_scoped3A : memref<!tpu.dma_semaphore, #tpu.memory_space<semaphore_mem>>) src(%dma_wait3A_275 : memref<256xi32, #tpu.memory_space<hbm>>) dst(%arg6 : memref<256xi32, #tpu.memory_space<vmem>>)
      tpu.yield
    }) : () -> ()
    %add3A_91 = arith.constant 1 : i32
    %add3A_92 = arith.addi %select_n3A_8, %add3A_91 : i32
    %mul3A_93 = arith.constant 2 : i32
    %mul3A_94 = arith.muli %add3A_92, %mul3A_93 : i32
    %mul3A_95 = arith.constant 128 : i32
    %mul3A_96 = arith.muli %mul3A_94, %mul3A_95 : i32
    %dma_start3A_97 = tpu.memref_slice %arg3[%mul3A_96] : memref<647168xi32, #tpu.memory_space<hbm>> -> memref<256xi32, #tpu.memory_space<hbm>>
    %dma_start3A_98 = tpu.memref_slice %arg3[%mul3A_96] : memref<647168xi32, #tpu.memory_space<hbm>> -> memref<256xi32, #tpu.memory_space<hbm>>
    tpu.enqueue_dma source(%dma_start3A_98 : memref<256xi32, #tpu.memory_space<hbm>>) target(%arg7 : memref<256xi32, #tpu.memory_space<vmem>>) target_semaphore(%arg14 : memref<!tpu.dma_semaphore, #tpu.memory_space<semaphore_mem>>)
    %dma_start3A_99 = arith.constant 0 : i32
    %dma_start3A_100 = tpu.memref_slice %arg6[%dma_start3A_99] : memref<256xi32, #tpu.memory_space<vmem>> -> memref<128xi32, #tpu.memory_space<vmem>>
    %dma_start3A_101 = arith.constant 0 : i32
    %dma_start3A_102 = arith.constant 0 : i32
    %dma_start3A_103 = tpu.memref_slice %arg2[%dma_start3A_101, %dma_start3A_102] : memref<10000x128xf32, #tpu.memory_space<hbm>> -> memref<10000x128xf32, #tpu.memory_space<hbm>>
    tpu.enqueue_indirect_dma source(%dma_start3A_103 : memref<10000x128xf32, #tpu.memory_space<hbm>>) target(%arg10 : memref<128x128xf32, #tpu.memory_space<vmem>>) offsets(%dma_start3A_100 : memref<128xi32, #tpu.memory_space<vmem>>) semaphore(%arg15 : memref<!tpu.dma_semaphore, #tpu.memory_space<semaphore_mem>>)
    %jit3A_104 = arith.constant 2 : i32
    %div3A = arith.divsi %select_n3A, %jit3A_104 : i32
    %sign3A = arith.constant 0 : i32
    %sign3A_105 = arith.cmpi sgt, %select_n3A, %sign3A : i32
    %sign3A_106 = arith.extui %sign3A_105 : i1 to i32
    %sign3A_107 = arith.constant 0 : i32
    %sign3A_108 = arith.cmpi slt, %select_n3A, %sign3A_107 : i32
    %sign3A_109 = arith.extui %sign3A_108 : i1 to i32
    %sign3A_110 = arith.subi %sign3A_106, %sign3A_109 : i32
    %sign3A_111 = arith.constant 0 : i32
    %sign3A_112 = arith.cmpi sgt, %jit3A_104, %sign3A_111 : i32
    %sign3A_113 = arith.extui %sign3A_112 : i1 to i32
    %sign3A_114 = arith.constant 0 : i32
    %sign3A_115 = arith.cmpi slt, %jit3A_104, %sign3A_114 : i32
    %sign3A_116 = arith.extui %sign3A_115 : i1 to i32
    %sign3A_117 = arith.subi %sign3A_113, %sign3A_116 : i32
    %ne3A = arith.cmpi ne, %sign3A_110, %sign3A_117 : i32
    %rem3A = arith.remsi %select_n3A, %jit3A_104 : i32
    %ne3A_118 = arith.constant 0 : i32
    %ne3A_119 = arith.cmpi ne, %rem3A, %ne3A_118 : i32
    %and3A = arith.andi %ne3A, %ne3A_119 : i1
    %sub3A = arith.constant 1 : i32
    %sub3A_120 = arith.subi %div3A, %sub3A : i32
    %select_n3A_121 = arith.select %and3A, %sub3A_120, %div3A : i32
    %while3A = arith.constant 0 : i32
    %while3A_122 = arith.constant 0 : i32
    %while3A_123 = arith.subi %select_n3A_121, %while3A_122 : i32
    %while3A_124 = arith.addi %while3A_122, %while3A_123 : i32
    %while3A_125 = arith.constant 1 : i32
    %while3A_126 = arith.divsi %while3A_123, %while3A_125 : i32
    %while3A_127 = arith.muli %while3A_126, %while3A_125 : i32
    %while3A_128 = arith.addi %while3A_122, %while3A_127 : i32
    %while3A_129 = arith.constant 1 : i32
    scf.for %while3A_272 = %while3A_122 to %while3A_128 step %while3A_129  : i32 {
      %mul3A_273 = arith.constant 2 : i32
      %mul3A_274 = arith.muli %while3A_272, %mul3A_273 : i32
      %add3A_275 = arith.constant 0 : i32
      %add3A_276 = arith.addi %mul3A_274, %add3A_275 : i32
      %dma_wait3A_277 = arith.constant 0 : i32
      %dma_wait3A_278 = tpu.memref_slice %arg6[%dma_wait3A_277] : memref<256xi32, #tpu.memory_space<vmem>> -> memref<128xi32, #tpu.memory_space<vmem>>
      %dma_wait3A_279 = arith.constant 0 : i32
      %dma_wait3A_280 = arith.constant 0 : i32
      %dma_wait3A_281 = tpu.memref_slice %arg2[%dma_wait3A_279, %dma_wait3A_280] : memref<10000x128xf32, #tpu.memory_space<hbm>> -> memref<10000x128xf32, #tpu.memory_space<hbm>>
      tpu.wait_indirect_dma semaphore(%arg15 : memref<!tpu.dma_semaphore, #tpu.memory_space<semaphore_mem>>) src(%dma_wait3A_281 : memref<10000x128xf32, #tpu.memory_space<hbm>>) dst(%arg10 : memref<128x128xf32, #tpu.memory_space<vmem>>)
      %get3A = arith.constant 128 : index
      %get3A_282 = tpu.vector_load %arg6[%get3A] {strides = array<i32>} : memref<256xi32, #tpu.memory_space<vmem>>, vector<16xi32>,
      %get3A_283 = vector.shape_cast %get3A_282 : vector<16xi32> to vector<16xi32>
      %swap3A = arith.constant 0 : index
      %swap3A_284 = tpu.vector_load %arg8[%swap3A] {strides = array<i32>} : memref<128xi32, #tpu.memory_space<vmem>>, vector<16xi32>,
      %swap3A_285 = vector.shape_cast %swap3A_284 : vector<16xi32> to vector<16xi32>
      %swap3A_286 = vector.shape_cast %get3A_283 : vector<16xi32> to vector<16xi32>
      tpu.vector_store %arg8[%swap3A], %swap3A_286 {strides = array<i32>} : memref<128xi32, #tpu.memory_space<vmem>>, vector<16xi32>,
      %get3A_287 = arith.constant 144 : index
      %get3A_288 = tpu.vector_load %arg6[%get3A_287] {strides = array<i32>} : memref<256xi32, #tpu.memory_space<vmem>>, vector<16xi32>,
      %get3A_289 = vector.shape_cast %get3A_288 : vector<16xi32> to vector<16xi32>
      %swap3A_290 = arith.constant 16 : index
      %swap3A_291 = tpu.vector_load %arg8[%swap3A_290] {strides = array<i32>} : memref<128xi32, #tpu.memory_space<vmem>>, vector<16xi32>,
      %swap3A_292 = vector.shape_cast %swap3A_291 : vector<16xi32> to vector<16xi32>
      %swap3A_293 = vector.shape_cast %get3A_289 : vector<16xi32> to vector<16xi32>
      tpu.vector_store %arg8[%swap3A_290], %swap3A_293 {strides = array<i32>} : memref<128xi32, #tpu.memory_space<vmem>>, vector<16xi32>,
      %get3A_294 = arith.constant 160 : index
      %get3A_295 = tpu.vector_load %arg6[%get3A_294] {strides = array<i32>} : memref<256xi32, #tpu.memory_space<vmem>>, vector<16xi32>,
      %get3A_296 = vector.shape_cast %get3A_295 : vector<16xi32> to vector<16xi32>
      %swap3A_297 = arith.constant 32 : index
      %swap3A_298 = tpu.vector_load %arg8[%swap3A_297] {strides = array<i32>} : memref<128xi32, #tpu.memory_space<vmem>>, vector<16xi32>,
      %swap3A_299 = vector.shape_cast %swap3A_298 : vector<16xi32> to vector<16xi32>
      %swap3A_300 = vector.shape_cast %get3A_296 : vector<16xi32> to vector<16xi32>
      tpu.vector_store %arg8[%swap3A_297], %swap3A_300 {strides = array<i32>} : memref<128xi32, #tpu.memory_space<vmem>>, vector<16xi32>,
      %get3A_301 = arith.constant 176 : index
      %get3A_302 = tpu.vector_load %arg6[%get3A_301] {strides = array<i32>} : memref<256xi32, #tpu.memory_space<vmem>>, vector<16xi32>,
      %get3A_303 = vector.shape_cast %get3A_302 : vector<16xi32> to vector<16xi32>
      %swap3A_304 = arith.constant 48 : index
      %swap3A_305 = tpu.vector_load %arg8[%swap3A_304] {strides = array<i32>} : memref<128xi32, #tpu.memory_space<vmem>>, vector<16xi32>,
      %swap3A_306 = vector.shape_cast %swap3A_305 : vector<16xi32> to vector<16xi32>
      %swap3A_307 = vector.shape_cast %get3A_303 : vector<16xi32> to vector<16xi32>
      tpu.vector_store %arg8[%swap3A_304], %swap3A_307 {strides = array<i32>} : memref<128xi32, #tpu.memory_space<vmem>>, vector<16xi32>,
      %get3A_308 = arith.constant 192 : index
      %get3A_309 = tpu.vector_load %arg6[%get3A_308] {strides = array<i32>} : memref<256xi32, #tpu.memory_space<vmem>>, vector<16xi32>,
      %get3A_310 = vector.shape_cast %get3A_309 : vector<16xi32> to vector<16xi32>
      %swap3A_311 = arith.constant 64 : index
      %swap3A_312 = tpu.vector_load %arg8[%swap3A_311] {strides = array<i32>} : memref<128xi32, #tpu.memory_space<vmem>>, vector<16xi32>,
      %swap3A_313 = vector.shape_cast %swap3A_312 : vector<16xi32> to vector<16xi32>
      %swap3A_314 = vector.shape_cast %get3A_310 : vector<16xi32> to vector<16xi32>
      tpu.vector_store %arg8[%swap3A_311], %swap3A_314 {strides = array<i32>} : memref<128xi32, #tpu.memory_space<vmem>>, vector<16xi32>,
      %get3A_315 = arith.constant 208 : index
      %get3A_316 = tpu.vector_load %arg6[%get3A_315] {strides = array<i32>} : memref<256xi32, #tpu.memory_space<vmem>>, vector<16xi32>,
      %get3A_317 = vector.shape_cast %get3A_316 : vector<16xi32> to vector<16xi32>
      %swap3A_318 = arith.constant 80 : index
      %swap3A_319 = tpu.vector_load %arg8[%swap3A_318] {strides = array<i32>} : memref<128xi32, #tpu.memory_space<vmem>>, vector<16xi32>,
      %swap3A_320 = vector.shape_cast %swap3A_319 : vector<16xi32> to vector<16xi32>
      %swap3A_321 = vector.shape_cast %get3A_317 : vector<16xi32> to vector<16xi32>
      tpu.vector_store %arg8[%swap3A_318], %swap3A_321 {strides = array<i32>} : memref<128xi32, #tpu.memory_space<vmem>>, vector<16xi32>,
      %get3A_322 = arith.constant 224 : index
      %get3A_323 = tpu.vector_load %arg6[%get3A_322] {strides = array<i32>} : memref<256xi32, #tpu.memory_space<vmem>>, vector<16xi32>,
      %get3A_324 = vector.shape_cast %get3A_323 : vector<16xi32> to vector<16xi32>
      %swap3A_325 = arith.constant 96 : index
      %swap3A_326 = tpu.vector_load %arg8[%swap3A_325] {strides = array<i32>} : memref<128xi32, #tpu.memory_space<vmem>>, vector<16xi32>,
      %swap3A_327 = vector.shape_cast %swap3A_326 : vector<16xi32> to vector<16xi32>
      %swap3A_328 = vector.shape_cast %get3A_324 : vector<16xi32> to vector<16xi32>
      tpu.vector_store %arg8[%swap3A_325], %swap3A_328 {strides = array<i32>} : memref<128xi32, #tpu.memory_space<vmem>>, vector<16xi32>,
      %get3A_329 = arith.constant 240 : index
      %get3A_330 = tpu.vector_load %arg6[%get3A_329] {strides = array<i32>} : memref<256xi32, #tpu.memory_space<vmem>>, vector<16xi32>,
      %get3A_331 = vector.shape_cast %get3A_330 : vector<16xi32> to vector<16xi32>
      %swap3A_332 = arith.constant 112 : index
      %swap3A_333 = tpu.vector_load %arg8[%swap3A_332] {strides = array<i32>} : memref<128xi32, #tpu.memory_space<vmem>>, vector<16xi32>,
      %swap3A_334 = vector.shape_cast %swap3A_333 : vector<16xi32> to vector<16xi32>
      %swap3A_335 = vector.shape_cast %get3A_331 : vector<16xi32> to vector<16xi32>
      tpu.vector_store %arg8[%swap3A_332], %swap3A_335 {strides = array<i32>} : memref<128xi32, #tpu.memory_space<vmem>>, vector<16xi32>,
      %add3A_336 = arith.constant 2 : i32
      %add3A_337 = arith.addi %add3A_276, %add3A_336 : i32
      %lt3A = arith.cmpi slt, %add3A_337, %select_n3A : i32
      %convert_element_type3A = arith.extui %lt3A : i1 to i32
      %cond3A = arith.constant 0 : i32
      %cond3A_338 = arith.cmpi ne, %convert_element_type3A, %cond3A : i32
      scf.if %cond3A_338 {
        %add3A_428 = arith.addi %select_n3A_8, %add3A_276 : i32
        %add3A_429 = arith.constant 2 : i32
        %add3A_430 = arith.addi %add3A_428, %add3A_429 : i32
        %mul3A_431 = arith.constant 2 : i32
        %mul3A_432 = arith.muli %add3A_430, %mul3A_431 : i32
        %mul3A_433 = arith.constant 128 : i32
        %mul3A_434 = arith.muli %mul3A_432, %mul3A_433 : i32
        %dma_start3A_435 = tpu.memref_slice %arg3[%mul3A_434] : memref<647168xi32, #tpu.memory_space<hbm>> -> memref<256xi32, #tpu.memory_space<hbm>>
        %dma_start3A_436 = tpu.memref_slice %arg3[%mul3A_434] : memref<647168xi32, #tpu.memory_space<hbm>> -> memref<256xi32, #tpu.memory_space<hbm>>
        tpu.enqueue_dma source(%dma_start3A_436 : memref<256xi32, #tpu.memory_space<hbm>>) target(%arg6 : memref<256xi32, #tpu.memory_space<vmem>>) target_semaphore(%arg13 : memref<!tpu.dma_semaphore, #tpu.memory_space<semaphore_mem>>)
      } else {
      }
      %add3A_339 = arith.constant 1 : i32
      %add3A_340 = arith.addi %add3A_276, %add3A_339 : i32
      %lt3A_341 = arith.cmpi slt, %add3A_340, %select_n3A : i32
      %convert_element_type3A_342 = arith.extui %lt3A_341 : i1 to i32
      %cond3A_343 = arith.constant 0 : i32
      %cond3A_344 = arith.cmpi ne, %convert_element_type3A_342, %cond3A_343 : i32
      scf.if %cond3A_344 {
        %mul3A_428 = arith.constant 2 : i32
        %mul3A_429 = arith.muli %select_n3A_8, %mul3A_428 : i32
        %mul3A_430 = arith.constant 128 : i32
        %mul3A_431 = arith.muli %mul3A_429, %mul3A_430 : i32
        %dma_wait3A_432 = tpu.memref_slice %arg3[%mul3A_431] : memref<647168xi32, #tpu.memory_space<hbm>> -> memref<256xi32, #tpu.memory_space<hbm>>
        %dma_wait3A_433 = tpu.memref_slice %arg3[%mul3A_431] : memref<647168xi32, #tpu.memory_space<hbm>> -> memref<256xi32, #tpu.memory_space<hbm>>
        tpu.wait_dma2 semaphore(%arg14 : memref<!tpu.dma_semaphore, #tpu.memory_space<semaphore_mem>>) src(%dma_wait3A_433 : memref<256xi32, #tpu.memory_space<hbm>>) dst(%arg7 : memref<256xi32, #tpu.memory_space<vmem>>)
        %ge3A = arith.constant 1 : i32
        %ge3A_434 = arith.cmpi sge, %add3A_276, %ge3A : i32
        %convert_element_type3A_435 = arith.extui %ge3A_434 : i1 to i32
        %cond3A_436 = arith.constant 0 : i32
        %cond3A_437 = arith.cmpi ne, %convert_element_type3A_435, %cond3A_436 : i32
        scf.if %cond3A_437 {
          %dma_wait3A_443 = arith.constant 0 : i32
          %dma_wait3A_444 = arith.constant 0 : i32
          %dma_wait3A_445 = tpu.memref_slice %arg12[%dma_wait3A_443, %dma_wait3A_444] : memref<10240x128xf32, #tpu.memory_space<vmem_shared>> -> memref<10240x128xf32, #tpu.memory_space<vmem_shared>>
          tpu.wait_indirect_dma semaphore(%arg18 : memref<!tpu.dma_semaphore, #tpu.memory_space<semaphore_mem>>) src(%arg11 : memref<128x128xf32, #tpu.memory_space<vmem>>) dst(%dma_wait3A_445 : memref<10240x128xf32, #tpu.memory_space<vmem_shared>>)
        } else {
        }
        %dma_start3A_438 = arith.constant 0 : i32
        %dma_start3A_439 = tpu.memref_slice %arg7[%dma_start3A_438] : memref<256xi32, #tpu.memory_space<vmem>> -> memref<128xi32, #tpu.memory_space<vmem>>
        %dma_start3A_440 = arith.constant 0 : i32
        %dma_start3A_441 = arith.constant 0 : i32
        %dma_start3A_442 = tpu.memref_slice %arg2[%dma_start3A_440, %dma_start3A_441] : memref<10000x128xf32, #tpu.memory_space<hbm>> -> memref<10000x128xf32, #tpu.memory_space<hbm>>
        tpu.enqueue_indirect_dma source(%dma_start3A_442 : memref<10000x128xf32, #tpu.memory_space<hbm>>) target(%arg11 : memref<128x128xf32, #tpu.memory_space<vmem>>) offsets(%dma_start3A_439 : memref<128xi32, #tpu.memory_space<vmem>>) semaphore(%arg16 : memref<!tpu.dma_semaphore, #tpu.memory_space<semaphore_mem>>)
      } else {
      }
      %dma_start3A_345 = arith.constant 0 : i32
      %dma_start3A_346 = arith.constant 0 : i32
      %dma_start3A_347 = tpu.memref_slice %arg12[%dma_start3A_345, %dma_start3A_346] : memref<10240x128xf32, #tpu.memory_space<vmem_shared>> -> memref<10240x128xf32, #tpu.memory_space<vmem_shared>>
      tpu.enqueue_indirect_dma source(%arg10 : memref<128x128xf32, #tpu.memory_space<vmem>>) target(%dma_start3A_347 : memref<10240x128xf32, #tpu.memory_space<vmem_shared>>) offsets(%arg8 : memref<128xi32, #tpu.memory_space<vmem>>) semaphore(%arg17 : memref<!tpu.dma_semaphore, #tpu.memory_space<semaphore_mem>>) {add = true}
      %mul3A_348 = arith.constant 2 : i32
      %mul3A_349 = arith.muli %while3A_272, %mul3A_348 : i32
      %add3A_350 = arith.constant 1 : i32
      %add3A_351 = arith.addi %mul3A_349, %add3A_350 : i32
      %dma_wait3A_352 = arith.constant 0 : i32
      %dma_wait3A_353 = tpu.memref_slice %arg7[%dma_wait3A_352] : memref<256xi32, #tpu.memory_space<vmem>> -> memref<128xi32, #tpu.memory_space<vmem>>
      %dma_wait3A_354 = arith.constant 0 : i32
      %dma_wait3A_355 = arith.constant 0 : i32
      %dma_wait3A_356 = tpu.memref_slice %arg2[%dma_wait3A_354, %dma_wait3A_355] : memref<10000x128xf32, #tpu.memory_space<hbm>> -> memref<10000x128xf32, #tpu.memory_space<hbm>>
      tpu.wait_indirect_dma semaphore(%arg16 : memref<!tpu.dma_semaphore, #tpu.memory_space<semaphore_mem>>) src(%dma_wait3A_356 : memref<10000x128xf32, #tpu.memory_space<hbm>>) dst(%arg11 : memref<128x128xf32, #tpu.memory_space<vmem>>)
      %get3A_357 = arith.constant 128 : index
      %get3A_358 = tpu.vector_load %arg7[%get3A_357] {strides = array<i32>} : memref<256xi32, #tpu.memory_space<vmem>>, vector<16xi32>,
      %get3A_359 = vector.shape_cast %get3A_358 : vector<16xi32> to vector<16xi32>
      %swap3A_360 = arith.constant 0 : index
      %swap3A_361 = tpu.vector_load %arg9[%swap3A_360] {strides = array<i32>} : memref<128xi32, #tpu.memory_space<vmem>>, vector<16xi32>,
      %swap3A_362 = vector.shape_cast %swap3A_361 : vector<16xi32> to vector<16xi32>
      %swap3A_363 = vector.shape_cast %get3A_359 : vector<16xi32> to vector<16xi32>
      tpu.vector_store %arg9[%swap3A_360], %swap3A_363 {strides = array<i32>} : memref<128xi32, #tpu.memory_space<vmem>>, vector<16xi32>,
      %get3A_364 = arith.constant 144 : index
      %get3A_365 = tpu.vector_load %arg7[%get3A_364] {strides = array<i32>} : memref<256xi32, #tpu.memory_space<vmem>>, vector<16xi32>,
      %get3A_366 = vector.shape_cast %get3A_365 : vector<16xi32> to vector<16xi32>
      %swap3A_367 = arith.constant 16 : index
      %swap3A_368 = tpu.vector_load %arg9[%swap3A_367] {strides = array<i32>} : memref<128xi32, #tpu.memory_space<vmem>>, vector<16xi32>,
      %swap3A_369 = vector.shape_cast %swap3A_368 : vector<16xi32> to vector<16xi32>
      %swap3A_370 = vector.shape_cast %get3A_366 : vector<16xi32> to vector<16xi32>
      tpu.vector_store %arg9[%swap3A_367], %swap3A_370 {strides = array<i32>} : memref<128xi32, #tpu.memory_space<vmem>>, vector<16xi32>,
      %get3A_371 = arith.constant 160 : index
      %get3A_372 = tpu.vector_load %arg7[%get3A_371] {strides = array<i32>} : memref<256xi32, #tpu.memory_space<vmem>>, vector<16xi32>,
      %get3A_373 = vector.shape_cast %get3A_372 : vector<16xi32> to vector<16xi32>
      %swap3A_374 = arith.constant 32 : index
      %swap3A_375 = tpu.vector_load %arg9[%swap3A_374] {strides = array<i32>} : memref<128xi32, #tpu.memory_space<vmem>>, vector<16xi32>,
      %swap3A_376 = vector.shape_cast %swap3A_375 : vector<16xi32> to vector<16xi32>
      %swap3A_377 = vector.shape_cast %get3A_373 : vector<16xi32> to vector<16xi32>
      tpu.vector_store %arg9[%swap3A_374], %swap3A_377 {strides = array<i32>} : memref<128xi32, #tpu.memory_space<vmem>>, vector<16xi32>,
      %get3A_378 = arith.constant 176 : index
      %get3A_379 = tpu.vector_load %arg7[%get3A_378] {strides = array<i32>} : memref<256xi32, #tpu.memory_space<vmem>>, vector<16xi32>,
      %get3A_380 = vector.shape_cast %get3A_379 : vector<16xi32> to vector<16xi32>
      %swap3A_381 = arith.constant 48 : index
      %swap3A_382 = tpu.vector_load %arg9[%swap3A_381] {strides = array<i32>} : memref<128xi32, #tpu.memory_space<vmem>>, vector<16xi32>,
      %swap3A_383 = vector.shape_cast %swap3A_382 : vector<16xi32> to vector<16xi32>
      %swap3A_384 = vector.shape_cast %get3A_380 : vector<16xi32> to vector<16xi32>
      tpu.vector_store %arg9[%swap3A_381], %swap3A_384 {strides = array<i32>} : memref<128xi32, #tpu.memory_space<vmem>>, vector<16xi32>,
      %get3A_385 = arith.constant 192 : index
      %get3A_386 = tpu.vector_load %arg7[%get3A_385] {strides = array<i32>} : memref<256xi32, #tpu.memory_space<vmem>>, vector<16xi32>,
      %get3A_387 = vector.shape_cast %get3A_386 : vector<16xi32> to vector<16xi32>
      %swap3A_388 = arith.constant 64 : index
      %swap3A_389 = tpu.vector_load %arg9[%swap3A_388] {strides = array<i32>} : memref<128xi32, #tpu.memory_space<vmem>>, vector<16xi32>,
      %swap3A_390 = vector.shape_cast %swap3A_389 : vector<16xi32> to vector<16xi32>
      %swap3A_391 = vector.shape_cast %get3A_387 : vector<16xi32> to vector<16xi32>
      tpu.vector_store %arg9[%swap3A_388], %swap3A_391 {strides = array<i32>} : memref<128xi32, #tpu.memory_space<vmem>>, vector<16xi32>,
      %get3A_392 = arith.constant 208 : index
      %get3A_393 = tpu.vector_load %arg7[%get3A_392] {strides = array<i32>} : memref<256xi32, #tpu.memory_space<vmem>>, vector<16xi32>,
      %get3A_394 = vector.shape_cast %get3A_393 : vector<16xi32> to vector<16xi32>
      %swap3A_395 = arith.constant 80 : index
      %swap3A_396 = tpu.vector_load %arg9[%swap3A_395] {strides = array<i32>} : memref<128xi32, #tpu.memory_space<vmem>>, vector<16xi32>,
      %swap3A_397 = vector.shape_cast %swap3A_396 : vector<16xi32> to vector<16xi32>
      %swap3A_398 = vector.shape_cast %get3A_394 : vector<16xi32> to vector<16xi32>
      tpu.vector_store %arg9[%swap3A_395], %swap3A_398 {strides = array<i32>} : memref<128xi32, #tpu.memory_space<vmem>>, vector<16xi32>,
      %get3A_399 = arith.constant 224 : index
      %get3A_400 = tpu.vector_load %arg7[%get3A_399] {strides = array<i32>} : memref<256xi32, #tpu.memory_space<vmem>>, vector<16xi32>,
      %get3A_401 = vector.shape_cast %get3A_400 : vector<16xi32> to vector<16xi32>
      %swap3A_402 = arith.constant 96 : index
      %swap3A_403 = tpu.vector_load %arg9[%swap3A_402] {strides = array<i32>} : memref<128xi32, #tpu.memory_space<vmem>>, vector<16xi32>,
      %swap3A_404 = vector.shape_cast %swap3A_403 : vector<16xi32> to vector<16xi32>
      %swap3A_405 = vector.shape_cast %get3A_401 : vector<16xi32> to vector<16xi32>
      tpu.vector_store %arg9[%swap3A_402], %swap3A_405 {strides = array<i32>} : memref<128xi32, #tpu.memory_space<vmem>>, vector<16xi32>,
      %get3A_406 = arith.constant 240 : index
      %get3A_407 = tpu.vector_load %arg7[%get3A_406] {strides = array<i32>} : memref<256xi32, #tpu.memory_space<vmem>>, vector<16xi32>,
      %get3A_408 = vector.shape_cast %get3A_407 : vector<16xi32> to vector<16xi32>
      %swap3A_409 = arith.constant 112 : index
      %swap3A_410 = tpu.vector_load %arg9[%swap3A_409] {strides = array<i32>} : memref<128xi32, #tpu.memory_space<vmem>>, vector<16xi32>,
      %swap3A_411 = vector.shape_cast %swap3A_410 : vector<16xi32> to vector<16xi32>
      %swap3A_412 = vector.shape_cast %get3A_408 : vector<16xi32> to vector<16xi32>
      tpu.vector_store %arg9[%swap3A_409], %swap3A_412 {strides = array<i32>} : memref<128xi32, #tpu.memory_space<vmem>>, vector<16xi32>,
      %add3A_413 = arith.constant 2 : i32
      %add3A_414 = arith.addi %add3A_351, %add3A_413 : i32
      %lt3A_415 = arith.cmpi slt, %add3A_414, %select_n3A : i32
      %convert_element_type3A_416 = arith.extui %lt3A_415 : i1 to i32
      %cond3A_417 = arith.constant 0 : i32
      %cond3A_418 = arith.cmpi ne, %convert_element_type3A_416, %cond3A_417 : i32
      scf.if %cond3A_418 {
        %add3A_428 = arith.addi %select_n3A_8, %add3A_351 : i32
        %add3A_429 = arith.constant 2 : i32
        %add3A_430 = arith.addi %add3A_428, %add3A_429 : i32
        %mul3A_431 = arith.constant 2 : i32
        %mul3A_432 = arith.muli %add3A_430, %mul3A_431 : i32
        %mul3A_433 = arith.constant 128 : i32
        %mul3A_434 = arith.muli %mul3A_432, %mul3A_433 : i32
        %dma_start3A_435 = tpu.memref_slice %arg3[%mul3A_434] : memref<647168xi32, #tpu.memory_space<hbm>> -> memref<256xi32, #tpu.memory_space<hbm>>
        %dma_start3A_436 = tpu.memref_slice %arg3[%mul3A_434] : memref<647168xi32, #tpu.memory_space<hbm>> -> memref<256xi32, #tpu.memory_space<hbm>>
        tpu.enqueue_dma source(%dma_start3A_436 : memref<256xi32, #tpu.memory_space<hbm>>) target(%arg7 : memref<256xi32, #tpu.memory_space<vmem>>) target_semaphore(%arg14 : memref<!tpu.dma_semaphore, #tpu.memory_space<semaphore_mem>>)
      } else {
      }
      %add3A_419 = arith.constant 1 : i32
      %add3A_420 = arith.addi %add3A_351, %add3A_419 : i32
      %lt3A_421 = arith.cmpi slt, %add3A_420, %select_n3A : i32
      %convert_element_type3A_422 = arith.extui %lt3A_421 : i1 to i32
      %cond3A_423 = arith.constant 0 : i32
      %cond3A_424 = arith.cmpi ne, %convert_element_type3A_422, %cond3A_423 : i32
      scf.if %cond3A_424 {
        %mul3A_428 = arith.constant 2 : i32
        %mul3A_429 = arith.muli %select_n3A_8, %mul3A_428 : i32
        %mul3A_430 = arith.constant 128 : i32
        %mul3A_431 = arith.muli %mul3A_429, %mul3A_430 : i32
        %dma_wait3A_432 = tpu.memref_slice %arg3[%mul3A_431] : memref<647168xi32, #tpu.memory_space<hbm>> -> memref<256xi32, #tpu.memory_space<hbm>>
        %dma_wait3A_433 = tpu.memref_slice %arg3[%mul3A_431] : memref<647168xi32, #tpu.memory_space<hbm>> -> memref<256xi32, #tpu.memory_space<hbm>>
        tpu.wait_dma2 semaphore(%arg13 : memref<!tpu.dma_semaphore, #tpu.memory_space<semaphore_mem>>) src(%dma_wait3A_433 : memref<256xi32, #tpu.memory_space<hbm>>) dst(%arg6 : memref<256xi32, #tpu.memory_space<vmem>>)
        %ge3A = arith.constant 1 : i32
        %ge3A_434 = arith.cmpi sge, %add3A_351, %ge3A : i32
        %convert_element_type3A_435 = arith.extui %ge3A_434 : i1 to i32
        %cond3A_436 = arith.constant 0 : i32
        %cond3A_437 = arith.cmpi ne, %convert_element_type3A_435, %cond3A_436 : i32
        scf.if %cond3A_437 {
          %dma_wait3A_443 = arith.constant 0 : i32
          %dma_wait3A_444 = arith.constant 0 : i32
          %dma_wait3A_445 = tpu.memref_slice %arg12[%dma_wait3A_443, %dma_wait3A_444] : memref<10240x128xf32, #tpu.memory_space<vmem_shared>> -> memref<10240x128xf32, #tpu.memory_space<vmem_shared>>
          tpu.wait_indirect_dma semaphore(%arg17 : memref<!tpu.dma_semaphore, #tpu.memory_space<semaphore_mem>>) src(%arg10 : memref<128x128xf32, #tpu.memory_space<vmem>>) dst(%dma_wait3A_445 : memref<10240x128xf32, #tpu.memory_space<vmem_shared>>)
        } else {
        }
        %dma_start3A_438 = arith.constant 0 : i32
        %dma_start3A_439 = tpu.memref_slice %arg6[%dma_start3A_438] : memref<256xi32, #tpu.memory_space<vmem>> -> memref<128xi32, #tpu.memory_space<vmem>>
        %dma_start3A_440 = arith.constant 0 : i32
        %dma_start3A_441 = arith.constant 0 : i32
        %dma_start3A_442 = tpu.memref_slice %arg2[%dma_start3A_440, %dma_start3A_441] : memref<10000x128xf32, #tpu.memory_space<hbm>> -> memref<10000x128xf32, #tpu.memory_space<hbm>>
        tpu.enqueue_indirect_dma source(%dma_start3A_442 : memref<10000x128xf32, #tpu.memory_space<hbm>>) target(%arg10 : memref<128x128xf32, #tpu.memory_space<vmem>>) offsets(%dma_start3A_439 : memref<128xi32, #tpu.memory_space<vmem>>) semaphore(%arg15 : memref<!tpu.dma_semaphore, #tpu.memory_space<semaphore_mem>>)
      } else {
      }
      %dma_start3A_425 = arith.constant 0 : i32
      %dma_start3A_426 = arith.constant 0 : i32
      %dma_start3A_427 = tpu.memref_slice %arg12[%dma_start3A_425, %dma_start3A_426] : memref<10240x128xf32, #tpu.memory_space<vmem_shared>> -> memref<10240x128xf32, #tpu.memory_space<vmem_shared>>
      tpu.enqueue_indirect_dma source(%arg11 : memref<128x128xf32, #tpu.memory_space<vmem>>) target(%dma_start3A_427 : memref<10240x128xf32, #tpu.memory_space<vmem_shared>>) offsets(%arg9 : memref<128xi32, #tpu.memory_space<vmem>>) semaphore(%arg18 : memref<!tpu.dma_semaphore, #tpu.memory_space<semaphore_mem>>) {add = true}
    }
    %while3A_130 = arith.constant 1 : i32
    scf.for %while3A_272 = %while3A_128 to %while3A_124 step %while3A_130  : i32 {
      %mul3A_273 = arith.constant 2 : i32
      %mul3A_274 = arith.muli %while3A_272, %mul3A_273 : i32
      %add3A_275 = arith.constant 0 : i32
      %add3A_276 = arith.addi %mul3A_274, %add3A_275 : i32
      %dma_wait3A_277 = arith.constant 0 : i32
      %dma_wait3A_278 = tpu.memref_slice %arg6[%dma_wait3A_277] : memref<256xi32, #tpu.memory_space<vmem>> -> memref<128xi32, #tpu.memory_space<vmem>>
      %dma_wait3A_279 = arith.constant 0 : i32
      %dma_wait3A_280 = arith.constant 0 : i32
      %dma_wait3A_281 = tpu.memref_slice %arg2[%dma_wait3A_279, %dma_wait3A_280] : memref<10000x128xf32, #tpu.memory_space<hbm>> -> memref<10000x128xf32, #tpu.memory_space<hbm>>
      tpu.wait_indirect_dma semaphore(%arg15 : memref<!tpu.dma_semaphore, #tpu.memory_space<semaphore_mem>>) src(%dma_wait3A_281 : memref<10000x128xf32, #tpu.memory_space<hbm>>) dst(%arg10 : memref<128x128xf32, #tpu.memory_space<vmem>>)
      %get3A = arith.constant 128 : index
      %get3A_282 = tpu.vector_load %arg6[%get3A] {strides = array<i32>} : memref<256xi32, #tpu.memory_space<vmem>>, vector<16xi32>,
      %get3A_283 = vector.shape_cast %get3A_282 : vector<16xi32> to vector<16xi32>
      %swap3A = arith.constant 0 : index
      %swap3A_284 = tpu.vector_load %arg8[%swap3A] {strides = array<i32>} : memref<128xi32, #tpu.memory_space<vmem>>, vector<16xi32>,
      %swap3A_285 = vector.shape_cast %swap3A_284 : vector<16xi32> to vector<16xi32>
      %swap3A_286 = vector.shape_cast %get3A_283 : vector<16xi32> to vector<16xi32>
      tpu.vector_store %arg8[%swap3A], %swap3A_286 {strides = array<i32>} : memref<128xi32, #tpu.memory_space<vmem>>, vector<16xi32>,
      %get3A_287 = arith.constant 144 : index
      %get3A_288 = tpu.vector_load %arg6[%get3A_287] {strides = array<i32>} : memref<256xi32, #tpu.memory_space<vmem>>, vector<16xi32>,
      %get3A_289 = vector.shape_cast %get3A_288 : vector<16xi32> to vector<16xi32>
      %swap3A_290 = arith.constant 16 : index
      %swap3A_291 = tpu.vector_load %arg8[%swap3A_290] {strides = array<i32>} : memref<128xi32, #tpu.memory_space<vmem>>, vector<16xi32>,
      %swap3A_292 = vector.shape_cast %swap3A_291 : vector<16xi32> to vector<16xi32>
      %swap3A_293 = vector.shape_cast %get3A_289 : vector<16xi32> to vector<16xi32>
      tpu.vector_store %arg8[%swap3A_290], %swap3A_293 {strides = array<i32>} : memref<128xi32, #tpu.memory_space<vmem>>, vector<16xi32>,
      %get3A_294 = arith.constant 160 : index
      %get3A_295 = tpu.vector_load %arg6[%get3A_294] {strides = array<i32>} : memref<256xi32, #tpu.memory_space<vmem>>, vector<16xi32>,
      %get3A_296 = vector.shape_cast %get3A_295 : vector<16xi32> to vector<16xi32>
      %swap3A_297 = arith.constant 32 : index
      %swap3A_298 = tpu.vector_load %arg8[%swap3A_297] {strides = array<i32>} : memref<128xi32, #tpu.memory_space<vmem>>, vector<16xi32>,
      %swap3A_299 = vector.shape_cast %swap3A_298 : vector<16xi32> to vector<16xi32>
      %swap3A_300 = vector.shape_cast %get3A_296 : vector<16xi32> to vector<16xi32>
      tpu.vector_store %arg8[%swap3A_297], %swap3A_300 {strides = array<i32>} : memref<128xi32, #tpu.memory_space<vmem>>, vector<16xi32>,
      %get3A_301 = arith.constant 176 : index
      %get3A_302 = tpu.vector_load %arg6[%get3A_301] {strides = array<i32>} : memref<256xi32, #tpu.memory_space<vmem>>, vector<16xi32>,
      %get3A_303 = vector.shape_cast %get3A_302 : vector<16xi32> to vector<16xi32>
      %swap3A_304 = arith.constant 48 : index
      %swap3A_305 = tpu.vector_load %arg8[%swap3A_304] {strides = array<i32>} : memref<128xi32, #tpu.memory_space<vmem>>, vector<16xi32>,
      %swap3A_306 = vector.shape_cast %swap3A_305 : vector<16xi32> to vector<16xi32>
      %swap3A_307 = vector.shape_cast %get3A_303 : vector<16xi32> to vector<16xi32>
      tpu.vector_store %arg8[%swap3A_304], %swap3A_307 {strides = array<i32>} : memref<128xi32, #tpu.memory_space<vmem>>, vector<16xi32>,
      %get3A_308 = arith.constant 192 : index
      %get3A_309 = tpu.vector_load %arg6[%get3A_308] {strides = array<i32>} : memref<256xi32, #tpu.memory_space<vmem>>, vector<16xi32>,
      %get3A_310 = vector.shape_cast %get3A_309 : vector<16xi32> to vector<16xi32>
      %swap3A_311 = arith.constant 64 : index
      %swap3A_312 = tpu.vector_load %arg8[%swap3A_311] {strides = array<i32>} : memref<128xi32, #tpu.memory_space<vmem>>, vector<16xi32>,
      %swap3A_313 = vector.shape_cast %swap3A_312 : vector<16xi32> to vector<16xi32>
      %swap3A_314 = vector.shape_cast %get3A_310 : vector<16xi32> to vector<16xi32>
      tpu.vector_store %arg8[%swap3A_311], %swap3A_314 {strides = array<i32>} : memref<128xi32, #tpu.memory_space<vmem>>, vector<16xi32>,
      %get3A_315 = arith.constant 208 : index
      %get3A_316 = tpu.vector_load %arg6[%get3A_315] {strides = array<i32>} : memref<256xi32, #tpu.memory_space<vmem>>, vector<16xi32>,
      %get3A_317 = vector.shape_cast %get3A_316 : vector<16xi32> to vector<16xi32>
      %swap3A_318 = arith.constant 80 : index
      %swap3A_319 = tpu.vector_load %arg8[%swap3A_318] {strides = array<i32>} : memref<128xi32, #tpu.memory_space<vmem>>, vector<16xi32>,
      %swap3A_320 = vector.shape_cast %swap3A_319 : vector<16xi32> to vector<16xi32>
      %swap3A_321 = vector.shape_cast %get3A_317 : vector<16xi32> to vector<16xi32>
      tpu.vector_store %arg8[%swap3A_318], %swap3A_321 {strides = array<i32>} : memref<128xi32, #tpu.memory_space<vmem>>, vector<16xi32>,
      %get3A_322 = arith.constant 224 : index
      %get3A_323 = tpu.vector_load %arg6[%get3A_322] {strides = array<i32>} : memref<256xi32, #tpu.memory_space<vmem>>, vector<16xi32>,
      %get3A_324 = vector.shape_cast %get3A_323 : vector<16xi32> to vector<16xi32>
      %swap3A_325 = arith.constant 96 : index
      %swap3A_326 = tpu.vector_load %arg8[%swap3A_325] {strides = array<i32>} : memref<128xi32, #tpu.memory_space<vmem>>, vector<16xi32>,
      %swap3A_327 = vector.shape_cast %swap3A_326 : vector<16xi32> to vector<16xi32>
      %swap3A_328 = vector.shape_cast %get3A_324 : vector<16xi32> to vector<16xi32>
      tpu.vector_store %arg8[%swap3A_325], %swap3A_328 {strides = array<i32>} : memref<128xi32, #tpu.memory_space<vmem>>, vector<16xi32>,
      %get3A_329 = arith.constant 240 : index
      %get3A_330 = tpu.vector_load %arg6[%get3A_329] {strides = array<i32>} : memref<256xi32, #tpu.memory_space<vmem>>, vector<16xi32>,
      %get3A_331 = vector.shape_cast %get3A_330 : vector<16xi32> to vector<16xi32>
      %swap3A_332 = arith.constant 112 : index
      %swap3A_333 = tpu.vector_load %arg8[%swap3A_332] {strides = array<i32>} : memref<128xi32, #tpu.memory_space<vmem>>, vector<16xi32>,
      %swap3A_334 = vector.shape_cast %swap3A_333 : vector<16xi32> to vector<16xi32>
      %swap3A_335 = vector.shape_cast %get3A_331 : vector<16xi32> to vector<16xi32>
      tpu.vector_store %arg8[%swap3A_332], %swap3A_335 {strides = array<i32>} : memref<128xi32, #tpu.memory_space<vmem>>, vector<16xi32>,
      %add3A_336 = arith.constant 2 : i32
      %add3A_337 = arith.addi %add3A_276, %add3A_336 : i32
      %lt3A = arith.cmpi slt, %add3A_337, %select_n3A : i32
      %convert_element_type3A = arith.extui %lt3A : i1 to i32
      %cond3A = arith.constant 0 : i32
      %cond3A_338 = arith.cmpi ne, %convert_element_type3A, %cond3A : i32
      scf.if %cond3A_338 {
        %add3A_428 = arith.addi %select_n3A_8, %add3A_276 : i32
        %add3A_429 = arith.constant 2 : i32
        %add3A_430 = arith.addi %add3A_428, %add3A_429 : i32
        %mul3A_431 = arith.constant 2 : i32
        %mul3A_432 = arith.muli %add3A_430, %mul3A_431 : i32
        %mul3A_433 = arith.constant 128 : i32
        %mul3A_434 = arith.muli %mul3A_432, %mul3A_433 : i32
        %dma_start3A_435 = tpu.memref_slice %arg3[%mul3A_434] : memref<647168xi32, #tpu.memory_space<hbm>> -> memref<256xi32, #tpu.memory_space<hbm>>
        %dma_start3A_436 = tpu.memref_slice %arg3[%mul3A_434] : memref<647168xi32, #tpu.memory_space<hbm>> -> memref<256xi32, #tpu.memory_space<hbm>>
        tpu.enqueue_dma source(%dma_start3A_436 : memref<256xi32, #tpu.memory_space<hbm>>) target(%arg6 : memref<256xi32, #tpu.memory_space<vmem>>) target_semaphore(%arg13 : memref<!tpu.dma_semaphore, #tpu.memory_space<semaphore_mem>>)
      } else {
      }
      %add3A_339 = arith.constant 1 : i32
      %add3A_340 = arith.addi %add3A_276, %add3A_339 : i32
      %lt3A_341 = arith.cmpi slt, %add3A_340, %select_n3A : i32
      %convert_element_type3A_342 = arith.extui %lt3A_341 : i1 to i32
      %cond3A_343 = arith.constant 0 : i32
      %cond3A_344 = arith.cmpi ne, %convert_element_type3A_342, %cond3A_343 : i32
      scf.if %cond3A_344 {
        %mul3A_428 = arith.constant 2 : i32
        %mul3A_429 = arith.muli %select_n3A_8, %mul3A_428 : i32
        %mul3A_430 = arith.constant 128 : i32
        %mul3A_431 = arith.muli %mul3A_429, %mul3A_430 : i32
        %dma_wait3A_432 = tpu.memref_slice %arg3[%mul3A_431] : memref<647168xi32, #tpu.memory_space<hbm>> -> memref<256xi32, #tpu.memory_space<hbm>>
        %dma_wait3A_433 = tpu.memref_slice %arg3[%mul3A_431] : memref<647168xi32, #tpu.memory_space<hbm>> -> memref<256xi32, #tpu.memory_space<hbm>>
        tpu.wait_dma2 semaphore(%arg14 : memref<!tpu.dma_semaphore, #tpu.memory_space<semaphore_mem>>) src(%dma_wait3A_433 : memref<256xi32, #tpu.memory_space<hbm>>) dst(%arg7 : memref<256xi32, #tpu.memory_space<vmem>>)
        %ge3A = arith.constant 1 : i32
        %ge3A_434 = arith.cmpi sge, %add3A_276, %ge3A : i32
        %convert_element_type3A_435 = arith.extui %ge3A_434 : i1 to i32
        %cond3A_436 = arith.constant 0 : i32
        %cond3A_437 = arith.cmpi ne, %convert_element_type3A_435, %cond3A_436 : i32
        scf.if %cond3A_437 {
          %dma_wait3A_443 = arith.constant 0 : i32
          %dma_wait3A_444 = arith.constant 0 : i32
          %dma_wait3A_445 = tpu.memref_slice %arg12[%dma_wait3A_443, %dma_wait3A_444] : memref<10240x128xf32, #tpu.memory_space<vmem_shared>> -> memref<10240x128xf32, #tpu.memory_space<vmem_shared>>
          tpu.wait_indirect_dma semaphore(%arg18 : memref<!tpu.dma_semaphore, #tpu.memory_space<semaphore_mem>>) src(%arg11 : memref<128x128xf32, #tpu.memory_space<vmem>>) dst(%dma_wait3A_445 : memref<10240x128xf32, #tpu.memory_space<vmem_shared>>)
        } else {
        }
        %dma_start3A_438 = arith.constant 0 : i32
        %dma_start3A_439 = tpu.memref_slice %arg7[%dma_start3A_438] : memref<256xi32, #tpu.memory_space<vmem>> -> memref<128xi32, #tpu.memory_space<vmem>>
        %dma_start3A_440 = arith.constant 0 : i32
        %dma_start3A_441 = arith.constant 0 : i32
        %dma_start3A_442 = tpu.memref_slice %arg2[%dma_start3A_440, %dma_start3A_441] : memref<10000x128xf32, #tpu.memory_space<hbm>> -> memref<10000x128xf32, #tpu.memory_space<hbm>>
        tpu.enqueue_indirect_dma source(%dma_start3A_442 : memref<10000x128xf32, #tpu.memory_space<hbm>>) target(%arg11 : memref<128x128xf32, #tpu.memory_space<vmem>>) offsets(%dma_start3A_439 : memref<128xi32, #tpu.memory_space<vmem>>) semaphore(%arg16 : memref<!tpu.dma_semaphore, #tpu.memory_space<semaphore_mem>>)
      } else {
      }
      %dma_start3A_345 = arith.constant 0 : i32
      %dma_start3A_346 = arith.constant 0 : i32
      %dma_start3A_347 = tpu.memref_slice %arg12[%dma_start3A_345, %dma_start3A_346] : memref<10240x128xf32, #tpu.memory_space<vmem_shared>> -> memref<10240x128xf32, #tpu.memory_space<vmem_shared>>
      tpu.enqueue_indirect_dma source(%arg10 : memref<128x128xf32, #tpu.memory_space<vmem>>) target(%dma_start3A_347 : memref<10240x128xf32, #tpu.memory_space<vmem_shared>>) offsets(%arg8 : memref<128xi32, #tpu.memory_space<vmem>>) semaphore(%arg17 : memref<!tpu.dma_semaphore, #tpu.memory_space<semaphore_mem>>) {add = true}
      %mul3A_348 = arith.constant 2 : i32
      %mul3A_349 = arith.muli %while3A_272, %mul3A_348 : i32
      %add3A_350 = arith.constant 1 : i32
      %add3A_351 = arith.addi %mul3A_349, %add3A_350 : i32
      %dma_wait3A_352 = arith.constant 0 : i32
      %dma_wait3A_353 = tpu.memref_slice %arg7[%dma_wait3A_352] : memref<256xi32, #tpu.memory_space<vmem>> -> memref<128xi32, #tpu.memory_space<vmem>>
      %dma_wait3A_354 = arith.constant 0 : i32
      %dma_wait3A_355 = arith.constant 0 : i32
      %dma_wait3A_356 = tpu.memref_slice %arg2[%dma_wait3A_354, %dma_wait3A_355] : memref<10000x128xf32, #tpu.memory_space<hbm>> -> memref<10000x128xf32, #tpu.memory_space<hbm>>
      tpu.wait_indirect_dma semaphore(%arg16 : memref<!tpu.dma_semaphore, #tpu.memory_space<semaphore_mem>>) src(%dma_wait3A_356 : memref<10000x128xf32, #tpu.memory_space<hbm>>) dst(%arg11 : memref<128x128xf32, #tpu.memory_space<vmem>>)
      %get3A_357 = arith.constant 128 : index
      %get3A_358 = tpu.vector_load %arg7[%get3A_357] {strides = array<i32>} : memref<256xi32, #tpu.memory_space<vmem>>, vector<16xi32>,
      %get3A_359 = vector.shape_cast %get3A_358 : vector<16xi32> to vector<16xi32>
      %swap3A_360 = arith.constant 0 : index
      %swap3A_361 = tpu.vector_load %arg9[%swap3A_360] {strides = array<i32>} : memref<128xi32, #tpu.memory_space<vmem>>, vector<16xi32>,
      %swap3A_362 = vector.shape_cast %swap3A_361 : vector<16xi32> to vector<16xi32>
      %swap3A_363 = vector.shape_cast %get3A_359 : vector<16xi32> to vector<16xi32>
      tpu.vector_store %arg9[%swap3A_360], %swap3A_363 {strides = array<i32>} : memref<128xi32, #tpu.memory_space<vmem>>, vector<16xi32>,
      %get3A_364 = arith.constant 144 : index
      %get3A_365 = tpu.vector_load %arg7[%get3A_364] {strides = array<i32>} : memref<256xi32, #tpu.memory_space<vmem>>, vector<16xi32>,
      %get3A_366 = vector.shape_cast %get3A_365 : vector<16xi32> to vector<16xi32>
      %swap3A_367 = arith.constant 16 : index
      %swap3A_368 = tpu.vector_load %arg9[%swap3A_367] {strides = array<i32>} : memref<128xi32, #tpu.memory_space<vmem>>, vector<16xi32>,
      %swap3A_369 = vector.shape_cast %swap3A_368 : vector<16xi32> to vector<16xi32>
      %swap3A_370 = vector.shape_cast %get3A_366 : vector<16xi32> to vector<16xi32>
      tpu.vector_store %arg9[%swap3A_367], %swap3A_370 {strides = array<i32>} : memref<128xi32, #tpu.memory_space<vmem>>, vector<16xi32>,
      %get3A_371 = arith.constant 160 : index
      %get3A_372 = tpu.vector_load %arg7[%get3A_371] {strides = array<i32>} : memref<256xi32, #tpu.memory_space<vmem>>, vector<16xi32>,
      %get3A_373 = vector.shape_cast %get3A_372 : vector<16xi32> to vector<16xi32>
      %swap3A_374 = arith.constant 32 : index
      %swap3A_375 = tpu.vector_load %arg9[%swap3A_374] {strides = array<i32>} : memref<128xi32, #tpu.memory_space<vmem>>, vector<16xi32>,
      %swap3A_376 = vector.shape_cast %swap3A_375 : vector<16xi32> to vector<16xi32>
      %swap3A_377 = vector.shape_cast %get3A_373 : vector<16xi32> to vector<16xi32>
      tpu.vector_store %arg9[%swap3A_374], %swap3A_377 {strides = array<i32>} : memref<128xi32, #tpu.memory_space<vmem>>, vector<16xi32>,
      %get3A_378 = arith.constant 176 : index
      %get3A_379 = tpu.vector_load %arg7[%get3A_378] {strides = array<i32>} : memref<256xi32, #tpu.memory_space<vmem>>, vector<16xi32>,
      %get3A_380 = vector.shape_cast %get3A_379 : vector<16xi32> to vector<16xi32>
      %swap3A_381 = arith.constant 48 : index
      %swap3A_382 = tpu.vector_load %arg9[%swap3A_381] {strides = array<i32>} : memref<128xi32, #tpu.memory_space<vmem>>, vector<16xi32>,
      %swap3A_383 = vector.shape_cast %swap3A_382 : vector<16xi32> to vector<16xi32>
      %swap3A_384 = vector.shape_cast %get3A_380 : vector<16xi32> to vector<16xi32>
      tpu.vector_store %arg9[%swap3A_381], %swap3A_384 {strides = array<i32>} : memref<128xi32, #tpu.memory_space<vmem>>, vector<16xi32>,
      %get3A_385 = arith.constant 192 : index
      %get3A_386 = tpu.vector_load %arg7[%get3A_385] {strides = array<i32>} : memref<256xi32, #tpu.memory_space<vmem>>, vector<16xi32>,
      %get3A_387 = vector.shape_cast %get3A_386 : vector<16xi32> to vector<16xi32>
      %swap3A_388 = arith.constant 64 : index
      %swap3A_389 = tpu.vector_load %arg9[%swap3A_388] {strides = array<i32>} : memref<128xi32, #tpu.memory_space<vmem>>, vector<16xi32>,
      %swap3A_390 = vector.shape_cast %swap3A_389 : vector<16xi32> to vector<16xi32>
      %swap3A_391 = vector.shape_cast %get3A_387 : vector<16xi32> to vector<16xi32>
      tpu.vector_store %arg9[%swap3A_388], %swap3A_391 {strides = array<i32>} : memref<128xi32, #tpu.memory_space<vmem>>, vector<16xi32>,
      %get3A_392 = arith.constant 208 : index
      %get3A_393 = tpu.vector_load %arg7[%get3A_392] {strides = array<i32>} : memref<256xi32, #tpu.memory_space<vmem>>, vector<16xi32>,
      %get3A_394 = vector.shape_cast %get3A_393 : vector<16xi32> to vector<16xi32>
      %swap3A_395 = arith.constant 80 : index
      %swap3A_396 = tpu.vector_load %arg9[%swap3A_395] {strides = array<i32>} : memref<128xi32, #tpu.memory_space<vmem>>, vector<16xi32>,
      %swap3A_397 = vector.shape_cast %swap3A_396 : vector<16xi32> to vector<16xi32>
      %swap3A_398 = vector.shape_cast %get3A_394 : vector<16xi32> to vector<16xi32>
      tpu.vector_store %arg9[%swap3A_395], %swap3A_398 {strides = array<i32>} : memref<128xi32, #tpu.memory_space<vmem>>, vector<16xi32>,
      %get3A_399 = arith.constant 224 : index
      %get3A_400 = tpu.vector_load %arg7[%get3A_399] {strides = array<i32>} : memref<256xi32, #tpu.memory_space<vmem>>, vector<16xi32>,
      %get3A_401 = vector.shape_cast %get3A_400 : vector<16xi32> to vector<16xi32>
      %swap3A_402 = arith.constant 96 : index
      %swap3A_403 = tpu.vector_load %arg9[%swap3A_402] {strides = array<i32>} : memref<128xi32, #tpu.memory_space<vmem>>, vector<16xi32>,
      %swap3A_404 = vector.shape_cast %swap3A_403 : vector<16xi32> to vector<16xi32>
      %swap3A_405 = vector.shape_cast %get3A_401 : vector<16xi32> to vector<16xi32>
      tpu.vector_store %arg9[%swap3A_402], %swap3A_405 {strides = array<i32>} : memref<128xi32, #tpu.memory_space<vmem>>, vector<16xi32>,
      %get3A_406 = arith.constant 240 : index
      %get3A_407 = tpu.vector_load %arg7[%get3A_406] {strides = array<i32>} : memref<256xi32, #tpu.memory_space<vmem>>, vector<16xi32>,
      %get3A_408 = vector.shape_cast %get3A_407 : vector<16xi32> to vector<16xi32>
      %swap3A_409 = arith.constant 112 : index
      %swap3A_410 = tpu.vector_load %arg9[%swap3A_409] {strides = array<i32>} : memref<128xi32, #tpu.memory_space<vmem>>, vector<16xi32>,
      %swap3A_411 = vector.shape_cast %swap3A_410 : vector<16xi32> to vector<16xi32>
      %swap3A_412 = vector.shape_cast %get3A_408 : vector<16xi32> to vector<16xi32>
      tpu.vector_store %arg9[%swap3A_409], %swap3A_412 {strides = array<i32>} : memref<128xi32, #tpu.memory_space<vmem>>, vector<16xi32>,
      %add3A_413 = arith.constant 2 : i32
      %add3A_414 = arith.addi %add3A_351, %add3A_413 : i32
      %lt3A_415 = arith.cmpi slt, %add3A_414, %select_n3A : i32
      %convert_element_type3A_416 = arith.extui %lt3A_415 : i1 to i32
      %cond3A_417 = arith.constant 0 : i32
      %cond3A_418 = arith.cmpi ne, %convert_element_type3A_416, %cond3A_417 : i32
      scf.if %cond3A_418 {
        %add3A_428 = arith.addi %select_n3A_8, %add3A_351 : i32
        %add3A_429 = arith.constant 2 : i32
        %add3A_430 = arith.addi %add3A_428, %add3A_429 : i32
        %mul3A_431 = arith.constant 2 : i32
        %mul3A_432 = arith.muli %add3A_430, %mul3A_431 : i32
        %mul3A_433 = arith.constant 128 : i32
        %mul3A_434 = arith.muli %mul3A_432, %mul3A_433 : i32
        %dma_start3A_435 = tpu.memref_slice %arg3[%mul3A_434] : memref<647168xi32, #tpu.memory_space<hbm>> -> memref<256xi32, #tpu.memory_space<hbm>>
        %dma_start3A_436 = tpu.memref_slice %arg3[%mul3A_434] : memref<647168xi32, #tpu.memory_space<hbm>> -> memref<256xi32, #tpu.memory_space<hbm>>
        tpu.enqueue_dma source(%dma_start3A_436 : memref<256xi32, #tpu.memory_space<hbm>>) target(%arg7 : memref<256xi32, #tpu.memory_space<vmem>>) target_semaphore(%arg14 : memref<!tpu.dma_semaphore, #tpu.memory_space<semaphore_mem>>)
      } else {
      }
      %add3A_419 = arith.constant 1 : i32
      %add3A_420 = arith.addi %add3A_351, %add3A_419 : i32
      %lt3A_421 = arith.cmpi slt, %add3A_420, %select_n3A : i32
      %convert_element_type3A_422 = arith.extui %lt3A_421 : i1 to i32
      %cond3A_423 = arith.constant 0 : i32
      %cond3A_424 = arith.cmpi ne, %convert_element_type3A_422, %cond3A_423 : i32
      scf.if %cond3A_424 {
        %mul3A_428 = arith.constant 2 : i32
        %mul3A_429 = arith.muli %select_n3A_8, %mul3A_428 : i32
        %mul3A_430 = arith.constant 128 : i32
        %mul3A_431 = arith.muli %mul3A_429, %mul3A_430 : i32
        %dma_wait3A_432 = tpu.memref_slice %arg3[%mul3A_431] : memref<647168xi32, #tpu.memory_space<hbm>> -> memref<256xi32, #tpu.memory_space<hbm>>
        %dma_wait3A_433 = tpu.memref_slice %arg3[%mul3A_431] : memref<647168xi32, #tpu.memory_space<hbm>> -> memref<256xi32, #tpu.memory_space<hbm>>
        tpu.wait_dma2 semaphore(%arg13 : memref<!tpu.dma_semaphore, #tpu.memory_space<semaphore_mem>>) src(%dma_wait3A_433 : memref<256xi32, #tpu.memory_space<hbm>>) dst(%arg6 : memref<256xi32, #tpu.memory_space<vmem>>)
        %ge3A = arith.constant 1 : i32
        %ge3A_434 = arith.cmpi sge, %add3A_351, %ge3A : i32
        %convert_element_type3A_435 = arith.extui %ge3A_434 : i1 to i32
        %cond3A_436 = arith.constant 0 : i32
        %cond3A_437 = arith.cmpi ne, %convert_element_type3A_435, %cond3A_436 : i32
        scf.if %cond3A_437 {
          %dma_wait3A_443 = arith.constant 0 : i32
          %dma_wait3A_444 = arith.constant 0 : i32
          %dma_wait3A_445 = tpu.memref_slice %arg12[%dma_wait3A_443, %dma_wait3A_444] : memref<10240x128xf32, #tpu.memory_space<vmem_shared>> -> memref<10240x128xf32, #tpu.memory_space<vmem_shared>>
          tpu.wait_indirect_dma semaphore(%arg17 : memref<!tpu.dma_semaphore, #tpu.memory_space<semaphore_mem>>) src(%arg10 : memref<128x128xf32, #tpu.memory_space<vmem>>) dst(%dma_wait3A_445 : memref<10240x128xf32, #tpu.memory_space<vmem_shared>>)
        } else {
        }
        %dma_start3A_438 = arith.constant 0 : i32
        %dma_start3A_439 = tpu.memref_slice %arg6[%dma_start3A_438] : memref<256xi32, #tpu.memory_space<vmem>> -> memref<128xi32, #tpu.memory_space<vmem>>
        %dma_start3A_440 = arith.constant 0 : i32
        %dma_start3A_441 = arith.constant 0 : i32
        %dma_start3A_442 = tpu.memref_slice %arg2[%dma_start3A_440, %dma_start3A_441] : memref<10000x128xf32, #tpu.memory_space<hbm>> -> memref<10000x128xf32, #tpu.memory_space<hbm>>
        tpu.enqueue_indirect_dma source(%dma_start3A_442 : memref<10000x128xf32, #tpu.memory_space<hbm>>) target(%arg10 : memref<128x128xf32, #tpu.memory_space<vmem>>) offsets(%dma_start3A_439 : memref<128xi32, #tpu.memory_space<vmem>>) semaphore(%arg15 : memref<!tpu.dma_semaphore, #tpu.memory_space<semaphore_mem>>)
      } else {
      }
      %dma_start3A_425 = arith.constant 0 : i32
      %dma_start3A_426 = arith.constant 0 : i32
      %dma_start3A_427 = tpu.memref_slice %arg12[%dma_start3A_425, %dma_start3A_426] : memref<10240x128xf32, #tpu.memory_space<vmem_shared>> -> memref<10240x128xf32, #tpu.memory_space<vmem_shared>>
      tpu.enqueue_indirect_dma source(%arg11 : memref<128x128xf32, #tpu.memory_space<vmem>>) target(%dma_start3A_427 : memref<10240x128xf32, #tpu.memory_space<vmem_shared>>) offsets(%arg9 : memref<128xi32, #tpu.memory_space<vmem>>) semaphore(%arg18 : memref<!tpu.dma_semaphore, #tpu.memory_space<semaphore_mem>>) {add = true}
    }
    %dma_wait3A_131 = arith.constant 0 : i32
    %dma_wait3A_132 = arith.constant 0 : i32
    %dma_wait3A_133 = tpu.memref_slice %arg12[%dma_wait3A_131, %dma_wait3A_132] : memref<10240x128xf32, #tpu.memory_space<vmem_shared>> -> memref<10240x128xf32, #tpu.memory_space<vmem_shared>>
    tpu.wait_indirect_dma semaphore(%arg17 : memref<!tpu.dma_semaphore, #tpu.memory_space<semaphore_mem>>) src(%arg10 : memref<128x128xf32, #tpu.memory_space<vmem>>) dst(%dma_wait3A_133 : memref<10240x128xf32, #tpu.memory_space<vmem_shared>>)
    %dma_wait3A_134 = arith.constant 0 : i32
    %dma_wait3A_135 = arith.constant 0 : i32
    %dma_wait3A_136 = tpu.memref_slice %arg12[%dma_wait3A_134, %dma_wait3A_135] : memref<10240x128xf32, #tpu.memory_space<vmem_shared>> -> memref<10240x128xf32, #tpu.memory_space<vmem_shared>>
    tpu.wait_indirect_dma semaphore(%arg18 : memref<!tpu.dma_semaphore, #tpu.memory_space<semaphore_mem>>) src(%arg11 : memref<128x128xf32, #tpu.memory_space<vmem>>) dst(%dma_wait3A_136 : memref<10240x128xf32, #tpu.memory_space<vmem_shared>>)
    %barrier3A_137 = arith.constant 0 : index
    tpu.barrier barrier_id(%barrier3A_137)
    %mul3A_138 = arith.constant 640 : i32
    %mul3A_139 = arith.muli %arg1, %mul3A_138 : i32
    %dma_start3A_140 = arith.constant 0 : i32
    %dma_start3A_141 = tpu.memref_slice %arg12[%mul3A_139, %dma_start3A_140] : memref<10240x128xf32, #tpu.memory_space<vmem_shared>> -> memref<128x128xf32, #tpu.memory_space<vmem_shared>>
    %dma_start3A_142 = arith.constant 0 : i32
    %dma_start3A_143 = tpu.memref_slice %arg12[%mul3A_139, %dma_start3A_142] : memref<10240x128xf32, #tpu.memory_space<vmem_shared>> -> memref<128x128xf32, #tpu.memory_space<vmem_shared>>
    tpu.enqueue_dma source(%dma_start3A_143 : memref<128x128xf32, #tpu.memory_space<vmem_shared>>) target(%arg10 : memref<128x128xf32, #tpu.memory_space<vmem>>) target_semaphore(%arg15 : memref<!tpu.dma_semaphore, #tpu.memory_space<semaphore_mem>>)
    %mul3A_144 = arith.constant 640 : i32
    %mul3A_145 = arith.muli %arg1, %mul3A_144 : i32
    %add3A_146 = arith.constant 0 : i32
    %add3A_147 = arith.addi %mul3A_145, %add3A_146 : i32
    %dma_wait3A_148 = arith.constant 0 : i32
    %dma_wait3A_149 = tpu.memref_slice %arg12[%add3A_147, %dma_wait3A_148] : memref<10240x128xf32, #tpu.memory_space<vmem_shared>> -> memref<128x128xf32, #tpu.memory_space<vmem_shared>>
    %dma_wait3A_150 = arith.constant 0 : i32
    %dma_wait3A_151 = tpu.memref_slice %arg12[%add3A_147, %dma_wait3A_150] : memref<10240x128xf32, #tpu.memory_space<vmem_shared>> -> memref<128x128xf32, #tpu.memory_space<vmem_shared>>
    tpu.wait_dma2 semaphore(%arg15 : memref<!tpu.dma_semaphore, #tpu.memory_space<semaphore_mem>>) src(%dma_wait3A_151 : memref<128x128xf32, #tpu.memory_space<vmem_shared>>) dst(%arg10 : memref<128x128xf32, #tpu.memory_space<vmem>>)
    %dma_start3A_152 = arith.constant 0 : i32
    %dma_start3A_153 = tpu.memref_slice %arg5[%arg0, %add3A_147, %dma_start3A_152] : memref<2x10240x128xf32, #tpu.memory_space<hbm>> -> memref<1x128x128xf32, #tpu.memory_space<hbm>>
    %dma_start3A_154 = tpu.memref_squeeze %dma_start3A_153 : memref<1x128x128xf32, #tpu.memory_space<hbm>> -> memref<128x128xf32, #tpu.memory_space<hbm>>
    %dma_start3A_155 = arith.constant 0 : i32
    %dma_start3A_156 = tpu.memref_slice %arg5[%arg0, %add3A_147, %dma_start3A_155] : memref<2x10240x128xf32, #tpu.memory_space<hbm>> -> memref<1x128x128xf32, #tpu.memory_space<hbm>>
    %dma_start3A_157 = tpu.memref_squeeze %dma_start3A_156 : memref<1x128x128xf32, #tpu.memory_space<hbm>> -> memref<128x128xf32, #tpu.memory_space<hbm>>
    tpu.enqueue_dma source(%arg10 : memref<128x128xf32, #tpu.memory_space<vmem>>) target(%dma_start3A_157 : memref<128x128xf32, #tpu.memory_space<hbm>>) target_semaphore(%arg17 : memref<!tpu.dma_semaphore, #tpu.memory_space<semaphore_mem>>)
    %add3A_158 = arith.constant 128 : i32
    %add3A_159 = arith.addi %add3A_147, %add3A_158 : i32
    %dma_start3A_160 = arith.constant 0 : i32
    %dma_start3A_161 = tpu.memref_slice %arg12[%add3A_159, %dma_start3A_160] : memref<10240x128xf32, #tpu.memory_space<vmem_shared>> -> memref<128x128xf32, #tpu.memory_space<vmem_shared>>
    %dma_start3A_162 = arith.constant 0 : i32
    %dma_start3A_163 = tpu.memref_slice %arg12[%add3A_159, %dma_start3A_162] : memref<10240x128xf32, #tpu.memory_space<vmem_shared>> -> memref<128x128xf32, #tpu.memory_space<vmem_shared>>
    tpu.enqueue_dma source(%dma_start3A_163 : memref<128x128xf32, #tpu.memory_space<vmem_shared>>) target(%arg11 : memref<128x128xf32, #tpu.memory_space<vmem>>) target_semaphore(%arg16 : memref<!tpu.dma_semaphore, #tpu.memory_space<semaphore_mem>>)
    %mul3A_164 = arith.constant 640 : i32
    %mul3A_165 = arith.muli %arg1, %mul3A_164 : i32
    %add3A_166 = arith.constant 128 : i32
    %add3A_167 = arith.addi %mul3A_165, %add3A_166 : i32
    %dma_wait3A_168 = arith.constant 0 : i32
    %dma_wait3A_169 = tpu.memref_slice %arg12[%add3A_167, %dma_wait3A_168] : memref<10240x128xf32, #tpu.memory_space<vmem_shared>> -> memref<128x128xf32, #tpu.memory_space<vmem_shared>>
    %dma_wait3A_170 = arith.constant 0 : i32
    %dma_wait3A_171 = tpu.memref_slice %arg12[%add3A_167, %dma_wait3A_170] : memref<10240x128xf32, #tpu.memory_space<vmem_shared>> -> memref<128x128xf32, #tpu.memory_space<vmem_shared>>
    tpu.wait_dma2 semaphore(%arg16 : memref<!tpu.dma_semaphore, #tpu.memory_space<semaphore_mem>>) src(%dma_wait3A_171 : memref<128x128xf32, #tpu.memory_space<vmem_shared>>) dst(%arg11 : memref<128x128xf32, #tpu.memory_space<vmem>>)
    %dma_start3A_172 = arith.constant 0 : i32
    %dma_start3A_173 = tpu.memref_slice %arg5[%arg0, %add3A_167, %dma_start3A_172] : memref<2x10240x128xf32, #tpu.memory_space<hbm>> -> memref<1x128x128xf32, #tpu.memory_space<hbm>>
    %dma_start3A_174 = tpu.memref_squeeze %dma_start3A_173 : memref<1x128x128xf32, #tpu.memory_space<hbm>> -> memref<128x128xf32, #tpu.memory_space<hbm>>
    %dma_start3A_175 = arith.constant 0 : i32
    %dma_start3A_176 = tpu.memref_slice %arg5[%arg0, %add3A_167, %dma_start3A_175] : memref<2x10240x128xf32, #tpu.memory_space<hbm>> -> memref<1x128x128xf32, #tpu.memory_space<hbm>>
    %dma_start3A_177 = tpu.memref_squeeze %dma_start3A_176 : memref<1x128x128xf32, #tpu.memory_space<hbm>> -> memref<128x128xf32, #tpu.memory_space<hbm>>
    tpu.enqueue_dma source(%arg11 : memref<128x128xf32, #tpu.memory_space<vmem>>) target(%dma_start3A_177 : memref<128x128xf32, #tpu.memory_space<hbm>>) target_semaphore(%arg18 : memref<!tpu.dma_semaphore, #tpu.memory_space<semaphore_mem>>)
    %dma_wait3A_178 = arith.constant 0 : i32
    %dma_wait3A_179 = tpu.memref_slice %arg5[%arg0, %add3A_167, %dma_wait3A_178] : memref<2x10240x128xf32, #tpu.memory_space<hbm>> -> memref<1x128x128xf32, #tpu.memory_space<hbm>>
    %dma_wait3A_180 = tpu.memref_squeeze %dma_wait3A_179 : memref<1x128x128xf32, #tpu.memory_space<hbm>> -> memref<128x128xf32, #tpu.memory_space<hbm>>
    %dma_wait3A_181 = arith.constant 0 : i32
    %dma_wait3A_182 = tpu.memref_slice %arg5[%arg0, %add3A_167, %dma_wait3A_181] : memref<2x10240x128xf32, #tpu.memory_space<hbm>> -> memref<1x128x128xf32, #tpu.memory_space<hbm>>
    %dma_wait3A_183 = tpu.memref_squeeze %dma_wait3A_182 : memref<1x128x128xf32, #tpu.memory_space<hbm>> -> memref<128x128xf32, #tpu.memory_space<hbm>>
    tpu.wait_dma2 semaphore(%arg17 : memref<!tpu.dma_semaphore, #tpu.memory_space<semaphore_mem>>) src(%arg10 : memref<128x128xf32, #tpu.memory_space<vmem>>) dst(%dma_wait3A_183 : memref<128x128xf32, #tpu.memory_space<hbm>>)
    %add3A_184 = arith.constant 128 : i32
    %add3A_185 = arith.addi %add3A_167, %add3A_184 : i32
    %dma_start3A_186 = arith.constant 0 : i32
    %dma_start3A_187 = tpu.memref_slice %arg12[%add3A_185, %dma_start3A_186] : memref<10240x128xf32, #tpu.memory_space<vmem_shared>> -> memref<128x128xf32, #tpu.memory_space<vmem_shared>>
    %dma_start3A_188 = arith.constant 0 : i32
    %dma_start3A_189 = tpu.memref_slice %arg12[%add3A_185, %dma_start3A_188] : memref<10240x128xf32, #tpu.memory_space<vmem_shared>> -> memref<128x128xf32, #tpu.memory_space<vmem_shared>>
    tpu.enqueue_dma source(%dma_start3A_189 : memref<128x128xf32, #tpu.memory_space<vmem_shared>>) target(%arg10 : memref<128x128xf32, #tpu.memory_space<vmem>>) target_semaphore(%arg15 : memref<!tpu.dma_semaphore, #tpu.memory_space<semaphore_mem>>)
    %mul3A_190 = arith.constant 640 : i32
    %mul3A_191 = arith.muli %arg1, %mul3A_190 : i32
    %add3A_192 = arith.constant 256 : i32
    %add3A_193 = arith.addi %mul3A_191, %add3A_192 : i32
    %dma_wait3A_194 = arith.constant 0 : i32
    %dma_wait3A_195 = tpu.memref_slice %arg12[%add3A_193, %dma_wait3A_194] : memref<10240x128xf32, #tpu.memory_space<vmem_shared>> -> memref<128x128xf32, #tpu.memory_space<vmem_shared>>
    %dma_wait3A_196 = arith.constant 0 : i32
    %dma_wait3A_197 = tpu.memref_slice %arg12[%add3A_193, %dma_wait3A_196] : memref<10240x128xf32, #tpu.memory_space<vmem_shared>> -> memref<128x128xf32, #tpu.memory_space<vmem_shared>>
    tpu.wait_dma2 semaphore(%arg15 : memref<!tpu.dma_semaphore, #tpu.memory_space<semaphore_mem>>) src(%dma_wait3A_197 : memref<128x128xf32, #tpu.memory_space<vmem_shared>>) dst(%arg10 : memref<128x128xf32, #tpu.memory_space<vmem>>)
    %dma_start3A_198 = arith.constant 0 : i32
    %dma_start3A_199 = tpu.memref_slice %arg5[%arg0, %add3A_193, %dma_start3A_198] : memref<2x10240x128xf32, #tpu.memory_space<hbm>> -> memref<1x128x128xf32, #tpu.memory_space<hbm>>
    %dma_start3A_200 = tpu.memref_squeeze %dma_start3A_199 : memref<1x128x128xf32, #tpu.memory_space<hbm>> -> memref<128x128xf32, #tpu.memory_space<hbm>>
    %dma_start3A_201 = arith.constant 0 : i32
    %dma_start3A_202 = tpu.memref_slice %arg5[%arg0, %add3A_193, %dma_start3A_201] : memref<2x10240x128xf32, #tpu.memory_space<hbm>> -> memref<1x128x128xf32, #tpu.memory_space<hbm>>
    %dma_start3A_203 = tpu.memref_squeeze %dma_start3A_202 : memref<1x128x128xf32, #tpu.memory_space<hbm>> -> memref<128x128xf32, #tpu.memory_space<hbm>>
    tpu.enqueue_dma source(%arg10 : memref<128x128xf32, #tpu.memory_space<vmem>>) target(%dma_start3A_203 : memref<128x128xf32, #tpu.memory_space<hbm>>) target_semaphore(%arg17 : memref<!tpu.dma_semaphore, #tpu.memory_space<semaphore_mem>>)
    %dma_wait3A_204 = arith.constant 0 : i32
    %dma_wait3A_205 = tpu.memref_slice %arg5[%arg0, %add3A_193, %dma_wait3A_204] : memref<2x10240x128xf32, #tpu.memory_space<hbm>> -> memref<1x128x128xf32, #tpu.memory_space<hbm>>
    %dma_wait3A_206 = tpu.memref_squeeze %dma_wait3A_205 : memref<1x128x128xf32, #tpu.memory_space<hbm>> -> memref<128x128xf32, #tpu.memory_space<hbm>>
    %dma_wait3A_207 = arith.constant 0 : i32
    %dma_wait3A_208 = tpu.memref_slice %arg5[%arg0, %add3A_193, %dma_wait3A_207] : memref<2x10240x128xf32, #tpu.memory_space<hbm>> -> memref<1x128x128xf32, #tpu.memory_space<hbm>>
    %dma_wait3A_209 = tpu.memref_squeeze %dma_wait3A_208 : memref<1x128x128xf32, #tpu.memory_space<hbm>> -> memref<128x128xf32, #tpu.memory_space<hbm>>
    tpu.wait_dma2 semaphore(%arg18 : memref<!tpu.dma_semaphore, #tpu.memory_space<semaphore_mem>>) src(%arg11 : memref<128x128xf32, #tpu.memory_space<vmem>>) dst(%dma_wait3A_209 : memref<128x128xf32, #tpu.memory_space<hbm>>)
    %add3A_210 = arith.constant 128 : i32
    %add3A_211 = arith.addi %add3A_193, %add3A_210 : i32
    %dma_start3A_212 = arith.constant 0 : i32
    %dma_start3A_213 = tpu.memref_slice %arg12[%add3A_211, %dma_start3A_212] : memref<10240x128xf32, #tpu.memory_space<vmem_shared>> -> memref<128x128xf32, #tpu.memory_space<vmem_shared>>
    %dma_start3A_214 = arith.constant 0 : i32
    %dma_start3A_215 = tpu.memref_slice %arg12[%add3A_211, %dma_start3A_214] : memref<10240x128xf32, #tpu.memory_space<vmem_shared>> -> memref<128x128xf32, #tpu.memory_space<vmem_shared>>
    tpu.enqueue_dma source(%dma_start3A_215 : memref<128x128xf32, #tpu.memory_space<vmem_shared>>) target(%arg11 : memref<128x128xf32, #tpu.memory_space<vmem>>) target_semaphore(%arg16 : memref<!tpu.dma_semaphore, #tpu.memory_space<semaphore_mem>>)
    %mul3A_216 = arith.constant 640 : i32
    %mul3A_217 = arith.muli %arg1, %mul3A_216 : i32
    %add3A_218 = arith.constant 384 : i32
    %add3A_219 = arith.addi %mul3A_217, %add3A_218 : i32
    %dma_wait3A_220 = arith.constant 0 : i32
    %dma_wait3A_221 = tpu.memref_slice %arg12[%add3A_219, %dma_wait3A_220] : memref<10240x128xf32, #tpu.memory_space<vmem_shared>> -> memref<128x128xf32, #tpu.memory_space<vmem_shared>>
    %dma_wait3A_222 = arith.constant 0 : i32
    %dma_wait3A_223 = tpu.memref_slice %arg12[%add3A_219, %dma_wait3A_222] : memref<10240x128xf32, #tpu.memory_space<vmem_shared>> -> memref<128x128xf32, #tpu.memory_space<vmem_shared>>
    tpu.wait_dma2 semaphore(%arg16 : memref<!tpu.dma_semaphore, #tpu.memory_space<semaphore_mem>>) src(%dma_wait3A_223 : memref<128x128xf32, #tpu.memory_space<vmem_shared>>) dst(%arg11 : memref<128x128xf32, #tpu.memory_space<vmem>>)
    %dma_start3A_224 = arith.constant 0 : i32
    %dma_start3A_225 = tpu.memref_slice %arg5[%arg0, %add3A_219, %dma_start3A_224] : memref<2x10240x128xf32, #tpu.memory_space<hbm>> -> memref<1x128x128xf32, #tpu.memory_space<hbm>>
    %dma_start3A_226 = tpu.memref_squeeze %dma_start3A_225 : memref<1x128x128xf32, #tpu.memory_space<hbm>> -> memref<128x128xf32, #tpu.memory_space<hbm>>
    %dma_start3A_227 = arith.constant 0 : i32
    %dma_start3A_228 = tpu.memref_slice %arg5[%arg0, %add3A_219, %dma_start3A_227] : memref<2x10240x128xf32, #tpu.memory_space<hbm>> -> memref<1x128x128xf32, #tpu.memory_space<hbm>>
    %dma_start3A_229 = tpu.memref_squeeze %dma_start3A_228 : memref<1x128x128xf32, #tpu.memory_space<hbm>> -> memref<128x128xf32, #tpu.memory_space<hbm>>
    tpu.enqueue_dma source(%arg11 : memref<128x128xf32, #tpu.memory_space<vmem>>) target(%dma_start3A_229 : memref<128x128xf32, #tpu.memory_space<hbm>>) target_semaphore(%arg18 : memref<!tpu.dma_semaphore, #tpu.memory_space<semaphore_mem>>)
    %dma_wait3A_230 = arith.constant 0 : i32
    %dma_wait3A_231 = tpu.memref_slice %arg5[%arg0, %add3A_219, %dma_wait3A_230] : memref<2x10240x128xf32, #tpu.memory_space<hbm>> -> memref<1x128x128xf32, #tpu.memory_space<hbm>>
    %dma_wait3A_232 = tpu.memref_squeeze %dma_wait3A_231 : memref<1x128x128xf32, #tpu.memory_space<hbm>> -> memref<128x128xf32, #tpu.memory_space<hbm>>
    %dma_wait3A_233 = arith.constant 0 : i32
    %dma_wait3A_234 = tpu.memref_slice %arg5[%arg0, %add3A_219, %dma_wait3A_233] : memref<2x10240x128xf32, #tpu.memory_space<hbm>> -> memref<1x128x128xf32, #tpu.memory_space<hbm>>
    %dma_wait3A_235 = tpu.memref_squeeze %dma_wait3A_234 : memref<1x128x128xf32, #tpu.memory_space<hbm>> -> memref<128x128xf32, #tpu.memory_space<hbm>>
    tpu.wait_dma2 semaphore(%arg17 : memref<!tpu.dma_semaphore, #tpu.memory_space<semaphore_mem>>) src(%arg10 : memref<128x128xf32, #tpu.memory_space<vmem>>) dst(%dma_wait3A_235 : memref<128x128xf32, #tpu.memory_space<hbm>>)
    %add3A_236 = arith.constant 128 : i32
    %add3A_237 = arith.addi %add3A_219, %add3A_236 : i32
    %dma_start3A_238 = arith.constant 0 : i32
    %dma_start3A_239 = tpu.memref_slice %arg12[%add3A_237, %dma_start3A_238] : memref<10240x128xf32, #tpu.memory_space<vmem_shared>> -> memref<128x128xf32, #tpu.memory_space<vmem_shared>>
    %dma_start3A_240 = arith.constant 0 : i32
    %dma_start3A_241 = tpu.memref_slice %arg12[%add3A_237, %dma_start3A_240] : memref<10240x128xf32, #tpu.memory_space<vmem_shared>> -> memref<128x128xf32, #tpu.memory_space<vmem_shared>>
    tpu.enqueue_dma source(%dma_start3A_241 : memref<128x128xf32, #tpu.memory_space<vmem_shared>>) target(%arg10 : memref<128x128xf32, #tpu.memory_space<vmem>>) target_semaphore(%arg15 : memref<!tpu.dma_semaphore, #tpu.memory_space<semaphore_mem>>)
    %mul3A_242 = arith.constant 640 : i32
    %mul3A_243 = arith.muli %arg1, %mul3A_242 : i32
    %add3A_244 = arith.constant 512 : i32
    %add3A_245 = arith.addi %mul3A_243, %add3A_244 : i32
    %dma_wait3A_246 = arith.constant 0 : i32
    %dma_wait3A_247 = tpu.memref_slice %arg12[%add3A_245, %dma_wait3A_246] : memref<10240x128xf32, #tpu.memory_space<vmem_shared>> -> memref<128x128xf32, #tpu.memory_space<vmem_shared>>
    %dma_wait3A_248 = arith.constant 0 : i32
    %dma_wait3A_249 = tpu.memref_slice %arg12[%add3A_245, %dma_wait3A_248] : memref<10240x128xf32, #tpu.memory_space<vmem_shared>> -> memref<128x128xf32, #tpu.memory_space<vmem_shared>>
    tpu.wait_dma2 semaphore(%arg15 : memref<!tpu.dma_semaphore, #tpu.memory_space<semaphore_mem>>) src(%dma_wait3A_249 : memref<128x128xf32, #tpu.memory_space<vmem_shared>>) dst(%arg10 : memref<128x128xf32, #tpu.memory_space<vmem>>)
    %dma_start3A_250 = arith.constant 0 : i32
    %dma_start3A_251 = tpu.memref_slice %arg5[%arg0, %add3A_245, %dma_start3A_250] : memref<2x10240x128xf32, #tpu.memory_space<hbm>> -> memref<1x128x128xf32, #tpu.memory_space<hbm>>
    %dma_start3A_252 = tpu.memref_squeeze %dma_start3A_251 : memref<1x128x128xf32, #tpu.memory_space<hbm>> -> memref<128x128xf32, #tpu.memory_space<hbm>>
    %dma_start3A_253 = arith.constant 0 : i32
    %dma_start3A_254 = tpu.memref_slice %arg5[%arg0, %add3A_245, %dma_start3A_253] : memref<2x10240x128xf32, #tpu.memory_space<hbm>> -> memref<1x128x128xf32, #tpu.memory_space<hbm>>
    %dma_start3A_255 = tpu.memref_squeeze %dma_start3A_254 : memref<1x128x128xf32, #tpu.memory_space<hbm>> -> memref<128x128xf32, #tpu.memory_space<hbm>>
    tpu.enqueue_dma source(%arg10 : memref<128x128xf32, #tpu.memory_space<vmem>>) target(%dma_start3A_255 : memref<128x128xf32, #tpu.memory_space<hbm>>) target_semaphore(%arg17 : memref<!tpu.dma_semaphore, #tpu.memory_space<semaphore_mem>>)
    %mul3A_256 = arith.constant 640 : i32
    %mul3A_257 = arith.muli %arg1, %mul3A_256 : i32
    %dma_wait3A_258 = arith.constant 0 : i32
    %dma_wait3A_259 = tpu.memref_slice %arg5[%arg0, %mul3A_257, %dma_wait3A_258] : memref<2x10240x128xf32, #tpu.memory_space<hbm>> -> memref<1x128x128xf32, #tpu.memory_space<hbm>>
    %dma_wait3A_260 = tpu.memref_squeeze %dma_wait3A_259 : memref<1x128x128xf32, #tpu.memory_space<hbm>> -> memref<128x128xf32, #tpu.memory_space<hbm>>
    %dma_wait3A_261 = arith.constant 0 : i32
    %dma_wait3A_262 = tpu.memref_slice %arg5[%arg0, %mul3A_257, %dma_wait3A_261] : memref<2x10240x128xf32, #tpu.memory_space<hbm>> -> memref<1x128x128xf32, #tpu.memory_space<hbm>>
    %dma_wait3A_263 = tpu.memref_squeeze %dma_wait3A_262 : memref<1x128x128xf32, #tpu.memory_space<hbm>> -> memref<128x128xf32, #tpu.memory_space<hbm>>
    tpu.wait_dma2 semaphore(%arg17 : memref<!tpu.dma_semaphore, #tpu.memory_space<semaphore_mem>>) src(%arg10 : memref<128x128xf32, #tpu.memory_space<vmem>>) dst(%dma_wait3A_263 : memref<128x128xf32, #tpu.memory_space<hbm>>)
    %mul3A_264 = arith.constant 640 : i32
    %mul3A_265 = arith.muli %arg1, %mul3A_264 : i32
    %dma_wait3A_266 = arith.constant 0 : i32
    %dma_wait3A_267 = tpu.memref_slice %arg5[%arg0, %mul3A_265, %dma_wait3A_266] : memref<2x10240x128xf32, #tpu.memory_space<hbm>> -> memref<1x128x128xf32, #tpu.memory_space<hbm>>
    %dma_wait3A_268 = tpu.memref_squeeze %dma_wait3A_267 : memref<1x128x128xf32, #tpu.memory_space<hbm>> -> memref<128x128xf32, #tpu.memory_space<hbm>>
    %dma_wait3A_269 = arith.constant 0 : i32
    %dma_wait3A_270 = tpu.memref_slice %arg5[%arg0, %mul3A_265, %dma_wait3A_269] : memref<2x10240x128xf32, #tpu.memory_space<hbm>> -> memref<1x128x128xf32, #tpu.memory_space<hbm>>
    %dma_wait3A_271 = tpu.memref_squeeze %dma_wait3A_270 : memref<1x128x128xf32, #tpu.memory_space<hbm>> -> memref<128x128xf32, #tpu.memory_space<hbm>>
    tpu.wait_dma2 semaphore(%arg18 : memref<!tpu.dma_semaphore, #tpu.memory_space<semaphore_mem>>) src(%arg11 : memref<128x128xf32, #tpu.memory_space<vmem>>) dst(%dma_wait3A_271 : memref<128x128xf32, #tpu.memory_space<hbm>>)
    return
  }
}

#map = affine_map<(d0, d1) -> (0)>
module attributes {stable_mosaic.version = 14 : i64} {
  func.func @_sc_degree(%arg0: i32, %arg1: i32, %arg2: memref<323584xi32, #tpu.memory_space<hbm>>, %arg3: memref<128xf32, #tpu.memory_space<hbm>>, %arg4: memref<10240xf32, #tpu.memory_space<hbm>>, %arg5: memref<20480xf32, #tpu.memory_space<hbm>>, %arg6: memref<128xi32, #tpu.memory_space<vmem>>, %arg7: memref<128xf32, #tpu.memory_space<vmem>>, %arg8: memref<640xf32, #tpu.memory_space<vmem>>, %arg9: memref<10240xf32, #tpu.memory_space<vmem_shared>>, %arg10: memref<!tpu.dma_semaphore, #tpu.memory_space<semaphore_mem>>) attributes {dimension_semantics = [#tpu.dimension_semantics<core_parallel>, #tpu.dimension_semantics<subcore_parallel>], iteration_bounds = array<i64: 2, 16>, scalar_prefetch = 0 : i64, scratch_operands = 5 : i64, tpu.core_type = #tpu.core_type<sc_vector_subcore>, window_params = [{transform_indices = #map}, {transform_indices = #map}, {transform_indices = #map}, {transform_indices = #map}]} {
    %mul3A = arith.constant 16 : i32
    %mul3A_0 = arith.muli %arg0, %mul3A : i32
    %add3A = arith.addi %mul3A_0, %arg1 : i32
    %mul3A_1 = arith.constant 640 : i32
    %mul3A_2 = arith.muli %arg1, %mul3A_1 : i32
    "tpu.region"() ({
      %run_scoped3A = tpu.sem_alloc : memref<!tpu.dma_semaphore, #tpu.memory_space<semaphore_mem>>
      %dma_start3A = tpu.memref_slice %arg4[%mul3A_2] : memref<10240xf32, #tpu.memory_space<hbm>> -> memref<640xf32, #tpu.memory_space<hbm>>
      %dma_start3A_18 = tpu.memref_slice %arg4[%mul3A_2] : memref<10240xf32, #tpu.memory_space<hbm>> -> memref<640xf32, #tpu.memory_space<hbm>>
      tpu.enqueue_dma source(%dma_start3A_18 : memref<640xf32, #tpu.memory_space<hbm>>) target(%arg8 : memref<640xf32, #tpu.memory_space<vmem>>) target_semaphore(%run_scoped3A : memref<!tpu.dma_semaphore, #tpu.memory_space<semaphore_mem>>)
      %dma_wait3A = tpu.memref_slice %arg4[%mul3A_2] : memref<10240xf32, #tpu.memory_space<hbm>> -> memref<640xf32, #tpu.memory_space<hbm>>
      %dma_wait3A_19 = tpu.memref_slice %arg4[%mul3A_2] : memref<10240xf32, #tpu.memory_space<hbm>> -> memref<640xf32, #tpu.memory_space<hbm>>
      tpu.wait_dma2 semaphore(%run_scoped3A : memref<!tpu.dma_semaphore, #tpu.memory_space<semaphore_mem>>) src(%dma_wait3A_19 : memref<640xf32, #tpu.memory_space<hbm>>) dst(%arg8 : memref<640xf32, #tpu.memory_space<vmem>>)
      tpu.yield
    }) : () -> ()
    %mul3A_3 = arith.constant 640 : i32
    %mul3A_4 = arith.muli %arg1, %mul3A_3 : i32
    "tpu.region"() ({
      %run_scoped3A = tpu.sem_alloc : memref<!tpu.dma_semaphore, #tpu.memory_space<semaphore_mem>>
      %dma_start3A = tpu.memref_slice %arg9[%mul3A_4] : memref<10240xf32, #tpu.memory_space<vmem_shared>> -> memref<640xf32, #tpu.memory_space<vmem_shared>>
      %dma_start3A_18 = tpu.memref_slice %arg9[%mul3A_4] : memref<10240xf32, #tpu.memory_space<vmem_shared>> -> memref<640xf32, #tpu.memory_space<vmem_shared>>
      tpu.enqueue_dma source(%arg8 : memref<640xf32, #tpu.memory_space<vmem>>) target(%dma_start3A_18 : memref<640xf32, #tpu.memory_space<vmem_shared>>) target_semaphore(%run_scoped3A : memref<!tpu.dma_semaphore, #tpu.memory_space<semaphore_mem>>)
      %dma_wait3A = tpu.memref_slice %arg9[%mul3A_4] : memref<10240xf32, #tpu.memory_space<vmem_shared>> -> memref<640xf32, #tpu.memory_space<vmem_shared>>
      %dma_wait3A_19 = tpu.memref_slice %arg9[%mul3A_4] : memref<10240xf32, #tpu.memory_space<vmem_shared>> -> memref<640xf32, #tpu.memory_space<vmem_shared>>
      tpu.wait_dma2 semaphore(%run_scoped3A : memref<!tpu.dma_semaphore, #tpu.memory_space<semaphore_mem>>) src(%arg8 : memref<640xf32, #tpu.memory_space<vmem>>) dst(%dma_wait3A_19 : memref<640xf32, #tpu.memory_space<vmem_shared>>)
      tpu.yield
    }) : () -> ()
    "tpu.region"() ({
      %run_scoped3A = tpu.sem_alloc : memref<!tpu.dma_semaphore, #tpu.memory_space<semaphore_mem>>
      tpu.enqueue_dma source(%arg3 : memref<128xf32, #tpu.memory_space<hbm>>) target(%arg7 : memref<128xf32, #tpu.memory_space<vmem>>) target_semaphore(%run_scoped3A : memref<!tpu.dma_semaphore, #tpu.memory_space<semaphore_mem>>)
      tpu.wait_dma2 semaphore(%run_scoped3A : memref<!tpu.dma_semaphore, #tpu.memory_space<semaphore_mem>>) src(%arg3 : memref<128xf32, #tpu.memory_space<hbm>>) dst(%arg7 : memref<128xf32, #tpu.memory_space<vmem>>)
      tpu.yield
    }) : () -> ()
    %barrier3A = arith.constant 0 : index
    tpu.barrier barrier_id(%barrier3A)
    %scan3A = arith.constant 0 : i32
    %scan3A_5 = arith.constant 0 : i32
    %scan3A_6 = arith.constant 79 : i32
    %scan3A_7 = arith.addi %scan3A_5, %scan3A_6 : i32
    %scan3A_8 = arith.constant 1 : i32
    scf.for %scan3A_18 = %scan3A_5 to %scan3A_7 step %scan3A_8  : i32 {
      %mul3A_19 = arith.constant 10112 : i32
      %mul3A_20 = arith.muli %add3A, %mul3A_19 : i32
      %mul3A_21 = arith.constant 128 : i32
      %mul3A_22 = arith.muli %scan3A_18, %mul3A_21 : i32
      %add3A_23 = arith.addi %mul3A_20, %mul3A_22 : i32
      "tpu.region"() ({
        %run_scoped3A = tpu.sem_alloc : memref<!tpu.dma_semaphore, #tpu.memory_space<semaphore_mem>>
        %dma_start3A = tpu.memref_slice %arg2[%add3A_23] : memref<323584xi32, #tpu.memory_space<hbm>> -> memref<128xi32, #tpu.memory_space<hbm>>
        %dma_start3A_24 = tpu.memref_slice %arg2[%add3A_23] : memref<323584xi32, #tpu.memory_space<hbm>> -> memref<128xi32, #tpu.memory_space<hbm>>
        tpu.enqueue_dma source(%dma_start3A_24 : memref<128xi32, #tpu.memory_space<hbm>>) target(%arg6 : memref<128xi32, #tpu.memory_space<vmem>>) target_semaphore(%run_scoped3A : memref<!tpu.dma_semaphore, #tpu.memory_space<semaphore_mem>>)
        %dma_wait3A = tpu.memref_slice %arg2[%add3A_23] : memref<323584xi32, #tpu.memory_space<hbm>> -> memref<128xi32, #tpu.memory_space<hbm>>
        %dma_wait3A_25 = tpu.memref_slice %arg2[%add3A_23] : memref<323584xi32, #tpu.memory_space<hbm>> -> memref<128xi32, #tpu.memory_space<hbm>>
        tpu.wait_dma2 semaphore(%run_scoped3A : memref<!tpu.dma_semaphore, #tpu.memory_space<semaphore_mem>>) src(%dma_wait3A_25 : memref<128xi32, #tpu.memory_space<hbm>>) dst(%arg6 : memref<128xi32, #tpu.memory_space<vmem>>)
        tpu.yield
      }) : () -> ()
      "tpu.region"() ({
        %run_scoped3A = tpu.sem_alloc : memref<!tpu.dma_semaphore, #tpu.memory_space<semaphore_mem>>
        %dma_start3A = arith.constant 0 : i32
        %dma_start3A_24 = tpu.memref_slice %arg9[%dma_start3A] : memref<10240xf32, #tpu.memory_space<vmem_shared>> -> memref<10240xf32, #tpu.memory_space<vmem_shared>>
        tpu.enqueue_indirect_dma source(%arg7 : memref<128xf32, #tpu.memory_space<vmem>>) target(%dma_start3A_24 : memref<10240xf32, #tpu.memory_space<vmem_shared>>) offsets(%arg6 : memref<128xi32, #tpu.memory_space<vmem>>) semaphore(%run_scoped3A : memref<!tpu.dma_semaphore, #tpu.memory_space<semaphore_mem>>) {add = true}
        %dma_wait3A = arith.constant 0 : i32
        %dma_wait3A_25 = tpu.memref_slice %arg9[%dma_wait3A] : memref<10240xf32, #tpu.memory_space<vmem_shared>> -> memref<10240xf32, #tpu.memory_space<vmem_shared>>
        tpu.wait_indirect_dma semaphore(%run_scoped3A : memref<!tpu.dma_semaphore, #tpu.memory_space<semaphore_mem>>) src(%arg7 : memref<128xf32, #tpu.memory_space<vmem>>) dst(%dma_wait3A_25 : memref<10240xf32, #tpu.memory_space<vmem_shared>>)
        tpu.yield
      }) : () -> ()
    }
    %scan3A_9 = arith.constant 79 : i32
    %barrier3A_10 = arith.constant 0 : index
    tpu.barrier barrier_id(%barrier3A_10)
    %mul3A_11 = arith.constant 640 : i32
    %mul3A_12 = arith.muli %arg1, %mul3A_11 : i32
    "tpu.region"() ({
      %run_scoped3A = tpu.sem_alloc : memref<!tpu.dma_semaphore, #tpu.memory_space<semaphore_mem>>
      %dma_start3A = tpu.memref_slice %arg9[%mul3A_12] : memref<10240xf32, #tpu.memory_space<vmem_shared>> -> memref<640xf32, #tpu.memory_space<vmem_shared>>
      %dma_start3A_18 = tpu.memref_slice %arg9[%mul3A_12] : memref<10240xf32, #tpu.memory_space<vmem_shared>> -> memref<640xf32, #tpu.memory_space<vmem_shared>>
      tpu.enqueue_dma source(%dma_start3A_18 : memref<640xf32, #tpu.memory_space<vmem_shared>>) target(%arg8 : memref<640xf32, #tpu.memory_space<vmem>>) target_semaphore(%run_scoped3A : memref<!tpu.dma_semaphore, #tpu.memory_space<semaphore_mem>>)
      %dma_wait3A = tpu.memref_slice %arg9[%mul3A_12] : memref<10240xf32, #tpu.memory_space<vmem_shared>> -> memref<640xf32, #tpu.memory_space<vmem_shared>>
      %dma_wait3A_19 = tpu.memref_slice %arg9[%mul3A_12] : memref<10240xf32, #tpu.memory_space<vmem_shared>> -> memref<640xf32, #tpu.memory_space<vmem_shared>>
      tpu.wait_dma2 semaphore(%run_scoped3A : memref<!tpu.dma_semaphore, #tpu.memory_space<semaphore_mem>>) src(%dma_wait3A_19 : memref<640xf32, #tpu.memory_space<vmem_shared>>) dst(%arg8 : memref<640xf32, #tpu.memory_space<vmem>>)
      tpu.yield
    }) : () -> ()
    %mul3A_13 = arith.constant 10240 : i32
    %mul3A_14 = arith.muli %arg0, %mul3A_13 : i32
    %mul3A_15 = arith.constant 640 : i32
    %mul3A_16 = arith.muli %arg1, %mul3A_15 : i32
    %add3A_17 = arith.addi %mul3A_14, %mul3A_16 : i32
    "tpu.region"() ({
      %run_scoped3A = tpu.sem_alloc : memref<!tpu.dma_semaphore, #tpu.memory_space<semaphore_mem>>
      %dma_start3A = tpu.memref_slice %arg5[%add3A_17] : memref<20480xf32, #tpu.memory_space<hbm>> -> memref<640xf32, #tpu.memory_space<hbm>>
      %dma_start3A_18 = tpu.memref_slice %arg5[%add3A_17] : memref<20480xf32, #tpu.memory_space<hbm>> -> memref<640xf32, #tpu.memory_space<hbm>>
      tpu.enqueue_dma source(%arg8 : memref<640xf32, #tpu.memory_space<vmem>>) target(%dma_start3A_18 : memref<640xf32, #tpu.memory_space<hbm>>) target_semaphore(%run_scoped3A : memref<!tpu.dma_semaphore, #tpu.memory_space<semaphore_mem>>)
      %dma_wait3A = tpu.memref_slice %arg5[%add3A_17] : memref<20480xf32, #tpu.memory_space<hbm>> -> memref<640xf32, #tpu.memory_space<hbm>>
      %dma_wait3A_19 = tpu.memref_slice %arg5[%add3A_17] : memref<20480xf32, #tpu.memory_space<hbm>> -> memref<640xf32, #tpu.memory_space<hbm>>
      tpu.wait_dma2 semaphore(%run_scoped3A : memref<!tpu.dma_semaphore, #tpu.memory_space<semaphore_mem>>) src(%arg8 : memref<640xf32, #tpu.memory_space<vmem>>) dst(%dma_wait3A_19 : memref<640xf32, #tpu.memory_space<hbm>>)
      tpu.yield
    }) : () -> ()
    return
  }
}

#map = affine_map<(d0, d1) -> (0, 0)>
#map1 = affine_map<(d0, d1) -> (0)>
#map2 = affine_map<(d0, d1) -> (0, 0, 0)>
module attributes {stable_mosaic.version = 14 : i64} {
  func.func @_sc_scatter(%arg0: i32, %arg1: i32, %arg2: memref<10000x128xf32, #tpu.memory_space<hbm>>, %arg3: memref<647168xi32, #tpu.memory_space<hbm>>, %arg4: memref<128x128xf32, #tpu.memory_space<hbm>>, %arg5: memref<2x10240x128xf32, #tpu.memory_space<hbm>>, %arg6: memref<256xi32, #tpu.memory_space<vmem>>, %arg7: memref<256xi32, #tpu.memory_space<vmem>>, %arg8: memref<128xi32, #tpu.memory_space<vmem>>, %arg9: memref<128xi32, #tpu.memory_space<vmem>>, %arg10: memref<128x128xf32, #tpu.memory_space<vmem>>, %arg11: memref<128x128xf32, #tpu.memory_space<vmem>>, %arg12: memref<10240x128xf32, #tpu.memory_space<vmem_shared>>, %arg13: memref<!tpu.dma_semaphore, #tpu.memory_space<semaphore_mem>>, %arg14: memref<!tpu.dma_semaphore, #tpu.memory_space<semaphore_mem>>, %arg15: memref<!tpu.dma_semaphore, #tpu.memory_space<semaphore_mem>>, %arg16: memref<!tpu.dma_semaphore, #tpu.memory_space<semaphore_mem>>, %arg17: memref<!tpu.dma_semaphore, #tpu.memory_space<semaphore_mem>>, %arg18: memref<!tpu.dma_semaphore, #tpu.memory_space<semaphore_mem>>) attributes {dimension_semantics = [#tpu.dimension_semantics<core_parallel>, #tpu.dimension_semantics<subcore_parallel>], iteration_bounds = array<i64: 2, 16>, scalar_prefetch = 0 : i64, scratch_operands = 13 : i64, tpu.core_type = #tpu.core_type<sc_vector_subcore>, window_params = [{transform_indices = #map}, {transform_indices = #map1}, {transform_indices = #map}, {transform_indices = #map2}]} {
    %eq3A = arith.constant 0 : i32
    %eq3A_0 = arith.cmpi eq, %arg0, %eq3A : i32
    %jit3A = arith.constant 128 : i32
    %jit3A_1 = arith.constant 30 : i32
    %select_n3A = arith.select %eq3A_0, %jit3A, %jit3A_1 : i32
    %eq3A_2 = arith.constant 0 : i32
    %eq3A_3 = arith.cmpi eq, %arg0, %eq3A_2 : i32
    %mul3A = arith.constant 128 : i32
    %mul3A_4 = arith.muli %arg1, %mul3A : i32
    %mul3A_5 = arith.constant 30 : i32
    %mul3A_6 = arith.muli %arg1, %mul3A_5 : i32
    %add3A = arith.constant 2048 : i32
    %add3A_7 = arith.addi %add3A, %mul3A_6 : i32
    %select_n3A_8 = arith.select %eq3A_3, %mul3A_4, %add3A_7 : i32
    "tpu.region"() ({
      %run_scoped3A = tpu.sem_alloc : memref<!tpu.dma_semaphore, #tpu.memory_space<semaphore_mem>>
      tpu.enqueue_dma source(%arg4 : memref<128x128xf32, #tpu.memory_space<hbm>>) target(%arg10 : memref<128x128xf32, #tpu.memory_space<vmem>>) target_semaphore(%run_scoped3A : memref<!tpu.dma_semaphore, #tpu.memory_space<semaphore_mem>>)
      tpu.wait_dma2 semaphore(%run_scoped3A : memref<!tpu.dma_semaphore, #tpu.memory_space<semaphore_mem>>) src(%arg4 : memref<128x128xf32, #tpu.memory_space<hbm>>) dst(%arg10 : memref<128x128xf32, #tpu.memory_space<vmem>>)
      tpu.yield
    }) : () -> ()
    %mul3A_9 = arith.constant 640 : i32
    %mul3A_10 = arith.muli %arg1, %mul3A_9 : i32
    %add3A_11 = arith.constant 0 : i32
    %add3A_12 = arith.addi %mul3A_10, %add3A_11 : i32
    %dma_start3A = arith.constant 0 : i32
    %dma_start3A_13 = tpu.memref_slice %arg12[%add3A_12, %dma_start3A] : memref<10240x128xf32, #tpu.memory_space<vmem_shared>> -> memref<128x128xf32, #tpu.memory_space<vmem_shared>>
    %dma_start3A_14 = arith.constant 0 : i32
    %dma_start3A_15 = tpu.memref_slice %arg12[%add3A_12, %dma_start3A_14] : memref<10240x128xf32, #tpu.memory_space<vmem_shared>> -> memref<128x128xf32, #tpu.memory_space<vmem_shared>>
    tpu.enqueue_dma source(%arg10 : memref<128x128xf32, #tpu.memory_space<vmem>>) target(%dma_start3A_15 : memref<128x128xf32, #tpu.memory_space<vmem_shared>>) target_semaphore(%arg13 : memref<!tpu.dma_semaphore, #tpu.memory_space<semaphore_mem>>)
    %mul3A_16 = arith.constant 640 : i32
    %mul3A_17 = arith.muli %arg1, %mul3A_16 : i32
    %add3A_18 = arith.constant 128 : i32
    %add3A_19 = arith.addi %mul3A_17, %add3A_18 : i32
    %dma_start3A_20 = arith.constant 0 : i32
    %dma_start3A_21 = tpu.memref_slice %arg12[%add3A_19, %dma_start3A_20] : memref<10240x128xf32, #tpu.memory_space<vmem_shared>> -> memref<128x128xf32, #tpu.memory_space<vmem_shared>>
    %dma_start3A_22 = arith.constant 0 : i32
    %dma_start3A_23 = tpu.memref_slice %arg12[%add3A_19, %dma_start3A_22] : memref<10240x128xf32, #tpu.memory_space<vmem_shared>> -> memref<128x128xf32, #tpu.memory_space<vmem_shared>>
    tpu.enqueue_dma source(%arg10 : memref<128x128xf32, #tpu.memory_space<vmem>>) target(%dma_start3A_23 : memref<128x128xf32, #tpu.memory_space<vmem_shared>>) target_semaphore(%arg13 : memref<!tpu.dma_semaphore, #tpu.memory_space<semaphore_mem>>)
    %mul3A_24 = arith.constant 640 : i32
    %mul3A_25 = arith.muli %arg1, %mul3A_24 : i32
    %add3A_26 = arith.constant 256 : i32
    %add3A_27 = arith.addi %mul3A_25, %add3A_26 : i32
    %dma_start3A_28 = arith.constant 0 : i32
    %dma_start3A_29 = tpu.memref_slice %arg12[%add3A_27, %dma_start3A_28] : memref<10240x128xf32, #tpu.memory_space<vmem_shared>> -> memref<128x128xf32, #tpu.memory_space<vmem_shared>>
    %dma_start3A_30 = arith.constant 0 : i32
    %dma_start3A_31 = tpu.memref_slice %arg12[%add3A_27, %dma_start3A_30] : memref<10240x128xf32, #tpu.memory_space<vmem_shared>> -> memref<128x128xf32, #tpu.memory_space<vmem_shared>>
    tpu.enqueue_dma source(%arg10 : memref<128x128xf32, #tpu.memory_space<vmem>>) target(%dma_start3A_31 : memref<128x128xf32, #tpu.memory_space<vmem_shared>>) target_semaphore(%arg13 : memref<!tpu.dma_semaphore, #tpu.memory_space<semaphore_mem>>)
    %mul3A_32 = arith.constant 640 : i32
    %mul3A_33 = arith.muli %arg1, %mul3A_32 : i32
    %add3A_34 = arith.constant 384 : i32
    %add3A_35 = arith.addi %mul3A_33, %add3A_34 : i32
    %dma_start3A_36 = arith.constant 0 : i32
    %dma_start3A_37 = tpu.memref_slice %arg12[%add3A_35, %dma_start3A_36] : memref<10240x128xf32, #tpu.memory_space<vmem_shared>> -> memref<128x128xf32, #tpu.memory_space<vmem_shared>>
    %dma_start3A_38 = arith.constant 0 : i32
    %dma_start3A_39 = tpu.memref_slice %arg12[%add3A_35, %dma_start3A_38] : memref<10240x128xf32, #tpu.memory_space<vmem_shared>> -> memref<128x128xf32, #tpu.memory_space<vmem_shared>>
    tpu.enqueue_dma source(%arg10 : memref<128x128xf32, #tpu.memory_space<vmem>>) target(%dma_start3A_39 : memref<128x128xf32, #tpu.memory_space<vmem_shared>>) target_semaphore(%arg13 : memref<!tpu.dma_semaphore, #tpu.memory_space<semaphore_mem>>)
    %mul3A_40 = arith.constant 640 : i32
    %mul3A_41 = arith.muli %arg1, %mul3A_40 : i32
    %add3A_42 = arith.constant 512 : i32
    %add3A_43 = arith.addi %mul3A_41, %add3A_42 : i32
    %dma_start3A_44 = arith.constant 0 : i32
    %dma_start3A_45 = tpu.memref_slice %arg12[%add3A_43, %dma_start3A_44] : memref<10240x128xf32, #tpu.memory_space<vmem_shared>> -> memref<128x128xf32, #tpu.memory_space<vmem_shared>>
    %dma_start3A_46 = arith.constant 0 : i32
    %dma_start3A_47 = tpu.memref_slice %arg12[%add3A_43, %dma_start3A_46] : memref<10240x128xf32, #tpu.memory_space<vmem_shared>> -> memref<128x128xf32, #tpu.memory_space<vmem_shared>>
    tpu.enqueue_dma source(%arg10 : memref<128x128xf32, #tpu.memory_space<vmem>>) target(%dma_start3A_47 : memref<128x128xf32, #tpu.memory_space<vmem_shared>>) target_semaphore(%arg13 : memref<!tpu.dma_semaphore, #tpu.memory_space<semaphore_mem>>)
    %mul3A_48 = arith.constant 640 : i32
    %mul3A_49 = arith.muli %arg1, %mul3A_48 : i32
    %add3A_50 = arith.constant 0 : i32
    %add3A_51 = arith.addi %mul3A_49, %add3A_50 : i32
    %dma_wait3A = arith.constant 0 : i32
    %dma_wait3A_52 = tpu.memref_slice %arg12[%add3A_51, %dma_wait3A] : memref<10240x128xf32, #tpu.memory_space<vmem_shared>> -> memref<128x128xf32, #tpu.memory_space<vmem_shared>>
    %dma_wait3A_53 = arith.constant 0 : i32
    %dma_wait3A_54 = tpu.memref_slice %arg12[%add3A_51, %dma_wait3A_53] : memref<10240x128xf32, #tpu.memory_space<vmem_shared>> -> memref<128x128xf32, #tpu.memory_space<vmem_shared>>
    tpu.wait_dma2 semaphore(%arg13 : memref<!tpu.dma_semaphore, #tpu.memory_space<semaphore_mem>>) src(%arg10 : memref<128x128xf32, #tpu.memory_space<vmem>>) dst(%dma_wait3A_54 : memref<128x128xf32, #tpu.memory_space<vmem_shared>>)
    %mul3A_55 = arith.constant 640 : i32
    %mul3A_56 = arith.muli %arg1, %mul3A_55 : i32
    %add3A_57 = arith.constant 128 : i32
    %add3A_58 = arith.addi %mul3A_56, %add3A_57 : i32
    %dma_wait3A_59 = arith.constant 0 : i32
    %dma_wait3A_60 = tpu.memref_slice %arg12[%add3A_58, %dma_wait3A_59] : memref<10240x128xf32, #tpu.memory_space<vmem_shared>> -> memref<128x128xf32, #tpu.memory_space<vmem_shared>>
    %dma_wait3A_61 = arith.constant 0 : i32
    %dma_wait3A_62 = tpu.memref_slice %arg12[%add3A_58, %dma_wait3A_61] : memref<10240x128xf32, #tpu.memory_space<vmem_shared>> -> memref<128x128xf32, #tpu.memory_space<vmem_shared>>
    tpu.wait_dma2 semaphore(%arg13 : memref<!tpu.dma_semaphore, #tpu.memory_space<semaphore_mem>>) src(%arg10 : memref<128x128xf32, #tpu.memory_space<vmem>>) dst(%dma_wait3A_62 : memref<128x128xf32, #tpu.memory_space<vmem_shared>>)
    %mul3A_63 = arith.constant 640 : i32
    %mul3A_64 = arith.muli %arg1, %mul3A_63 : i32
    %add3A_65 = arith.constant 256 : i32
    %add3A_66 = arith.addi %mul3A_64, %add3A_65 : i32
    %dma_wait3A_67 = arith.constant 0 : i32
    %dma_wait3A_68 = tpu.memref_slice %arg12[%add3A_66, %dma_wait3A_67] : memref<10240x128xf32, #tpu.memory_space<vmem_shared>> -> memref<128x128xf32, #tpu.memory_space<vmem_shared>>
    %dma_wait3A_69 = arith.constant 0 : i32
    %dma_wait3A_70 = tpu.memref_slice %arg12[%add3A_66, %dma_wait3A_69] : memref<10240x128xf32, #tpu.memory_space<vmem_shared>> -> memref<128x128xf32, #tpu.memory_space<vmem_shared>>
    tpu.wait_dma2 semaphore(%arg13 : memref<!tpu.dma_semaphore, #tpu.memory_space<semaphore_mem>>) src(%arg10 : memref<128x128xf32, #tpu.memory_space<vmem>>) dst(%dma_wait3A_70 : memref<128x128xf32, #tpu.memory_space<vmem_shared>>)
    %mul3A_71 = arith.constant 640 : i32
    %mul3A_72 = arith.muli %arg1, %mul3A_71 : i32
    %add3A_73 = arith.constant 384 : i32
    %add3A_74 = arith.addi %mul3A_72, %add3A_73 : i32
    %dma_wait3A_75 = arith.constant 0 : i32
    %dma_wait3A_76 = tpu.memref_slice %arg12[%add3A_74, %dma_wait3A_75] : memref<10240x128xf32, #tpu.memory_space<vmem_shared>> -> memref<128x128xf32, #tpu.memory_space<vmem_shared>>
    %dma_wait3A_77 = arith.constant 0 : i32
    %dma_wait3A_78 = tpu.memref_slice %arg12[%add3A_74, %dma_wait3A_77] : memref<10240x128xf32, #tpu.memory_space<vmem_shared>> -> memref<128x128xf32, #tpu.memory_space<vmem_shared>>
    tpu.wait_dma2 semaphore(%arg13 : memref<!tpu.dma_semaphore, #tpu.memory_space<semaphore_mem>>) src(%arg10 : memref<128x128xf32, #tpu.memory_space<vmem>>) dst(%dma_wait3A_78 : memref<128x128xf32, #tpu.memory_space<vmem_shared>>)
    %mul3A_79 = arith.constant 640 : i32
    %mul3A_80 = arith.muli %arg1, %mul3A_79 : i32
    %add3A_81 = arith.constant 512 : i32
    %add3A_82 = arith.addi %mul3A_80, %add3A_81 : i32
    %dma_wait3A_83 = arith.constant 0 : i32
    %dma_wait3A_84 = tpu.memref_slice %arg12[%add3A_82, %dma_wait3A_83] : memref<10240x128xf32, #tpu.memory_space<vmem_shared>> -> memref<128x128xf32, #tpu.memory_space<vmem_shared>>
    %dma_wait3A_85 = arith.constant 0 : i32
    %dma_wait3A_86 = tpu.memref_slice %arg12[%add3A_82, %dma_wait3A_85] : memref<10240x128xf32, #tpu.memory_space<vmem_shared>> -> memref<128x128xf32, #tpu.memory_space<vmem_shared>>
    tpu.wait_dma2 semaphore(%arg13 : memref<!tpu.dma_semaphore, #tpu.memory_space<semaphore_mem>>) src(%arg10 : memref<128x128xf32, #tpu.memory_space<vmem>>) dst(%dma_wait3A_86 : memref<128x128xf32, #tpu.memory_space<vmem_shared>>)
    %barrier3A = arith.constant 0 : index
    tpu.barrier barrier_id(%barrier3A)
    %mul3A_87 = arith.constant 2 : i32
    %mul3A_88 = arith.muli %select_n3A_8, %mul3A_87 : i32
    %mul3A_89 = arith.constant 128 : i32
    %mul3A_90 = arith.muli %mul3A_88, %mul3A_89 : i32
    "tpu.region"() ({
      %run_scoped3A = tpu.sem_alloc : memref<!tpu.dma_semaphore, #tpu.memory_space<semaphore_mem>>
      %dma_start3A_272 = tpu.memref_slice %arg3[%mul3A_90] : memref<647168xi32, #tpu.memory_space<hbm>> -> memref<256xi32, #tpu.memory_space<hbm>>
      %dma_start3A_273 = tpu.memref_slice %arg3[%mul3A_90] : memref<647168xi32, #tpu.memory_space<hbm>> -> memref<256xi32, #tpu.memory_space<hbm>>
      tpu.enqueue_dma source(%dma_start3A_273 : memref<256xi32, #tpu.memory_space<hbm>>) target(%arg6 : memref<256xi32, #tpu.memory_space<vmem>>) target_semaphore(%run_scoped3A : memref<!tpu.dma_semaphore, #tpu.memory_space<semaphore_mem>>)
      %dma_wait3A_274 = tpu.memref_slice %arg3[%mul3A_90] : memref<647168xi32, #tpu.memory_space<hbm>> -> memref<256xi32, #tpu.memory_space<hbm>>
      %dma_wait3A_275 = tpu.memref_slice %arg3[%mul3A_90] : memref<647168xi32, #tpu.memory_space<hbm>> -> memref<256xi32, #tpu.memory_space<hbm>>
      tpu.wait_dma2 semaphore(%run_scoped3A : memref<!tpu.dma_semaphore, #tpu.memory_space<semaphore_mem>>) src(%dma_wait3A_275 : memref<256xi32, #tpu.memory_space<hbm>>) dst(%arg6 : memref<256xi32, #tpu.memory_space<vmem>>)
      tpu.yield
    }) : () -> ()
    %add3A_91 = arith.constant 1 : i32
    %add3A_92 = arith.addi %select_n3A_8, %add3A_91 : i32
    %mul3A_93 = arith.constant 2 : i32
    %mul3A_94 = arith.muli %add3A_92, %mul3A_93 : i32
    %mul3A_95 = arith.constant 128 : i32
    %mul3A_96 = arith.muli %mul3A_94, %mul3A_95 : i32
    %dma_start3A_97 = tpu.memref_slice %arg3[%mul3A_96] : memref<647168xi32, #tpu.memory_space<hbm>> -> memref<256xi32, #tpu.memory_space<hbm>>
    %dma_start3A_98 = tpu.memref_slice %arg3[%mul3A_96] : memref<647168xi32, #tpu.memory_space<hbm>> -> memref<256xi32, #tpu.memory_space<hbm>>
    tpu.enqueue_dma source(%dma_start3A_98 : memref<256xi32, #tpu.memory_space<hbm>>) target(%arg7 : memref<256xi32, #tpu.memory_space<vmem>>) target_semaphore(%arg14 : memref<!tpu.dma_semaphore, #tpu.memory_space<semaphore_mem>>)
    %dma_start3A_99 = arith.constant 0 : i32
    %dma_start3A_100 = tpu.memref_slice %arg6[%dma_start3A_99] : memref<256xi32, #tpu.memory_space<vmem>> -> memref<128xi32, #tpu.memory_space<vmem>>
    %dma_start3A_101 = arith.constant 0 : i32
    %dma_start3A_102 = arith.constant 0 : i32
    %dma_start3A_103 = tpu.memref_slice %arg2[%dma_start3A_101, %dma_start3A_102] : memref<10000x128xf32, #tpu.memory_space<hbm>> -> memref<10000x128xf32, #tpu.memory_space<hbm>>
    tpu.enqueue_indirect_dma source(%dma_start3A_103 : memref<10000x128xf32, #tpu.memory_space<hbm>>) target(%arg10 : memref<128x128xf32, #tpu.memory_space<vmem>>) offsets(%dma_start3A_100 : memref<128xi32, #tpu.memory_space<vmem>>) semaphore(%arg15 : memref<!tpu.dma_semaphore, #tpu.memory_space<semaphore_mem>>)
    %jit3A_104 = arith.constant 2 : i32
    %div3A = arith.divsi %select_n3A, %jit3A_104 : i32
    %sign3A = arith.constant 0 : i32
    %sign3A_105 = arith.cmpi sgt, %select_n3A, %sign3A : i32
    %sign3A_106 = arith.extui %sign3A_105 : i1 to i32
    %sign3A_107 = arith.constant 0 : i32
    %sign3A_108 = arith.cmpi slt, %select_n3A, %sign3A_107 : i32
    %sign3A_109 = arith.extui %sign3A_108 : i1 to i32
    %sign3A_110 = arith.subi %sign3A_106, %sign3A_109 : i32
    %sign3A_111 = arith.constant 0 : i32
    %sign3A_112 = arith.cmpi sgt, %jit3A_104, %sign3A_111 : i32
    %sign3A_113 = arith.extui %sign3A_112 : i1 to i32
    %sign3A_114 = arith.constant 0 : i32
    %sign3A_115 = arith.cmpi slt, %jit3A_104, %sign3A_114 : i32
    %sign3A_116 = arith.extui %sign3A_115 : i1 to i32
    %sign3A_117 = arith.subi %sign3A_113, %sign3A_116 : i32
    %ne3A = arith.cmpi ne, %sign3A_110, %sign3A_117 : i32
    %rem3A = arith.remsi %select_n3A, %jit3A_104 : i32
    %ne3A_118 = arith.constant 0 : i32
    %ne3A_119 = arith.cmpi ne, %rem3A, %ne3A_118 : i32
    %and3A = arith.andi %ne3A, %ne3A_119 : i1
    %sub3A = arith.constant 1 : i32
    %sub3A_120 = arith.subi %div3A, %sub3A : i32
    %select_n3A_121 = arith.select %and3A, %sub3A_120, %div3A : i32
    %while3A = arith.constant 0 : i32
    %while3A_122 = arith.constant 0 : i32
    %while3A_123 = arith.subi %select_n3A_121, %while3A_122 : i32
    %while3A_124 = arith.addi %while3A_122, %while3A_123 : i32
    %while3A_125 = arith.constant 1 : i32
    %while3A_126 = arith.divsi %while3A_123, %while3A_125 : i32
    %while3A_127 = arith.muli %while3A_126, %while3A_125 : i32
    %while3A_128 = arith.addi %while3A_122, %while3A_127 : i32
    %while3A_129 = arith.constant 1 : i32
    scf.for %while3A_272 = %while3A_122 to %while3A_128 step %while3A_129  : i32 {
      %mul3A_273 = arith.constant 2 : i32
      %mul3A_274 = arith.muli %while3A_272, %mul3A_273 : i32
      %add3A_275 = arith.constant 0 : i32
      %add3A_276 = arith.addi %mul3A_274, %add3A_275 : i32
      %dma_wait3A_277 = arith.constant 0 : i32
      %dma_wait3A_278 = tpu.memref_slice %arg6[%dma_wait3A_277] : memref<256xi32, #tpu.memory_space<vmem>> -> memref<128xi32, #tpu.memory_space<vmem>>
      %dma_wait3A_279 = arith.constant 0 : i32
      %dma_wait3A_280 = arith.constant 0 : i32
      %dma_wait3A_281 = tpu.memref_slice %arg2[%dma_wait3A_279, %dma_wait3A_280] : memref<10000x128xf32, #tpu.memory_space<hbm>> -> memref<10000x128xf32, #tpu.memory_space<hbm>>
      tpu.wait_indirect_dma semaphore(%arg15 : memref<!tpu.dma_semaphore, #tpu.memory_space<semaphore_mem>>) src(%dma_wait3A_281 : memref<10000x128xf32, #tpu.memory_space<hbm>>) dst(%arg10 : memref<128x128xf32, #tpu.memory_space<vmem>>)
      %get3A = arith.constant 128 : index
      %get3A_282 = tpu.vector_load %arg6[%get3A] {strides = array<i32>} : memref<256xi32, #tpu.memory_space<vmem>>, vector<16xi32>,
      %get3A_283 = vector.shape_cast %get3A_282 : vector<16xi32> to vector<16xi32>
      %swap3A = arith.constant 0 : index
      %swap3A_284 = tpu.vector_load %arg8[%swap3A] {strides = array<i32>} : memref<128xi32, #tpu.memory_space<vmem>>, vector<16xi32>,
      %swap3A_285 = vector.shape_cast %swap3A_284 : vector<16xi32> to vector<16xi32>
      %swap3A_286 = vector.shape_cast %get3A_283 : vector<16xi32> to vector<16xi32>
      tpu.vector_store %arg8[%swap3A], %swap3A_286 {strides = array<i32>} : memref<128xi32, #tpu.memory_space<vmem>>, vector<16xi32>,
      %get3A_287 = arith.constant 144 : index
      %get3A_288 = tpu.vector_load %arg6[%get3A_287] {strides = array<i32>} : memref<256xi32, #tpu.memory_space<vmem>>, vector<16xi32>,
      %get3A_289 = vector.shape_cast %get3A_288 : vector<16xi32> to vector<16xi32>
      %swap3A_290 = arith.constant 16 : index
      %swap3A_291 = tpu.vector_load %arg8[%swap3A_290] {strides = array<i32>} : memref<128xi32, #tpu.memory_space<vmem>>, vector<16xi32>,
      %swap3A_292 = vector.shape_cast %swap3A_291 : vector<16xi32> to vector<16xi32>
      %swap3A_293 = vector.shape_cast %get3A_289 : vector<16xi32> to vector<16xi32>
      tpu.vector_store %arg8[%swap3A_290], %swap3A_293 {strides = array<i32>} : memref<128xi32, #tpu.memory_space<vmem>>, vector<16xi32>,
      %get3A_294 = arith.constant 160 : index
      %get3A_295 = tpu.vector_load %arg6[%get3A_294] {strides = array<i32>} : memref<256xi32, #tpu.memory_space<vmem>>, vector<16xi32>,
      %get3A_296 = vector.shape_cast %get3A_295 : vector<16xi32> to vector<16xi32>
      %swap3A_297 = arith.constant 32 : index
      %swap3A_298 = tpu.vector_load %arg8[%swap3A_297] {strides = array<i32>} : memref<128xi32, #tpu.memory_space<vmem>>, vector<16xi32>,
      %swap3A_299 = vector.shape_cast %swap3A_298 : vector<16xi32> to vector<16xi32>
      %swap3A_300 = vector.shape_cast %get3A_296 : vector<16xi32> to vector<16xi32>
      tpu.vector_store %arg8[%swap3A_297], %swap3A_300 {strides = array<i32>} : memref<128xi32, #tpu.memory_space<vmem>>, vector<16xi32>,
      %get3A_301 = arith.constant 176 : index
      %get3A_302 = tpu.vector_load %arg6[%get3A_301] {strides = array<i32>} : memref<256xi32, #tpu.memory_space<vmem>>, vector<16xi32>,
      %get3A_303 = vector.shape_cast %get3A_302 : vector<16xi32> to vector<16xi32>
      %swap3A_304 = arith.constant 48 : index
      %swap3A_305 = tpu.vector_load %arg8[%swap3A_304] {strides = array<i32>} : memref<128xi32, #tpu.memory_space<vmem>>, vector<16xi32>,
      %swap3A_306 = vector.shape_cast %swap3A_305 : vector<16xi32> to vector<16xi32>
      %swap3A_307 = vector.shape_cast %get3A_303 : vector<16xi32> to vector<16xi32>
      tpu.vector_store %arg8[%swap3A_304], %swap3A_307 {strides = array<i32>} : memref<128xi32, #tpu.memory_space<vmem>>, vector<16xi32>,
      %get3A_308 = arith.constant 192 : index
      %get3A_309 = tpu.vector_load %arg6[%get3A_308] {strides = array<i32>} : memref<256xi32, #tpu.memory_space<vmem>>, vector<16xi32>,
      %get3A_310 = vector.shape_cast %get3A_309 : vector<16xi32> to vector<16xi32>
      %swap3A_311 = arith.constant 64 : index
      %swap3A_312 = tpu.vector_load %arg8[%swap3A_311] {strides = array<i32>} : memref<128xi32, #tpu.memory_space<vmem>>, vector<16xi32>,
      %swap3A_313 = vector.shape_cast %swap3A_312 : vector<16xi32> to vector<16xi32>
      %swap3A_314 = vector.shape_cast %get3A_310 : vector<16xi32> to vector<16xi32>
      tpu.vector_store %arg8[%swap3A_311], %swap3A_314 {strides = array<i32>} : memref<128xi32, #tpu.memory_space<vmem>>, vector<16xi32>,
      %get3A_315 = arith.constant 208 : index
      %get3A_316 = tpu.vector_load %arg6[%get3A_315] {strides = array<i32>} : memref<256xi32, #tpu.memory_space<vmem>>, vector<16xi32>,
      %get3A_317 = vector.shape_cast %get3A_316 : vector<16xi32> to vector<16xi32>
      %swap3A_318 = arith.constant 80 : index
      %swap3A_319 = tpu.vector_load %arg8[%swap3A_318] {strides = array<i32>} : memref<128xi32, #tpu.memory_space<vmem>>, vector<16xi32>,
      %swap3A_320 = vector.shape_cast %swap3A_319 : vector<16xi32> to vector<16xi32>
      %swap3A_321 = vector.shape_cast %get3A_317 : vector<16xi32> to vector<16xi32>
      tpu.vector_store %arg8[%swap3A_318], %swap3A_321 {strides = array<i32>} : memref<128xi32, #tpu.memory_space<vmem>>, vector<16xi32>,
      %get3A_322 = arith.constant 224 : index
      %get3A_323 = tpu.vector_load %arg6[%get3A_322] {strides = array<i32>} : memref<256xi32, #tpu.memory_space<vmem>>, vector<16xi32>,
      %get3A_324 = vector.shape_cast %get3A_323 : vector<16xi32> to vector<16xi32>
      %swap3A_325 = arith.constant 96 : index
      %swap3A_326 = tpu.vector_load %arg8[%swap3A_325] {strides = array<i32>} : memref<128xi32, #tpu.memory_space<vmem>>, vector<16xi32>,
      %swap3A_327 = vector.shape_cast %swap3A_326 : vector<16xi32> to vector<16xi32>
      %swap3A_328 = vector.shape_cast %get3A_324 : vector<16xi32> to vector<16xi32>
      tpu.vector_store %arg8[%swap3A_325], %swap3A_328 {strides = array<i32>} : memref<128xi32, #tpu.memory_space<vmem>>, vector<16xi32>,
      %get3A_329 = arith.constant 240 : index
      %get3A_330 = tpu.vector_load %arg6[%get3A_329] {strides = array<i32>} : memref<256xi32, #tpu.memory_space<vmem>>, vector<16xi32>,
      %get3A_331 = vector.shape_cast %get3A_330 : vector<16xi32> to vector<16xi32>
      %swap3A_332 = arith.constant 112 : index
      %swap3A_333 = tpu.vector_load %arg8[%swap3A_332] {strides = array<i32>} : memref<128xi32, #tpu.memory_space<vmem>>, vector<16xi32>,
      %swap3A_334 = vector.shape_cast %swap3A_333 : vector<16xi32> to vector<16xi32>
      %swap3A_335 = vector.shape_cast %get3A_331 : vector<16xi32> to vector<16xi32>
      tpu.vector_store %arg8[%swap3A_332], %swap3A_335 {strides = array<i32>} : memref<128xi32, #tpu.memory_space<vmem>>, vector<16xi32>,
      %add3A_336 = arith.constant 2 : i32
      %add3A_337 = arith.addi %add3A_276, %add3A_336 : i32
      %lt3A = arith.cmpi slt, %add3A_337, %select_n3A : i32
      %convert_element_type3A = arith.extui %lt3A : i1 to i32
      %cond3A = arith.constant 0 : i32
      %cond3A_338 = arith.cmpi ne, %convert_element_type3A, %cond3A : i32
      scf.if %cond3A_338 {
        %add3A_428 = arith.addi %select_n3A_8, %add3A_276 : i32
        %add3A_429 = arith.constant 2 : i32
        %add3A_430 = arith.addi %add3A_428, %add3A_429 : i32
        %mul3A_431 = arith.constant 2 : i32
        %mul3A_432 = arith.muli %add3A_430, %mul3A_431 : i32
        %mul3A_433 = arith.constant 128 : i32
        %mul3A_434 = arith.muli %mul3A_432, %mul3A_433 : i32
        %dma_start3A_435 = tpu.memref_slice %arg3[%mul3A_434] : memref<647168xi32, #tpu.memory_space<hbm>> -> memref<256xi32, #tpu.memory_space<hbm>>
        %dma_start3A_436 = tpu.memref_slice %arg3[%mul3A_434] : memref<647168xi32, #tpu.memory_space<hbm>> -> memref<256xi32, #tpu.memory_space<hbm>>
        tpu.enqueue_dma source(%dma_start3A_436 : memref<256xi32, #tpu.memory_space<hbm>>) target(%arg6 : memref<256xi32, #tpu.memory_space<vmem>>) target_semaphore(%arg13 : memref<!tpu.dma_semaphore, #tpu.memory_space<semaphore_mem>>)
      } else {
      }
      %add3A_339 = arith.constant 1 : i32
      %add3A_340 = arith.addi %add3A_276, %add3A_339 : i32
      %lt3A_341 = arith.cmpi slt, %add3A_340, %select_n3A : i32
      %convert_element_type3A_342 = arith.extui %lt3A_341 : i1 to i32
      %cond3A_343 = arith.constant 0 : i32
      %cond3A_344 = arith.cmpi ne, %convert_element_type3A_342, %cond3A_343 : i32
      scf.if %cond3A_344 {
        %mul3A_428 = arith.constant 2 : i32
        %mul3A_429 = arith.muli %select_n3A_8, %mul3A_428 : i32
        %mul3A_430 = arith.constant 128 : i32
        %mul3A_431 = arith.muli %mul3A_429, %mul3A_430 : i32
        %dma_wait3A_432 = tpu.memref_slice %arg3[%mul3A_431] : memref<647168xi32, #tpu.memory_space<hbm>> -> memref<256xi32, #tpu.memory_space<hbm>>
        %dma_wait3A_433 = tpu.memref_slice %arg3[%mul3A_431] : memref<647168xi32, #tpu.memory_space<hbm>> -> memref<256xi32, #tpu.memory_space<hbm>>
        tpu.wait_dma2 semaphore(%arg14 : memref<!tpu.dma_semaphore, #tpu.memory_space<semaphore_mem>>) src(%dma_wait3A_433 : memref<256xi32, #tpu.memory_space<hbm>>) dst(%arg7 : memref<256xi32, #tpu.memory_space<vmem>>)
        %ge3A = arith.constant 1 : i32
        %ge3A_434 = arith.cmpi sge, %add3A_276, %ge3A : i32
        %convert_element_type3A_435 = arith.extui %ge3A_434 : i1 to i32
        %cond3A_436 = arith.constant 0 : i32
        %cond3A_437 = arith.cmpi ne, %convert_element_type3A_435, %cond3A_436 : i32
        scf.if %cond3A_437 {
          %dma_wait3A_443 = arith.constant 0 : i32
          %dma_wait3A_444 = arith.constant 0 : i32
          %dma_wait3A_445 = tpu.memref_slice %arg12[%dma_wait3A_443, %dma_wait3A_444] : memref<10240x128xf32, #tpu.memory_space<vmem_shared>> -> memref<10240x128xf32, #tpu.memory_space<vmem_shared>>
          tpu.wait_indirect_dma semaphore(%arg18 : memref<!tpu.dma_semaphore, #tpu.memory_space<semaphore_mem>>) src(%arg11 : memref<128x128xf32, #tpu.memory_space<vmem>>) dst(%dma_wait3A_445 : memref<10240x128xf32, #tpu.memory_space<vmem_shared>>)
        } else {
        }
        %dma_start3A_438 = arith.constant 0 : i32
        %dma_start3A_439 = tpu.memref_slice %arg7[%dma_start3A_438] : memref<256xi32, #tpu.memory_space<vmem>> -> memref<128xi32, #tpu.memory_space<vmem>>
        %dma_start3A_440 = arith.constant 0 : i32
        %dma_start3A_441 = arith.constant 0 : i32
        %dma_start3A_442 = tpu.memref_slice %arg2[%dma_start3A_440, %dma_start3A_441] : memref<10000x128xf32, #tpu.memory_space<hbm>> -> memref<10000x128xf32, #tpu.memory_space<hbm>>
        tpu.enqueue_indirect_dma source(%dma_start3A_442 : memref<10000x128xf32, #tpu.memory_space<hbm>>) target(%arg11 : memref<128x128xf32, #tpu.memory_space<vmem>>) offsets(%dma_start3A_439 : memref<128xi32, #tpu.memory_space<vmem>>) semaphore(%arg16 : memref<!tpu.dma_semaphore, #tpu.memory_space<semaphore_mem>>)
      } else {
      }
      %dma_start3A_345 = arith.constant 0 : i32
      %dma_start3A_346 = arith.constant 0 : i32
      %dma_start3A_347 = tpu.memref_slice %arg12[%dma_start3A_345, %dma_start3A_346] : memref<10240x128xf32, #tpu.memory_space<vmem_shared>> -> memref<10240x128xf32, #tpu.memory_space<vmem_shared>>
      tpu.enqueue_indirect_dma source(%arg10 : memref<128x128xf32, #tpu.memory_space<vmem>>) target(%dma_start3A_347 : memref<10240x128xf32, #tpu.memory_space<vmem_shared>>) offsets(%arg8 : memref<128xi32, #tpu.memory_space<vmem>>) semaphore(%arg17 : memref<!tpu.dma_semaphore, #tpu.memory_space<semaphore_mem>>) {add = true}
      %mul3A_348 = arith.constant 2 : i32
      %mul3A_349 = arith.muli %while3A_272, %mul3A_348 : i32
      %add3A_350 = arith.constant 1 : i32
      %add3A_351 = arith.addi %mul3A_349, %add3A_350 : i32
      %dma_wait3A_352 = arith.constant 0 : i32
      %dma_wait3A_353 = tpu.memref_slice %arg7[%dma_wait3A_352] : memref<256xi32, #tpu.memory_space<vmem>> -> memref<128xi32, #tpu.memory_space<vmem>>
      %dma_wait3A_354 = arith.constant 0 : i32
      %dma_wait3A_355 = arith.constant 0 : i32
      %dma_wait3A_356 = tpu.memref_slice %arg2[%dma_wait3A_354, %dma_wait3A_355] : memref<10000x128xf32, #tpu.memory_space<hbm>> -> memref<10000x128xf32, #tpu.memory_space<hbm>>
      tpu.wait_indirect_dma semaphore(%arg16 : memref<!tpu.dma_semaphore, #tpu.memory_space<semaphore_mem>>) src(%dma_wait3A_356 : memref<10000x128xf32, #tpu.memory_space<hbm>>) dst(%arg11 : memref<128x128xf32, #tpu.memory_space<vmem>>)
      %get3A_357 = arith.constant 128 : index
      %get3A_358 = tpu.vector_load %arg7[%get3A_357] {strides = array<i32>} : memref<256xi32, #tpu.memory_space<vmem>>, vector<16xi32>,
      %get3A_359 = vector.shape_cast %get3A_358 : vector<16xi32> to vector<16xi32>
      %swap3A_360 = arith.constant 0 : index
      %swap3A_361 = tpu.vector_load %arg9[%swap3A_360] {strides = array<i32>} : memref<128xi32, #tpu.memory_space<vmem>>, vector<16xi32>,
      %swap3A_362 = vector.shape_cast %swap3A_361 : vector<16xi32> to vector<16xi32>
      %swap3A_363 = vector.shape_cast %get3A_359 : vector<16xi32> to vector<16xi32>
      tpu.vector_store %arg9[%swap3A_360], %swap3A_363 {strides = array<i32>} : memref<128xi32, #tpu.memory_space<vmem>>, vector<16xi32>,
      %get3A_364 = arith.constant 144 : index
      %get3A_365 = tpu.vector_load %arg7[%get3A_364] {strides = array<i32>} : memref<256xi32, #tpu.memory_space<vmem>>, vector<16xi32>,
      %get3A_366 = vector.shape_cast %get3A_365 : vector<16xi32> to vector<16xi32>
      %swap3A_367 = arith.constant 16 : index
      %swap3A_368 = tpu.vector_load %arg9[%swap3A_367] {strides = array<i32>} : memref<128xi32, #tpu.memory_space<vmem>>, vector<16xi32>,
      %swap3A_369 = vector.shape_cast %swap3A_368 : vector<16xi32> to vector<16xi32>
      %swap3A_370 = vector.shape_cast %get3A_366 : vector<16xi32> to vector<16xi32>
      tpu.vector_store %arg9[%swap3A_367], %swap3A_370 {strides = array<i32>} : memref<128xi32, #tpu.memory_space<vmem>>, vector<16xi32>,
      %get3A_371 = arith.constant 160 : index
      %get3A_372 = tpu.vector_load %arg7[%get3A_371] {strides = array<i32>} : memref<256xi32, #tpu.memory_space<vmem>>, vector<16xi32>,
      %get3A_373 = vector.shape_cast %get3A_372 : vector<16xi32> to vector<16xi32>
      %swap3A_374 = arith.constant 32 : index
      %swap3A_375 = tpu.vector_load %arg9[%swap3A_374] {strides = array<i32>} : memref<128xi32, #tpu.memory_space<vmem>>, vector<16xi32>,
      %swap3A_376 = vector.shape_cast %swap3A_375 : vector<16xi32> to vector<16xi32>
      %swap3A_377 = vector.shape_cast %get3A_373 : vector<16xi32> to vector<16xi32>
      tpu.vector_store %arg9[%swap3A_374], %swap3A_377 {strides = array<i32>} : memref<128xi32, #tpu.memory_space<vmem>>, vector<16xi32>,
      %get3A_378 = arith.constant 176 : index
      %get3A_379 = tpu.vector_load %arg7[%get3A_378] {strides = array<i32>} : memref<256xi32, #tpu.memory_space<vmem>>, vector<16xi32>,
      %get3A_380 = vector.shape_cast %get3A_379 : vector<16xi32> to vector<16xi32>
      %swap3A_381 = arith.constant 48 : index
      %swap3A_382 = tpu.vector_load %arg9[%swap3A_381] {strides = array<i32>} : memref<128xi32, #tpu.memory_space<vmem>>, vector<16xi32>,
      %swap3A_383 = vector.shape_cast %swap3A_382 : vector<16xi32> to vector<16xi32>
      %swap3A_384 = vector.shape_cast %get3A_380 : vector<16xi32> to vector<16xi32>
      tpu.vector_store %arg9[%swap3A_381], %swap3A_384 {strides = array<i32>} : memref<128xi32, #tpu.memory_space<vmem>>, vector<16xi32>,
      %get3A_385 = arith.constant 192 : index
      %get3A_386 = tpu.vector_load %arg7[%get3A_385] {strides = array<i32>} : memref<256xi32, #tpu.memory_space<vmem>>, vector<16xi32>,
      %get3A_387 = vector.shape_cast %get3A_386 : vector<16xi32> to vector<16xi32>
      %swap3A_388 = arith.constant 64 : index
      %swap3A_389 = tpu.vector_load %arg9[%swap3A_388] {strides = array<i32>} : memref<128xi32, #tpu.memory_space<vmem>>, vector<16xi32>,
      %swap3A_390 = vector.shape_cast %swap3A_389 : vector<16xi32> to vector<16xi32>
      %swap3A_391 = vector.shape_cast %get3A_387 : vector<16xi32> to vector<16xi32>
      tpu.vector_store %arg9[%swap3A_388], %swap3A_391 {strides = array<i32>} : memref<128xi32, #tpu.memory_space<vmem>>, vector<16xi32>,
      %get3A_392 = arith.constant 208 : index
      %get3A_393 = tpu.vector_load %arg7[%get3A_392] {strides = array<i32>} : memref<256xi32, #tpu.memory_space<vmem>>, vector<16xi32>,
      %get3A_394 = vector.shape_cast %get3A_393 : vector<16xi32> to vector<16xi32>
      %swap3A_395 = arith.constant 80 : index
      %swap3A_396 = tpu.vector_load %arg9[%swap3A_395] {strides = array<i32>} : memref<128xi32, #tpu.memory_space<vmem>>, vector<16xi32>,
      %swap3A_397 = vector.shape_cast %swap3A_396 : vector<16xi32> to vector<16xi32>
      %swap3A_398 = vector.shape_cast %get3A_394 : vector<16xi32> to vector<16xi32>
      tpu.vector_store %arg9[%swap3A_395], %swap3A_398 {strides = array<i32>} : memref<128xi32, #tpu.memory_space<vmem>>, vector<16xi32>,
      %get3A_399 = arith.constant 224 : index
      %get3A_400 = tpu.vector_load %arg7[%get3A_399] {strides = array<i32>} : memref<256xi32, #tpu.memory_space<vmem>>, vector<16xi32>,
      %get3A_401 = vector.shape_cast %get3A_400 : vector<16xi32> to vector<16xi32>
      %swap3A_402 = arith.constant 96 : index
      %swap3A_403 = tpu.vector_load %arg9[%swap3A_402] {strides = array<i32>} : memref<128xi32, #tpu.memory_space<vmem>>, vector<16xi32>,
      %swap3A_404 = vector.shape_cast %swap3A_403 : vector<16xi32> to vector<16xi32>
      %swap3A_405 = vector.shape_cast %get3A_401 : vector<16xi32> to vector<16xi32>
      tpu.vector_store %arg9[%swap3A_402], %swap3A_405 {strides = array<i32>} : memref<128xi32, #tpu.memory_space<vmem>>, vector<16xi32>,
      %get3A_406 = arith.constant 240 : index
      %get3A_407 = tpu.vector_load %arg7[%get3A_406] {strides = array<i32>} : memref<256xi32, #tpu.memory_space<vmem>>, vector<16xi32>,
      %get3A_408 = vector.shape_cast %get3A_407 : vector<16xi32> to vector<16xi32>
      %swap3A_409 = arith.constant 112 : index
      %swap3A_410 = tpu.vector_load %arg9[%swap3A_409] {strides = array<i32>} : memref<128xi32, #tpu.memory_space<vmem>>, vector<16xi32>,
      %swap3A_411 = vector.shape_cast %swap3A_410 : vector<16xi32> to vector<16xi32>
      %swap3A_412 = vector.shape_cast %get3A_408 : vector<16xi32> to vector<16xi32>
      tpu.vector_store %arg9[%swap3A_409], %swap3A_412 {strides = array<i32>} : memref<128xi32, #tpu.memory_space<vmem>>, vector<16xi32>,
      %add3A_413 = arith.constant 2 : i32
      %add3A_414 = arith.addi %add3A_351, %add3A_413 : i32
      %lt3A_415 = arith.cmpi slt, %add3A_414, %select_n3A : i32
      %convert_element_type3A_416 = arith.extui %lt3A_415 : i1 to i32
      %cond3A_417 = arith.constant 0 : i32
      %cond3A_418 = arith.cmpi ne, %convert_element_type3A_416, %cond3A_417 : i32
      scf.if %cond3A_418 {
        %add3A_428 = arith.addi %select_n3A_8, %add3A_351 : i32
        %add3A_429 = arith.constant 2 : i32
        %add3A_430 = arith.addi %add3A_428, %add3A_429 : i32
        %mul3A_431 = arith.constant 2 : i32
        %mul3A_432 = arith.muli %add3A_430, %mul3A_431 : i32
        %mul3A_433 = arith.constant 128 : i32
        %mul3A_434 = arith.muli %mul3A_432, %mul3A_433 : i32
        %dma_start3A_435 = tpu.memref_slice %arg3[%mul3A_434] : memref<647168xi32, #tpu.memory_space<hbm>> -> memref<256xi32, #tpu.memory_space<hbm>>
        %dma_start3A_436 = tpu.memref_slice %arg3[%mul3A_434] : memref<647168xi32, #tpu.memory_space<hbm>> -> memref<256xi32, #tpu.memory_space<hbm>>
        tpu.enqueue_dma source(%dma_start3A_436 : memref<256xi32, #tpu.memory_space<hbm>>) target(%arg7 : memref<256xi32, #tpu.memory_space<vmem>>) target_semaphore(%arg14 : memref<!tpu.dma_semaphore, #tpu.memory_space<semaphore_mem>>)
      } else {
      }
      %add3A_419 = arith.constant 1 : i32
      %add3A_420 = arith.addi %add3A_351, %add3A_419 : i32
      %lt3A_421 = arith.cmpi slt, %add3A_420, %select_n3A : i32
      %convert_element_type3A_422 = arith.extui %lt3A_421 : i1 to i32
      %cond3A_423 = arith.constant 0 : i32
      %cond3A_424 = arith.cmpi ne, %convert_element_type3A_422, %cond3A_423 : i32
      scf.if %cond3A_424 {
        %mul3A_428 = arith.constant 2 : i32
        %mul3A_429 = arith.muli %select_n3A_8, %mul3A_428 : i32
        %mul3A_430 = arith.constant 128 : i32
        %mul3A_431 = arith.muli %mul3A_429, %mul3A_430 : i32
        %dma_wait3A_432 = tpu.memref_slice %arg3[%mul3A_431] : memref<647168xi32, #tpu.memory_space<hbm>> -> memref<256xi32, #tpu.memory_space<hbm>>
        %dma_wait3A_433 = tpu.memref_slice %arg3[%mul3A_431] : memref<647168xi32, #tpu.memory_space<hbm>> -> memref<256xi32, #tpu.memory_space<hbm>>
        tpu.wait_dma2 semaphore(%arg13 : memref<!tpu.dma_semaphore, #tpu.memory_space<semaphore_mem>>) src(%dma_wait3A_433 : memref<256xi32, #tpu.memory_space<hbm>>) dst(%arg6 : memref<256xi32, #tpu.memory_space<vmem>>)
        %ge3A = arith.constant 1 : i32
        %ge3A_434 = arith.cmpi sge, %add3A_351, %ge3A : i32
        %convert_element_type3A_435 = arith.extui %ge3A_434 : i1 to i32
        %cond3A_436 = arith.constant 0 : i32
        %cond3A_437 = arith.cmpi ne, %convert_element_type3A_435, %cond3A_436 : i32
        scf.if %cond3A_437 {
          %dma_wait3A_443 = arith.constant 0 : i32
          %dma_wait3A_444 = arith.constant 0 : i32
          %dma_wait3A_445 = tpu.memref_slice %arg12[%dma_wait3A_443, %dma_wait3A_444] : memref<10240x128xf32, #tpu.memory_space<vmem_shared>> -> memref<10240x128xf32, #tpu.memory_space<vmem_shared>>
          tpu.wait_indirect_dma semaphore(%arg17 : memref<!tpu.dma_semaphore, #tpu.memory_space<semaphore_mem>>) src(%arg10 : memref<128x128xf32, #tpu.memory_space<vmem>>) dst(%dma_wait3A_445 : memref<10240x128xf32, #tpu.memory_space<vmem_shared>>)
        } else {
        }
        %dma_start3A_438 = arith.constant 0 : i32
        %dma_start3A_439 = tpu.memref_slice %arg6[%dma_start3A_438] : memref<256xi32, #tpu.memory_space<vmem>> -> memref<128xi32, #tpu.memory_space<vmem>>
        %dma_start3A_440 = arith.constant 0 : i32
        %dma_start3A_441 = arith.constant 0 : i32
        %dma_start3A_442 = tpu.memref_slice %arg2[%dma_start3A_440, %dma_start3A_441] : memref<10000x128xf32, #tpu.memory_space<hbm>> -> memref<10000x128xf32, #tpu.memory_space<hbm>>
        tpu.enqueue_indirect_dma source(%dma_start3A_442 : memref<10000x128xf32, #tpu.memory_space<hbm>>) target(%arg10 : memref<128x128xf32, #tpu.memory_space<vmem>>) offsets(%dma_start3A_439 : memref<128xi32, #tpu.memory_space<vmem>>) semaphore(%arg15 : memref<!tpu.dma_semaphore, #tpu.memory_space<semaphore_mem>>)
      } else {
      }
      %dma_start3A_425 = arith.constant 0 : i32
      %dma_start3A_426 = arith.constant 0 : i32
      %dma_start3A_427 = tpu.memref_slice %arg12[%dma_start3A_425, %dma_start3A_426] : memref<10240x128xf32, #tpu.memory_space<vmem_shared>> -> memref<10240x128xf32, #tpu.memory_space<vmem_shared>>
      tpu.enqueue_indirect_dma source(%arg11 : memref<128x128xf32, #tpu.memory_space<vmem>>) target(%dma_start3A_427 : memref<10240x128xf32, #tpu.memory_space<vmem_shared>>) offsets(%arg9 : memref<128xi32, #tpu.memory_space<vmem>>) semaphore(%arg18 : memref<!tpu.dma_semaphore, #tpu.memory_space<semaphore_mem>>) {add = true}
    }
    %while3A_130 = arith.constant 1 : i32
    scf.for %while3A_272 = %while3A_128 to %while3A_124 step %while3A_130  : i32 {
      %mul3A_273 = arith.constant 2 : i32
      %mul3A_274 = arith.muli %while3A_272, %mul3A_273 : i32
      %add3A_275 = arith.constant 0 : i32
      %add3A_276 = arith.addi %mul3A_274, %add3A_275 : i32
      %dma_wait3A_277 = arith.constant 0 : i32
      %dma_wait3A_278 = tpu.memref_slice %arg6[%dma_wait3A_277] : memref<256xi32, #tpu.memory_space<vmem>> -> memref<128xi32, #tpu.memory_space<vmem>>
      %dma_wait3A_279 = arith.constant 0 : i32
      %dma_wait3A_280 = arith.constant 0 : i32
      %dma_wait3A_281 = tpu.memref_slice %arg2[%dma_wait3A_279, %dma_wait3A_280] : memref<10000x128xf32, #tpu.memory_space<hbm>> -> memref<10000x128xf32, #tpu.memory_space<hbm>>
      tpu.wait_indirect_dma semaphore(%arg15 : memref<!tpu.dma_semaphore, #tpu.memory_space<semaphore_mem>>) src(%dma_wait3A_281 : memref<10000x128xf32, #tpu.memory_space<hbm>>) dst(%arg10 : memref<128x128xf32, #tpu.memory_space<vmem>>)
      %get3A = arith.constant 128 : index
      %get3A_282 = tpu.vector_load %arg6[%get3A] {strides = array<i32>} : memref<256xi32, #tpu.memory_space<vmem>>, vector<16xi32>,
      %get3A_283 = vector.shape_cast %get3A_282 : vector<16xi32> to vector<16xi32>
      %swap3A = arith.constant 0 : index
      %swap3A_284 = tpu.vector_load %arg8[%swap3A] {strides = array<i32>} : memref<128xi32, #tpu.memory_space<vmem>>, vector<16xi32>,
      %swap3A_285 = vector.shape_cast %swap3A_284 : vector<16xi32> to vector<16xi32>
      %swap3A_286 = vector.shape_cast %get3A_283 : vector<16xi32> to vector<16xi32>
      tpu.vector_store %arg8[%swap3A], %swap3A_286 {strides = array<i32>} : memref<128xi32, #tpu.memory_space<vmem>>, vector<16xi32>,
      %get3A_287 = arith.constant 144 : index
      %get3A_288 = tpu.vector_load %arg6[%get3A_287] {strides = array<i32>} : memref<256xi32, #tpu.memory_space<vmem>>, vector<16xi32>,
      %get3A_289 = vector.shape_cast %get3A_288 : vector<16xi32> to vector<16xi32>
      %swap3A_290 = arith.constant 16 : index
      %swap3A_291 = tpu.vector_load %arg8[%swap3A_290] {strides = array<i32>} : memref<128xi32, #tpu.memory_space<vmem>>, vector<16xi32>,
      %swap3A_292 = vector.shape_cast %swap3A_291 : vector<16xi32> to vector<16xi32>
      %swap3A_293 = vector.shape_cast %get3A_289 : vector<16xi32> to vector<16xi32>
      tpu.vector_store %arg8[%swap3A_290], %swap3A_293 {strides = array<i32>} : memref<128xi32, #tpu.memory_space<vmem>>, vector<16xi32>,
      %get3A_294 = arith.constant 160 : index
      %get3A_295 = tpu.vector_load %arg6[%get3A_294] {strides = array<i32>} : memref<256xi32, #tpu.memory_space<vmem>>, vector<16xi32>,
      %get3A_296 = vector.shape_cast %get3A_295 : vector<16xi32> to vector<16xi32>
      %swap3A_297 = arith.constant 32 : index
      %swap3A_298 = tpu.vector_load %arg8[%swap3A_297] {strides = array<i32>} : memref<128xi32, #tpu.memory_space<vmem>>, vector<16xi32>,
      %swap3A_299 = vector.shape_cast %swap3A_298 : vector<16xi32> to vector<16xi32>
      %swap3A_300 = vector.shape_cast %get3A_296 : vector<16xi32> to vector<16xi32>
      tpu.vector_store %arg8[%swap3A_297], %swap3A_300 {strides = array<i32>} : memref<128xi32, #tpu.memory_space<vmem>>, vector<16xi32>,
      %get3A_301 = arith.constant 176 : index
      %get3A_302 = tpu.vector_load %arg6[%get3A_301] {strides = array<i32>} : memref<256xi32, #tpu.memory_space<vmem>>, vector<16xi32>,
      %get3A_303 = vector.shape_cast %get3A_302 : vector<16xi32> to vector<16xi32>
      %swap3A_304 = arith.constant 48 : index
      %swap3A_305 = tpu.vector_load %arg8[%swap3A_304] {strides = array<i32>} : memref<128xi32, #tpu.memory_space<vmem>>, vector<16xi32>,
      %swap3A_306 = vector.shape_cast %swap3A_305 : vector<16xi32> to vector<16xi32>
      %swap3A_307 = vector.shape_cast %get3A_303 : vector<16xi32> to vector<16xi32>
      tpu.vector_store %arg8[%swap3A_304], %swap3A_307 {strides = array<i32>} : memref<128xi32, #tpu.memory_space<vmem>>, vector<16xi32>,
      %get3A_308 = arith.constant 192 : index
      %get3A_309 = tpu.vector_load %arg6[%get3A_308] {strides = array<i32>} : memref<256xi32, #tpu.memory_space<vmem>>, vector<16xi32>,
      %get3A_310 = vector.shape_cast %get3A_309 : vector<16xi32> to vector<16xi32>
      %swap3A_311 = arith.constant 64 : index
      %swap3A_312 = tpu.vector_load %arg8[%swap3A_311] {strides = array<i32>} : memref<128xi32, #tpu.memory_space<vmem>>, vector<16xi32>,
      %swap3A_313 = vector.shape_cast %swap3A_312 : vector<16xi32> to vector<16xi32>
      %swap3A_314 = vector.shape_cast %get3A_310 : vector<16xi32> to vector<16xi32>
      tpu.vector_store %arg8[%swap3A_311], %swap3A_314 {strides = array<i32>} : memref<128xi32, #tpu.memory_space<vmem>>, vector<16xi32>,
      %get3A_315 = arith.constant 208 : index
      %get3A_316 = tpu.vector_load %arg6[%get3A_315] {strides = array<i32>} : memref<256xi32, #tpu.memory_space<vmem>>, vector<16xi32>,
      %get3A_317 = vector.shape_cast %get3A_316 : vector<16xi32> to vector<16xi32>
      %swap3A_318 = arith.constant 80 : index
      %swap3A_319 = tpu.vector_load %arg8[%swap3A_318] {strides = array<i32>} : memref<128xi32, #tpu.memory_space<vmem>>, vector<16xi32>,
      %swap3A_320 = vector.shape_cast %swap3A_319 : vector<16xi32> to vector<16xi32>
      %swap3A_321 = vector.shape_cast %get3A_317 : vector<16xi32> to vector<16xi32>
      tpu.vector_store %arg8[%swap3A_318], %swap3A_321 {strides = array<i32>} : memref<128xi32, #tpu.memory_space<vmem>>, vector<16xi32>,
      %get3A_322 = arith.constant 224 : index
      %get3A_323 = tpu.vector_load %arg6[%get3A_322] {strides = array<i32>} : memref<256xi32, #tpu.memory_space<vmem>>, vector<16xi32>,
      %get3A_324 = vector.shape_cast %get3A_323 : vector<16xi32> to vector<16xi32>
      %swap3A_325 = arith.constant 96 : index
      %swap3A_326 = tpu.vector_load %arg8[%swap3A_325] {strides = array<i32>} : memref<128xi32, #tpu.memory_space<vmem>>, vector<16xi32>,
      %swap3A_327 = vector.shape_cast %swap3A_326 : vector<16xi32> to vector<16xi32>
      %swap3A_328 = vector.shape_cast %get3A_324 : vector<16xi32> to vector<16xi32>
      tpu.vector_store %arg8[%swap3A_325], %swap3A_328 {strides = array<i32>} : memref<128xi32, #tpu.memory_space<vmem>>, vector<16xi32>,
      %get3A_329 = arith.constant 240 : index
      %get3A_330 = tpu.vector_load %arg6[%get3A_329] {strides = array<i32>} : memref<256xi32, #tpu.memory_space<vmem>>, vector<16xi32>,
      %get3A_331 = vector.shape_cast %get3A_330 : vector<16xi32> to vector<16xi32>
      %swap3A_332 = arith.constant 112 : index
      %swap3A_333 = tpu.vector_load %arg8[%swap3A_332] {strides = array<i32>} : memref<128xi32, #tpu.memory_space<vmem>>, vector<16xi32>,
      %swap3A_334 = vector.shape_cast %swap3A_333 : vector<16xi32> to vector<16xi32>
      %swap3A_335 = vector.shape_cast %get3A_331 : vector<16xi32> to vector<16xi32>
      tpu.vector_store %arg8[%swap3A_332], %swap3A_335 {strides = array<i32>} : memref<128xi32, #tpu.memory_space<vmem>>, vector<16xi32>,
      %add3A_336 = arith.constant 2 : i32
      %add3A_337 = arith.addi %add3A_276, %add3A_336 : i32
      %lt3A = arith.cmpi slt, %add3A_337, %select_n3A : i32
      %convert_element_type3A = arith.extui %lt3A : i1 to i32
      %cond3A = arith.constant 0 : i32
      %cond3A_338 = arith.cmpi ne, %convert_element_type3A, %cond3A : i32
      scf.if %cond3A_338 {
        %add3A_428 = arith.addi %select_n3A_8, %add3A_276 : i32
        %add3A_429 = arith.constant 2 : i32
        %add3A_430 = arith.addi %add3A_428, %add3A_429 : i32
        %mul3A_431 = arith.constant 2 : i32
        %mul3A_432 = arith.muli %add3A_430, %mul3A_431 : i32
        %mul3A_433 = arith.constant 128 : i32
        %mul3A_434 = arith.muli %mul3A_432, %mul3A_433 : i32
        %dma_start3A_435 = tpu.memref_slice %arg3[%mul3A_434] : memref<647168xi32, #tpu.memory_space<hbm>> -> memref<256xi32, #tpu.memory_space<hbm>>
        %dma_start3A_436 = tpu.memref_slice %arg3[%mul3A_434] : memref<647168xi32, #tpu.memory_space<hbm>> -> memref<256xi32, #tpu.memory_space<hbm>>
        tpu.enqueue_dma source(%dma_start3A_436 : memref<256xi32, #tpu.memory_space<hbm>>) target(%arg6 : memref<256xi32, #tpu.memory_space<vmem>>) target_semaphore(%arg13 : memref<!tpu.dma_semaphore, #tpu.memory_space<semaphore_mem>>)
      } else {
      }
      %add3A_339 = arith.constant 1 : i32
      %add3A_340 = arith.addi %add3A_276, %add3A_339 : i32
      %lt3A_341 = arith.cmpi slt, %add3A_340, %select_n3A : i32
      %convert_element_type3A_342 = arith.extui %lt3A_341 : i1 to i32
      %cond3A_343 = arith.constant 0 : i32
      %cond3A_344 = arith.cmpi ne, %convert_element_type3A_342, %cond3A_343 : i32
      scf.if %cond3A_344 {
        %mul3A_428 = arith.constant 2 : i32
        %mul3A_429 = arith.muli %select_n3A_8, %mul3A_428 : i32
        %mul3A_430 = arith.constant 128 : i32
        %mul3A_431 = arith.muli %mul3A_429, %mul3A_430 : i32
        %dma_wait3A_432 = tpu.memref_slice %arg3[%mul3A_431] : memref<647168xi32, #tpu.memory_space<hbm>> -> memref<256xi32, #tpu.memory_space<hbm>>
        %dma_wait3A_433 = tpu.memref_slice %arg3[%mul3A_431] : memref<647168xi32, #tpu.memory_space<hbm>> -> memref<256xi32, #tpu.memory_space<hbm>>
        tpu.wait_dma2 semaphore(%arg14 : memref<!tpu.dma_semaphore, #tpu.memory_space<semaphore_mem>>) src(%dma_wait3A_433 : memref<256xi32, #tpu.memory_space<hbm>>) dst(%arg7 : memref<256xi32, #tpu.memory_space<vmem>>)
        %ge3A = arith.constant 1 : i32
        %ge3A_434 = arith.cmpi sge, %add3A_276, %ge3A : i32
        %convert_element_type3A_435 = arith.extui %ge3A_434 : i1 to i32
        %cond3A_436 = arith.constant 0 : i32
        %cond3A_437 = arith.cmpi ne, %convert_element_type3A_435, %cond3A_436 : i32
        scf.if %cond3A_437 {
          %dma_wait3A_443 = arith.constant 0 : i32
          %dma_wait3A_444 = arith.constant 0 : i32
          %dma_wait3A_445 = tpu.memref_slice %arg12[%dma_wait3A_443, %dma_wait3A_444] : memref<10240x128xf32, #tpu.memory_space<vmem_shared>> -> memref<10240x128xf32, #tpu.memory_space<vmem_shared>>
          tpu.wait_indirect_dma semaphore(%arg18 : memref<!tpu.dma_semaphore, #tpu.memory_space<semaphore_mem>>) src(%arg11 : memref<128x128xf32, #tpu.memory_space<vmem>>) dst(%dma_wait3A_445 : memref<10240x128xf32, #tpu.memory_space<vmem_shared>>)
        } else {
        }
        %dma_start3A_438 = arith.constant 0 : i32
        %dma_start3A_439 = tpu.memref_slice %arg7[%dma_start3A_438] : memref<256xi32, #tpu.memory_space<vmem>> -> memref<128xi32, #tpu.memory_space<vmem>>
        %dma_start3A_440 = arith.constant 0 : i32
        %dma_start3A_441 = arith.constant 0 : i32
        %dma_start3A_442 = tpu.memref_slice %arg2[%dma_start3A_440, %dma_start3A_441] : memref<10000x128xf32, #tpu.memory_space<hbm>> -> memref<10000x128xf32, #tpu.memory_space<hbm>>
        tpu.enqueue_indirect_dma source(%dma_start3A_442 : memref<10000x128xf32, #tpu.memory_space<hbm>>) target(%arg11 : memref<128x128xf32, #tpu.memory_space<vmem>>) offsets(%dma_start3A_439 : memref<128xi32, #tpu.memory_space<vmem>>) semaphore(%arg16 : memref<!tpu.dma_semaphore, #tpu.memory_space<semaphore_mem>>)
      } else {
      }
      %dma_start3A_345 = arith.constant 0 : i32
      %dma_start3A_346 = arith.constant 0 : i32
      %dma_start3A_347 = tpu.memref_slice %arg12[%dma_start3A_345, %dma_start3A_346] : memref<10240x128xf32, #tpu.memory_space<vmem_shared>> -> memref<10240x128xf32, #tpu.memory_space<vmem_shared>>
      tpu.enqueue_indirect_dma source(%arg10 : memref<128x128xf32, #tpu.memory_space<vmem>>) target(%dma_start3A_347 : memref<10240x128xf32, #tpu.memory_space<vmem_shared>>) offsets(%arg8 : memref<128xi32, #tpu.memory_space<vmem>>) semaphore(%arg17 : memref<!tpu.dma_semaphore, #tpu.memory_space<semaphore_mem>>) {add = true}
      %mul3A_348 = arith.constant 2 : i32
      %mul3A_349 = arith.muli %while3A_272, %mul3A_348 : i32
      %add3A_350 = arith.constant 1 : i32
      %add3A_351 = arith.addi %mul3A_349, %add3A_350 : i32
      %dma_wait3A_352 = arith.constant 0 : i32
      %dma_wait3A_353 = tpu.memref_slice %arg7[%dma_wait3A_352] : memref<256xi32, #tpu.memory_space<vmem>> -> memref<128xi32, #tpu.memory_space<vmem>>
      %dma_wait3A_354 = arith.constant 0 : i32
      %dma_wait3A_355 = arith.constant 0 : i32
      %dma_wait3A_356 = tpu.memref_slice %arg2[%dma_wait3A_354, %dma_wait3A_355] : memref<10000x128xf32, #tpu.memory_space<hbm>> -> memref<10000x128xf32, #tpu.memory_space<hbm>>
      tpu.wait_indirect_dma semaphore(%arg16 : memref<!tpu.dma_semaphore, #tpu.memory_space<semaphore_mem>>) src(%dma_wait3A_356 : memref<10000x128xf32, #tpu.memory_space<hbm>>) dst(%arg11 : memref<128x128xf32, #tpu.memory_space<vmem>>)
      %get3A_357 = arith.constant 128 : index
      %get3A_358 = tpu.vector_load %arg7[%get3A_357] {strides = array<i32>} : memref<256xi32, #tpu.memory_space<vmem>>, vector<16xi32>,
      %get3A_359 = vector.shape_cast %get3A_358 : vector<16xi32> to vector<16xi32>
      %swap3A_360 = arith.constant 0 : index
      %swap3A_361 = tpu.vector_load %arg9[%swap3A_360] {strides = array<i32>} : memref<128xi32, #tpu.memory_space<vmem>>, vector<16xi32>,
      %swap3A_362 = vector.shape_cast %swap3A_361 : vector<16xi32> to vector<16xi32>
      %swap3A_363 = vector.shape_cast %get3A_359 : vector<16xi32> to vector<16xi32>
      tpu.vector_store %arg9[%swap3A_360], %swap3A_363 {strides = array<i32>} : memref<128xi32, #tpu.memory_space<vmem>>, vector<16xi32>,
      %get3A_364 = arith.constant 144 : index
      %get3A_365 = tpu.vector_load %arg7[%get3A_364] {strides = array<i32>} : memref<256xi32, #tpu.memory_space<vmem>>, vector<16xi32>,
      %get3A_366 = vector.shape_cast %get3A_365 : vector<16xi32> to vector<16xi32>
      %swap3A_367 = arith.constant 16 : index
      %swap3A_368 = tpu.vector_load %arg9[%swap3A_367] {strides = array<i32>} : memref<128xi32, #tpu.memory_space<vmem>>, vector<16xi32>,
      %swap3A_369 = vector.shape_cast %swap3A_368 : vector<16xi32> to vector<16xi32>
      %swap3A_370 = vector.shape_cast %get3A_366 : vector<16xi32> to vector<16xi32>
      tpu.vector_store %arg9[%swap3A_367], %swap3A_370 {strides = array<i32>} : memref<128xi32, #tpu.memory_space<vmem>>, vector<16xi32>,
      %get3A_371 = arith.constant 160 : index
      %get3A_372 = tpu.vector_load %arg7[%get3A_371] {strides = array<i32>} : memref<256xi32, #tpu.memory_space<vmem>>, vector<16xi32>,
      %get3A_373 = vector.shape_cast %get3A_372 : vector<16xi32> to vector<16xi32>
      %swap3A_374 = arith.constant 32 : index
      %swap3A_375 = tpu.vector_load %arg9[%swap3A_374] {strides = array<i32>} : memref<128xi32, #tpu.memory_space<vmem>>, vector<16xi32>,
      %swap3A_376 = vector.shape_cast %swap3A_375 : vector<16xi32> to vector<16xi32>
      %swap3A_377 = vector.shape_cast %get3A_373 : vector<16xi32> to vector<16xi32>
      tpu.vector_store %arg9[%swap3A_374], %swap3A_377 {strides = array<i32>} : memref<128xi32, #tpu.memory_space<vmem>>, vector<16xi32>,
      %get3A_378 = arith.constant 176 : index
      %get3A_379 = tpu.vector_load %arg7[%get3A_378] {strides = array<i32>} : memref<256xi32, #tpu.memory_space<vmem>>, vector<16xi32>,
      %get3A_380 = vector.shape_cast %get3A_379 : vector<16xi32> to vector<16xi32>
      %swap3A_381 = arith.constant 48 : index
      %swap3A_382 = tpu.vector_load %arg9[%swap3A_381] {strides = array<i32>} : memref<128xi32, #tpu.memory_space<vmem>>, vector<16xi32>,
      %swap3A_383 = vector.shape_cast %swap3A_382 : vector<16xi32> to vector<16xi32>
      %swap3A_384 = vector.shape_cast %get3A_380 : vector<16xi32> to vector<16xi32>
      tpu.vector_store %arg9[%swap3A_381], %swap3A_384 {strides = array<i32>} : memref<128xi32, #tpu.memory_space<vmem>>, vector<16xi32>,
      %get3A_385 = arith.constant 192 : index
      %get3A_386 = tpu.vector_load %arg7[%get3A_385] {strides = array<i32>} : memref<256xi32, #tpu.memory_space<vmem>>, vector<16xi32>,
      %get3A_387 = vector.shape_cast %get3A_386 : vector<16xi32> to vector<16xi32>
      %swap3A_388 = arith.constant 64 : index
      %swap3A_389 = tpu.vector_load %arg9[%swap3A_388] {strides = array<i32>} : memref<128xi32, #tpu.memory_space<vmem>>, vector<16xi32>,
      %swap3A_390 = vector.shape_cast %swap3A_389 : vector<16xi32> to vector<16xi32>
      %swap3A_391 = vector.shape_cast %get3A_387 : vector<16xi32> to vector<16xi32>
      tpu.vector_store %arg9[%swap3A_388], %swap3A_391 {strides = array<i32>} : memref<128xi32, #tpu.memory_space<vmem>>, vector<16xi32>,
      %get3A_392 = arith.constant 208 : index
      %get3A_393 = tpu.vector_load %arg7[%get3A_392] {strides = array<i32>} : memref<256xi32, #tpu.memory_space<vmem>>, vector<16xi32>,
      %get3A_394 = vector.shape_cast %get3A_393 : vector<16xi32> to vector<16xi32>
      %swap3A_395 = arith.constant 80 : index
      %swap3A_396 = tpu.vector_load %arg9[%swap3A_395] {strides = array<i32>} : memref<128xi32, #tpu.memory_space<vmem>>, vector<16xi32>,
      %swap3A_397 = vector.shape_cast %swap3A_396 : vector<16xi32> to vector<16xi32>
      %swap3A_398 = vector.shape_cast %get3A_394 : vector<16xi32> to vector<16xi32>
      tpu.vector_store %arg9[%swap3A_395], %swap3A_398 {strides = array<i32>} : memref<128xi32, #tpu.memory_space<vmem>>, vector<16xi32>,
      %get3A_399 = arith.constant 224 : index
      %get3A_400 = tpu.vector_load %arg7[%get3A_399] {strides = array<i32>} : memref<256xi32, #tpu.memory_space<vmem>>, vector<16xi32>,
      %get3A_401 = vector.shape_cast %get3A_400 : vector<16xi32> to vector<16xi32>
      %swap3A_402 = arith.constant 96 : index
      %swap3A_403 = tpu.vector_load %arg9[%swap3A_402] {strides = array<i32>} : memref<128xi32, #tpu.memory_space<vmem>>, vector<16xi32>,
      %swap3A_404 = vector.shape_cast %swap3A_403 : vector<16xi32> to vector<16xi32>
      %swap3A_405 = vector.shape_cast %get3A_401 : vector<16xi32> to vector<16xi32>
      tpu.vector_store %arg9[%swap3A_402], %swap3A_405 {strides = array<i32>} : memref<128xi32, #tpu.memory_space<vmem>>, vector<16xi32>,
      %get3A_406 = arith.constant 240 : index
      %get3A_407 = tpu.vector_load %arg7[%get3A_406] {strides = array<i32>} : memref<256xi32, #tpu.memory_space<vmem>>, vector<16xi32>,
      %get3A_408 = vector.shape_cast %get3A_407 : vector<16xi32> to vector<16xi32>
      %swap3A_409 = arith.constant 112 : index
      %swap3A_410 = tpu.vector_load %arg9[%swap3A_409] {strides = array<i32>} : memref<128xi32, #tpu.memory_space<vmem>>, vector<16xi32>,
      %swap3A_411 = vector.shape_cast %swap3A_410 : vector<16xi32> to vector<16xi32>
      %swap3A_412 = vector.shape_cast %get3A_408 : vector<16xi32> to vector<16xi32>
      tpu.vector_store %arg9[%swap3A_409], %swap3A_412 {strides = array<i32>} : memref<128xi32, #tpu.memory_space<vmem>>, vector<16xi32>,
      %add3A_413 = arith.constant 2 : i32
      %add3A_414 = arith.addi %add3A_351, %add3A_413 : i32
      %lt3A_415 = arith.cmpi slt, %add3A_414, %select_n3A : i32
      %convert_element_type3A_416 = arith.extui %lt3A_415 : i1 to i32
      %cond3A_417 = arith.constant 0 : i32
      %cond3A_418 = arith.cmpi ne, %convert_element_type3A_416, %cond3A_417 : i32
      scf.if %cond3A_418 {
        %add3A_428 = arith.addi %select_n3A_8, %add3A_351 : i32
        %add3A_429 = arith.constant 2 : i32
        %add3A_430 = arith.addi %add3A_428, %add3A_429 : i32
        %mul3A_431 = arith.constant 2 : i32
        %mul3A_432 = arith.muli %add3A_430, %mul3A_431 : i32
        %mul3A_433 = arith.constant 128 : i32
        %mul3A_434 = arith.muli %mul3A_432, %mul3A_433 : i32
        %dma_start3A_435 = tpu.memref_slice %arg3[%mul3A_434] : memref<647168xi32, #tpu.memory_space<hbm>> -> memref<256xi32, #tpu.memory_space<hbm>>
        %dma_start3A_436 = tpu.memref_slice %arg3[%mul3A_434] : memref<647168xi32, #tpu.memory_space<hbm>> -> memref<256xi32, #tpu.memory_space<hbm>>
        tpu.enqueue_dma source(%dma_start3A_436 : memref<256xi32, #tpu.memory_space<hbm>>) target(%arg7 : memref<256xi32, #tpu.memory_space<vmem>>) target_semaphore(%arg14 : memref<!tpu.dma_semaphore, #tpu.memory_space<semaphore_mem>>)
      } else {
      }
      %add3A_419 = arith.constant 1 : i32
      %add3A_420 = arith.addi %add3A_351, %add3A_419 : i32
      %lt3A_421 = arith.cmpi slt, %add3A_420, %select_n3A : i32
      %convert_element_type3A_422 = arith.extui %lt3A_421 : i1 to i32
      %cond3A_423 = arith.constant 0 : i32
      %cond3A_424 = arith.cmpi ne, %convert_element_type3A_422, %cond3A_423 : i32
      scf.if %cond3A_424 {
        %mul3A_428 = arith.constant 2 : i32
        %mul3A_429 = arith.muli %select_n3A_8, %mul3A_428 : i32
        %mul3A_430 = arith.constant 128 : i32
        %mul3A_431 = arith.muli %mul3A_429, %mul3A_430 : i32
        %dma_wait3A_432 = tpu.memref_slice %arg3[%mul3A_431] : memref<647168xi32, #tpu.memory_space<hbm>> -> memref<256xi32, #tpu.memory_space<hbm>>
        %dma_wait3A_433 = tpu.memref_slice %arg3[%mul3A_431] : memref<647168xi32, #tpu.memory_space<hbm>> -> memref<256xi32, #tpu.memory_space<hbm>>
        tpu.wait_dma2 semaphore(%arg13 : memref<!tpu.dma_semaphore, #tpu.memory_space<semaphore_mem>>) src(%dma_wait3A_433 : memref<256xi32, #tpu.memory_space<hbm>>) dst(%arg6 : memref<256xi32, #tpu.memory_space<vmem>>)
        %ge3A = arith.constant 1 : i32
        %ge3A_434 = arith.cmpi sge, %add3A_351, %ge3A : i32
        %convert_element_type3A_435 = arith.extui %ge3A_434 : i1 to i32
        %cond3A_436 = arith.constant 0 : i32
        %cond3A_437 = arith.cmpi ne, %convert_element_type3A_435, %cond3A_436 : i32
        scf.if %cond3A_437 {
          %dma_wait3A_443 = arith.constant 0 : i32
          %dma_wait3A_444 = arith.constant 0 : i32
          %dma_wait3A_445 = tpu.memref_slice %arg12[%dma_wait3A_443, %dma_wait3A_444] : memref<10240x128xf32, #tpu.memory_space<vmem_shared>> -> memref<10240x128xf32, #tpu.memory_space<vmem_shared>>
          tpu.wait_indirect_dma semaphore(%arg17 : memref<!tpu.dma_semaphore, #tpu.memory_space<semaphore_mem>>) src(%arg10 : memref<128x128xf32, #tpu.memory_space<vmem>>) dst(%dma_wait3A_445 : memref<10240x128xf32, #tpu.memory_space<vmem_shared>>)
        } else {
        }
        %dma_start3A_438 = arith.constant 0 : i32
        %dma_start3A_439 = tpu.memref_slice %arg6[%dma_start3A_438] : memref<256xi32, #tpu.memory_space<vmem>> -> memref<128xi32, #tpu.memory_space<vmem>>
        %dma_start3A_440 = arith.constant 0 : i32
        %dma_start3A_441 = arith.constant 0 : i32
        %dma_start3A_442 = tpu.memref_slice %arg2[%dma_start3A_440, %dma_start3A_441] : memref<10000x128xf32, #tpu.memory_space<hbm>> -> memref<10000x128xf32, #tpu.memory_space<hbm>>
        tpu.enqueue_indirect_dma source(%dma_start3A_442 : memref<10000x128xf32, #tpu.memory_space<hbm>>) target(%arg10 : memref<128x128xf32, #tpu.memory_space<vmem>>) offsets(%dma_start3A_439 : memref<128xi32, #tpu.memory_space<vmem>>) semaphore(%arg15 : memref<!tpu.dma_semaphore, #tpu.memory_space<semaphore_mem>>)
      } else {
      }
      %dma_start3A_425 = arith.constant 0 : i32
      %dma_start3A_426 = arith.constant 0 : i32
      %dma_start3A_427 = tpu.memref_slice %arg12[%dma_start3A_425, %dma_start3A_426] : memref<10240x128xf32, #tpu.memory_space<vmem_shared>> -> memref<10240x128xf32, #tpu.memory_space<vmem_shared>>
      tpu.enqueue_indirect_dma source(%arg11 : memref<128x128xf32, #tpu.memory_space<vmem>>) target(%dma_start3A_427 : memref<10240x128xf32, #tpu.memory_space<vmem_shared>>) offsets(%arg9 : memref<128xi32, #tpu.memory_space<vmem>>) semaphore(%arg18 : memref<!tpu.dma_semaphore, #tpu.memory_space<semaphore_mem>>) {add = true}
    }
    %dma_wait3A_131 = arith.constant 0 : i32
    %dma_wait3A_132 = arith.constant 0 : i32
    %dma_wait3A_133 = tpu.memref_slice %arg12[%dma_wait3A_131, %dma_wait3A_132] : memref<10240x128xf32, #tpu.memory_space<vmem_shared>> -> memref<10240x128xf32, #tpu.memory_space<vmem_shared>>
    tpu.wait_indirect_dma semaphore(%arg17 : memref<!tpu.dma_semaphore, #tpu.memory_space<semaphore_mem>>) src(%arg10 : memref<128x128xf32, #tpu.memory_space<vmem>>) dst(%dma_wait3A_133 : memref<10240x128xf32, #tpu.memory_space<vmem_shared>>)
    %dma_wait3A_134 = arith.constant 0 : i32
    %dma_wait3A_135 = arith.constant 0 : i32
    %dma_wait3A_136 = tpu.memref_slice %arg12[%dma_wait3A_134, %dma_wait3A_135] : memref<10240x128xf32, #tpu.memory_space<vmem_shared>> -> memref<10240x128xf32, #tpu.memory_space<vmem_shared>>
    tpu.wait_indirect_dma semaphore(%arg18 : memref<!tpu.dma_semaphore, #tpu.memory_space<semaphore_mem>>) src(%arg11 : memref<128x128xf32, #tpu.memory_space<vmem>>) dst(%dma_wait3A_136 : memref<10240x128xf32, #tpu.memory_space<vmem_shared>>)
    %barrier3A_137 = arith.constant 0 : index
    tpu.barrier barrier_id(%barrier3A_137)
    %mul3A_138 = arith.constant 640 : i32
    %mul3A_139 = arith.muli %arg1, %mul3A_138 : i32
    %dma_start3A_140 = arith.constant 0 : i32
    %dma_start3A_141 = tpu.memref_slice %arg12[%mul3A_139, %dma_start3A_140] : memref<10240x128xf32, #tpu.memory_space<vmem_shared>> -> memref<128x128xf32, #tpu.memory_space<vmem_shared>>
    %dma_start3A_142 = arith.constant 0 : i32
    %dma_start3A_143 = tpu.memref_slice %arg12[%mul3A_139, %dma_start3A_142] : memref<10240x128xf32, #tpu.memory_space<vmem_shared>> -> memref<128x128xf32, #tpu.memory_space<vmem_shared>>
    tpu.enqueue_dma source(%dma_start3A_143 : memref<128x128xf32, #tpu.memory_space<vmem_shared>>) target(%arg10 : memref<128x128xf32, #tpu.memory_space<vmem>>) target_semaphore(%arg15 : memref<!tpu.dma_semaphore, #tpu.memory_space<semaphore_mem>>)
    %mul3A_144 = arith.constant 640 : i32
    %mul3A_145 = arith.muli %arg1, %mul3A_144 : i32
    %add3A_146 = arith.constant 0 : i32
    %add3A_147 = arith.addi %mul3A_145, %add3A_146 : i32
    %dma_wait3A_148 = arith.constant 0 : i32
    %dma_wait3A_149 = tpu.memref_slice %arg12[%add3A_147, %dma_wait3A_148] : memref<10240x128xf32, #tpu.memory_space<vmem_shared>> -> memref<128x128xf32, #tpu.memory_space<vmem_shared>>
    %dma_wait3A_150 = arith.constant 0 : i32
    %dma_wait3A_151 = tpu.memref_slice %arg12[%add3A_147, %dma_wait3A_150] : memref<10240x128xf32, #tpu.memory_space<vmem_shared>> -> memref<128x128xf32, #tpu.memory_space<vmem_shared>>
    tpu.wait_dma2 semaphore(%arg15 : memref<!tpu.dma_semaphore, #tpu.memory_space<semaphore_mem>>) src(%dma_wait3A_151 : memref<128x128xf32, #tpu.memory_space<vmem_shared>>) dst(%arg10 : memref<128x128xf32, #tpu.memory_space<vmem>>)
    %dma_start3A_152 = arith.constant 0 : i32
    %dma_start3A_153 = tpu.memref_slice %arg5[%arg0, %add3A_147, %dma_start3A_152] : memref<2x10240x128xf32, #tpu.memory_space<hbm>> -> memref<1x128x128xf32, #tpu.memory_space<hbm>>
    %dma_start3A_154 = tpu.memref_squeeze %dma_start3A_153 : memref<1x128x128xf32, #tpu.memory_space<hbm>> -> memref<128x128xf32, #tpu.memory_space<hbm>>
    %dma_start3A_155 = arith.constant 0 : i32
    %dma_start3A_156 = tpu.memref_slice %arg5[%arg0, %add3A_147, %dma_start3A_155] : memref<2x10240x128xf32, #tpu.memory_space<hbm>> -> memref<1x128x128xf32, #tpu.memory_space<hbm>>
    %dma_start3A_157 = tpu.memref_squeeze %dma_start3A_156 : memref<1x128x128xf32, #tpu.memory_space<hbm>> -> memref<128x128xf32, #tpu.memory_space<hbm>>
    tpu.enqueue_dma source(%arg10 : memref<128x128xf32, #tpu.memory_space<vmem>>) target(%dma_start3A_157 : memref<128x128xf32, #tpu.memory_space<hbm>>) target_semaphore(%arg17 : memref<!tpu.dma_semaphore, #tpu.memory_space<semaphore_mem>>)
    %add3A_158 = arith.constant 128 : i32
    %add3A_159 = arith.addi %add3A_147, %add3A_158 : i32
    %dma_start3A_160 = arith.constant 0 : i32
    %dma_start3A_161 = tpu.memref_slice %arg12[%add3A_159, %dma_start3A_160] : memref<10240x128xf32, #tpu.memory_space<vmem_shared>> -> memref<128x128xf32, #tpu.memory_space<vmem_shared>>
    %dma_start3A_162 = arith.constant 0 : i32
    %dma_start3A_163 = tpu.memref_slice %arg12[%add3A_159, %dma_start3A_162] : memref<10240x128xf32, #tpu.memory_space<vmem_shared>> -> memref<128x128xf32, #tpu.memory_space<vmem_shared>>
    tpu.enqueue_dma source(%dma_start3A_163 : memref<128x128xf32, #tpu.memory_space<vmem_shared>>) target(%arg11 : memref<128x128xf32, #tpu.memory_space<vmem>>) target_semaphore(%arg16 : memref<!tpu.dma_semaphore, #tpu.memory_space<semaphore_mem>>)
    %mul3A_164 = arith.constant 640 : i32
    %mul3A_165 = arith.muli %arg1, %mul3A_164 : i32
    %add3A_166 = arith.constant 128 : i32
    %add3A_167 = arith.addi %mul3A_165, %add3A_166 : i32
    %dma_wait3A_168 = arith.constant 0 : i32
    %dma_wait3A_169 = tpu.memref_slice %arg12[%add3A_167, %dma_wait3A_168] : memref<10240x128xf32, #tpu.memory_space<vmem_shared>> -> memref<128x128xf32, #tpu.memory_space<vmem_shared>>
    %dma_wait3A_170 = arith.constant 0 : i32
    %dma_wait3A_171 = tpu.memref_slice %arg12[%add3A_167, %dma_wait3A_170] : memref<10240x128xf32, #tpu.memory_space<vmem_shared>> -> memref<128x128xf32, #tpu.memory_space<vmem_shared>>
    tpu.wait_dma2 semaphore(%arg16 : memref<!tpu.dma_semaphore, #tpu.memory_space<semaphore_mem>>) src(%dma_wait3A_171 : memref<128x128xf32, #tpu.memory_space<vmem_shared>>) dst(%arg11 : memref<128x128xf32, #tpu.memory_space<vmem>>)
    %dma_start3A_172 = arith.constant 0 : i32
    %dma_start3A_173 = tpu.memref_slice %arg5[%arg0, %add3A_167, %dma_start3A_172] : memref<2x10240x128xf32, #tpu.memory_space<hbm>> -> memref<1x128x128xf32, #tpu.memory_space<hbm>>
    %dma_start3A_174 = tpu.memref_squeeze %dma_start3A_173 : memref<1x128x128xf32, #tpu.memory_space<hbm>> -> memref<128x128xf32, #tpu.memory_space<hbm>>
    %dma_start3A_175 = arith.constant 0 : i32
    %dma_start3A_176 = tpu.memref_slice %arg5[%arg0, %add3A_167, %dma_start3A_175] : memref<2x10240x128xf32, #tpu.memory_space<hbm>> -> memref<1x128x128xf32, #tpu.memory_space<hbm>>
    %dma_start3A_177 = tpu.memref_squeeze %dma_start3A_176 : memref<1x128x128xf32, #tpu.memory_space<hbm>> -> memref<128x128xf32, #tpu.memory_space<hbm>>
    tpu.enqueue_dma source(%arg11 : memref<128x128xf32, #tpu.memory_space<vmem>>) target(%dma_start3A_177 : memref<128x128xf32, #tpu.memory_space<hbm>>) target_semaphore(%arg18 : memref<!tpu.dma_semaphore, #tpu.memory_space<semaphore_mem>>)
    %dma_wait3A_178 = arith.constant 0 : i32
    %dma_wait3A_179 = tpu.memref_slice %arg5[%arg0, %add3A_167, %dma_wait3A_178] : memref<2x10240x128xf32, #tpu.memory_space<hbm>> -> memref<1x128x128xf32, #tpu.memory_space<hbm>>
    %dma_wait3A_180 = tpu.memref_squeeze %dma_wait3A_179 : memref<1x128x128xf32, #tpu.memory_space<hbm>> -> memref<128x128xf32, #tpu.memory_space<hbm>>
    %dma_wait3A_181 = arith.constant 0 : i32
    %dma_wait3A_182 = tpu.memref_slice %arg5[%arg0, %add3A_167, %dma_wait3A_181] : memref<2x10240x128xf32, #tpu.memory_space<hbm>> -> memref<1x128x128xf32, #tpu.memory_space<hbm>>
    %dma_wait3A_183 = tpu.memref_squeeze %dma_wait3A_182 : memref<1x128x128xf32, #tpu.memory_space<hbm>> -> memref<128x128xf32, #tpu.memory_space<hbm>>
    tpu.wait_dma2 semaphore(%arg17 : memref<!tpu.dma_semaphore, #tpu.memory_space<semaphore_mem>>) src(%arg10 : memref<128x128xf32, #tpu.memory_space<vmem>>) dst(%dma_wait3A_183 : memref<128x128xf32, #tpu.memory_space<hbm>>)
    %add3A_184 = arith.constant 128 : i32
    %add3A_185 = arith.addi %add3A_167, %add3A_184 : i32
    %dma_start3A_186 = arith.constant 0 : i32
    %dma_start3A_187 = tpu.memref_slice %arg12[%add3A_185, %dma_start3A_186] : memref<10240x128xf32, #tpu.memory_space<vmem_shared>> -> memref<128x128xf32, #tpu.memory_space<vmem_shared>>
    %dma_start3A_188 = arith.constant 0 : i32
    %dma_start3A_189 = tpu.memref_slice %arg12[%add3A_185, %dma_start3A_188] : memref<10240x128xf32, #tpu.memory_space<vmem_shared>> -> memref<128x128xf32, #tpu.memory_space<vmem_shared>>
    tpu.enqueue_dma source(%dma_start3A_189 : memref<128x128xf32, #tpu.memory_space<vmem_shared>>) target(%arg10 : memref<128x128xf32, #tpu.memory_space<vmem>>) target_semaphore(%arg15 : memref<!tpu.dma_semaphore, #tpu.memory_space<semaphore_mem>>)
    %mul3A_190 = arith.constant 640 : i32
    %mul3A_191 = arith.muli %arg1, %mul3A_190 : i32
    %add3A_192 = arith.constant 256 : i32
    %add3A_193 = arith.addi %mul3A_191, %add3A_192 : i32
    %dma_wait3A_194 = arith.constant 0 : i32
    %dma_wait3A_195 = tpu.memref_slice %arg12[%add3A_193, %dma_wait3A_194] : memref<10240x128xf32, #tpu.memory_space<vmem_shared>> -> memref<128x128xf32, #tpu.memory_space<vmem_shared>>
    %dma_wait3A_196 = arith.constant 0 : i32
    %dma_wait3A_197 = tpu.memref_slice %arg12[%add3A_193, %dma_wait3A_196] : memref<10240x128xf32, #tpu.memory_space<vmem_shared>> -> memref<128x128xf32, #tpu.memory_space<vmem_shared>>
    tpu.wait_dma2 semaphore(%arg15 : memref<!tpu.dma_semaphore, #tpu.memory_space<semaphore_mem>>) src(%dma_wait3A_197 : memref<128x128xf32, #tpu.memory_space<vmem_shared>>) dst(%arg10 : memref<128x128xf32, #tpu.memory_space<vmem>>)
    %dma_start3A_198 = arith.constant 0 : i32
    %dma_start3A_199 = tpu.memref_slice %arg5[%arg0, %add3A_193, %dma_start3A_198] : memref<2x10240x128xf32, #tpu.memory_space<hbm>> -> memref<1x128x128xf32, #tpu.memory_space<hbm>>
    %dma_start3A_200 = tpu.memref_squeeze %dma_start3A_199 : memref<1x128x128xf32, #tpu.memory_space<hbm>> -> memref<128x128xf32, #tpu.memory_space<hbm>>
    %dma_start3A_201 = arith.constant 0 : i32
    %dma_start3A_202 = tpu.memref_slice %arg5[%arg0, %add3A_193, %dma_start3A_201] : memref<2x10240x128xf32, #tpu.memory_space<hbm>> -> memref<1x128x128xf32, #tpu.memory_space<hbm>>
    %dma_start3A_203 = tpu.memref_squeeze %dma_start3A_202 : memref<1x128x128xf32, #tpu.memory_space<hbm>> -> memref<128x128xf32, #tpu.memory_space<hbm>>
    tpu.enqueue_dma source(%arg10 : memref<128x128xf32, #tpu.memory_space<vmem>>) target(%dma_start3A_203 : memref<128x128xf32, #tpu.memory_space<hbm>>) target_semaphore(%arg17 : memref<!tpu.dma_semaphore, #tpu.memory_space<semaphore_mem>>)
    %dma_wait3A_204 = arith.constant 0 : i32
    %dma_wait3A_205 = tpu.memref_slice %arg5[%arg0, %add3A_193, %dma_wait3A_204] : memref<2x10240x128xf32, #tpu.memory_space<hbm>> -> memref<1x128x128xf32, #tpu.memory_space<hbm>>
    %dma_wait3A_206 = tpu.memref_squeeze %dma_wait3A_205 : memref<1x128x128xf32, #tpu.memory_space<hbm>> -> memref<128x128xf32, #tpu.memory_space<hbm>>
    %dma_wait3A_207 = arith.constant 0 : i32
    %dma_wait3A_208 = tpu.memref_slice %arg5[%arg0, %add3A_193, %dma_wait3A_207] : memref<2x10240x128xf32, #tpu.memory_space<hbm>> -> memref<1x128x128xf32, #tpu.memory_space<hbm>>
    %dma_wait3A_209 = tpu.memref_squeeze %dma_wait3A_208 : memref<1x128x128xf32, #tpu.memory_space<hbm>> -> memref<128x128xf32, #tpu.memory_space<hbm>>
    tpu.wait_dma2 semaphore(%arg18 : memref<!tpu.dma_semaphore, #tpu.memory_space<semaphore_mem>>) src(%arg11 : memref<128x128xf32, #tpu.memory_space<vmem>>) dst(%dma_wait3A_209 : memref<128x128xf32, #tpu.memory_space<hbm>>)
    %add3A_210 = arith.constant 128 : i32
    %add3A_211 = arith.addi %add3A_193, %add3A_210 : i32
    %dma_start3A_212 = arith.constant 0 : i32
    %dma_start3A_213 = tpu.memref_slice %arg12[%add3A_211, %dma_start3A_212] : memref<10240x128xf32, #tpu.memory_space<vmem_shared>> -> memref<128x128xf32, #tpu.memory_space<vmem_shared>>
    %dma_start3A_214 = arith.constant 0 : i32
    %dma_start3A_215 = tpu.memref_slice %arg12[%add3A_211, %dma_start3A_214] : memref<10240x128xf32, #tpu.memory_space<vmem_shared>> -> memref<128x128xf32, #tpu.memory_space<vmem_shared>>
    tpu.enqueue_dma source(%dma_start3A_215 : memref<128x128xf32, #tpu.memory_space<vmem_shared>>) target(%arg11 : memref<128x128xf32, #tpu.memory_space<vmem>>) target_semaphore(%arg16 : memref<!tpu.dma_semaphore, #tpu.memory_space<semaphore_mem>>)
    %mul3A_216 = arith.constant 640 : i32
    %mul3A_217 = arith.muli %arg1, %mul3A_216 : i32
    %add3A_218 = arith.constant 384 : i32
    %add3A_219 = arith.addi %mul3A_217, %add3A_218 : i32
    %dma_wait3A_220 = arith.constant 0 : i32
    %dma_wait3A_221 = tpu.memref_slice %arg12[%add3A_219, %dma_wait3A_220] : memref<10240x128xf32, #tpu.memory_space<vmem_shared>> -> memref<128x128xf32, #tpu.memory_space<vmem_shared>>
    %dma_wait3A_222 = arith.constant 0 : i32
    %dma_wait3A_223 = tpu.memref_slice %arg12[%add3A_219, %dma_wait3A_222] : memref<10240x128xf32, #tpu.memory_space<vmem_shared>> -> memref<128x128xf32, #tpu.memory_space<vmem_shared>>
    tpu.wait_dma2 semaphore(%arg16 : memref<!tpu.dma_semaphore, #tpu.memory_space<semaphore_mem>>) src(%dma_wait3A_223 : memref<128x128xf32, #tpu.memory_space<vmem_shared>>) dst(%arg11 : memref<128x128xf32, #tpu.memory_space<vmem>>)
    %dma_start3A_224 = arith.constant 0 : i32
    %dma_start3A_225 = tpu.memref_slice %arg5[%arg0, %add3A_219, %dma_start3A_224] : memref<2x10240x128xf32, #tpu.memory_space<hbm>> -> memref<1x128x128xf32, #tpu.memory_space<hbm>>
    %dma_start3A_226 = tpu.memref_squeeze %dma_start3A_225 : memref<1x128x128xf32, #tpu.memory_space<hbm>> -> memref<128x128xf32, #tpu.memory_space<hbm>>
    %dma_start3A_227 = arith.constant 0 : i32
    %dma_start3A_228 = tpu.memref_slice %arg5[%arg0, %add3A_219, %dma_start3A_227] : memref<2x10240x128xf32, #tpu.memory_space<hbm>> -> memref<1x128x128xf32, #tpu.memory_space<hbm>>
    %dma_start3A_229 = tpu.memref_squeeze %dma_start3A_228 : memref<1x128x128xf32, #tpu.memory_space<hbm>> -> memref<128x128xf32, #tpu.memory_space<hbm>>
    tpu.enqueue_dma source(%arg11 : memref<128x128xf32, #tpu.memory_space<vmem>>) target(%dma_start3A_229 : memref<128x128xf32, #tpu.memory_space<hbm>>) target_semaphore(%arg18 : memref<!tpu.dma_semaphore, #tpu.memory_space<semaphore_mem>>)
    %dma_wait3A_230 = arith.constant 0 : i32
    %dma_wait3A_231 = tpu.memref_slice %arg5[%arg0, %add3A_219, %dma_wait3A_230] : memref<2x10240x128xf32, #tpu.memory_space<hbm>> -> memref<1x128x128xf32, #tpu.memory_space<hbm>>
    %dma_wait3A_232 = tpu.memref_squeeze %dma_wait3A_231 : memref<1x128x128xf32, #tpu.memory_space<hbm>> -> memref<128x128xf32, #tpu.memory_space<hbm>>
    %dma_wait3A_233 = arith.constant 0 : i32
    %dma_wait3A_234 = tpu.memref_slice %arg5[%arg0, %add3A_219, %dma_wait3A_233] : memref<2x10240x128xf32, #tpu.memory_space<hbm>> -> memref<1x128x128xf32, #tpu.memory_space<hbm>>
    %dma_wait3A_235 = tpu.memref_squeeze %dma_wait3A_234 : memref<1x128x128xf32, #tpu.memory_space<hbm>> -> memref<128x128xf32, #tpu.memory_space<hbm>>
    tpu.wait_dma2 semaphore(%arg17 : memref<!tpu.dma_semaphore, #tpu.memory_space<semaphore_mem>>) src(%arg10 : memref<128x128xf32, #tpu.memory_space<vmem>>) dst(%dma_wait3A_235 : memref<128x128xf32, #tpu.memory_space<hbm>>)
    %add3A_236 = arith.constant 128 : i32
    %add3A_237 = arith.addi %add3A_219, %add3A_236 : i32
    %dma_start3A_238 = arith.constant 0 : i32
    %dma_start3A_239 = tpu.memref_slice %arg12[%add3A_237, %dma_start3A_238] : memref<10240x128xf32, #tpu.memory_space<vmem_shared>> -> memref<128x128xf32, #tpu.memory_space<vmem_shared>>
    %dma_start3A_240 = arith.constant 0 : i32
    %dma_start3A_241 = tpu.memref_slice %arg12[%add3A_237, %dma_start3A_240] : memref<10240x128xf32, #tpu.memory_space<vmem_shared>> -> memref<128x128xf32, #tpu.memory_space<vmem_shared>>
    tpu.enqueue_dma source(%dma_start3A_241 : memref<128x128xf32, #tpu.memory_space<vmem_shared>>) target(%arg10 : memref<128x128xf32, #tpu.memory_space<vmem>>) target_semaphore(%arg15 : memref<!tpu.dma_semaphore, #tpu.memory_space<semaphore_mem>>)
    %mul3A_242 = arith.constant 640 : i32
    %mul3A_243 = arith.muli %arg1, %mul3A_242 : i32
    %add3A_244 = arith.constant 512 : i32
    %add3A_245 = arith.addi %mul3A_243, %add3A_244 : i32
    %dma_wait3A_246 = arith.constant 0 : i32
    %dma_wait3A_247 = tpu.memref_slice %arg12[%add3A_245, %dma_wait3A_246] : memref<10240x128xf32, #tpu.memory_space<vmem_shared>> -> memref<128x128xf32, #tpu.memory_space<vmem_shared>>
    %dma_wait3A_248 = arith.constant 0 : i32
    %dma_wait3A_249 = tpu.memref_slice %arg12[%add3A_245, %dma_wait3A_248] : memref<10240x128xf32, #tpu.memory_space<vmem_shared>> -> memref<128x128xf32, #tpu.memory_space<vmem_shared>>
    tpu.wait_dma2 semaphore(%arg15 : memref<!tpu.dma_semaphore, #tpu.memory_space<semaphore_mem>>) src(%dma_wait3A_249 : memref<128x128xf32, #tpu.memory_space<vmem_shared>>) dst(%arg10 : memref<128x128xf32, #tpu.memory_space<vmem>>)
    %dma_start3A_250 = arith.constant 0 : i32
    %dma_start3A_251 = tpu.memref_slice %arg5[%arg0, %add3A_245, %dma_start3A_250] : memref<2x10240x128xf32, #tpu.memory_space<hbm>> -> memref<1x128x128xf32, #tpu.memory_space<hbm>>
    %dma_start3A_252 = tpu.memref_squeeze %dma_start3A_251 : memref<1x128x128xf32, #tpu.memory_space<hbm>> -> memref<128x128xf32, #tpu.memory_space<hbm>>
    %dma_start3A_253 = arith.constant 0 : i32
    %dma_start3A_254 = tpu.memref_slice %arg5[%arg0, %add3A_245, %dma_start3A_253] : memref<2x10240x128xf32, #tpu.memory_space<hbm>> -> memref<1x128x128xf32, #tpu.memory_space<hbm>>
    %dma_start3A_255 = tpu.memref_squeeze %dma_start3A_254 : memref<1x128x128xf32, #tpu.memory_space<hbm>> -> memref<128x128xf32, #tpu.memory_space<hbm>>
    tpu.enqueue_dma source(%arg10 : memref<128x128xf32, #tpu.memory_space<vmem>>) target(%dma_start3A_255 : memref<128x128xf32, #tpu.memory_space<hbm>>) target_semaphore(%arg17 : memref<!tpu.dma_semaphore, #tpu.memory_space<semaphore_mem>>)
    %mul3A_256 = arith.constant 640 : i32
    %mul3A_257 = arith.muli %arg1, %mul3A_256 : i32
    %dma_wait3A_258 = arith.constant 0 : i32
    %dma_wait3A_259 = tpu.memref_slice %arg5[%arg0, %mul3A_257, %dma_wait3A_258] : memref<2x10240x128xf32, #tpu.memory_space<hbm>> -> memref<1x128x128xf32, #tpu.memory_space<hbm>>
    %dma_wait3A_260 = tpu.memref_squeeze %dma_wait3A_259 : memref<1x128x128xf32, #tpu.memory_space<hbm>> -> memref<128x128xf32, #tpu.memory_space<hbm>>
    %dma_wait3A_261 = arith.constant 0 : i32
    %dma_wait3A_262 = tpu.memref_slice %arg5[%arg0, %mul3A_257, %dma_wait3A_261] : memref<2x10240x128xf32, #tpu.memory_space<hbm>> -> memref<1x128x128xf32, #tpu.memory_space<hbm>>
    %dma_wait3A_263 = tpu.memref_squeeze %dma_wait3A_262 : memref<1x128x128xf32, #tpu.memory_space<hbm>> -> memref<128x128xf32, #tpu.memory_space<hbm>>
    tpu.wait_dma2 semaphore(%arg17 : memref<!tpu.dma_semaphore, #tpu.memory_space<semaphore_mem>>) src(%arg10 : memref<128x128xf32, #tpu.memory_space<vmem>>) dst(%dma_wait3A_263 : memref<128x128xf32, #tpu.memory_space<hbm>>)
    %mul3A_264 = arith.constant 640 : i32
    %mul3A_265 = arith.muli %arg1, %mul3A_264 : i32
    %dma_wait3A_266 = arith.constant 0 : i32
    %dma_wait3A_267 = tpu.memref_slice %arg5[%arg0, %mul3A_265, %dma_wait3A_266] : memref<2x10240x128xf32, #tpu.memory_space<hbm>> -> memref<1x128x128xf32, #tpu.memory_space<hbm>>
    %dma_wait3A_268 = tpu.memref_squeeze %dma_wait3A_267 : memref<1x128x128xf32, #tpu.memory_space<hbm>> -> memref<128x128xf32, #tpu.memory_space<hbm>>
    %dma_wait3A_269 = arith.constant 0 : i32
    %dma_wait3A_270 = tpu.memref_slice %arg5[%arg0, %mul3A_265, %dma_wait3A_269] : memref<2x10240x128xf32, #tpu.memory_space<hbm>> -> memref<1x128x128xf32, #tpu.memory_space<hbm>>
    %dma_wait3A_271 = tpu.memref_squeeze %dma_wait3A_270 : memref<1x128x128xf32, #tpu.memory_space<hbm>> -> memref<128x128xf32, #tpu.memory_space<hbm>>
    tpu.wait_dma2 semaphore(%arg18 : memref<!tpu.dma_semaphore, #tpu.memory_space<semaphore_mem>>) src(%arg11 : memref<128x128xf32, #tpu.memory_space<vmem>>) dst(%dma_wait3A_271 : memref<128x128xf32, #tpu.memory_space<hbm>>)
    return
  }
}

#map = affine_map<(d0, d1) -> (0, 0)>
#map1 = affine_map<(d0, d1) -> (0)>
#map2 = affine_map<(d0, d1) -> (0, 0, 0)>
module attributes {stable_mosaic.version = 14 : i64} {
  func.func @_sc_scatter(%arg0: i32, %arg1: i32, %arg2: memref<10000x128xf32, #tpu.memory_space<hbm>>, %arg3: memref<647168xi32, #tpu.memory_space<hbm>>, %arg4: memref<128x128xf32, #tpu.memory_space<hbm>>, %arg5: memref<2x10240x128xf32, #tpu.memory_space<hbm>>, %arg6: memref<256xi32, #tpu.memory_space<vmem>>, %arg7: memref<256xi32, #tpu.memory_space<vmem>>, %arg8: memref<128xi32, #tpu.memory_space<vmem>>, %arg9: memref<128xi32, #tpu.memory_space<vmem>>, %arg10: memref<128x128xf32, #tpu.memory_space<vmem>>, %arg11: memref<128x128xf32, #tpu.memory_space<vmem>>, %arg12: memref<10240x128xf32, #tpu.memory_space<vmem_shared>>, %arg13: memref<!tpu.dma_semaphore, #tpu.memory_space<semaphore_mem>>, %arg14: memref<!tpu.dma_semaphore, #tpu.memory_space<semaphore_mem>>, %arg15: memref<!tpu.dma_semaphore, #tpu.memory_space<semaphore_mem>>, %arg16: memref<!tpu.dma_semaphore, #tpu.memory_space<semaphore_mem>>, %arg17: memref<!tpu.dma_semaphore, #tpu.memory_space<semaphore_mem>>, %arg18: memref<!tpu.dma_semaphore, #tpu.memory_space<semaphore_mem>>) attributes {dimension_semantics = [#tpu.dimension_semantics<core_parallel>, #tpu.dimension_semantics<subcore_parallel>], iteration_bounds = array<i64: 2, 16>, scalar_prefetch = 0 : i64, scratch_operands = 13 : i64, tpu.core_type = #tpu.core_type<sc_vector_subcore>, window_params = [{transform_indices = #map}, {transform_indices = #map1}, {transform_indices = #map}, {transform_indices = #map2}]} {
    %eq3A = arith.constant 0 : i32
    %eq3A_0 = arith.cmpi eq, %arg0, %eq3A : i32
    %jit3A = arith.constant 128 : i32
    %jit3A_1 = arith.constant 30 : i32
    %select_n3A = arith.select %eq3A_0, %jit3A, %jit3A_1 : i32
    %eq3A_2 = arith.constant 0 : i32
    %eq3A_3 = arith.cmpi eq, %arg0, %eq3A_2 : i32
    %mul3A = arith.constant 128 : i32
    %mul3A_4 = arith.muli %arg1, %mul3A : i32
    %mul3A_5 = arith.constant 30 : i32
    %mul3A_6 = arith.muli %arg1, %mul3A_5 : i32
    %add3A = arith.constant 2048 : i32
    %add3A_7 = arith.addi %add3A, %mul3A_6 : i32
    %select_n3A_8 = arith.select %eq3A_3, %mul3A_4, %add3A_7 : i32
    "tpu.region"() ({
      %run_scoped3A = tpu.sem_alloc : memref<!tpu.dma_semaphore, #tpu.memory_space<semaphore_mem>>
      tpu.enqueue_dma source(%arg4 : memref<128x128xf32, #tpu.memory_space<hbm>>) target(%arg10 : memref<128x128xf32, #tpu.memory_space<vmem>>) target_semaphore(%run_scoped3A : memref<!tpu.dma_semaphore, #tpu.memory_space<semaphore_mem>>)
      tpu.wait_dma2 semaphore(%run_scoped3A : memref<!tpu.dma_semaphore, #tpu.memory_space<semaphore_mem>>) src(%arg4 : memref<128x128xf32, #tpu.memory_space<hbm>>) dst(%arg10 : memref<128x128xf32, #tpu.memory_space<vmem>>)
      tpu.yield
    }) : () -> ()
    %mul3A_9 = arith.constant 640 : i32
    %mul3A_10 = arith.muli %arg1, %mul3A_9 : i32
    %add3A_11 = arith.constant 0 : i32
    %add3A_12 = arith.addi %mul3A_10, %add3A_11 : i32
    %dma_start3A = arith.constant 0 : i32
    %dma_start3A_13 = tpu.memref_slice %arg12[%add3A_12, %dma_start3A] : memref<10240x128xf32, #tpu.memory_space<vmem_shared>> -> memref<128x128xf32, #tpu.memory_space<vmem_shared>>
    %dma_start3A_14 = arith.constant 0 : i32
    %dma_start3A_15 = tpu.memref_slice %arg12[%add3A_12, %dma_start3A_14] : memref<10240x128xf32, #tpu.memory_space<vmem_shared>> -> memref<128x128xf32, #tpu.memory_space<vmem_shared>>
    tpu.enqueue_dma source(%arg10 : memref<128x128xf32, #tpu.memory_space<vmem>>) target(%dma_start3A_15 : memref<128x128xf32, #tpu.memory_space<vmem_shared>>) target_semaphore(%arg13 : memref<!tpu.dma_semaphore, #tpu.memory_space<semaphore_mem>>)
    %mul3A_16 = arith.constant 640 : i32
    %mul3A_17 = arith.muli %arg1, %mul3A_16 : i32
    %add3A_18 = arith.constant 128 : i32
    %add3A_19 = arith.addi %mul3A_17, %add3A_18 : i32
    %dma_start3A_20 = arith.constant 0 : i32
    %dma_start3A_21 = tpu.memref_slice %arg12[%add3A_19, %dma_start3A_20] : memref<10240x128xf32, #tpu.memory_space<vmem_shared>> -> memref<128x128xf32, #tpu.memory_space<vmem_shared>>
    %dma_start3A_22 = arith.constant 0 : i32
    %dma_start3A_23 = tpu.memref_slice %arg12[%add3A_19, %dma_start3A_22] : memref<10240x128xf32, #tpu.memory_space<vmem_shared>> -> memref<128x128xf32, #tpu.memory_space<vmem_shared>>
    tpu.enqueue_dma source(%arg10 : memref<128x128xf32, #tpu.memory_space<vmem>>) target(%dma_start3A_23 : memref<128x128xf32, #tpu.memory_space<vmem_shared>>) target_semaphore(%arg13 : memref<!tpu.dma_semaphore, #tpu.memory_space<semaphore_mem>>)
    %mul3A_24 = arith.constant 640 : i32
    %mul3A_25 = arith.muli %arg1, %mul3A_24 : i32
    %add3A_26 = arith.constant 256 : i32
    %add3A_27 = arith.addi %mul3A_25, %add3A_26 : i32
    %dma_start3A_28 = arith.constant 0 : i32
    %dma_start3A_29 = tpu.memref_slice %arg12[%add3A_27, %dma_start3A_28] : memref<10240x128xf32, #tpu.memory_space<vmem_shared>> -> memref<128x128xf32, #tpu.memory_space<vmem_shared>>
    %dma_start3A_30 = arith.constant 0 : i32
    %dma_start3A_31 = tpu.memref_slice %arg12[%add3A_27, %dma_start3A_30] : memref<10240x128xf32, #tpu.memory_space<vmem_shared>> -> memref<128x128xf32, #tpu.memory_space<vmem_shared>>
    tpu.enqueue_dma source(%arg10 : memref<128x128xf32, #tpu.memory_space<vmem>>) target(%dma_start3A_31 : memref<128x128xf32, #tpu.memory_space<vmem_shared>>) target_semaphore(%arg13 : memref<!tpu.dma_semaphore, #tpu.memory_space<semaphore_mem>>)
    %mul3A_32 = arith.constant 640 : i32
    %mul3A_33 = arith.muli %arg1, %mul3A_32 : i32
    %add3A_34 = arith.constant 384 : i32
    %add3A_35 = arith.addi %mul3A_33, %add3A_34 : i32
    %dma_start3A_36 = arith.constant 0 : i32
    %dma_start3A_37 = tpu.memref_slice %arg12[%add3A_35, %dma_start3A_36] : memref<10240x128xf32, #tpu.memory_space<vmem_shared>> -> memref<128x128xf32, #tpu.memory_space<vmem_shared>>
    %dma_start3A_38 = arith.constant 0 : i32
    %dma_start3A_39 = tpu.memref_slice %arg12[%add3A_35, %dma_start3A_38] : memref<10240x128xf32, #tpu.memory_space<vmem_shared>> -> memref<128x128xf32, #tpu.memory_space<vmem_shared>>
    tpu.enqueue_dma source(%arg10 : memref<128x128xf32, #tpu.memory_space<vmem>>) target(%dma_start3A_39 : memref<128x128xf32, #tpu.memory_space<vmem_shared>>) target_semaphore(%arg13 : memref<!tpu.dma_semaphore, #tpu.memory_space<semaphore_mem>>)
    %mul3A_40 = arith.constant 640 : i32
    %mul3A_41 = arith.muli %arg1, %mul3A_40 : i32
    %add3A_42 = arith.constant 512 : i32
    %add3A_43 = arith.addi %mul3A_41, %add3A_42 : i32
    %dma_start3A_44 = arith.constant 0 : i32
    %dma_start3A_45 = tpu.memref_slice %arg12[%add3A_43, %dma_start3A_44] : memref<10240x128xf32, #tpu.memory_space<vmem_shared>> -> memref<128x128xf32, #tpu.memory_space<vmem_shared>>
    %dma_start3A_46 = arith.constant 0 : i32
    %dma_start3A_47 = tpu.memref_slice %arg12[%add3A_43, %dma_start3A_46] : memref<10240x128xf32, #tpu.memory_space<vmem_shared>> -> memref<128x128xf32, #tpu.memory_space<vmem_shared>>
    tpu.enqueue_dma source(%arg10 : memref<128x128xf32, #tpu.memory_space<vmem>>) target(%dma_start3A_47 : memref<128x128xf32, #tpu.memory_space<vmem_shared>>) target_semaphore(%arg13 : memref<!tpu.dma_semaphore, #tpu.memory_space<semaphore_mem>>)
    %mul3A_48 = arith.constant 640 : i32
    %mul3A_49 = arith.muli %arg1, %mul3A_48 : i32
    %add3A_50 = arith.constant 0 : i32
    %add3A_51 = arith.addi %mul3A_49, %add3A_50 : i32
    %dma_wait3A = arith.constant 0 : i32
    %dma_wait3A_52 = tpu.memref_slice %arg12[%add3A_51, %dma_wait3A] : memref<10240x128xf32, #tpu.memory_space<vmem_shared>> -> memref<128x128xf32, #tpu.memory_space<vmem_shared>>
    %dma_wait3A_53 = arith.constant 0 : i32
    %dma_wait3A_54 = tpu.memref_slice %arg12[%add3A_51, %dma_wait3A_53] : memref<10240x128xf32, #tpu.memory_space<vmem_shared>> -> memref<128x128xf32, #tpu.memory_space<vmem_shared>>
    tpu.wait_dma2 semaphore(%arg13 : memref<!tpu.dma_semaphore, #tpu.memory_space<semaphore_mem>>) src(%arg10 : memref<128x128xf32, #tpu.memory_space<vmem>>) dst(%dma_wait3A_54 : memref<128x128xf32, #tpu.memory_space<vmem_shared>>)
    %mul3A_55 = arith.constant 640 : i32
    %mul3A_56 = arith.muli %arg1, %mul3A_55 : i32
    %add3A_57 = arith.constant 128 : i32
    %add3A_58 = arith.addi %mul3A_56, %add3A_57 : i32
    %dma_wait3A_59 = arith.constant 0 : i32
    %dma_wait3A_60 = tpu.memref_slice %arg12[%add3A_58, %dma_wait3A_59] : memref<10240x128xf32, #tpu.memory_space<vmem_shared>> -> memref<128x128xf32, #tpu.memory_space<vmem_shared>>
    %dma_wait3A_61 = arith.constant 0 : i32
    %dma_wait3A_62 = tpu.memref_slice %arg12[%add3A_58, %dma_wait3A_61] : memref<10240x128xf32, #tpu.memory_space<vmem_shared>> -> memref<128x128xf32, #tpu.memory_space<vmem_shared>>
    tpu.wait_dma2 semaphore(%arg13 : memref<!tpu.dma_semaphore, #tpu.memory_space<semaphore_mem>>) src(%arg10 : memref<128x128xf32, #tpu.memory_space<vmem>>) dst(%dma_wait3A_62 : memref<128x128xf32, #tpu.memory_space<vmem_shared>>)
    %mul3A_63 = arith.constant 640 : i32
    %mul3A_64 = arith.muli %arg1, %mul3A_63 : i32
    %add3A_65 = arith.constant 256 : i32
    %add3A_66 = arith.addi %mul3A_64, %add3A_65 : i32
    %dma_wait3A_67 = arith.constant 0 : i32
    %dma_wait3A_68 = tpu.memref_slice %arg12[%add3A_66, %dma_wait3A_67] : memref<10240x128xf32, #tpu.memory_space<vmem_shared>> -> memref<128x128xf32, #tpu.memory_space<vmem_shared>>
    %dma_wait3A_69 = arith.constant 0 : i32
    %dma_wait3A_70 = tpu.memref_slice %arg12[%add3A_66, %dma_wait3A_69] : memref<10240x128xf32, #tpu.memory_space<vmem_shared>> -> memref<128x128xf32, #tpu.memory_space<vmem_shared>>
    tpu.wait_dma2 semaphore(%arg13 : memref<!tpu.dma_semaphore, #tpu.memory_space<semaphore_mem>>) src(%arg10 : memref<128x128xf32, #tpu.memory_space<vmem>>) dst(%dma_wait3A_70 : memref<128x128xf32, #tpu.memory_space<vmem_shared>>)
    %mul3A_71 = arith.constant 640 : i32
    %mul3A_72 = arith.muli %arg1, %mul3A_71 : i32
    %add3A_73 = arith.constant 384 : i32
    %add3A_74 = arith.addi %mul3A_72, %add3A_73 : i32
    %dma_wait3A_75 = arith.constant 0 : i32
    %dma_wait3A_76 = tpu.memref_slice %arg12[%add3A_74, %dma_wait3A_75] : memref<10240x128xf32, #tpu.memory_space<vmem_shared>> -> memref<128x128xf32, #tpu.memory_space<vmem_shared>>
    %dma_wait3A_77 = arith.constant 0 : i32
    %dma_wait3A_78 = tpu.memref_slice %arg12[%add3A_74, %dma_wait3A_77] : memref<10240x128xf32, #tpu.memory_space<vmem_shared>> -> memref<128x128xf32, #tpu.memory_space<vmem_shared>>
    tpu.wait_dma2 semaphore(%arg13 : memref<!tpu.dma_semaphore, #tpu.memory_space<semaphore_mem>>) src(%arg10 : memref<128x128xf32, #tpu.memory_space<vmem>>) dst(%dma_wait3A_78 : memref<128x128xf32, #tpu.memory_space<vmem_shared>>)
    %mul3A_79 = arith.constant 640 : i32
    %mul3A_80 = arith.muli %arg1, %mul3A_79 : i32
    %add3A_81 = arith.constant 512 : i32
    %add3A_82 = arith.addi %mul3A_80, %add3A_81 : i32
    %dma_wait3A_83 = arith.constant 0 : i32
    %dma_wait3A_84 = tpu.memref_slice %arg12[%add3A_82, %dma_wait3A_83] : memref<10240x128xf32, #tpu.memory_space<vmem_shared>> -> memref<128x128xf32, #tpu.memory_space<vmem_shared>>
    %dma_wait3A_85 = arith.constant 0 : i32
    %dma_wait3A_86 = tpu.memref_slice %arg12[%add3A_82, %dma_wait3A_85] : memref<10240x128xf32, #tpu.memory_space<vmem_shared>> -> memref<128x128xf32, #tpu.memory_space<vmem_shared>>
    tpu.wait_dma2 semaphore(%arg13 : memref<!tpu.dma_semaphore, #tpu.memory_space<semaphore_mem>>) src(%arg10 : memref<128x128xf32, #tpu.memory_space<vmem>>) dst(%dma_wait3A_86 : memref<128x128xf32, #tpu.memory_space<vmem_shared>>)
    %barrier3A = arith.constant 0 : index
    tpu.barrier barrier_id(%barrier3A)
    %mul3A_87 = arith.constant 2 : i32
    %mul3A_88 = arith.muli %select_n3A_8, %mul3A_87 : i32
    %mul3A_89 = arith.constant 128 : i32
    %mul3A_90 = arith.muli %mul3A_88, %mul3A_89 : i32
    "tpu.region"() ({
      %run_scoped3A = tpu.sem_alloc : memref<!tpu.dma_semaphore, #tpu.memory_space<semaphore_mem>>
      %dma_start3A_272 = tpu.memref_slice %arg3[%mul3A_90] : memref<647168xi32, #tpu.memory_space<hbm>> -> memref<256xi32, #tpu.memory_space<hbm>>
      %dma_start3A_273 = tpu.memref_slice %arg3[%mul3A_90] : memref<647168xi32, #tpu.memory_space<hbm>> -> memref<256xi32, #tpu.memory_space<hbm>>
      tpu.enqueue_dma source(%dma_start3A_273 : memref<256xi32, #tpu.memory_space<hbm>>) target(%arg6 : memref<256xi32, #tpu.memory_space<vmem>>) target_semaphore(%run_scoped3A : memref<!tpu.dma_semaphore, #tpu.memory_space<semaphore_mem>>)
      %dma_wait3A_274 = tpu.memref_slice %arg3[%mul3A_90] : memref<647168xi32, #tpu.memory_space<hbm>> -> memref<256xi32, #tpu.memory_space<hbm>>
      %dma_wait3A_275 = tpu.memref_slice %arg3[%mul3A_90] : memref<647168xi32, #tpu.memory_space<hbm>> -> memref<256xi32, #tpu.memory_space<hbm>>
      tpu.wait_dma2 semaphore(%run_scoped3A : memref<!tpu.dma_semaphore, #tpu.memory_space<semaphore_mem>>) src(%dma_wait3A_275 : memref<256xi32, #tpu.memory_space<hbm>>) dst(%arg6 : memref<256xi32, #tpu.memory_space<vmem>>)
      tpu.yield
    }) : () -> ()
    %add3A_91 = arith.constant 1 : i32
    %add3A_92 = arith.addi %select_n3A_8, %add3A_91 : i32
    %mul3A_93 = arith.constant 2 : i32
    %mul3A_94 = arith.muli %add3A_92, %mul3A_93 : i32
    %mul3A_95 = arith.constant 128 : i32
    %mul3A_96 = arith.muli %mul3A_94, %mul3A_95 : i32
    %dma_start3A_97 = tpu.memref_slice %arg3[%mul3A_96] : memref<647168xi32, #tpu.memory_space<hbm>> -> memref<256xi32, #tpu.memory_space<hbm>>
    %dma_start3A_98 = tpu.memref_slice %arg3[%mul3A_96] : memref<647168xi32, #tpu.memory_space<hbm>> -> memref<256xi32, #tpu.memory_space<hbm>>
    tpu.enqueue_dma source(%dma_start3A_98 : memref<256xi32, #tpu.memory_space<hbm>>) target(%arg7 : memref<256xi32, #tpu.memory_space<vmem>>) target_semaphore(%arg14 : memref<!tpu.dma_semaphore, #tpu.memory_space<semaphore_mem>>)
    %dma_start3A_99 = arith.constant 0 : i32
    %dma_start3A_100 = tpu.memref_slice %arg6[%dma_start3A_99] : memref<256xi32, #tpu.memory_space<vmem>> -> memref<128xi32, #tpu.memory_space<vmem>>
    %dma_start3A_101 = arith.constant 0 : i32
    %dma_start3A_102 = arith.constant 0 : i32
    %dma_start3A_103 = tpu.memref_slice %arg2[%dma_start3A_101, %dma_start3A_102] : memref<10000x128xf32, #tpu.memory_space<hbm>> -> memref<10000x128xf32, #tpu.memory_space<hbm>>
    tpu.enqueue_indirect_dma source(%dma_start3A_103 : memref<10000x128xf32, #tpu.memory_space<hbm>>) target(%arg10 : memref<128x128xf32, #tpu.memory_space<vmem>>) offsets(%dma_start3A_100 : memref<128xi32, #tpu.memory_space<vmem>>) semaphore(%arg15 : memref<!tpu.dma_semaphore, #tpu.memory_space<semaphore_mem>>)
    %jit3A_104 = arith.constant 2 : i32
    %div3A = arith.divsi %select_n3A, %jit3A_104 : i32
    %sign3A = arith.constant 0 : i32
    %sign3A_105 = arith.cmpi sgt, %select_n3A, %sign3A : i32
    %sign3A_106 = arith.extui %sign3A_105 : i1 to i32
    %sign3A_107 = arith.constant 0 : i32
    %sign3A_108 = arith.cmpi slt, %select_n3A, %sign3A_107 : i32
    %sign3A_109 = arith.extui %sign3A_108 : i1 to i32
    %sign3A_110 = arith.subi %sign3A_106, %sign3A_109 : i32
    %sign3A_111 = arith.constant 0 : i32
    %sign3A_112 = arith.cmpi sgt, %jit3A_104, %sign3A_111 : i32
    %sign3A_113 = arith.extui %sign3A_112 : i1 to i32
    %sign3A_114 = arith.constant 0 : i32
    %sign3A_115 = arith.cmpi slt, %jit3A_104, %sign3A_114 : i32
    %sign3A_116 = arith.extui %sign3A_115 : i1 to i32
    %sign3A_117 = arith.subi %sign3A_113, %sign3A_116 : i32
    %ne3A = arith.cmpi ne, %sign3A_110, %sign3A_117 : i32
    %rem3A = arith.remsi %select_n3A, %jit3A_104 : i32
    %ne3A_118 = arith.constant 0 : i32
    %ne3A_119 = arith.cmpi ne, %rem3A, %ne3A_118 : i32
    %and3A = arith.andi %ne3A, %ne3A_119 : i1
    %sub3A = arith.constant 1 : i32
    %sub3A_120 = arith.subi %div3A, %sub3A : i32
    %select_n3A_121 = arith.select %and3A, %sub3A_120, %div3A : i32
    %while3A = arith.constant 0 : i32
    %while3A_122 = arith.constant 0 : i32
    %while3A_123 = arith.subi %select_n3A_121, %while3A_122 : i32
    %while3A_124 = arith.addi %while3A_122, %while3A_123 : i32
    %while3A_125 = arith.constant 1 : i32
    %while3A_126 = arith.divsi %while3A_123, %while3A_125 : i32
    %while3A_127 = arith.muli %while3A_126, %while3A_125 : i32
    %while3A_128 = arith.addi %while3A_122, %while3A_127 : i32
    %while3A_129 = arith.constant 1 : i32
    scf.for %while3A_272 = %while3A_122 to %while3A_128 step %while3A_129  : i32 {
      %mul3A_273 = arith.constant 2 : i32
      %mul3A_274 = arith.muli %while3A_272, %mul3A_273 : i32
      %add3A_275 = arith.constant 0 : i32
      %add3A_276 = arith.addi %mul3A_274, %add3A_275 : i32
      %dma_wait3A_277 = arith.constant 0 : i32
      %dma_wait3A_278 = tpu.memref_slice %arg6[%dma_wait3A_277] : memref<256xi32, #tpu.memory_space<vmem>> -> memref<128xi32, #tpu.memory_space<vmem>>
      %dma_wait3A_279 = arith.constant 0 : i32
      %dma_wait3A_280 = arith.constant 0 : i32
      %dma_wait3A_281 = tpu.memref_slice %arg2[%dma_wait3A_279, %dma_wait3A_280] : memref<10000x128xf32, #tpu.memory_space<hbm>> -> memref<10000x128xf32, #tpu.memory_space<hbm>>
      tpu.wait_indirect_dma semaphore(%arg15 : memref<!tpu.dma_semaphore, #tpu.memory_space<semaphore_mem>>) src(%dma_wait3A_281 : memref<10000x128xf32, #tpu.memory_space<hbm>>) dst(%arg10 : memref<128x128xf32, #tpu.memory_space<vmem>>)
      %get3A = arith.constant 128 : index
      %get3A_282 = tpu.vector_load %arg6[%get3A] {strides = array<i32>} : memref<256xi32, #tpu.memory_space<vmem>>, vector<16xi32>,
      %get3A_283 = vector.shape_cast %get3A_282 : vector<16xi32> to vector<16xi32>
      %swap3A = arith.constant 0 : index
      %swap3A_284 = tpu.vector_load %arg8[%swap3A] {strides = array<i32>} : memref<128xi32, #tpu.memory_space<vmem>>, vector<16xi32>,
      %swap3A_285 = vector.shape_cast %swap3A_284 : vector<16xi32> to vector<16xi32>
      %swap3A_286 = vector.shape_cast %get3A_283 : vector<16xi32> to vector<16xi32>
      tpu.vector_store %arg8[%swap3A], %swap3A_286 {strides = array<i32>} : memref<128xi32, #tpu.memory_space<vmem>>, vector<16xi32>,
      %get3A_287 = arith.constant 144 : index
      %get3A_288 = tpu.vector_load %arg6[%get3A_287] {strides = array<i32>} : memref<256xi32, #tpu.memory_space<vmem>>, vector<16xi32>,
      %get3A_289 = vector.shape_cast %get3A_288 : vector<16xi32> to vector<16xi32>
      %swap3A_290 = arith.constant 16 : index
      %swap3A_291 = tpu.vector_load %arg8[%swap3A_290] {strides = array<i32>} : memref<128xi32, #tpu.memory_space<vmem>>, vector<16xi32>,
      %swap3A_292 = vector.shape_cast %swap3A_291 : vector<16xi32> to vector<16xi32>
      %swap3A_293 = vector.shape_cast %get3A_289 : vector<16xi32> to vector<16xi32>
      tpu.vector_store %arg8[%swap3A_290], %swap3A_293 {strides = array<i32>} : memref<128xi32, #tpu.memory_space<vmem>>, vector<16xi32>,
      %get3A_294 = arith.constant 160 : index
      %get3A_295 = tpu.vector_load %arg6[%get3A_294] {strides = array<i32>} : memref<256xi32, #tpu.memory_space<vmem>>, vector<16xi32>,
      %get3A_296 = vector.shape_cast %get3A_295 : vector<16xi32> to vector<16xi32>
      %swap3A_297 = arith.constant 32 : index
      %swap3A_298 = tpu.vector_load %arg8[%swap3A_297] {strides = array<i32>} : memref<128xi32, #tpu.memory_space<vmem>>, vector<16xi32>,
      %swap3A_299 = vector.shape_cast %swap3A_298 : vector<16xi32> to vector<16xi32>
      %swap3A_300 = vector.shape_cast %get3A_296 : vector<16xi32> to vector<16xi32>
      tpu.vector_store %arg8[%swap3A_297], %swap3A_300 {strides = array<i32>} : memref<128xi32, #tpu.memory_space<vmem>>, vector<16xi32>,
      %get3A_301 = arith.constant 176 : index
      %get3A_302 = tpu.vector_load %arg6[%get3A_301] {strides = array<i32>} : memref<256xi32, #tpu.memory_space<vmem>>, vector<16xi32>,
      %get3A_303 = vector.shape_cast %get3A_302 : vector<16xi32> to vector<16xi32>
      %swap3A_304 = arith.constant 48 : index
      %swap3A_305 = tpu.vector_load %arg8[%swap3A_304] {strides = array<i32>} : memref<128xi32, #tpu.memory_space<vmem>>, vector<16xi32>,
      %swap3A_306 = vector.shape_cast %swap3A_305 : vector<16xi32> to vector<16xi32>
      %swap3A_307 = vector.shape_cast %get3A_303 : vector<16xi32> to vector<16xi32>
      tpu.vector_store %arg8[%swap3A_304], %swap3A_307 {strides = array<i32>} : memref<128xi32, #tpu.memory_space<vmem>>, vector<16xi32>,
      %get3A_308 = arith.constant 192 : index
      %get3A_309 = tpu.vector_load %arg6[%get3A_308] {strides = array<i32>} : memref<256xi32, #tpu.memory_space<vmem>>, vector<16xi32>,
      %get3A_310 = vector.shape_cast %get3A_309 : vector<16xi32> to vector<16xi32>
      %swap3A_311 = arith.constant 64 : index
      %swap3A_312 = tpu.vector_load %arg8[%swap3A_311] {strides = array<i32>} : memref<128xi32, #tpu.memory_space<vmem>>, vector<16xi32>,
      %swap3A_313 = vector.shape_cast %swap3A_312 : vector<16xi32> to vector<16xi32>
      %swap3A_314 = vector.shape_cast %get3A_310 : vector<16xi32> to vector<16xi32>
      tpu.vector_store %arg8[%swap3A_311], %swap3A_314 {strides = array<i32>} : memref<128xi32, #tpu.memory_space<vmem>>, vector<16xi32>,
      %get3A_315 = arith.constant 208 : index
      %get3A_316 = tpu.vector_load %arg6[%get3A_315] {strides = array<i32>} : memref<256xi32, #tpu.memory_space<vmem>>, vector<16xi32>,
      %get3A_317 = vector.shape_cast %get3A_316 : vector<16xi32> to vector<16xi32>
      %swap3A_318 = arith.constant 80 : index
      %swap3A_319 = tpu.vector_load %arg8[%swap3A_318] {strides = array<i32>} : memref<128xi32, #tpu.memory_space<vmem>>, vector<16xi32>,
      %swap3A_320 = vector.shape_cast %swap3A_319 : vector<16xi32> to vector<16xi32>
      %swap3A_321 = vector.shape_cast %get3A_317 : vector<16xi32> to vector<16xi32>
      tpu.vector_store %arg8[%swap3A_318], %swap3A_321 {strides = array<i32>} : memref<128xi32, #tpu.memory_space<vmem>>, vector<16xi32>,
      %get3A_322 = arith.constant 224 : index
      %get3A_323 = tpu.vector_load %arg6[%get3A_322] {strides = array<i32>} : memref<256xi32, #tpu.memory_space<vmem>>, vector<16xi32>,
      %get3A_324 = vector.shape_cast %get3A_323 : vector<16xi32> to vector<16xi32>
      %swap3A_325 = arith.constant 96 : index
      %swap3A_326 = tpu.vector_load %arg8[%swap3A_325] {strides = array<i32>} : memref<128xi32, #tpu.memory_space<vmem>>, vector<16xi32>,
      %swap3A_327 = vector.shape_cast %swap3A_326 : vector<16xi32> to vector<16xi32>
      %swap3A_328 = vector.shape_cast %get3A_324 : vector<16xi32> to vector<16xi32>
      tpu.vector_store %arg8[%swap3A_325], %swap3A_328 {strides = array<i32>} : memref<128xi32, #tpu.memory_space<vmem>>, vector<16xi32>,
      %get3A_329 = arith.constant 240 : index
      %get3A_330 = tpu.vector_load %arg6[%get3A_329] {strides = array<i32>} : memref<256xi32, #tpu.memory_space<vmem>>, vector<16xi32>,
      %get3A_331 = vector.shape_cast %get3A_330 : vector<16xi32> to vector<16xi32>
      %swap3A_332 = arith.constant 112 : index
      %swap3A_333 = tpu.vector_load %arg8[%swap3A_332] {strides = array<i32>} : memref<128xi32, #tpu.memory_space<vmem>>, vector<16xi32>,
      %swap3A_334 = vector.shape_cast %swap3A_333 : vector<16xi32> to vector<16xi32>
      %swap3A_335 = vector.shape_cast %get3A_331 : vector<16xi32> to vector<16xi32>
      tpu.vector_store %arg8[%swap3A_332], %swap3A_335 {strides = array<i32>} : memref<128xi32, #tpu.memory_space<vmem>>, vector<16xi32>,
      %add3A_336 = arith.constant 2 : i32
      %add3A_337 = arith.addi %add3A_276, %add3A_336 : i32
      %lt3A = arith.cmpi slt, %add3A_337, %select_n3A : i32
      %convert_element_type3A = arith.extui %lt3A : i1 to i32
      %cond3A = arith.constant 0 : i32
      %cond3A_338 = arith.cmpi ne, %convert_element_type3A, %cond3A : i32
      scf.if %cond3A_338 {
        %add3A_428 = arith.addi %select_n3A_8, %add3A_276 : i32
        %add3A_429 = arith.constant 2 : i32
        %add3A_430 = arith.addi %add3A_428, %add3A_429 : i32
        %mul3A_431 = arith.constant 2 : i32
        %mul3A_432 = arith.muli %add3A_430, %mul3A_431 : i32
        %mul3A_433 = arith.constant 128 : i32
        %mul3A_434 = arith.muli %mul3A_432, %mul3A_433 : i32
        %dma_start3A_435 = tpu.memref_slice %arg3[%mul3A_434] : memref<647168xi32, #tpu.memory_space<hbm>> -> memref<256xi32, #tpu.memory_space<hbm>>
        %dma_start3A_436 = tpu.memref_slice %arg3[%mul3A_434] : memref<647168xi32, #tpu.memory_space<hbm>> -> memref<256xi32, #tpu.memory_space<hbm>>
        tpu.enqueue_dma source(%dma_start3A_436 : memref<256xi32, #tpu.memory_space<hbm>>) target(%arg6 : memref<256xi32, #tpu.memory_space<vmem>>) target_semaphore(%arg13 : memref<!tpu.dma_semaphore, #tpu.memory_space<semaphore_mem>>)
      } else {
      }
      %add3A_339 = arith.constant 1 : i32
      %add3A_340 = arith.addi %add3A_276, %add3A_339 : i32
      %lt3A_341 = arith.cmpi slt, %add3A_340, %select_n3A : i32
      %convert_element_type3A_342 = arith.extui %lt3A_341 : i1 to i32
      %cond3A_343 = arith.constant 0 : i32
      %cond3A_344 = arith.cmpi ne, %convert_element_type3A_342, %cond3A_343 : i32
      scf.if %cond3A_344 {
        %mul3A_428 = arith.constant 2 : i32
        %mul3A_429 = arith.muli %select_n3A_8, %mul3A_428 : i32
        %mul3A_430 = arith.constant 128 : i32
        %mul3A_431 = arith.muli %mul3A_429, %mul3A_430 : i32
        %dma_wait3A_432 = tpu.memref_slice %arg3[%mul3A_431] : memref<647168xi32, #tpu.memory_space<hbm>> -> memref<256xi32, #tpu.memory_space<hbm>>
        %dma_wait3A_433 = tpu.memref_slice %arg3[%mul3A_431] : memref<647168xi32, #tpu.memory_space<hbm>> -> memref<256xi32, #tpu.memory_space<hbm>>
        tpu.wait_dma2 semaphore(%arg14 : memref<!tpu.dma_semaphore, #tpu.memory_space<semaphore_mem>>) src(%dma_wait3A_433 : memref<256xi32, #tpu.memory_space<hbm>>) dst(%arg7 : memref<256xi32, #tpu.memory_space<vmem>>)
        %ge3A = arith.constant 1 : i32
        %ge3A_434 = arith.cmpi sge, %add3A_276, %ge3A : i32
        %convert_element_type3A_435 = arith.extui %ge3A_434 : i1 to i32
        %cond3A_436 = arith.constant 0 : i32
        %cond3A_437 = arith.cmpi ne, %convert_element_type3A_435, %cond3A_436 : i32
        scf.if %cond3A_437 {
          %dma_wait3A_443 = arith.constant 0 : i32
          %dma_wait3A_444 = arith.constant 0 : i32
          %dma_wait3A_445 = tpu.memref_slice %arg12[%dma_wait3A_443, %dma_wait3A_444] : memref<10240x128xf32, #tpu.memory_space<vmem_shared>> -> memref<10240x128xf32, #tpu.memory_space<vmem_shared>>
          tpu.wait_indirect_dma semaphore(%arg18 : memref<!tpu.dma_semaphore, #tpu.memory_space<semaphore_mem>>) src(%arg11 : memref<128x128xf32, #tpu.memory_space<vmem>>) dst(%dma_wait3A_445 : memref<10240x128xf32, #tpu.memory_space<vmem_shared>>)
        } else {
        }
        %dma_start3A_438 = arith.constant 0 : i32
        %dma_start3A_439 = tpu.memref_slice %arg7[%dma_start3A_438] : memref<256xi32, #tpu.memory_space<vmem>> -> memref<128xi32, #tpu.memory_space<vmem>>
        %dma_start3A_440 = arith.constant 0 : i32
        %dma_start3A_441 = arith.constant 0 : i32
        %dma_start3A_442 = tpu.memref_slice %arg2[%dma_start3A_440, %dma_start3A_441] : memref<10000x128xf32, #tpu.memory_space<hbm>> -> memref<10000x128xf32, #tpu.memory_space<hbm>>
        tpu.enqueue_indirect_dma source(%dma_start3A_442 : memref<10000x128xf32, #tpu.memory_space<hbm>>) target(%arg11 : memref<128x128xf32, #tpu.memory_space<vmem>>) offsets(%dma_start3A_439 : memref<128xi32, #tpu.memory_space<vmem>>) semaphore(%arg16 : memref<!tpu.dma_semaphore, #tpu.memory_space<semaphore_mem>>)
      } else {
      }
      %dma_start3A_345 = arith.constant 0 : i32
      %dma_start3A_346 = arith.constant 0 : i32
      %dma_start3A_347 = tpu.memref_slice %arg12[%dma_start3A_345, %dma_start3A_346] : memref<10240x128xf32, #tpu.memory_space<vmem_shared>> -> memref<10240x128xf32, #tpu.memory_space<vmem_shared>>
      tpu.enqueue_indirect_dma source(%arg10 : memref<128x128xf32, #tpu.memory_space<vmem>>) target(%dma_start3A_347 : memref<10240x128xf32, #tpu.memory_space<vmem_shared>>) offsets(%arg8 : memref<128xi32, #tpu.memory_space<vmem>>) semaphore(%arg17 : memref<!tpu.dma_semaphore, #tpu.memory_space<semaphore_mem>>) {add = true}
      %mul3A_348 = arith.constant 2 : i32
      %mul3A_349 = arith.muli %while3A_272, %mul3A_348 : i32
      %add3A_350 = arith.constant 1 : i32
      %add3A_351 = arith.addi %mul3A_349, %add3A_350 : i32
      %dma_wait3A_352 = arith.constant 0 : i32
      %dma_wait3A_353 = tpu.memref_slice %arg7[%dma_wait3A_352] : memref<256xi32, #tpu.memory_space<vmem>> -> memref<128xi32, #tpu.memory_space<vmem>>
      %dma_wait3A_354 = arith.constant 0 : i32
      %dma_wait3A_355 = arith.constant 0 : i32
      %dma_wait3A_356 = tpu.memref_slice %arg2[%dma_wait3A_354, %dma_wait3A_355] : memref<10000x128xf32, #tpu.memory_space<hbm>> -> memref<10000x128xf32, #tpu.memory_space<hbm>>
      tpu.wait_indirect_dma semaphore(%arg16 : memref<!tpu.dma_semaphore, #tpu.memory_space<semaphore_mem>>) src(%dma_wait3A_356 : memref<10000x128xf32, #tpu.memory_space<hbm>>) dst(%arg11 : memref<128x128xf32, #tpu.memory_space<vmem>>)
      %get3A_357 = arith.constant 128 : index
      %get3A_358 = tpu.vector_load %arg7[%get3A_357] {strides = array<i32>} : memref<256xi32, #tpu.memory_space<vmem>>, vector<16xi32>,
      %get3A_359 = vector.shape_cast %get3A_358 : vector<16xi32> to vector<16xi32>
      %swap3A_360 = arith.constant 0 : index
      %swap3A_361 = tpu.vector_load %arg9[%swap3A_360] {strides = array<i32>} : memref<128xi32, #tpu.memory_space<vmem>>, vector<16xi32>,
      %swap3A_362 = vector.shape_cast %swap3A_361 : vector<16xi32> to vector<16xi32>
      %swap3A_363 = vector.shape_cast %get3A_359 : vector<16xi32> to vector<16xi32>
      tpu.vector_store %arg9[%swap3A_360], %swap3A_363 {strides = array<i32>} : memref<128xi32, #tpu.memory_space<vmem>>, vector<16xi32>,
      %get3A_364 = arith.constant 144 : index
      %get3A_365 = tpu.vector_load %arg7[%get3A_364] {strides = array<i32>} : memref<256xi32, #tpu.memory_space<vmem>>, vector<16xi32>,
      %get3A_366 = vector.shape_cast %get3A_365 : vector<16xi32> to vector<16xi32>
      %swap3A_367 = arith.constant 16 : index
      %swap3A_368 = tpu.vector_load %arg9[%swap3A_367] {strides = array<i32>} : memref<128xi32, #tpu.memory_space<vmem>>, vector<16xi32>,
      %swap3A_369 = vector.shape_cast %swap3A_368 : vector<16xi32> to vector<16xi32>
      %swap3A_370 = vector.shape_cast %get3A_366 : vector<16xi32> to vector<16xi32>
      tpu.vector_store %arg9[%swap3A_367], %swap3A_370 {strides = array<i32>} : memref<128xi32, #tpu.memory_space<vmem>>, vector<16xi32>,
      %get3A_371 = arith.constant 160 : index
      %get3A_372 = tpu.vector_load %arg7[%get3A_371] {strides = array<i32>} : memref<256xi32, #tpu.memory_space<vmem>>, vector<16xi32>,
      %get3A_373 = vector.shape_cast %get3A_372 : vector<16xi32> to vector<16xi32>
      %swap3A_374 = arith.constant 32 : index
      %swap3A_375 = tpu.vector_load %arg9[%swap3A_374] {strides = array<i32>} : memref<128xi32, #tpu.memory_space<vmem>>, vector<16xi32>,
      %swap3A_376 = vector.shape_cast %swap3A_375 : vector<16xi32> to vector<16xi32>
      %swap3A_377 = vector.shape_cast %get3A_373 : vector<16xi32> to vector<16xi32>
      tpu.vector_store %arg9[%swap3A_374], %swap3A_377 {strides = array<i32>} : memref<128xi32, #tpu.memory_space<vmem>>, vector<16xi32>,
      %get3A_378 = arith.constant 176 : index
      %get3A_379 = tpu.vector_load %arg7[%get3A_378] {strides = array<i32>} : memref<256xi32, #tpu.memory_space<vmem>>, vector<16xi32>,
      %get3A_380 = vector.shape_cast %get3A_379 : vector<16xi32> to vector<16xi32>
      %swap3A_381 = arith.constant 48 : index
      %swap3A_382 = tpu.vector_load %arg9[%swap3A_381] {strides = array<i32>} : memref<128xi32, #tpu.memory_space<vmem>>, vector<16xi32>,
      %swap3A_383 = vector.shape_cast %swap3A_382 : vector<16xi32> to vector<16xi32>
      %swap3A_384 = vector.shape_cast %get3A_380 : vector<16xi32> to vector<16xi32>
      tpu.vector_store %arg9[%swap3A_381], %swap3A_384 {strides = array<i32>} : memref<128xi32, #tpu.memory_space<vmem>>, vector<16xi32>,
      %get3A_385 = arith.constant 192 : index
      %get3A_386 = tpu.vector_load %arg7[%get3A_385] {strides = array<i32>} : memref<256xi32, #tpu.memory_space<vmem>>, vector<16xi32>,
      %get3A_387 = vector.shape_cast %get3A_386 : vector<16xi32> to vector<16xi32>
      %swap3A_388 = arith.constant 64 : index
      %swap3A_389 = tpu.vector_load %arg9[%swap3A_388] {strides = array<i32>} : memref<128xi32, #tpu.memory_space<vmem>>, vector<16xi32>,
      %swap3A_390 = vector.shape_cast %swap3A_389 : vector<16xi32> to vector<16xi32>
      %swap3A_391 = vector.shape_cast %get3A_387 : vector<16xi32> to vector<16xi32>
      tpu.vector_store %arg9[%swap3A_388], %swap3A_391 {strides = array<i32>} : memref<128xi32, #tpu.memory_space<vmem>>, vector<16xi32>,
      %get3A_392 = arith.constant 208 : index
      %get3A_393 = tpu.vector_load %arg7[%get3A_392] {strides = array<i32>} : memref<256xi32, #tpu.memory_space<vmem>>, vector<16xi32>,
      %get3A_394 = vector.shape_cast %get3A_393 : vector<16xi32> to vector<16xi32>
      %swap3A_395 = arith.constant 80 : index
      %swap3A_396 = tpu.vector_load %arg9[%swap3A_395] {strides = array<i32>} : memref<128xi32, #tpu.memory_space<vmem>>, vector<16xi32>,
      %swap3A_397 = vector.shape_cast %swap3A_396 : vector<16xi32> to vector<16xi32>
      %swap3A_398 = vector.shape_cast %get3A_394 : vector<16xi32> to vector<16xi32>
      tpu.vector_store %arg9[%swap3A_395], %swap3A_398 {strides = array<i32>} : memref<128xi32, #tpu.memory_space<vmem>>, vector<16xi32>,
      %get3A_399 = arith.constant 224 : index
      %get3A_400 = tpu.vector_load %arg7[%get3A_399] {strides = array<i32>} : memref<256xi32, #tpu.memory_space<vmem>>, vector<16xi32>,
      %get3A_401 = vector.shape_cast %get3A_400 : vector<16xi32> to vector<16xi32>
      %swap3A_402 = arith.constant 96 : index
      %swap3A_403 = tpu.vector_load %arg9[%swap3A_402] {strides = array<i32>} : memref<128xi32, #tpu.memory_space<vmem>>, vector<16xi32>,
      %swap3A_404 = vector.shape_cast %swap3A_403 : vector<16xi32> to vector<16xi32>
      %swap3A_405 = vector.shape_cast %get3A_401 : vector<16xi32> to vector<16xi32>
      tpu.vector_store %arg9[%swap3A_402], %swap3A_405 {strides = array<i32>} : memref<128xi32, #tpu.memory_space<vmem>>, vector<16xi32>,
      %get3A_406 = arith.constant 240 : index
      %get3A_407 = tpu.vector_load %arg7[%get3A_406] {strides = array<i32>} : memref<256xi32, #tpu.memory_space<vmem>>, vector<16xi32>,
      %get3A_408 = vector.shape_cast %get3A_407 : vector<16xi32> to vector<16xi32>
      %swap3A_409 = arith.constant 112 : index
      %swap3A_410 = tpu.vector_load %arg9[%swap3A_409] {strides = array<i32>} : memref<128xi32, #tpu.memory_space<vmem>>, vector<16xi32>,
      %swap3A_411 = vector.shape_cast %swap3A_410 : vector<16xi32> to vector<16xi32>
      %swap3A_412 = vector.shape_cast %get3A_408 : vector<16xi32> to vector<16xi32>
      tpu.vector_store %arg9[%swap3A_409], %swap3A_412 {strides = array<i32>} : memref<128xi32, #tpu.memory_space<vmem>>, vector<16xi32>,
      %add3A_413 = arith.constant 2 : i32
      %add3A_414 = arith.addi %add3A_351, %add3A_413 : i32
      %lt3A_415 = arith.cmpi slt, %add3A_414, %select_n3A : i32
      %convert_element_type3A_416 = arith.extui %lt3A_415 : i1 to i32
      %cond3A_417 = arith.constant 0 : i32
      %cond3A_418 = arith.cmpi ne, %convert_element_type3A_416, %cond3A_417 : i32
      scf.if %cond3A_418 {
        %add3A_428 = arith.addi %select_n3A_8, %add3A_351 : i32
        %add3A_429 = arith.constant 2 : i32
        %add3A_430 = arith.addi %add3A_428, %add3A_429 : i32
        %mul3A_431 = arith.constant 2 : i32
        %mul3A_432 = arith.muli %add3A_430, %mul3A_431 : i32
        %mul3A_433 = arith.constant 128 : i32
        %mul3A_434 = arith.muli %mul3A_432, %mul3A_433 : i32
        %dma_start3A_435 = tpu.memref_slice %arg3[%mul3A_434] : memref<647168xi32, #tpu.memory_space<hbm>> -> memref<256xi32, #tpu.memory_space<hbm>>
        %dma_start3A_436 = tpu.memref_slice %arg3[%mul3A_434] : memref<647168xi32, #tpu.memory_space<hbm>> -> memref<256xi32, #tpu.memory_space<hbm>>
        tpu.enqueue_dma source(%dma_start3A_436 : memref<256xi32, #tpu.memory_space<hbm>>) target(%arg7 : memref<256xi32, #tpu.memory_space<vmem>>) target_semaphore(%arg14 : memref<!tpu.dma_semaphore, #tpu.memory_space<semaphore_mem>>)
      } else {
      }
      %add3A_419 = arith.constant 1 : i32
      %add3A_420 = arith.addi %add3A_351, %add3A_419 : i32
      %lt3A_421 = arith.cmpi slt, %add3A_420, %select_n3A : i32
      %convert_element_type3A_422 = arith.extui %lt3A_421 : i1 to i32
      %cond3A_423 = arith.constant 0 : i32
      %cond3A_424 = arith.cmpi ne, %convert_element_type3A_422, %cond3A_423 : i32
      scf.if %cond3A_424 {
        %mul3A_428 = arith.constant 2 : i32
        %mul3A_429 = arith.muli %select_n3A_8, %mul3A_428 : i32
        %mul3A_430 = arith.constant 128 : i32
        %mul3A_431 = arith.muli %mul3A_429, %mul3A_430 : i32
        %dma_wait3A_432 = tpu.memref_slice %arg3[%mul3A_431] : memref<647168xi32, #tpu.memory_space<hbm>> -> memref<256xi32, #tpu.memory_space<hbm>>
        %dma_wait3A_433 = tpu.memref_slice %arg3[%mul3A_431] : memref<647168xi32, #tpu.memory_space<hbm>> -> memref<256xi32, #tpu.memory_space<hbm>>
        tpu.wait_dma2 semaphore(%arg13 : memref<!tpu.dma_semaphore, #tpu.memory_space<semaphore_mem>>) src(%dma_wait3A_433 : memref<256xi32, #tpu.memory_space<hbm>>) dst(%arg6 : memref<256xi32, #tpu.memory_space<vmem>>)
        %ge3A = arith.constant 1 : i32
        %ge3A_434 = arith.cmpi sge, %add3A_351, %ge3A : i32
        %convert_element_type3A_435 = arith.extui %ge3A_434 : i1 to i32
        %cond3A_436 = arith.constant 0 : i32
        %cond3A_437 = arith.cmpi ne, %convert_element_type3A_435, %cond3A_436 : i32
        scf.if %cond3A_437 {
          %dma_wait3A_443 = arith.constant 0 : i32
          %dma_wait3A_444 = arith.constant 0 : i32
          %dma_wait3A_445 = tpu.memref_slice %arg12[%dma_wait3A_443, %dma_wait3A_444] : memref<10240x128xf32, #tpu.memory_space<vmem_shared>> -> memref<10240x128xf32, #tpu.memory_space<vmem_shared>>
          tpu.wait_indirect_dma semaphore(%arg17 : memref<!tpu.dma_semaphore, #tpu.memory_space<semaphore_mem>>) src(%arg10 : memref<128x128xf32, #tpu.memory_space<vmem>>) dst(%dma_wait3A_445 : memref<10240x128xf32, #tpu.memory_space<vmem_shared>>)
        } else {
        }
        %dma_start3A_438 = arith.constant 0 : i32
        %dma_start3A_439 = tpu.memref_slice %arg6[%dma_start3A_438] : memref<256xi32, #tpu.memory_space<vmem>> -> memref<128xi32, #tpu.memory_space<vmem>>
        %dma_start3A_440 = arith.constant 0 : i32
        %dma_start3A_441 = arith.constant 0 : i32
        %dma_start3A_442 = tpu.memref_slice %arg2[%dma_start3A_440, %dma_start3A_441] : memref<10000x128xf32, #tpu.memory_space<hbm>> -> memref<10000x128xf32, #tpu.memory_space<hbm>>
        tpu.enqueue_indirect_dma source(%dma_start3A_442 : memref<10000x128xf32, #tpu.memory_space<hbm>>) target(%arg10 : memref<128x128xf32, #tpu.memory_space<vmem>>) offsets(%dma_start3A_439 : memref<128xi32, #tpu.memory_space<vmem>>) semaphore(%arg15 : memref<!tpu.dma_semaphore, #tpu.memory_space<semaphore_mem>>)
      } else {
      }
      %dma_start3A_425 = arith.constant 0 : i32
      %dma_start3A_426 = arith.constant 0 : i32
      %dma_start3A_427 = tpu.memref_slice %arg12[%dma_start3A_425, %dma_start3A_426] : memref<10240x128xf32, #tpu.memory_space<vmem_shared>> -> memref<10240x128xf32, #tpu.memory_space<vmem_shared>>
      tpu.enqueue_indirect_dma source(%arg11 : memref<128x128xf32, #tpu.memory_space<vmem>>) target(%dma_start3A_427 : memref<10240x128xf32, #tpu.memory_space<vmem_shared>>) offsets(%arg9 : memref<128xi32, #tpu.memory_space<vmem>>) semaphore(%arg18 : memref<!tpu.dma_semaphore, #tpu.memory_space<semaphore_mem>>) {add = true}
    }
    %while3A_130 = arith.constant 1 : i32
    scf.for %while3A_272 = %while3A_128 to %while3A_124 step %while3A_130  : i32 {
      %mul3A_273 = arith.constant 2 : i32
      %mul3A_274 = arith.muli %while3A_272, %mul3A_273 : i32
      %add3A_275 = arith.constant 0 : i32
      %add3A_276 = arith.addi %mul3A_274, %add3A_275 : i32
      %dma_wait3A_277 = arith.constant 0 : i32
      %dma_wait3A_278 = tpu.memref_slice %arg6[%dma_wait3A_277] : memref<256xi32, #tpu.memory_space<vmem>> -> memref<128xi32, #tpu.memory_space<vmem>>
      %dma_wait3A_279 = arith.constant 0 : i32
      %dma_wait3A_280 = arith.constant 0 : i32
      %dma_wait3A_281 = tpu.memref_slice %arg2[%dma_wait3A_279, %dma_wait3A_280] : memref<10000x128xf32, #tpu.memory_space<hbm>> -> memref<10000x128xf32, #tpu.memory_space<hbm>>
      tpu.wait_indirect_dma semaphore(%arg15 : memref<!tpu.dma_semaphore, #tpu.memory_space<semaphore_mem>>) src(%dma_wait3A_281 : memref<10000x128xf32, #tpu.memory_space<hbm>>) dst(%arg10 : memref<128x128xf32, #tpu.memory_space<vmem>>)
      %get3A = arith.constant 128 : index
      %get3A_282 = tpu.vector_load %arg6[%get3A] {strides = array<i32>} : memref<256xi32, #tpu.memory_space<vmem>>, vector<16xi32>,
      %get3A_283 = vector.shape_cast %get3A_282 : vector<16xi32> to vector<16xi32>
      %swap3A = arith.constant 0 : index
      %swap3A_284 = tpu.vector_load %arg8[%swap3A] {strides = array<i32>} : memref<128xi32, #tpu.memory_space<vmem>>, vector<16xi32>,
      %swap3A_285 = vector.shape_cast %swap3A_284 : vector<16xi32> to vector<16xi32>
      %swap3A_286 = vector.shape_cast %get3A_283 : vector<16xi32> to vector<16xi32>
      tpu.vector_store %arg8[%swap3A], %swap3A_286 {strides = array<i32>} : memref<128xi32, #tpu.memory_space<vmem>>, vector<16xi32>,
      %get3A_287 = arith.constant 144 : index
      %get3A_288 = tpu.vector_load %arg6[%get3A_287] {strides = array<i32>} : memref<256xi32, #tpu.memory_space<vmem>>, vector<16xi32>,
      %get3A_289 = vector.shape_cast %get3A_288 : vector<16xi32> to vector<16xi32>
      %swap3A_290 = arith.constant 16 : index
      %swap3A_291 = tpu.vector_load %arg8[%swap3A_290] {strides = array<i32>} : memref<128xi32, #tpu.memory_space<vmem>>, vector<16xi32>,
      %swap3A_292 = vector.shape_cast %swap3A_291 : vector<16xi32> to vector<16xi32>
      %swap3A_293 = vector.shape_cast %get3A_289 : vector<16xi32> to vector<16xi32>
      tpu.vector_store %arg8[%swap3A_290], %swap3A_293 {strides = array<i32>} : memref<128xi32, #tpu.memory_space<vmem>>, vector<16xi32>,
      %get3A_294 = arith.constant 160 : index
      %get3A_295 = tpu.vector_load %arg6[%get3A_294] {strides = array<i32>} : memref<256xi32, #tpu.memory_space<vmem>>, vector<16xi32>,
      %get3A_296 = vector.shape_cast %get3A_295 : vector<16xi32> to vector<16xi32>
      %swap3A_297 = arith.constant 32 : index
      %swap3A_298 = tpu.vector_load %arg8[%swap3A_297] {strides = array<i32>} : memref<128xi32, #tpu.memory_space<vmem>>, vector<16xi32>,
      %swap3A_299 = vector.shape_cast %swap3A_298 : vector<16xi32> to vector<16xi32>
      %swap3A_300 = vector.shape_cast %get3A_296 : vector<16xi32> to vector<16xi32>
      tpu.vector_store %arg8[%swap3A_297], %swap3A_300 {strides = array<i32>} : memref<128xi32, #tpu.memory_space<vmem>>, vector<16xi32>,
      %get3A_301 = arith.constant 176 : index
      %get3A_302 = tpu.vector_load %arg6[%get3A_301] {strides = array<i32>} : memref<256xi32, #tpu.memory_space<vmem>>, vector<16xi32>,
      %get3A_303 = vector.shape_cast %get3A_302 : vector<16xi32> to vector<16xi32>
      %swap3A_304 = arith.constant 48 : index
      %swap3A_305 = tpu.vector_load %arg8[%swap3A_304] {strides = array<i32>} : memref<128xi32, #tpu.memory_space<vmem>>, vector<16xi32>,
      %swap3A_306 = vector.shape_cast %swap3A_305 : vector<16xi32> to vector<16xi32>
      %swap3A_307 = vector.shape_cast %get3A_303 : vector<16xi32> to vector<16xi32>
      tpu.vector_store %arg8[%swap3A_304], %swap3A_307 {strides = array<i32>} : memref<128xi32, #tpu.memory_space<vmem>>, vector<16xi32>,
      %get3A_308 = arith.constant 192 : index
      %get3A_309 = tpu.vector_load %arg6[%get3A_308] {strides = array<i32>} : memref<256xi32, #tpu.memory_space<vmem>>, vector<16xi32>,
      %get3A_310 = vector.shape_cast %get3A_309 : vector<16xi32> to vector<16xi32>
      %swap3A_311 = arith.constant 64 : index
      %swap3A_312 = tpu.vector_load %arg8[%swap3A_311] {strides = array<i32>} : memref<128xi32, #tpu.memory_space<vmem>>, vector<16xi32>,
      %swap3A_313 = vector.shape_cast %swap3A_312 : vector<16xi32> to vector<16xi32>
      %swap3A_314 = vector.shape_cast %get3A_310 : vector<16xi32> to vector<16xi32>
      tpu.vector_store %arg8[%swap3A_311], %swap3A_314 {strides = array<i32>} : memref<128xi32, #tpu.memory_space<vmem>>, vector<16xi32>,
      %get3A_315 = arith.constant 208 : index
      %get3A_316 = tpu.vector_load %arg6[%get3A_315] {strides = array<i32>} : memref<256xi32, #tpu.memory_space<vmem>>, vector<16xi32>,
      %get3A_317 = vector.shape_cast %get3A_316 : vector<16xi32> to vector<16xi32>
      %swap3A_318 = arith.constant 80 : index
      %swap3A_319 = tpu.vector_load %arg8[%swap3A_318] {strides = array<i32>} : memref<128xi32, #tpu.memory_space<vmem>>, vector<16xi32>,
      %swap3A_320 = vector.shape_cast %swap3A_319 : vector<16xi32> to vector<16xi32>
      %swap3A_321 = vector.shape_cast %get3A_317 : vector<16xi32> to vector<16xi32>
      tpu.vector_store %arg8[%swap3A_318], %swap3A_321 {strides = array<i32>} : memref<128xi32, #tpu.memory_space<vmem>>, vector<16xi32>,
      %get3A_322 = arith.constant 224 : index
      %get3A_323 = tpu.vector_load %arg6[%get3A_322] {strides = array<i32>} : memref<256xi32, #tpu.memory_space<vmem>>, vector<16xi32>,
      %get3A_324 = vector.shape_cast %get3A_323 : vector<16xi32> to vector<16xi32>
      %swap3A_325 = arith.constant 96 : index
      %swap3A_326 = tpu.vector_load %arg8[%swap3A_325] {strides = array<i32>} : memref<128xi32, #tpu.memory_space<vmem>>, vector<16xi32>,
      %swap3A_327 = vector.shape_cast %swap3A_326 : vector<16xi32> to vector<16xi32>
      %swap3A_328 = vector.shape_cast %get3A_324 : vector<16xi32> to vector<16xi32>
      tpu.vector_store %arg8[%swap3A_325], %swap3A_328 {strides = array<i32>} : memref<128xi32, #tpu.memory_space<vmem>>, vector<16xi32>,
      %get3A_329 = arith.constant 240 : index
      %get3A_330 = tpu.vector_load %arg6[%get3A_329] {strides = array<i32>} : memref<256xi32, #tpu.memory_space<vmem>>, vector<16xi32>,
      %get3A_331 = vector.shape_cast %get3A_330 : vector<16xi32> to vector<16xi32>
      %swap3A_332 = arith.constant 112 : index
      %swap3A_333 = tpu.vector_load %arg8[%swap3A_332] {strides = array<i32>} : memref<128xi32, #tpu.memory_space<vmem>>, vector<16xi32>,
      %swap3A_334 = vector.shape_cast %swap3A_333 : vector<16xi32> to vector<16xi32>
      %swap3A_335 = vector.shape_cast %get3A_331 : vector<16xi32> to vector<16xi32>
      tpu.vector_store %arg8[%swap3A_332], %swap3A_335 {strides = array<i32>} : memref<128xi32, #tpu.memory_space<vmem>>, vector<16xi32>,
      %add3A_336 = arith.constant 2 : i32
      %add3A_337 = arith.addi %add3A_276, %add3A_336 : i32
      %lt3A = arith.cmpi slt, %add3A_337, %select_n3A : i32
      %convert_element_type3A = arith.extui %lt3A : i1 to i32
      %cond3A = arith.constant 0 : i32
      %cond3A_338 = arith.cmpi ne, %convert_element_type3A, %cond3A : i32
      scf.if %cond3A_338 {
        %add3A_428 = arith.addi %select_n3A_8, %add3A_276 : i32
        %add3A_429 = arith.constant 2 : i32
        %add3A_430 = arith.addi %add3A_428, %add3A_429 : i32
        %mul3A_431 = arith.constant 2 : i32
        %mul3A_432 = arith.muli %add3A_430, %mul3A_431 : i32
        %mul3A_433 = arith.constant 128 : i32
        %mul3A_434 = arith.muli %mul3A_432, %mul3A_433 : i32
        %dma_start3A_435 = tpu.memref_slice %arg3[%mul3A_434] : memref<647168xi32, #tpu.memory_space<hbm>> -> memref<256xi32, #tpu.memory_space<hbm>>
        %dma_start3A_436 = tpu.memref_slice %arg3[%mul3A_434] : memref<647168xi32, #tpu.memory_space<hbm>> -> memref<256xi32, #tpu.memory_space<hbm>>
        tpu.enqueue_dma source(%dma_start3A_436 : memref<256xi32, #tpu.memory_space<hbm>>) target(%arg6 : memref<256xi32, #tpu.memory_space<vmem>>) target_semaphore(%arg13 : memref<!tpu.dma_semaphore, #tpu.memory_space<semaphore_mem>>)
      } else {
      }
      %add3A_339 = arith.constant 1 : i32
      %add3A_340 = arith.addi %add3A_276, %add3A_339 : i32
      %lt3A_341 = arith.cmpi slt, %add3A_340, %select_n3A : i32
      %convert_element_type3A_342 = arith.extui %lt3A_341 : i1 to i32
      %cond3A_343 = arith.constant 0 : i32
      %cond3A_344 = arith.cmpi ne, %convert_element_type3A_342, %cond3A_343 : i32
      scf.if %cond3A_344 {
        %mul3A_428 = arith.constant 2 : i32
        %mul3A_429 = arith.muli %select_n3A_8, %mul3A_428 : i32
        %mul3A_430 = arith.constant 128 : i32
        %mul3A_431 = arith.muli %mul3A_429, %mul3A_430 : i32
        %dma_wait3A_432 = tpu.memref_slice %arg3[%mul3A_431] : memref<647168xi32, #tpu.memory_space<hbm>> -> memref<256xi32, #tpu.memory_space<hbm>>
        %dma_wait3A_433 = tpu.memref_slice %arg3[%mul3A_431] : memref<647168xi32, #tpu.memory_space<hbm>> -> memref<256xi32, #tpu.memory_space<hbm>>
        tpu.wait_dma2 semaphore(%arg14 : memref<!tpu.dma_semaphore, #tpu.memory_space<semaphore_mem>>) src(%dma_wait3A_433 : memref<256xi32, #tpu.memory_space<hbm>>) dst(%arg7 : memref<256xi32, #tpu.memory_space<vmem>>)
        %ge3A = arith.constant 1 : i32
        %ge3A_434 = arith.cmpi sge, %add3A_276, %ge3A : i32
        %convert_element_type3A_435 = arith.extui %ge3A_434 : i1 to i32
        %cond3A_436 = arith.constant 0 : i32
        %cond3A_437 = arith.cmpi ne, %convert_element_type3A_435, %cond3A_436 : i32
        scf.if %cond3A_437 {
          %dma_wait3A_443 = arith.constant 0 : i32
          %dma_wait3A_444 = arith.constant 0 : i32
          %dma_wait3A_445 = tpu.memref_slice %arg12[%dma_wait3A_443, %dma_wait3A_444] : memref<10240x128xf32, #tpu.memory_space<vmem_shared>> -> memref<10240x128xf32, #tpu.memory_space<vmem_shared>>
          tpu.wait_indirect_dma semaphore(%arg18 : memref<!tpu.dma_semaphore, #tpu.memory_space<semaphore_mem>>) src(%arg11 : memref<128x128xf32, #tpu.memory_space<vmem>>) dst(%dma_wait3A_445 : memref<10240x128xf32, #tpu.memory_space<vmem_shared>>)
        } else {
        }
        %dma_start3A_438 = arith.constant 0 : i32
        %dma_start3A_439 = tpu.memref_slice %arg7[%dma_start3A_438] : memref<256xi32, #tpu.memory_space<vmem>> -> memref<128xi32, #tpu.memory_space<vmem>>
        %dma_start3A_440 = arith.constant 0 : i32
        %dma_start3A_441 = arith.constant 0 : i32
        %dma_start3A_442 = tpu.memref_slice %arg2[%dma_start3A_440, %dma_start3A_441] : memref<10000x128xf32, #tpu.memory_space<hbm>> -> memref<10000x128xf32, #tpu.memory_space<hbm>>
        tpu.enqueue_indirect_dma source(%dma_start3A_442 : memref<10000x128xf32, #tpu.memory_space<hbm>>) target(%arg11 : memref<128x128xf32, #tpu.memory_space<vmem>>) offsets(%dma_start3A_439 : memref<128xi32, #tpu.memory_space<vmem>>) semaphore(%arg16 : memref<!tpu.dma_semaphore, #tpu.memory_space<semaphore_mem>>)
      } else {
      }
      %dma_start3A_345 = arith.constant 0 : i32
      %dma_start3A_346 = arith.constant 0 : i32
      %dma_start3A_347 = tpu.memref_slice %arg12[%dma_start3A_345, %dma_start3A_346] : memref<10240x128xf32, #tpu.memory_space<vmem_shared>> -> memref<10240x128xf32, #tpu.memory_space<vmem_shared>>
      tpu.enqueue_indirect_dma source(%arg10 : memref<128x128xf32, #tpu.memory_space<vmem>>) target(%dma_start3A_347 : memref<10240x128xf32, #tpu.memory_space<vmem_shared>>) offsets(%arg8 : memref<128xi32, #tpu.memory_space<vmem>>) semaphore(%arg17 : memref<!tpu.dma_semaphore, #tpu.memory_space<semaphore_mem>>) {add = true}
      %mul3A_348 = arith.constant 2 : i32
      %mul3A_349 = arith.muli %while3A_272, %mul3A_348 : i32
      %add3A_350 = arith.constant 1 : i32
      %add3A_351 = arith.addi %mul3A_349, %add3A_350 : i32
      %dma_wait3A_352 = arith.constant 0 : i32
      %dma_wait3A_353 = tpu.memref_slice %arg7[%dma_wait3A_352] : memref<256xi32, #tpu.memory_space<vmem>> -> memref<128xi32, #tpu.memory_space<vmem>>
      %dma_wait3A_354 = arith.constant 0 : i32
      %dma_wait3A_355 = arith.constant 0 : i32
      %dma_wait3A_356 = tpu.memref_slice %arg2[%dma_wait3A_354, %dma_wait3A_355] : memref<10000x128xf32, #tpu.memory_space<hbm>> -> memref<10000x128xf32, #tpu.memory_space<hbm>>
      tpu.wait_indirect_dma semaphore(%arg16 : memref<!tpu.dma_semaphore, #tpu.memory_space<semaphore_mem>>) src(%dma_wait3A_356 : memref<10000x128xf32, #tpu.memory_space<hbm>>) dst(%arg11 : memref<128x128xf32, #tpu.memory_space<vmem>>)
      %get3A_357 = arith.constant 128 : index
      %get3A_358 = tpu.vector_load %arg7[%get3A_357] {strides = array<i32>} : memref<256xi32, #tpu.memory_space<vmem>>, vector<16xi32>,
      %get3A_359 = vector.shape_cast %get3A_358 : vector<16xi32> to vector<16xi32>
      %swap3A_360 = arith.constant 0 : index
      %swap3A_361 = tpu.vector_load %arg9[%swap3A_360] {strides = array<i32>} : memref<128xi32, #tpu.memory_space<vmem>>, vector<16xi32>,
      %swap3A_362 = vector.shape_cast %swap3A_361 : vector<16xi32> to vector<16xi32>
      %swap3A_363 = vector.shape_cast %get3A_359 : vector<16xi32> to vector<16xi32>
      tpu.vector_store %arg9[%swap3A_360], %swap3A_363 {strides = array<i32>} : memref<128xi32, #tpu.memory_space<vmem>>, vector<16xi32>,
      %get3A_364 = arith.constant 144 : index
      %get3A_365 = tpu.vector_load %arg7[%get3A_364] {strides = array<i32>} : memref<256xi32, #tpu.memory_space<vmem>>, vector<16xi32>,
      %get3A_366 = vector.shape_cast %get3A_365 : vector<16xi32> to vector<16xi32>
      %swap3A_367 = arith.constant 16 : index
      %swap3A_368 = tpu.vector_load %arg9[%swap3A_367] {strides = array<i32>} : memref<128xi32, #tpu.memory_space<vmem>>, vector<16xi32>,
      %swap3A_369 = vector.shape_cast %swap3A_368 : vector<16xi32> to vector<16xi32>
      %swap3A_370 = vector.shape_cast %get3A_366 : vector<16xi32> to vector<16xi32>
      tpu.vector_store %arg9[%swap3A_367], %swap3A_370 {strides = array<i32>} : memref<128xi32, #tpu.memory_space<vmem>>, vector<16xi32>,
      %get3A_371 = arith.constant 160 : index
      %get3A_372 = tpu.vector_load %arg7[%get3A_371] {strides = array<i32>} : memref<256xi32, #tpu.memory_space<vmem>>, vector<16xi32>,
      %get3A_373 = vector.shape_cast %get3A_372 : vector<16xi32> to vector<16xi32>
      %swap3A_374 = arith.constant 32 : index
      %swap3A_375 = tpu.vector_load %arg9[%swap3A_374] {strides = array<i32>} : memref<128xi32, #tpu.memory_space<vmem>>, vector<16xi32>,
      %swap3A_376 = vector.shape_cast %swap3A_375 : vector<16xi32> to vector<16xi32>
      %swap3A_377 = vector.shape_cast %get3A_373 : vector<16xi32> to vector<16xi32>
      tpu.vector_store %arg9[%swap3A_374], %swap3A_377 {strides = array<i32>} : memref<128xi32, #tpu.memory_space<vmem>>, vector<16xi32>,
      %get3A_378 = arith.constant 176 : index
      %get3A_379 = tpu.vector_load %arg7[%get3A_378] {strides = array<i32>} : memref<256xi32, #tpu.memory_space<vmem>>, vector<16xi32>,
      %get3A_380 = vector.shape_cast %get3A_379 : vector<16xi32> to vector<16xi32>
      %swap3A_381 = arith.constant 48 : index
      %swap3A_382 = tpu.vector_load %arg9[%swap3A_381] {strides = array<i32>} : memref<128xi32, #tpu.memory_space<vmem>>, vector<16xi32>,
      %swap3A_383 = vector.shape_cast %swap3A_382 : vector<16xi32> to vector<16xi32>
      %swap3A_384 = vector.shape_cast %get3A_380 : vector<16xi32> to vector<16xi32>
      tpu.vector_store %arg9[%swap3A_381], %swap3A_384 {strides = array<i32>} : memref<128xi32, #tpu.memory_space<vmem>>, vector<16xi32>,
      %get3A_385 = arith.constant 192 : index
      %get3A_386 = tpu.vector_load %arg7[%get3A_385] {strides = array<i32>} : memref<256xi32, #tpu.memory_space<vmem>>, vector<16xi32>,
      %get3A_387 = vector.shape_cast %get3A_386 : vector<16xi32> to vector<16xi32>
      %swap3A_388 = arith.constant 64 : index
      %swap3A_389 = tpu.vector_load %arg9[%swap3A_388] {strides = array<i32>} : memref<128xi32, #tpu.memory_space<vmem>>, vector<16xi32>,
      %swap3A_390 = vector.shape_cast %swap3A_389 : vector<16xi32> to vector<16xi32>
      %swap3A_391 = vector.shape_cast %get3A_387 : vector<16xi32> to vector<16xi32>
      tpu.vector_store %arg9[%swap3A_388], %swap3A_391 {strides = array<i32>} : memref<128xi32, #tpu.memory_space<vmem>>, vector<16xi32>,
      %get3A_392 = arith.constant 208 : index
      %get3A_393 = tpu.vector_load %arg7[%get3A_392] {strides = array<i32>} : memref<256xi32, #tpu.memory_space<vmem>>, vector<16xi32>,
      %get3A_394 = vector.shape_cast %get3A_393 : vector<16xi32> to vector<16xi32>
      %swap3A_395 = arith.constant 80 : index
      %swap3A_396 = tpu.vector_load %arg9[%swap3A_395] {strides = array<i32>} : memref<128xi32, #tpu.memory_space<vmem>>, vector<16xi32>,
      %swap3A_397 = vector.shape_cast %swap3A_396 : vector<16xi32> to vector<16xi32>
      %swap3A_398 = vector.shape_cast %get3A_394 : vector<16xi32> to vector<16xi32>
      tpu.vector_store %arg9[%swap3A_395], %swap3A_398 {strides = array<i32>} : memref<128xi32, #tpu.memory_space<vmem>>, vector<16xi32>,
      %get3A_399 = arith.constant 224 : index
      %get3A_400 = tpu.vector_load %arg7[%get3A_399] {strides = array<i32>} : memref<256xi32, #tpu.memory_space<vmem>>, vector<16xi32>,
      %get3A_401 = vector.shape_cast %get3A_400 : vector<16xi32> to vector<16xi32>
      %swap3A_402 = arith.constant 96 : index
      %swap3A_403 = tpu.vector_load %arg9[%swap3A_402] {strides = array<i32>} : memref<128xi32, #tpu.memory_space<vmem>>, vector<16xi32>,
      %swap3A_404 = vector.shape_cast %swap3A_403 : vector<16xi32> to vector<16xi32>
      %swap3A_405 = vector.shape_cast %get3A_401 : vector<16xi32> to vector<16xi32>
      tpu.vector_store %arg9[%swap3A_402], %swap3A_405 {strides = array<i32>} : memref<128xi32, #tpu.memory_space<vmem>>, vector<16xi32>,
      %get3A_406 = arith.constant 240 : index
      %get3A_407 = tpu.vector_load %arg7[%get3A_406] {strides = array<i32>} : memref<256xi32, #tpu.memory_space<vmem>>, vector<16xi32>,
      %get3A_408 = vector.shape_cast %get3A_407 : vector<16xi32> to vector<16xi32>
      %swap3A_409 = arith.constant 112 : index
      %swap3A_410 = tpu.vector_load %arg9[%swap3A_409] {strides = array<i32>} : memref<128xi32, #tpu.memory_space<vmem>>, vector<16xi32>,
      %swap3A_411 = vector.shape_cast %swap3A_410 : vector<16xi32> to vector<16xi32>
      %swap3A_412 = vector.shape_cast %get3A_408 : vector<16xi32> to vector<16xi32>
      tpu.vector_store %arg9[%swap3A_409], %swap3A_412 {strides = array<i32>} : memref<128xi32, #tpu.memory_space<vmem>>, vector<16xi32>,
      %add3A_413 = arith.constant 2 : i32
      %add3A_414 = arith.addi %add3A_351, %add3A_413 : i32
      %lt3A_415 = arith.cmpi slt, %add3A_414, %select_n3A : i32
      %convert_element_type3A_416 = arith.extui %lt3A_415 : i1 to i32
      %cond3A_417 = arith.constant 0 : i32
      %cond3A_418 = arith.cmpi ne, %convert_element_type3A_416, %cond3A_417 : i32
      scf.if %cond3A_418 {
        %add3A_428 = arith.addi %select_n3A_8, %add3A_351 : i32
        %add3A_429 = arith.constant 2 : i32
        %add3A_430 = arith.addi %add3A_428, %add3A_429 : i32
        %mul3A_431 = arith.constant 2 : i32
        %mul3A_432 = arith.muli %add3A_430, %mul3A_431 : i32
        %mul3A_433 = arith.constant 128 : i32
        %mul3A_434 = arith.muli %mul3A_432, %mul3A_433 : i32
        %dma_start3A_435 = tpu.memref_slice %arg3[%mul3A_434] : memref<647168xi32, #tpu.memory_space<hbm>> -> memref<256xi32, #tpu.memory_space<hbm>>
        %dma_start3A_436 = tpu.memref_slice %arg3[%mul3A_434] : memref<647168xi32, #tpu.memory_space<hbm>> -> memref<256xi32, #tpu.memory_space<hbm>>
        tpu.enqueue_dma source(%dma_start3A_436 : memref<256xi32, #tpu.memory_space<hbm>>) target(%arg7 : memref<256xi32, #tpu.memory_space<vmem>>) target_semaphore(%arg14 : memref<!tpu.dma_semaphore, #tpu.memory_space<semaphore_mem>>)
      } else {
      }
      %add3A_419 = arith.constant 1 : i32
      %add3A_420 = arith.addi %add3A_351, %add3A_419 : i32
      %lt3A_421 = arith.cmpi slt, %add3A_420, %select_n3A : i32
      %convert_element_type3A_422 = arith.extui %lt3A_421 : i1 to i32
      %cond3A_423 = arith.constant 0 : i32
      %cond3A_424 = arith.cmpi ne, %convert_element_type3A_422, %cond3A_423 : i32
      scf.if %cond3A_424 {
        %mul3A_428 = arith.constant 2 : i32
        %mul3A_429 = arith.muli %select_n3A_8, %mul3A_428 : i32
        %mul3A_430 = arith.constant 128 : i32
        %mul3A_431 = arith.muli %mul3A_429, %mul3A_430 : i32
        %dma_wait3A_432 = tpu.memref_slice %arg3[%mul3A_431] : memref<647168xi32, #tpu.memory_space<hbm>> -> memref<256xi32, #tpu.memory_space<hbm>>
        %dma_wait3A_433 = tpu.memref_slice %arg3[%mul3A_431] : memref<647168xi32, #tpu.memory_space<hbm>> -> memref<256xi32, #tpu.memory_space<hbm>>
        tpu.wait_dma2 semaphore(%arg13 : memref<!tpu.dma_semaphore, #tpu.memory_space<semaphore_mem>>) src(%dma_wait3A_433 : memref<256xi32, #tpu.memory_space<hbm>>) dst(%arg6 : memref<256xi32, #tpu.memory_space<vmem>>)
        %ge3A = arith.constant 1 : i32
        %ge3A_434 = arith.cmpi sge, %add3A_351, %ge3A : i32
        %convert_element_type3A_435 = arith.extui %ge3A_434 : i1 to i32
        %cond3A_436 = arith.constant 0 : i32
        %cond3A_437 = arith.cmpi ne, %convert_element_type3A_435, %cond3A_436 : i32
        scf.if %cond3A_437 {
          %dma_wait3A_443 = arith.constant 0 : i32
          %dma_wait3A_444 = arith.constant 0 : i32
          %dma_wait3A_445 = tpu.memref_slice %arg12[%dma_wait3A_443, %dma_wait3A_444] : memref<10240x128xf32, #tpu.memory_space<vmem_shared>> -> memref<10240x128xf32, #tpu.memory_space<vmem_shared>>
          tpu.wait_indirect_dma semaphore(%arg17 : memref<!tpu.dma_semaphore, #tpu.memory_space<semaphore_mem>>) src(%arg10 : memref<128x128xf32, #tpu.memory_space<vmem>>) dst(%dma_wait3A_445 : memref<10240x128xf32, #tpu.memory_space<vmem_shared>>)
        } else {
        }
        %dma_start3A_438 = arith.constant 0 : i32
        %dma_start3A_439 = tpu.memref_slice %arg6[%dma_start3A_438] : memref<256xi32, #tpu.memory_space<vmem>> -> memref<128xi32, #tpu.memory_space<vmem>>
        %dma_start3A_440 = arith.constant 0 : i32
        %dma_start3A_441 = arith.constant 0 : i32
        %dma_start3A_442 = tpu.memref_slice %arg2[%dma_start3A_440, %dma_start3A_441] : memref<10000x128xf32, #tpu.memory_space<hbm>> -> memref<10000x128xf32, #tpu.memory_space<hbm>>
        tpu.enqueue_indirect_dma source(%dma_start3A_442 : memref<10000x128xf32, #tpu.memory_space<hbm>>) target(%arg10 : memref<128x128xf32, #tpu.memory_space<vmem>>) offsets(%dma_start3A_439 : memref<128xi32, #tpu.memory_space<vmem>>) semaphore(%arg15 : memref<!tpu.dma_semaphore, #tpu.memory_space<semaphore_mem>>)
      } else {
      }
      %dma_start3A_425 = arith.constant 0 : i32
      %dma_start3A_426 = arith.constant 0 : i32
      %dma_start3A_427 = tpu.memref_slice %arg12[%dma_start3A_425, %dma_start3A_426] : memref<10240x128xf32, #tpu.memory_space<vmem_shared>> -> memref<10240x128xf32, #tpu.memory_space<vmem_shared>>
      tpu.enqueue_indirect_dma source(%arg11 : memref<128x128xf32, #tpu.memory_space<vmem>>) target(%dma_start3A_427 : memref<10240x128xf32, #tpu.memory_space<vmem_shared>>) offsets(%arg9 : memref<128xi32, #tpu.memory_space<vmem>>) semaphore(%arg18 : memref<!tpu.dma_semaphore, #tpu.memory_space<semaphore_mem>>) {add = true}
    }
    %dma_wait3A_131 = arith.constant 0 : i32
    %dma_wait3A_132 = arith.constant 0 : i32
    %dma_wait3A_133 = tpu.memref_slice %arg12[%dma_wait3A_131, %dma_wait3A_132] : memref<10240x128xf32, #tpu.memory_space<vmem_shared>> -> memref<10240x128xf32, #tpu.memory_space<vmem_shared>>
    tpu.wait_indirect_dma semaphore(%arg17 : memref<!tpu.dma_semaphore, #tpu.memory_space<semaphore_mem>>) src(%arg10 : memref<128x128xf32, #tpu.memory_space<vmem>>) dst(%dma_wait3A_133 : memref<10240x128xf32, #tpu.memory_space<vmem_shared>>)
    %dma_wait3A_134 = arith.constant 0 : i32
    %dma_wait3A_135 = arith.constant 0 : i32
    %dma_wait3A_136 = tpu.memref_slice %arg12[%dma_wait3A_134, %dma_wait3A_135] : memref<10240x128xf32, #tpu.memory_space<vmem_shared>> -> memref<10240x128xf32, #tpu.memory_space<vmem_shared>>
    tpu.wait_indirect_dma semaphore(%arg18 : memref<!tpu.dma_semaphore, #tpu.memory_space<semaphore_mem>>) src(%arg11 : memref<128x128xf32, #tpu.memory_space<vmem>>) dst(%dma_wait3A_136 : memref<10240x128xf32, #tpu.memory_space<vmem_shared>>)
    %barrier3A_137 = arith.constant 0 : index
    tpu.barrier barrier_id(%barrier3A_137)
    %mul3A_138 = arith.constant 640 : i32
    %mul3A_139 = arith.muli %arg1, %mul3A_138 : i32
    %dma_start3A_140 = arith.constant 0 : i32
    %dma_start3A_141 = tpu.memref_slice %arg12[%mul3A_139, %dma_start3A_140] : memref<10240x128xf32, #tpu.memory_space<vmem_shared>> -> memref<128x128xf32, #tpu.memory_space<vmem_shared>>
    %dma_start3A_142 = arith.constant 0 : i32
    %dma_start3A_143 = tpu.memref_slice %arg12[%mul3A_139, %dma_start3A_142] : memref<10240x128xf32, #tpu.memory_space<vmem_shared>> -> memref<128x128xf32, #tpu.memory_space<vmem_shared>>
    tpu.enqueue_dma source(%dma_start3A_143 : memref<128x128xf32, #tpu.memory_space<vmem_shared>>) target(%arg10 : memref<128x128xf32, #tpu.memory_space<vmem>>) target_semaphore(%arg15 : memref<!tpu.dma_semaphore, #tpu.memory_space<semaphore_mem>>)
    %mul3A_144 = arith.constant 640 : i32
    %mul3A_145 = arith.muli %arg1, %mul3A_144 : i32
    %add3A_146 = arith.constant 0 : i32
    %add3A_147 = arith.addi %mul3A_145, %add3A_146 : i32
    %dma_wait3A_148 = arith.constant 0 : i32
    %dma_wait3A_149 = tpu.memref_slice %arg12[%add3A_147, %dma_wait3A_148] : memref<10240x128xf32, #tpu.memory_space<vmem_shared>> -> memref<128x128xf32, #tpu.memory_space<vmem_shared>>
    %dma_wait3A_150 = arith.constant 0 : i32
    %dma_wait3A_151 = tpu.memref_slice %arg12[%add3A_147, %dma_wait3A_150] : memref<10240x128xf32, #tpu.memory_space<vmem_shared>> -> memref<128x128xf32, #tpu.memory_space<vmem_shared>>
    tpu.wait_dma2 semaphore(%arg15 : memref<!tpu.dma_semaphore, #tpu.memory_space<semaphore_mem>>) src(%dma_wait3A_151 : memref<128x128xf32, #tpu.memory_space<vmem_shared>>) dst(%arg10 : memref<128x128xf32, #tpu.memory_space<vmem>>)
    %dma_start3A_152 = arith.constant 0 : i32
    %dma_start3A_153 = tpu.memref_slice %arg5[%arg0, %add3A_147, %dma_start3A_152] : memref<2x10240x128xf32, #tpu.memory_space<hbm>> -> memref<1x128x128xf32, #tpu.memory_space<hbm>>
    %dma_start3A_154 = tpu.memref_squeeze %dma_start3A_153 : memref<1x128x128xf32, #tpu.memory_space<hbm>> -> memref<128x128xf32, #tpu.memory_space<hbm>>
    %dma_start3A_155 = arith.constant 0 : i32
    %dma_start3A_156 = tpu.memref_slice %arg5[%arg0, %add3A_147, %dma_start3A_155] : memref<2x10240x128xf32, #tpu.memory_space<hbm>> -> memref<1x128x128xf32, #tpu.memory_space<hbm>>
    %dma_start3A_157 = tpu.memref_squeeze %dma_start3A_156 : memref<1x128x128xf32, #tpu.memory_space<hbm>> -> memref<128x128xf32, #tpu.memory_space<hbm>>
    tpu.enqueue_dma source(%arg10 : memref<128x128xf32, #tpu.memory_space<vmem>>) target(%dma_start3A_157 : memref<128x128xf32, #tpu.memory_space<hbm>>) target_semaphore(%arg17 : memref<!tpu.dma_semaphore, #tpu.memory_space<semaphore_mem>>)
    %add3A_158 = arith.constant 128 : i32
    %add3A_159 = arith.addi %add3A_147, %add3A_158 : i32
    %dma_start3A_160 = arith.constant 0 : i32
    %dma_start3A_161 = tpu.memref_slice %arg12[%add3A_159, %dma_start3A_160] : memref<10240x128xf32, #tpu.memory_space<vmem_shared>> -> memref<128x128xf32, #tpu.memory_space<vmem_shared>>
    %dma_start3A_162 = arith.constant 0 : i32
    %dma_start3A_163 = tpu.memref_slice %arg12[%add3A_159, %dma_start3A_162] : memref<10240x128xf32, #tpu.memory_space<vmem_shared>> -> memref<128x128xf32, #tpu.memory_space<vmem_shared>>
    tpu.enqueue_dma source(%dma_start3A_163 : memref<128x128xf32, #tpu.memory_space<vmem_shared>>) target(%arg11 : memref<128x128xf32, #tpu.memory_space<vmem>>) target_semaphore(%arg16 : memref<!tpu.dma_semaphore, #tpu.memory_space<semaphore_mem>>)
    %mul3A_164 = arith.constant 640 : i32
    %mul3A_165 = arith.muli %arg1, %mul3A_164 : i32
    %add3A_166 = arith.constant 128 : i32
    %add3A_167 = arith.addi %mul3A_165, %add3A_166 : i32
    %dma_wait3A_168 = arith.constant 0 : i32
    %dma_wait3A_169 = tpu.memref_slice %arg12[%add3A_167, %dma_wait3A_168] : memref<10240x128xf32, #tpu.memory_space<vmem_shared>> -> memref<128x128xf32, #tpu.memory_space<vmem_shared>>
    %dma_wait3A_170 = arith.constant 0 : i32
    %dma_wait3A_171 = tpu.memref_slice %arg12[%add3A_167, %dma_wait3A_170] : memref<10240x128xf32, #tpu.memory_space<vmem_shared>> -> memref<128x128xf32, #tpu.memory_space<vmem_shared>>
    tpu.wait_dma2 semaphore(%arg16 : memref<!tpu.dma_semaphore, #tpu.memory_space<semaphore_mem>>) src(%dma_wait3A_171 : memref<128x128xf32, #tpu.memory_space<vmem_shared>>) dst(%arg11 : memref<128x128xf32, #tpu.memory_space<vmem>>)
    %dma_start3A_172 = arith.constant 0 : i32
    %dma_start3A_173 = tpu.memref_slice %arg5[%arg0, %add3A_167, %dma_start3A_172] : memref<2x10240x128xf32, #tpu.memory_space<hbm>> -> memref<1x128x128xf32, #tpu.memory_space<hbm>>
    %dma_start3A_174 = tpu.memref_squeeze %dma_start3A_173 : memref<1x128x128xf32, #tpu.memory_space<hbm>> -> memref<128x128xf32, #tpu.memory_space<hbm>>
    %dma_start3A_175 = arith.constant 0 : i32
    %dma_start3A_176 = tpu.memref_slice %arg5[%arg0, %add3A_167, %dma_start3A_175] : memref<2x10240x128xf32, #tpu.memory_space<hbm>> -> memref<1x128x128xf32, #tpu.memory_space<hbm>>
    %dma_start3A_177 = tpu.memref_squeeze %dma_start3A_176 : memref<1x128x128xf32, #tpu.memory_space<hbm>> -> memref<128x128xf32, #tpu.memory_space<hbm>>
    tpu.enqueue_dma source(%arg11 : memref<128x128xf32, #tpu.memory_space<vmem>>) target(%dma_start3A_177 : memref<128x128xf32, #tpu.memory_space<hbm>>) target_semaphore(%arg18 : memref<!tpu.dma_semaphore, #tpu.memory_space<semaphore_mem>>)
    %dma_wait3A_178 = arith.constant 0 : i32
    %dma_wait3A_179 = tpu.memref_slice %arg5[%arg0, %add3A_167, %dma_wait3A_178] : memref<2x10240x128xf32, #tpu.memory_space<hbm>> -> memref<1x128x128xf32, #tpu.memory_space<hbm>>
    %dma_wait3A_180 = tpu.memref_squeeze %dma_wait3A_179 : memref<1x128x128xf32, #tpu.memory_space<hbm>> -> memref<128x128xf32, #tpu.memory_space<hbm>>
    %dma_wait3A_181 = arith.constant 0 : i32
    %dma_wait3A_182 = tpu.memref_slice %arg5[%arg0, %add3A_167, %dma_wait3A_181] : memref<2x10240x128xf32, #tpu.memory_space<hbm>> -> memref<1x128x128xf32, #tpu.memory_space<hbm>>
    %dma_wait3A_183 = tpu.memref_squeeze %dma_wait3A_182 : memref<1x128x128xf32, #tpu.memory_space<hbm>> -> memref<128x128xf32, #tpu.memory_space<hbm>>
    tpu.wait_dma2 semaphore(%arg17 : memref<!tpu.dma_semaphore, #tpu.memory_space<semaphore_mem>>) src(%arg10 : memref<128x128xf32, #tpu.memory_space<vmem>>) dst(%dma_wait3A_183 : memref<128x128xf32, #tpu.memory_space<hbm>>)
    %add3A_184 = arith.constant 128 : i32
    %add3A_185 = arith.addi %add3A_167, %add3A_184 : i32
    %dma_start3A_186 = arith.constant 0 : i32
    %dma_start3A_187 = tpu.memref_slice %arg12[%add3A_185, %dma_start3A_186] : memref<10240x128xf32, #tpu.memory_space<vmem_shared>> -> memref<128x128xf32, #tpu.memory_space<vmem_shared>>
    %dma_start3A_188 = arith.constant 0 : i32
    %dma_start3A_189 = tpu.memref_slice %arg12[%add3A_185, %dma_start3A_188] : memref<10240x128xf32, #tpu.memory_space<vmem_shared>> -> memref<128x128xf32, #tpu.memory_space<vmem_shared>>
    tpu.enqueue_dma source(%dma_start3A_189 : memref<128x128xf32, #tpu.memory_space<vmem_shared>>) target(%arg10 : memref<128x128xf32, #tpu.memory_space<vmem>>) target_semaphore(%arg15 : memref<!tpu.dma_semaphore, #tpu.memory_space<semaphore_mem>>)
    %mul3A_190 = arith.constant 640 : i32
    %mul3A_191 = arith.muli %arg1, %mul3A_190 : i32
    %add3A_192 = arith.constant 256 : i32
    %add3A_193 = arith.addi %mul3A_191, %add3A_192 : i32
    %dma_wait3A_194 = arith.constant 0 : i32
    %dma_wait3A_195 = tpu.memref_slice %arg12[%add3A_193, %dma_wait3A_194] : memref<10240x128xf32, #tpu.memory_space<vmem_shared>> -> memref<128x128xf32, #tpu.memory_space<vmem_shared>>
    %dma_wait3A_196 = arith.constant 0 : i32
    %dma_wait3A_197 = tpu.memref_slice %arg12[%add3A_193, %dma_wait3A_196] : memref<10240x128xf32, #tpu.memory_space<vmem_shared>> -> memref<128x128xf32, #tpu.memory_space<vmem_shared>>
    tpu.wait_dma2 semaphore(%arg15 : memref<!tpu.dma_semaphore, #tpu.memory_space<semaphore_mem>>) src(%dma_wait3A_197 : memref<128x128xf32, #tpu.memory_space<vmem_shared>>) dst(%arg10 : memref<128x128xf32, #tpu.memory_space<vmem>>)
    %dma_start3A_198 = arith.constant 0 : i32
    %dma_start3A_199 = tpu.memref_slice %arg5[%arg0, %add3A_193, %dma_start3A_198] : memref<2x10240x128xf32, #tpu.memory_space<hbm>> -> memref<1x128x128xf32, #tpu.memory_space<hbm>>
    %dma_start3A_200 = tpu.memref_squeeze %dma_start3A_199 : memref<1x128x128xf32, #tpu.memory_space<hbm>> -> memref<128x128xf32, #tpu.memory_space<hbm>>
    %dma_start3A_201 = arith.constant 0 : i32
    %dma_start3A_202 = tpu.memref_slice %arg5[%arg0, %add3A_193, %dma_start3A_201] : memref<2x10240x128xf32, #tpu.memory_space<hbm>> -> memref<1x128x128xf32, #tpu.memory_space<hbm>>
    %dma_start3A_203 = tpu.memref_squeeze %dma_start3A_202 : memref<1x128x128xf32, #tpu.memory_space<hbm>> -> memref<128x128xf32, #tpu.memory_space<hbm>>
    tpu.enqueue_dma source(%arg10 : memref<128x128xf32, #tpu.memory_space<vmem>>) target(%dma_start3A_203 : memref<128x128xf32, #tpu.memory_space<hbm>>) target_semaphore(%arg17 : memref<!tpu.dma_semaphore, #tpu.memory_space<semaphore_mem>>)
    %dma_wait3A_204 = arith.constant 0 : i32
    %dma_wait3A_205 = tpu.memref_slice %arg5[%arg0, %add3A_193, %dma_wait3A_204] : memref<2x10240x128xf32, #tpu.memory_space<hbm>> -> memref<1x128x128xf32, #tpu.memory_space<hbm>>
    %dma_wait3A_206 = tpu.memref_squeeze %dma_wait3A_205 : memref<1x128x128xf32, #tpu.memory_space<hbm>> -> memref<128x128xf32, #tpu.memory_space<hbm>>
    %dma_wait3A_207 = arith.constant 0 : i32
    %dma_wait3A_208 = tpu.memref_slice %arg5[%arg0, %add3A_193, %dma_wait3A_207] : memref<2x10240x128xf32, #tpu.memory_space<hbm>> -> memref<1x128x128xf32, #tpu.memory_space<hbm>>
    %dma_wait3A_209 = tpu.memref_squeeze %dma_wait3A_208 : memref<1x128x128xf32, #tpu.memory_space<hbm>> -> memref<128x128xf32, #tpu.memory_space<hbm>>
    tpu.wait_dma2 semaphore(%arg18 : memref<!tpu.dma_semaphore, #tpu.memory_space<semaphore_mem>>) src(%arg11 : memref<128x128xf32, #tpu.memory_space<vmem>>) dst(%dma_wait3A_209 : memref<128x128xf32, #tpu.memory_space<hbm>>)
    %add3A_210 = arith.constant 128 : i32
    %add3A_211 = arith.addi %add3A_193, %add3A_210 : i32
    %dma_start3A_212 = arith.constant 0 : i32
    %dma_start3A_213 = tpu.memref_slice %arg12[%add3A_211, %dma_start3A_212] : memref<10240x128xf32, #tpu.memory_space<vmem_shared>> -> memref<128x128xf32, #tpu.memory_space<vmem_shared>>
    %dma_start3A_214 = arith.constant 0 : i32
    %dma_start3A_215 = tpu.memref_slice %arg12[%add3A_211, %dma_start3A_214] : memref<10240x128xf32, #tpu.memory_space<vmem_shared>> -> memref<128x128xf32, #tpu.memory_space<vmem_shared>>
    tpu.enqueue_dma source(%dma_start3A_215 : memref<128x128xf32, #tpu.memory_space<vmem_shared>>) target(%arg11 : memref<128x128xf32, #tpu.memory_space<vmem>>) target_semaphore(%arg16 : memref<!tpu.dma_semaphore, #tpu.memory_space<semaphore_mem>>)
    %mul3A_216 = arith.constant 640 : i32
    %mul3A_217 = arith.muli %arg1, %mul3A_216 : i32
    %add3A_218 = arith.constant 384 : i32
    %add3A_219 = arith.addi %mul3A_217, %add3A_218 : i32
    %dma_wait3A_220 = arith.constant 0 : i32
    %dma_wait3A_221 = tpu.memref_slice %arg12[%add3A_219, %dma_wait3A_220] : memref<10240x128xf32, #tpu.memory_space<vmem_shared>> -> memref<128x128xf32, #tpu.memory_space<vmem_shared>>
    %dma_wait3A_222 = arith.constant 0 : i32
    %dma_wait3A_223 = tpu.memref_slice %arg12[%add3A_219, %dma_wait3A_222] : memref<10240x128xf32, #tpu.memory_space<vmem_shared>> -> memref<128x128xf32, #tpu.memory_space<vmem_shared>>
    tpu.wait_dma2 semaphore(%arg16 : memref<!tpu.dma_semaphore, #tpu.memory_space<semaphore_mem>>) src(%dma_wait3A_223 : memref<128x128xf32, #tpu.memory_space<vmem_shared>>) dst(%arg11 : memref<128x128xf32, #tpu.memory_space<vmem>>)
    %dma_start3A_224 = arith.constant 0 : i32
    %dma_start3A_225 = tpu.memref_slice %arg5[%arg0, %add3A_219, %dma_start3A_224] : memref<2x10240x128xf32, #tpu.memory_space<hbm>> -> memref<1x128x128xf32, #tpu.memory_space<hbm>>
    %dma_start3A_226 = tpu.memref_squeeze %dma_start3A_225 : memref<1x128x128xf32, #tpu.memory_space<hbm>> -> memref<128x128xf32, #tpu.memory_space<hbm>>
    %dma_start3A_227 = arith.constant 0 : i32
    %dma_start3A_228 = tpu.memref_slice %arg5[%arg0, %add3A_219, %dma_start3A_227] : memref<2x10240x128xf32, #tpu.memory_space<hbm>> -> memref<1x128x128xf32, #tpu.memory_space<hbm>>
    %dma_start3A_229 = tpu.memref_squeeze %dma_start3A_228 : memref<1x128x128xf32, #tpu.memory_space<hbm>> -> memref<128x128xf32, #tpu.memory_space<hbm>>
    tpu.enqueue_dma source(%arg11 : memref<128x128xf32, #tpu.memory_space<vmem>>) target(%dma_start3A_229 : memref<128x128xf32, #tpu.memory_space<hbm>>) target_semaphore(%arg18 : memref<!tpu.dma_semaphore, #tpu.memory_space<semaphore_mem>>)
    %dma_wait3A_230 = arith.constant 0 : i32
    %dma_wait3A_231 = tpu.memref_slice %arg5[%arg0, %add3A_219, %dma_wait3A_230] : memref<2x10240x128xf32, #tpu.memory_space<hbm>> -> memref<1x128x128xf32, #tpu.memory_space<hbm>>
    %dma_wait3A_232 = tpu.memref_squeeze %dma_wait3A_231 : memref<1x128x128xf32, #tpu.memory_space<hbm>> -> memref<128x128xf32, #tpu.memory_space<hbm>>
    %dma_wait3A_233 = arith.constant 0 : i32
    %dma_wait3A_234 = tpu.memref_slice %arg5[%arg0, %add3A_219, %dma_wait3A_233] : memref<2x10240x128xf32, #tpu.memory_space<hbm>> -> memref<1x128x128xf32, #tpu.memory_space<hbm>>
    %dma_wait3A_235 = tpu.memref_squeeze %dma_wait3A_234 : memref<1x128x128xf32, #tpu.memory_space<hbm>> -> memref<128x128xf32, #tpu.memory_space<hbm>>
    tpu.wait_dma2 semaphore(%arg17 : memref<!tpu.dma_semaphore, #tpu.memory_space<semaphore_mem>>) src(%arg10 : memref<128x128xf32, #tpu.memory_space<vmem>>) dst(%dma_wait3A_235 : memref<128x128xf32, #tpu.memory_space<hbm>>)
    %add3A_236 = arith.constant 128 : i32
    %add3A_237 = arith.addi %add3A_219, %add3A_236 : i32
    %dma_start3A_238 = arith.constant 0 : i32
    %dma_start3A_239 = tpu.memref_slice %arg12[%add3A_237, %dma_start3A_238] : memref<10240x128xf32, #tpu.memory_space<vmem_shared>> -> memref<128x128xf32, #tpu.memory_space<vmem_shared>>
    %dma_start3A_240 = arith.constant 0 : i32
    %dma_start3A_241 = tpu.memref_slice %arg12[%add3A_237, %dma_start3A_240] : memref<10240x128xf32, #tpu.memory_space<vmem_shared>> -> memref<128x128xf32, #tpu.memory_space<vmem_shared>>
    tpu.enqueue_dma source(%dma_start3A_241 : memref<128x128xf32, #tpu.memory_space<vmem_shared>>) target(%arg10 : memref<128x128xf32, #tpu.memory_space<vmem>>) target_semaphore(%arg15 : memref<!tpu.dma_semaphore, #tpu.memory_space<semaphore_mem>>)
    %mul3A_242 = arith.constant 640 : i32
    %mul3A_243 = arith.muli %arg1, %mul3A_242 : i32
    %add3A_244 = arith.constant 512 : i32
    %add3A_245 = arith.addi %mul3A_243, %add3A_244 : i32
    %dma_wait3A_246 = arith.constant 0 : i32
    %dma_wait3A_247 = tpu.memref_slice %arg12[%add3A_245, %dma_wait3A_246] : memref<10240x128xf32, #tpu.memory_space<vmem_shared>> -> memref<128x128xf32, #tpu.memory_space<vmem_shared>>
    %dma_wait3A_248 = arith.constant 0 : i32
    %dma_wait3A_249 = tpu.memref_slice %arg12[%add3A_245, %dma_wait3A_248] : memref<10240x128xf32, #tpu.memory_space<vmem_shared>> -> memref<128x128xf32, #tpu.memory_space<vmem_shared>>
    tpu.wait_dma2 semaphore(%arg15 : memref<!tpu.dma_semaphore, #tpu.memory_space<semaphore_mem>>) src(%dma_wait3A_249 : memref<128x128xf32, #tpu.memory_space<vmem_shared>>) dst(%arg10 : memref<128x128xf32, #tpu.memory_space<vmem>>)
    %dma_start3A_250 = arith.constant 0 : i32
    %dma_start3A_251 = tpu.memref_slice %arg5[%arg0, %add3A_245, %dma_start3A_250] : memref<2x10240x128xf32, #tpu.memory_space<hbm>> -> memref<1x128x128xf32, #tpu.memory_space<hbm>>
    %dma_start3A_252 = tpu.memref_squeeze %dma_start3A_251 : memref<1x128x128xf32, #tpu.memory_space<hbm>> -> memref<128x128xf32, #tpu.memory_space<hbm>>
    %dma_start3A_253 = arith.constant 0 : i32
    %dma_start3A_254 = tpu.memref_slice %arg5[%arg0, %add3A_245, %dma_start3A_253] : memref<2x10240x128xf32, #tpu.memory_space<hbm>> -> memref<1x128x128xf32, #tpu.memory_space<hbm>>
    %dma_start3A_255 = tpu.memref_squeeze %dma_start3A_254 : memref<1x128x128xf32, #tpu.memory_space<hbm>> -> memref<128x128xf32, #tpu.memory_space<hbm>>
    tpu.enqueue_dma source(%arg10 : memref<128x128xf32, #tpu.memory_space<vmem>>) target(%dma_start3A_255 : memref<128x128xf32, #tpu.memory_space<hbm>>) target_semaphore(%arg17 : memref<!tpu.dma_semaphore, #tpu.memory_space<semaphore_mem>>)
    %mul3A_256 = arith.constant 640 : i32
    %mul3A_257 = arith.muli %arg1, %mul3A_256 : i32
    %dma_wait3A_258 = arith.constant 0 : i32
    %dma_wait3A_259 = tpu.memref_slice %arg5[%arg0, %mul3A_257, %dma_wait3A_258] : memref<2x10240x128xf32, #tpu.memory_space<hbm>> -> memref<1x128x128xf32, #tpu.memory_space<hbm>>
    %dma_wait3A_260 = tpu.memref_squeeze %dma_wait3A_259 : memref<1x128x128xf32, #tpu.memory_space<hbm>> -> memref<128x128xf32, #tpu.memory_space<hbm>>
    %dma_wait3A_261 = arith.constant 0 : i32
    %dma_wait3A_262 = tpu.memref_slice %arg5[%arg0, %mul3A_257, %dma_wait3A_261] : memref<2x10240x128xf32, #tpu.memory_space<hbm>> -> memref<1x128x128xf32, #tpu.memory_space<hbm>>
    %dma_wait3A_263 = tpu.memref_squeeze %dma_wait3A_262 : memref<1x128x128xf32, #tpu.memory_space<hbm>> -> memref<128x128xf32, #tpu.memory_space<hbm>>
    tpu.wait_dma2 semaphore(%arg17 : memref<!tpu.dma_semaphore, #tpu.memory_space<semaphore_mem>>) src(%arg10 : memref<128x128xf32, #tpu.memory_space<vmem>>) dst(%dma_wait3A_263 : memref<128x128xf32, #tpu.memory_space<hbm>>)
    %mul3A_264 = arith.constant 640 : i32
    %mul3A_265 = arith.muli %arg1, %mul3A_264 : i32
    %dma_wait3A_266 = arith.constant 0 : i32
    %dma_wait3A_267 = tpu.memref_slice %arg5[%arg0, %mul3A_265, %dma_wait3A_266] : memref<2x10240x128xf32, #tpu.memory_space<hbm>> -> memref<1x128x128xf32, #tpu.memory_space<hbm>>
    %dma_wait3A_268 = tpu.memref_squeeze %dma_wait3A_267 : memref<1x128x128xf32, #tpu.memory_space<hbm>> -> memref<128x128xf32, #tpu.memory_space<hbm>>
    %dma_wait3A_269 = arith.constant 0 : i32
    %dma_wait3A_270 = tpu.memref_slice %arg5[%arg0, %mul3A_265, %dma_wait3A_269] : memref<2x10240x128xf32, #tpu.memory_space<hbm>> -> memref<1x128x128xf32, #tpu.memory_space<hbm>>
    %dma_wait3A_271 = tpu.memref_squeeze %dma_wait3A_270 : memref<1x128x128xf32, #tpu.memory_space<hbm>> -> memref<128x128xf32, #tpu.memory_space<hbm>>
    tpu.wait_dma2 semaphore(%arg18 : memref<!tpu.dma_semaphore, #tpu.memory_space<semaphore_mem>>) src(%arg11 : memref<128x128xf32, #tpu.memory_space<vmem>>) dst(%dma_wait3A_271 : memref<128x128xf32, #tpu.memory_space<hbm>>)
    return
  }
}

module attributes {stable_mosaic.version = 14 : i64} {
  func.func @_emb_body(%arg0: i32, %arg1: memref<1000x1xi32, #tpu.memory_space<vmem>>, %arg2: memref<128x128xf32, #tpu.memory_space<vmem>>, %arg3: memref<1000x1xf32, #tpu.memory_space<vmem>>, %arg4: memref<1000x1xf32, #tpu.memory_space<vmem>>, %arg5: memref<1000x128xf32, #tpu.memory_space<vmem>>, %arg6: memref<1000x1xf32, #tpu.memory_space<vmem>>) attributes {dimension_semantics = [#tpu.dimension_semantics<arbitrary>], iteration_bounds = array<i64: 10>, scalar_prefetch = 0 : i64, scratch_operands = 0 : i64, tpu.core_type = #tpu.core_type<tc>, window_params = [{transform_indices = @transform_0, window_bounds = array<i64: 1000, 1>}, {pipeline_mode = #tpu.pipeline_mode<synchronous>, transform_indices = @transform_1, window_bounds = array<i64: 128, 128>}, {transform_indices = @transform_2, window_bounds = array<i64: 1000, 1>}, {transform_indices = @transform_3, window_bounds = array<i64: 1000, 1>}, {transform_indices = @transform_4, window_bounds = array<i64: 1000, 128>}, {transform_indices = @transform_5, window_bounds = array<i64: 1000, 1>}]} {
    %get3A = arith.constant 0 : index
    %get3A_0 = arith.constant 0 : index
    %get3A_1 = vector.load %arg1[%get3A, %get3A_0] : memref<1000x1xi32, #tpu.memory_space<vmem>>, vector<1000x1xi32>
    %squeeze3A = vector.shape_cast %get3A_1 : vector<1000x1xi32> to vector<1000xi32>
    %iota3A = tpu.iota {dimensions = array<i32: 1>} : vector<1000x128xi32>
    %broadcast_in_dim3A = vector.shape_cast %squeeze3A : vector<1000xi32> to vector<1000x1xi32>
    %eq3A = vector.broadcast %broadcast_in_dim3A : vector<1000x1xi32> to vector<1000x128xi32>
    %eq3A_2 = arith.cmpi eq, %iota3A, %eq3A : vector<1000x128xi32>
    %convert_element_type3A = arith.extui %eq3A_2 : vector<1000x128xi1> to vector<1000x128xi32>
    %convert_element_type3A_3 = arith.sitofp %convert_element_type3A : vector<1000x128xi32> to vector<1000x128xf32>
    %get3A_4 = arith.constant 0 : index
    %get3A_5 = arith.constant 0 : index
    %get3A_6 = vector.load %arg2[%get3A_4, %get3A_5] : memref<128x128xf32, #tpu.memory_space<vmem>>, vector<128x128xf32>
    %dot_general3A = arith.constant dense<0.000000e+00> : vector<1000x128xf32>
    %dot_general3A_7 = tpu.matmul %convert_element_type3A_3, %get3A_6, %dot_general3A {dimension_numbers = #tpu.dot_dimension_numbers<[1], [0], [0], [1], [0, 0, 1, 1], [], []>, transpose_lhs_hint = false} : vector<1000x128xf32>, vector<128x128xf32>, vector<1000x128xf32> -> vector<1000x128xf32>
    %swap3A = arith.constant 0 : index
    %swap3A_8 = arith.constant 0 : index
    %swap3A_9 = vector.load %arg5[%swap3A, %swap3A_8] : memref<1000x128xf32, #tpu.memory_space<vmem>>, vector<1000x128xf32>
    tpu.vector_store %arg5[%swap3A, %swap3A_8], %dot_general3A_7 {strides = array<i32>} : memref<1000x128xf32, #tpu.memory_space<vmem>>, vector<1000x128xf32>,
    %get3A_10 = arith.constant 0 : index
    %get3A_11 = arith.constant 0 : index
    %get3A_12 = vector.load %arg3[%get3A_10, %get3A_11] : memref<1000x1xf32, #tpu.memory_space<vmem>>, vector<1000x1xf32>
    %get3A_13 = arith.constant 0 : index
    %get3A_14 = arith.constant 0 : index
    %get3A_15 = vector.load %arg4[%get3A_13, %get3A_14] : memref<1000x1xf32, #tpu.memory_space<vmem>>, vector<1000x1xf32>
    %add3A = arith.addf %get3A_12, %get3A_15 : vector<1000x1xf32>
    %rsqrt3A = math.rsqrt %add3A : vector<1000x1xf32>
    %swap3A_16 = arith.constant 0 : index
    %swap3A_17 = arith.constant 0 : index
    %swap3A_18 = vector.load %arg6[%swap3A_16, %swap3A_17] : memref<1000x1xf32, #tpu.memory_space<vmem>>, vector<1000x1xf32>
    tpu.vector_store %arg6[%swap3A_16, %swap3A_17], %rsqrt3A {strides = array<i32>} : memref<1000x1xf32, #tpu.memory_space<vmem>>, vector<1000x1xf32>,
    return
  }
  func.func @transform_0(%arg0: i32) -> (i32, i32) {
    %c0_i32 = arith.constant 0 : i32
    %c0_i32_0 = arith.constant 0 : i32
    return %arg0, %c0_i32 : i32, i32
  }
  func.func @transform_1(%arg0: i32) -> (i32, i32) {
    %c0_i32 = arith.constant 0 : i32
    %c0_i32_0 = arith.constant 0 : i32
    %c0_i32_1 = arith.constant 0 : i32
    return %c0_i32, %c0_i32_0 : i32, i32
  }
  func.func @transform_2(%arg0: i32) -> (i32, i32) {
    %c0_i32 = arith.constant 0 : i32
    %c0_i32_0 = arith.constant 0 : i32
    return %arg0, %c0_i32 : i32, i32
  }
  func.func @transform_3(%arg0: i32) -> (i32, i32) {
    %c0_i32 = arith.constant 0 : i32
    %c0_i32_0 = arith.constant 0 : i32
    return %arg0, %c0_i32 : i32, i32
  }
  func.func @transform_4(%arg0: i32) -> (i32, i32) {
    %c0_i32 = arith.constant 0 : i32
    %c0_i32_0 = arith.constant 0 : i32
    return %arg0, %c0_i32 : i32, i32
  }
  func.func @transform_5(%arg0: i32) -> (i32, i32) {
    %c0_i32 = arith.constant 0 : i32
    %c0_i32_0 = arith.constant 0 : i32
    return %arg0, %c0_i32 : i32, i32
  }
}

module attributes {stable_mosaic.version = 14 : i64} {
  func.func @_y_body(%arg0: i32, %arg1: memref<1000x128xf32, #tpu.memory_space<vmem>>, %arg2: memref<128x128xf32, #tpu.memory_space<vmem>>, %arg3: memref<1000x1xf32, #tpu.memory_space<vmem>>, %arg4: memref<1000x128xf32, #tpu.memory_space<vmem>>) attributes {dimension_semantics = [#tpu.dimension_semantics<arbitrary>], iteration_bounds = array<i64: 10>, scalar_prefetch = 0 : i64, scratch_operands = 0 : i64, tpu.core_type = #tpu.core_type<tc>, window_params = [{transform_indices = @transform_0, window_bounds = array<i64: 1000, 128>}, {pipeline_mode = #tpu.pipeline_mode<synchronous>, transform_indices = @transform_1, window_bounds = array<i64: 128, 128>}, {transform_indices = @transform_2, window_bounds = array<i64: 1000, 1>}, {transform_indices = @transform_3, window_bounds = array<i64: 1000, 128>}]} {
    %get3A = arith.constant 0 : index
    %get3A_0 = arith.constant 0 : index
    %get3A_1 = vector.load %arg1[%get3A, %get3A_0] : memref<1000x128xf32, #tpu.memory_space<vmem>>, vector<1000x128xf32>
    %get3A_2 = arith.constant 0 : index
    %get3A_3 = arith.constant 0 : index
    %get3A_4 = vector.load %arg2[%get3A_2, %get3A_3] : memref<128x128xf32, #tpu.memory_space<vmem>>, vector<128x128xf32>
    %dot_general3A = arith.constant dense<0.000000e+00> : vector<1000x128xf32>
    %dot_general3A_5 = tpu.matmul %get3A_1, %get3A_4, %dot_general3A {dimension_numbers = #tpu.dot_dimension_numbers<[1], [0], [0], [1], [0, 0, 1, 1], [], []>, transpose_lhs_hint = false} : vector<1000x128xf32>, vector<128x128xf32>, vector<1000x128xf32> -> vector<1000x128xf32>
    %get3A_6 = arith.constant 0 : index
    %get3A_7 = arith.constant 0 : index
    %get3A_8 = vector.load %arg3[%get3A_6, %get3A_7] : memref<1000x1xf32, #tpu.memory_space<vmem>>, vector<1000x1xf32>
    %mul3A = vector.broadcast %get3A_8 : vector<1000x1xf32> to vector<1000x128xf32>
    %mul3A_9 = arith.mulf %dot_general3A_5, %mul3A : vector<1000x128xf32>
    %swap3A = arith.constant 0 : index
    %swap3A_10 = arith.constant 0 : index
    %swap3A_11 = vector.load %arg4[%swap3A, %swap3A_10] : memref<1000x128xf32, #tpu.memory_space<vmem>>, vector<1000x128xf32>
    tpu.vector_store %arg4[%swap3A, %swap3A_10], %mul3A_9 {strides = array<i32>} : memref<1000x128xf32, #tpu.memory_space<vmem>>, vector<1000x128xf32>,
    return
  }
  func.func @transform_0(%arg0: i32) -> (i32, i32) {
    %c0_i32 = arith.constant 0 : i32
    %c0_i32_0 = arith.constant 0 : i32
    return %arg0, %c0_i32 : i32, i32
  }
  func.func @transform_1(%arg0: i32) -> (i32, i32) {
    %c0_i32 = arith.constant 0 : i32
    %c0_i32_0 = arith.constant 0 : i32
    %c0_i32_1 = arith.constant 0 : i32
    return %c0_i32, %c0_i32_0 : i32, i32
  }
  func.func @transform_2(%arg0: i32) -> (i32, i32) {
    %c0_i32 = arith.constant 0 : i32
    %c0_i32_0 = arith.constant 0 : i32
    return %arg0, %c0_i32 : i32, i32
  }
  func.func @transform_3(%arg0: i32) -> (i32, i32) {
    %c0_i32 = arith.constant 0 : i32
    %c0_i32_0 = arith.constant 0 : i32
    return %arg0, %c0_i32 : i32, i32
  }
}

module attributes {stable_mosaic.version = 14 : i64} {
  func.func @_upd_body(%arg0: i32, %arg1: memref<1000x128xf32, #tpu.memory_space<vmem>>, %arg2: memref<1000x128xf32, #tpu.memory_space<vmem>>, %arg3: memref<1000x128xf32, #tpu.memory_space<vmem>>, %arg4: memref<1000x128xf32, #tpu.memory_space<vmem>>, %arg5: memref<1000x1xf32, #tpu.memory_space<vmem>>, %arg6: memref<1x128xf32, #tpu.memory_space<vmem>>, %arg7: memref<1x128xf32, #tpu.memory_space<vmem>>, %arg8: memref<1x128xf32, #tpu.memory_space<vmem>>, %arg9: memref<1000x128xf32, #tpu.memory_space<vmem>>) attributes {dimension_semantics = [#tpu.dimension_semantics<arbitrary>], iteration_bounds = array<i64: 10>, scalar_prefetch = 0 : i64, scratch_operands = 0 : i64, tpu.core_type = #tpu.core_type<tc>, window_params = [{transform_indices = @transform_0, window_bounds = array<i64: 1000, 128>}, {transform_indices = @transform_1, window_bounds = array<i64: 1000, 128>}, {transform_indices = @transform_2, window_bounds = array<i64: 1000, 128>}, {transform_indices = @transform_3, window_bounds = array<i64: 1000, 128>}, {transform_indices = @transform_4, window_bounds = array<i64: 1000, 1>}, {pipeline_mode = #tpu.pipeline_mode<synchronous>, transform_indices = @transform_5, window_bounds = array<i64: 1, 128>}, {pipeline_mode = #tpu.pipeline_mode<synchronous>, transform_indices = @transform_6, window_bounds = array<i64: 1, 128>}, {pipeline_mode = #tpu.pipeline_mode<synchronous>, transform_indices = @transform_7, window_bounds = array<i64: 1, 128>}, {transform_indices = @transform_8, window_bounds = array<i64: 1000, 128>}]} {
    %get3A = arith.constant 0 : index
    %get3A_0 = arith.constant 0 : index
    %get3A_1 = vector.load %arg5[%get3A, %get3A_0] : memref<1000x1xf32, #tpu.memory_space<vmem>>, vector<1000x1xf32>
    %get3A_2 = arith.constant 0 : index
    %get3A_3 = arith.constant 0 : index
    %get3A_4 = vector.load %arg2[%get3A_2, %get3A_3] : memref<1000x128xf32, #tpu.memory_space<vmem>>, vector<1000x128xf32>
    %get3A_5 = arith.constant 0 : index
    %get3A_6 = arith.constant 0 : index
    %get3A_7 = vector.load %arg3[%get3A_5, %get3A_6] : memref<1000x128xf32, #tpu.memory_space<vmem>>, vector<1000x128xf32>
    %add3A = arith.addf %get3A_4, %get3A_7 : vector<1000x128xf32>
    %get3A_8 = arith.constant 0 : index
    %get3A_9 = arith.constant 0 : index
    %get3A_10 = vector.load %arg4[%get3A_8, %get3A_9] : memref<1000x128xf32, #tpu.memory_space<vmem>>, vector<1000x128xf32>
    %add3A_11 = arith.addf %add3A, %get3A_10 : vector<1000x128xf32>
    %mul3A = vector.broadcast %get3A_1 : vector<1000x1xf32> to vector<1000x128xf32>
    %mul3A_12 = arith.mulf %mul3A, %add3A_11 : vector<1000x128xf32>
    %get3A_13 = arith.constant 0 : index
    %get3A_14 = arith.constant 0 : index
    %get3A_15 = vector.load %arg6[%get3A_13, %get3A_14] : memref<1x128xf32, #tpu.memory_space<vmem>>, vector<1x128xf32>
    %add3A_16 = vector.broadcast %get3A_15 : vector<1x128xf32> to vector<1000x128xf32>
    %add3A_17 = arith.addf %mul3A_12, %add3A_16 : vector<1000x128xf32>
    %get3A_18 = arith.constant 0 : index
    %get3A_19 = arith.constant 0 : index
    %get3A_20 = vector.load %arg7[%get3A_18, %get3A_19] : memref<1x128xf32, #tpu.memory_space<vmem>>, vector<1x128xf32>
    %mul3A_21 = arith.constant 0.999994993 : f32
    %mul3A_22 = vector.broadcast %mul3A_21 : f32 to vector<1x128xf32>
    %mul3A_23 = arith.mulf %get3A_20, %mul3A_22 : vector<1x128xf32>
    %mul3A_24 = vector.broadcast %mul3A_23 : vector<1x128xf32> to vector<1000x128xf32>
    %mul3A_25 = arith.mulf %add3A_17, %mul3A_24 : vector<1000x128xf32>
    %get3A_26 = arith.constant 0 : index
    %get3A_27 = arith.constant 0 : index
    %get3A_28 = vector.load %arg8[%get3A_26, %get3A_27] : memref<1x128xf32, #tpu.memory_space<vmem>>, vector<1x128xf32>
    %add3A_29 = vector.broadcast %get3A_28 : vector<1x128xf32> to vector<1000x128xf32>
    %add3A_30 = arith.addf %mul3A_25, %add3A_29 : vector<1000x128xf32>
    %get3A_31 = arith.constant 0 : index
    %get3A_32 = arith.constant 0 : index
    %get3A_33 = vector.load %arg1[%get3A_31, %get3A_32] : memref<1000x128xf32, #tpu.memory_space<vmem>>, vector<1000x128xf32>
    %max3A = arith.constant 0.000000e+00 : f32
    %max3A_34 = vector.broadcast %max3A : f32 to vector<1000x128xf32>
    %max3A_35 = arith.maximumf %add3A_30, %max3A_34 : vector<1000x128xf32>
    %add3A_36 = arith.addf %get3A_33, %max3A_35 : vector<1000x128xf32>
    %swap3A = arith.constant 0 : index
    %swap3A_37 = arith.constant 0 : index
    %swap3A_38 = vector.load %arg9[%swap3A, %swap3A_37] : memref<1000x128xf32, #tpu.memory_space<vmem>>, vector<1000x128xf32>
    tpu.vector_store %arg9[%swap3A, %swap3A_37], %add3A_36 {strides = array<i32>} : memref<1000x128xf32, #tpu.memory_space<vmem>>, vector<1000x128xf32>,
    return
  }
  func.func @transform_0(%arg0: i32) -> (i32, i32) {
    %c0_i32 = arith.constant 0 : i32
    %c0_i32_0 = arith.constant 0 : i32
    return %arg0, %c0_i32 : i32, i32
  }
  func.func @transform_1(%arg0: i32) -> (i32, i32) {
    %c0_i32 = arith.constant 0 : i32
    %c0_i32_0 = arith.constant 0 : i32
    return %arg0, %c0_i32 : i32, i32
  }
  func.func @transform_2(%arg0: i32) -> (i32, i32) {
    %c0_i32 = arith.constant 0 : i32
    %c0_i32_0 = arith.constant 0 : i32
    return %arg0, %c0_i32 : i32, i32
  }
  func.func @transform_3(%arg0: i32) -> (i32, i32) {
    %c0_i32 = arith.constant 0 : i32
    %c0_i32_0 = arith.constant 0 : i32
    return %arg0, %c0_i32 : i32, i32
  }
  func.func @transform_4(%arg0: i32) -> (i32, i32) {
    %c0_i32 = arith.constant 0 : i32
    %c0_i32_0 = arith.constant 0 : i32
    return %arg0, %c0_i32 : i32, i32
  }
  func.func @transform_5(%arg0: i32) -> (i32, i32) {
    %c0_i32 = arith.constant 0 : i32
    %c0_i32_0 = arith.constant 0 : i32
    %c0_i32_1 = arith.constant 0 : i32
    return %c0_i32, %c0_i32_0 : i32, i32
  }
  func.func @transform_6(%arg0: i32) -> (i32, i32) {
    %c0_i32 = arith.constant 0 : i32
    %c0_i32_0 = arith.constant 0 : i32
    %c0_i32_1 = arith.constant 0 : i32
    return %c0_i32, %c0_i32_0 : i32, i32
  }
  func.func @transform_7(%arg0: i32) -> (i32, i32) {
    %c0_i32 = arith.constant 0 : i32
    %c0_i32_0 = arith.constant 0 : i32
    %c0_i32_1 = arith.constant 0 : i32
    return %c0_i32, %c0_i32_0 : i32, i32
  }
  func.func @transform_8(%arg0: i32) -> (i32, i32) {
    %c0_i32 = arith.constant 0 : i32
    %c0_i32_0 = arith.constant 0 : i32
    return %arg0, %c0_i32 : i32, i32
  }
}

module attributes {stable_mosaic.version = 14 : i64} {
  func.func @_mlp_body(%arg0: i32, %arg1: memref<1000x128xf32, #tpu.memory_space<vmem>>, %arg2: memref<128x64xf32, #tpu.memory_space<vmem>>, %arg3: memref<1x64xf32, #tpu.memory_space<vmem>>, %arg4: memref<64x32xf32, #tpu.memory_space<vmem>>, %arg5: memref<1x32xf32, #tpu.memory_space<vmem>>, %arg6: memref<32x128xf32, #tpu.memory_space<vmem>>, %arg7: memref<1x128xf32, #tpu.memory_space<vmem>>, %arg8: memref<1000x128xf32, #tpu.memory_space<vmem>>) attributes {dimension_semantics = [#tpu.dimension_semantics<arbitrary>], iteration_bounds = array<i64: 10>, scalar_prefetch = 0 : i64, scratch_operands = 0 : i64, tpu.core_type = #tpu.core_type<tc>, window_params = [{transform_indices = @transform_0, window_bounds = array<i64: 1000, 128>}, {pipeline_mode = #tpu.pipeline_mode<synchronous>, transform_indices = @transform_1, window_bounds = array<i64: 128, 64>}, {pipeline_mode = #tpu.pipeline_mode<synchronous>, transform_indices = @transform_2, window_bounds = array<i64: 1, 64>}, {pipeline_mode = #tpu.pipeline_mode<synchronous>, transform_indices = @transform_3, window_bounds = array<i64: 64, 32>}, {pipeline_mode = #tpu.pipeline_mode<synchronous>, transform_indices = @transform_4, window_bounds = array<i64: 1, 32>}, {pipeline_mode = #tpu.pipeline_mode<synchronous>, transform_indices = @transform_5, window_bounds = array<i64: 32, 128>}, {pipeline_mode = #tpu.pipeline_mode<synchronous>, transform_indices = @transform_6, window_bounds = array<i64: 1, 128>}, {transform_indices = @transform_7, window_bounds = array<i64: 1000, 128>}]} {
    %get3A = arith.constant 0 : index
    %get3A_0 = arith.constant 0 : index
    %get3A_1 = vector.load %arg1[%get3A, %get3A_0] : memref<1000x128xf32, #tpu.memory_space<vmem>>, vector<1000x128xf32>
    %get3A_2 = arith.constant 0 : index
    %get3A_3 = arith.constant 0 : index
    %get3A_4 = vector.load %arg2[%get3A_2, %get3A_3] : memref<128x64xf32, #tpu.memory_space<vmem>>, vector<128x64xf32>
    %dot_general3A = arith.constant dense<0.000000e+00> : vector<1000x64xf32>
    %dot_general3A_5 = tpu.matmul %get3A_1, %get3A_4, %dot_general3A {dimension_numbers = #tpu.dot_dimension_numbers<[1], [0], [0], [1], [0, 0, 1, 1], [], []>, transpose_lhs_hint = false} : vector<1000x128xf32>, vector<128x64xf32>, vector<1000x64xf32> -> vector<1000x64xf32>
    %get3A_6 = arith.constant 0 : index
    %get3A_7 = arith.constant 0 : index
    %get3A_8 = vector.load %arg3[%get3A_6, %get3A_7] : memref<1x64xf32, #tpu.memory_space<vmem>>, vector<1x64xf32>
    %add3A = vector.broadcast %get3A_8 : vector<1x64xf32> to vector<1000x64xf32>
    %add3A_9 = arith.addf %dot_general3A_5, %add3A : vector<1000x64xf32>
    %max3A = arith.constant 0.000000e+00 : f32
    %max3A_10 = vector.broadcast %max3A : f32 to vector<1000x64xf32>
    %max3A_11 = arith.maximumf %add3A_9, %max3A_10 : vector<1000x64xf32>
    %get3A_12 = arith.constant 0 : index
    %get3A_13 = arith.constant 0 : index
    %get3A_14 = vector.load %arg4[%get3A_12, %get3A_13] : memref<64x32xf32, #tpu.memory_space<vmem>>, vector<64x32xf32>
    %dot_general3A_15 = arith.constant dense<0.000000e+00> : vector<1000x32xf32>
    %dot_general3A_16 = tpu.matmul %max3A_11, %get3A_14, %dot_general3A_15 {dimension_numbers = #tpu.dot_dimension_numbers<[1], [0], [0], [1], [0, 0, 1, 1], [], []>, transpose_lhs_hint = false} : vector<1000x64xf32>, vector<64x32xf32>, vector<1000x32xf32> -> vector<1000x32xf32>
    %get3A_17 = arith.constant 0 : index
    %get3A_18 = arith.constant 0 : index
    %get3A_19 = vector.load %arg5[%get3A_17, %get3A_18] : memref<1x32xf32, #tpu.memory_space<vmem>>, vector<1x32xf32>
    %add3A_20 = vector.broadcast %get3A_19 : vector<1x32xf32> to vector<1000x32xf32>
    %add3A_21 = arith.addf %dot_general3A_16, %add3A_20 : vector<1000x32xf32>
    %max3A_22 = arith.constant 0.000000e+00 : f32
    %max3A_23 = vector.broadcast %max3A_22 : f32 to vector<1000x32xf32>
    %max3A_24 = arith.maximumf %add3A_21, %max3A_23 : vector<1000x32xf32>
    %get3A_25 = arith.constant 0 : index
    %get3A_26 = arith.constant 0 : index
    %get3A_27 = vector.load %arg6[%get3A_25, %get3A_26] : memref<32x128xf32, #tpu.memory_space<vmem>>, vector<32x128xf32>
    %dot_general3A_28 = arith.constant dense<0.000000e+00> : vector<1000x128xf32>
    %dot_general3A_29 = tpu.matmul %max3A_24, %get3A_27, %dot_general3A_28 {dimension_numbers = #tpu.dot_dimension_numbers<[1], [0], [0], [1], [0, 0, 1, 1], [], []>, transpose_lhs_hint = false} : vector<1000x32xf32>, vector<32x128xf32>, vector<1000x128xf32> -> vector<1000x128xf32>
    %get3A_30 = arith.constant 0 : index
    %get3A_31 = arith.constant 0 : index
    %get3A_32 = vector.load %arg7[%get3A_30, %get3A_31] : memref<1x128xf32, #tpu.memory_space<vmem>>, vector<1x128xf32>
    %add3A_33 = vector.broadcast %get3A_32 : vector<1x128xf32> to vector<1000x128xf32>
    %add3A_34 = arith.addf %dot_general3A_29, %add3A_33 : vector<1000x128xf32>
    %swap3A = arith.constant 0 : index
    %swap3A_35 = arith.constant 0 : index
    %swap3A_36 = vector.load %arg8[%swap3A, %swap3A_35] : memref<1000x128xf32, #tpu.memory_space<vmem>>, vector<1000x128xf32>
    tpu.vector_store %arg8[%swap3A, %swap3A_35], %add3A_34 {strides = array<i32>} : memref<1000x128xf32, #tpu.memory_space<vmem>>, vector<1000x128xf32>,
    return
  }
  func.func @transform_0(%arg0: i32) -> (i32, i32) {
    %c0_i32 = arith.constant 0 : i32
    %c0_i32_0 = arith.constant 0 : i32
    return %arg0, %c0_i32 : i32, i32
  }
  func.func @transform_1(%arg0: i32) -> (i32, i32) {
    %c0_i32 = arith.constant 0 : i32
    %c0_i32_0 = arith.constant 0 : i32
    %c0_i32_1 = arith.constant 0 : i32
    return %c0_i32, %c0_i32_0 : i32, i32
  }
  func.func @transform_2(%arg0: i32) -> (i32, i32) {
    %c0_i32 = arith.constant 0 : i32
    %c0_i32_0 = arith.constant 0 : i32
    %c0_i32_1 = arith.constant 0 : i32
    return %c0_i32, %c0_i32_0 : i32, i32
  }
  func.func @transform_3(%arg0: i32) -> (i32, i32) {
    %c0_i32 = arith.constant 0 : i32
    %c0_i32_0 = arith.constant 0 : i32
    %c0_i32_1 = arith.constant 0 : i32
    return %c0_i32, %c0_i32_0 : i32, i32
  }
  func.func @transform_4(%arg0: i32) -> (i32, i32) {
    %c0_i32 = arith.constant 0 : i32
    %c0_i32_0 = arith.constant 0 : i32
    %c0_i32_1 = arith.constant 0 : i32
    return %c0_i32, %c0_i32_0 : i32, i32
  }
  func.func @transform_5(%arg0: i32) -> (i32, i32) {
    %c0_i32 = arith.constant 0 : i32
    %c0_i32_0 = arith.constant 0 : i32
    %c0_i32_1 = arith.constant 0 : i32
    return %c0_i32, %c0_i32_0 : i32, i32
  }
  func.func @transform_6(%arg0: i32) -> (i32, i32) {
    %c0_i32 = arith.constant 0 : i32
    %c0_i32_0 = arith.constant 0 : i32
    %c0_i32_1 = arith.constant 0 : i32
    return %c0_i32, %c0_i32_0 : i32, i32
  }
  func.func @transform_7(%arg0: i32) -> (i32, i32) {
    %c0_i32 = arith.constant 0 : i32
    %c0_i32_0 = arith.constant 0 : i32
    return %arg0, %c0_i32 : i32, i32
  }
}

</mosaic_0001>

<sc_bundles>
// kernel: kernel.17.cloned.1.call-start
scs
__scs_entry_jumppad:
0x0: {  	(pc) =	sbr.rel $0x88, $3  }
0x1: {  	(tag) =	ssettag $0x0;
	lr =	simm.s32 $0x1  }
0x2: {  	[smem:$0x3F94] =	sst lr;
	_ =	strace $0xD0000000  }
0x3: {  	_ = 	snop  }
0x4: {  	_ = 	snop  }
0x5: {  	_ = 	snop  }
0x6: {  	_ = 	snop  }
0x7: {  	_ = 	snop  }
__scs_overlays_trampoline_lowered:
0x8: {  	[smem:$0x3FA3] =	sst s0  }
0x9: {  	[smem:$0x3FA4] =	sst s1  }
0xa: {  	[smem:$0x3FA5] =	sst s2  }
0xb: {  	[smem:$0x3FA6] =	sst s3  }
0xc: {  	[smem:$0x3FA7] =	sst s4  }
0xd: {  	[smem:$0x3FA8] =	sst s5  }
0xe: {  	[smem:$0x3FA9] =	sst s6  }
0xf: {  	[smem:$0x3FAA] =	sst s7  }
0x10: {  	[smem:$0x3FAB] =	sst s8  }
0x11: {  	[smem:$0x3FAC] =	sst s9;
	s0 =	simm.s32 @!p0 $0x0  }
0x12: {  	s1 =	sld [smem:$0x3F92];
	s0 =	simm.s32 @p0 $0x1  }
0x13: {  	[smem:$0x3FAD] =	sst s0;
	s0 =	simm.s32 @!p1 $0x0  }
0x14: {  	s2 =	sld [smem:$0x3F91];
	s0 =	simm.s32 @p1 $0x1  }
0x15: {  	[smem:$0x3FAE] =	sst s0;
	s0 =	simm.s32 @!p2 $0x0  }
0x16: {  	s3 =	sld [smem:$0x3FDB];
	s0 =	simm.s32 @p2 $0x1  }
0x17: {  	s4 =	simm.s32 $0x1BF5;
	[smem:$0x3FB0] =	sst s0  }
0x18: {  	s0 =	sld [smem:$0x3F93];
	_ =	swait.ge [sflag:s4], $0x0  }
0x19: {  	s7 =	sld [smem:$0x3F94]  }
0x1a: {  	s8 =	sadd.s32 $0xFFFFE003, lr  }
0x1b: {  	s9 =	sadd.s32 $0xFFFFFEF7, lr;
	s5 =	simm.s32 $0xFFFFFFFF;
	p2 =	slt.u32 s8, $0xFFFFF086  }
0x1c: {  	p1 =	slt.u32 s9, $0xF7A;
	s5 =	simm.s32 @!p2 $0x0  }
0x1d: {  	s5 =	simm.s32 @p1 $0x1;
	p0 =	seq.s32 s7, s2  }
0x1e: {  	s7 =	smul.u32 @!p0 $0xF7A, s2;
	p2 =	seq.s32 @!p0 s5, $0x0  }
0x1f: {  	s9 =	smul.u32 $0xF7A, s1;
	s8 =	simm.s32 @!p0 $0x1BF5;
	p2 =	por !p2, p0  }
0x20: {  	[sflag:s8] =	ssyncset.s32 @!p0 $0xFFFFF086;
	s6 =	sadd.s32 @!p0 s3, s7;
	s7 =	simm.s32 @!p0 $0x108  }
0x21: {  	s3 =	sadd.s32 s3, s9;
	s6 =	sadd.s32 @!p0 $0x88, s6;
	s7 =	simm.s32 @p2 $0x1082  }
0x22: {  	[simem:s7], [sflag:s8] =	dma.local @!p0 [hbm:s6], $0xF7A  }
0x23: {  	s9 =	sor.u32 $0xD0000000, s2;
	s6 =	simm.s32 $0x108;
	_ =	swait.ge @!p0 [sflag:s8], $0x0  }
0x24: {  	s3 =	sadd.s32 $0x88, s3;
	s6 =	simm.s32 @!p1 $0x1082;
	[sflag:s4] =	ssyncset.s32 $0xFFFFF086  }
0x25: {  	[simem:s6], [sflag:s4] =	dma.local [hbm:s3], $0xF7A  }
0x26: {  	[smem:$0x3F94] =	sst s1;
	(tag) =	ssettag s2;
	_ =	strace s9  }
0x27: {  	s1 =	sld [smem:$0x3FA4]  }
0x28: {  	s2 =	sld [smem:$0x3FA5]  }
0x29: {  	s4 =	sld [smem:$0x3FA7]  }
0x2a: {  	p0 =	seq.s32 s5, $0x0;
	s5 =	sld [smem:$0x3FA8]  }
0x2b: {  	s6 =	sld [smem:$0x3FA9]  }
0x2c: {  	s7 =	sld [smem:$0x3FAA]  }
0x2d: {  	s3 =	simm.s32 $0x108;
	s8 =	sld [smem:$0x3FAB]  }
0x2e: {  	s3 =	simm.s32 @!p0 $0x1082;
	s9 =	sld [smem:$0x3FAC]  }
0x2f: {  	lr =	sadd.s32 s0, s3;
	s0 =	sld [smem:$0x3FA3]  }
0x30: {  	s3 =	sld [smem:$0x3FA6]  }
0x31: {  	[smem:$0x3FAF] =	sst s10  }
0x32: {  	s10 =	sld [smem:$0x3FAD];
	_ =	sdelay $0x3  }
0x33: {  	p0 =	seq.s32 s10, $0x1;
	s10 =	sld [smem:$0x3FAF];
	_ =	sdelay $0x3  }
0x34: {  	[smem:$0x3FAF] =	sst s10  }
0x35: {  	s10 =	sld [smem:$0x3FAE];
	_ =	sdelay $0x3  }
0x36: {  	p1 =	seq.s32 s10, $0x1;
	s10 =	sld [smem:$0x3FAF];
	_ =	sdelay $0x3  }
0x37: {  	[smem:$0x3FAF] =	sst s10  }
0x38: {  	s10 =	sld [smem:$0x3FB0]  }
0x39: {  	_ = 	snop;
	(pc) =	sbr.ind lr, $3  }
0x3a: {  	_ = 	snop  }
0x3b: {  	_ = 	snop  }
0x3c: {  	p2 =	seq.s32 s10, $0x1;
	s10 =	sld [smem:$0x3FAF]  }
0x3d: {  	_ =	shalt  }
0x3e: {  	_ =	shalt  }
0x3f: {  	_ =	shalt  }
0x40: {  	_ =	shalt  }
0x41: {  	_ =	shalt  }
0x42: {  	_ =	shalt  }
0x43: {  	_ =	shalt  }
0x44: {  	_ =	shalt  }
0x45: {  	_ =	shalt  }
0x46: {  	_ =	shalt  }
0x47: {  	_ =	shalt  }
0x48: {  	_ =	shalt  }
0x49: {  	_ =	shalt  }
0x4a: {  	_ =	shalt  }
0x4b: {  	_ =	shalt  }
0x4c: {  	_ =	shalt  }
0x4d: {  	_ =	shalt  }
0x4e: {  	_ =	shalt  }
0x4f: {  	_ =	shalt  }
0x50: {  	_ =	shalt  }
0x51: {  	_ =	shalt  }
0x52: {  	_ =	shalt  }
0x53: {  	_ =	shalt  }
0x54: {  	_ =	shalt  }
0x55: {  	_ =	shalt  }
0x56: {  	_ =	shalt  }
0x57: {  	_ =	shalt  }
0x58: {  	_ =	shalt  }
0x59: {  	_ =	shalt  }
0x5a: {  	_ =	shalt  }
0x5b: {  	_ =	shalt  }
0x5c: {  	_ =	shalt  }
0x5d: {  	_ =	shalt  }
0x5e: {  	_ =	shalt  }
0x5f: {  	_ =	shalt  }
0x60: {  	_ =	shalt  }
0x61: {  	_ =	shalt  }
0x62: {  	_ =	shalt  }
0x63: {  	_ =	shalt  }
0x64: {  	_ =	shalt  }
0x65: {  	_ =	shalt  }
0x66: {  	_ =	shalt  }
0x67: {  	_ =	shalt  }
0x68: {  	_ =	shalt  }
0x69: {  	_ =	shalt  }
0x6a: {  	_ =	shalt  }
0x6b: {  	_ =	shalt  }
0x6c: {  	_ =	shalt  }
0x6d: {  	_ =	shalt  }
0x6e: {  	_ =	shalt  }
0x6f: {  	_ =	shalt  }
0x70: {  	_ =	shalt  }
0x71: {  	_ =	shalt  }
0x72: {  	_ =	shalt  }
0x73: {  	_ =	shalt  }
0x74: {  	_ =	shalt  }
0x75: {  	_ =	shalt  }
0x76: {  	_ =	shalt  }
0x77: {  	_ =	shalt  }
0x78: {  	_ =	shalt  }
0x79: {  	_ =	shalt  }
0x7a: {  	_ =	shalt  }
0x7b: {  	_ =	shalt  }
0x7c: {  	_ =	shalt  }
0x7d: {  	_ =	shalt  }
0x7e: {  	_ =	shalt  }
0x7f: {  	_ =	shalt  }
0x80: {  	_ =	shalt  }
0x81: {  	_ =	shalt  }
0x82: {  	_ =	shalt  }
0x83: {  	_ =	shalt  }
0x84: {  	_ =	shalt  }
0x85: {  	_ =	shalt  }
0x86: {  	_ =	shalt  }
0x87: {  	_ =	shalt  }
.Lfunc_end0:
.L_simem_size_0:
called_computation_lowered:
.L_overlay_start_0:
0x88: {  	s2 =	sld [smem:$0x3FD9]  }
0x89: {  	s3 =	sld [smem:$0x3FFE];
	_ =	sdelay $0x1  }
0x8a: {  	s1 =	srdreg.scid  }
0x8b: {  	s0 =	sand.u32 $0x1, s1  }
0x8c: {  	s17 =	sshll.u32 s0, $0xA;
	s2 =	sadd.s32 s3, s2  }
0x8d: {  	s2 =	sadd.s32 s2, s17  }
0x8e: {  	[smem:$0x3FBB] =	sst s2  }
0x8f: {  	_ = 	snop  }
0x90: {  	s2 =	sld [smem:$0x3FD0];
	(tm) =	ssettm $0x1  }
0x91: {  	s18 =	sld [smem:$0x3FFB];
	_ =	sdelay $0x3  }
0x92: {  	_ =	strace s18  }
0x93: {  	s3 =	sld [smem:$0x3FFC];
	_ =	sdelay $0x3  }
0x94: {  	_ =	strace s3  }
0x95: {  	s3 =	sld [smem:$0x3FFD];
	_ =	sdelay $0x3  }
0x96: {  	_ =	strace s3  }
0x97: {  	_ =	strace $0x8FFFFFFF  }
0x98: {  	s19 =	sld [smem:$0x3FDB];
	_ =	sdelay $0x1  }
0x99: {  	s4 =	simm.s32 $_scs_section_size  }
0x9a: {  	s5 =	simm.s32 $_size__tile_overlayer_lowered;
	s6 =	simm.s32 $_tile_overlayer_lowered  }
0x9b: {  	s22 =	simm.s32 $0x1BFF;
	s21 =	sshll.u32 s6, $0x1;
	s3 =	sadd.s32 s4, s19  }
0x9c: {  	s7 =	simm.s32 $0x0;
	s20 =	sshll.u32 s5, $0x1;
	s5 =	sadd.s32 s21, s3  }
0x9d: {  	[timem:s7], [sflag:s22] =	dma.local [hbm:s5], s20  }
0x9e: {  	_ =	swait.ge [sflag:s22], s20  }
0x9f: {  	s4 =	ssub.s32 $0x0, s20;
	[sflag:s22] =	ssyncset.done $0x0  }
0xa0: {  	[sflag:s22] =	ssyncadd.s32 s4;
	_ =	sdelay $0x1  }
0xa1: {  	s23 =	simm.s32 $0x1B8B  }
0xa2: {  	_ =	swait.ge [sflag:s23], $0x1  }
0xa3: {  	[sflag:s23] =	ssyncset.done $0x0  }
0xa4: {  	s25 =	simm.s32 $0x1B8E;
	s24 =	sld [smem:$0x3FFE];
	[sflag:s23] =	ssyncadd.s32 $0xFFFFFFFF  }
0xa5: {  	s26 =	simm.s32 $execute0_lowered;
	[smem:$0x3FD2] =	sst s25  }
0xa6: {  	s5 =	sshll.u32 s26, $0x1;
	_ =	strace $0x80000046;
	[dreg:$0x1] =	wrdreg $0xFFFFFFFF  }
0xa7: {  	s28 =	simm.s32 $_size_execute0_lowered;
	s3 =	sadd.s32 s3, s5;
	[dreg:$0x0] =	wrdreg $0x0  }
0xa8: {  	s5 =	sshll.u32 s28, $0x1;
	[dreg:$0x2] =	wrdreg s3  }
0xa9: {  	[dreg:$0x3] =	wrdreg s5  }
0xaa: {  	[dreg:$0x4] =	wrdreg $0xC0  }
0xab: {  	_ =	task [dreg:s7], $0x5FFFF  }
0xac: {  	[dreg:$0x1] =	wrdreg $0xFFFFFFFF  }
0xad: {  	[dreg:$0x0] =	wrdreg $0x60  }
0xae: {  	[dreg:$0x2] =	wrdreg s24  }
0xaf: {  	[dreg:$0x3] =	wrdreg s2  }
0xb0: {  	[dreg:$0x4] =	wrdreg $0x3800  }
0xb1: {  	[dreg:$0x5] =	wrdreg $0x9  }
0xb2: {  	_ =	task.clear_ibuf [dreg:s7], $0x6FFFF;
	_ =	strace $0x90000046  }
0xb3: {  	s29 =	simm.s32 $0x9;
	_ =	strace $0x80000048  }
0xb4: {  	_ =	swait.ge [sflag:s29], $0x1  }
0xb5: {  	[sflag:s29] =	ssyncadd.s32 $0xFFFFFFFF  }
0xb6: {  	_ =	strace $0x90000048  }
0xb7: {  	_ =	sfence  }
0xb8: {  	s30 =	sld [smem:$0x0];
	_ =	sdelay $0x2  }
0xb9: {  	s31 =	sshll.u32 s1, $0xD;
	s1 =	sshrl.u32 s1, $0x2  }
0xba: {  	s3 =	sand.u32 $0x4000, s31;
	s1 =	sadd.s32 s1, s30  }
0xbb: {  	s0 =	sor.u32 s3, s0;
	s1 =	sshll.u32 s1, $0x11  }
0xbc: {  	s0 =	sor.u32 s1, s0  }
0xbd: {  	s0 =	sadd.s32 $0x8F2B, s0  }
0xbe: {  	[sflag:s0] =	ssyncadd.remote.s32 $0x1  }
0xbf: {  	_ =	sfence.sel $0xFFFF  }
0xc0: {  	[dreg:$0x0] =	wrdreg $0xFFFFFFFF;
	(pc) =	sbr.abs _section_cstart, $3  }
0xc1: {  	[dreg:$0x1] =	wrdreg $0xFFFFFFFF  }
0xc2: {  	_ =	task.clear_ibuf [dreg:s7], $0x2FFFF;
	_ =	strace $0x9FFFFFFF  }
0xc3: {  	(tm) =	ssettm $0x7FFFFFFF  }
tec
execute0_lowered:
.L_overlay_start_1:
0x0: {  	(tag) =	ssettag $0x1  }
0x1: {  	s5 =	rddreg [dreg:$0x0]  }
0x2: {  	s7 =	rddreg [dreg:$0x1]  }
0x3: {  	s1 =	rddreg [dreg:$0x2];
	s2 =	srdreg.scid  }
0x4: {  	s0 =	rddreg [dreg:$0x3];
	s6 =	sand.u32 $0x1, s2  }
0x5: {  	s3 =	simm.s32 $0x0;
	s2 =	stileid.u32;
	s4 =	smul.u32 $0x4F00, s6  }
0x6: {  	s13 =	simm.s32 $0x0;
	[smem:$0x7FF] =	sst s3;
	s8 =	smul.u32 $0x280, s2  }
0x7: {  	_ =	strace $0x80000047;
	s11 =	smul.u32 $0x2800, s6;
	s6 =	ssub.s32 $0x2, s6  }
0x8: {  	s12 =	smul.u32 $0x4F0, s2;
	s31 =	sshrl.u32 s6, $0x1;
	s9 =	sadd.s32 s4, s5  }
0x9: {  	s10 =	sshrl.u32 s8, $0x3;
	s4 =	sadd.s32 $0x11800, s5;
	s11 =	sadd.s32 s8, s11  }
0xa: {  	s5 =	sadd.s32 s10, s5;
	s10 =	ssub.s32 s6, s31;
	s11 =	sshrl.u32 s11, $0x3  }
0xb: {  	s6 =	sadd.s32 s8, s1;
	s9 =	sadd.s32 s12, s9;
	s12 =	simm.s32 $0x80  }
0xc: {  	s5 =	sadd.s32 $0x11200, s5;
	s7 =	sadd.s32 s7, s11;
	s8 =	smax.u32 s10, $0x1  }
0xd: {  	s9 =	sadd.s32 $0x7400, s9;
	s10 =	simm.s32 $0x100;
	s11 =	simm.s32 $0x1  }
.LBB2_1:
0xe: {  	[tilespmem:s10], [sflag:$0x1] =	stream.linear.gather [hbm4b:s5+s3], $0x280, $0x38;
	[tilespmem:$0x600] =	vst v63  }
0xf: {  	_ =	swait.ge [sflag:s11], $0x280  }
0x10: {  	[sflag:s11] =	ssyncset.done $0x0  }
0x11: {  	[sflag:s11] =	ssyncadd.s32 $0xFFFFFD80  }
0x12: {  	[spmem:s6] =	stream.linear.scatter [tilespmem:s10], [sflag:$0x1], $0x280, $0x38;
	[tilespmem:$0x600] =	vst v63  }
0x13: {  	_ =	swait.ge [sflag:s11], $0x280  }
0x14: {  	[sflag:s11] =	ssyncset.done $0x0  }
0x15: {  	[sflag:s11] =	ssyncadd.s32 $0xFFFFFD80  }
0x16: {  	[tilespmem:s12], [sflag:$0x1] =	stream.linear.gather [hbm4b:s4+s3], $0x80, $0x38;
	[tilespmem:$0x600] =	vst v63  }
0x17: {  	_ =	swait.ge [sflag:s11], $0x80  }
0x18: {  	[sflag:s11] =	ssyncset.done $0x0  }
0x19: {  	[sflag:s11] =	ssyncadd.s32 $0xFFFFFF80  }
0x1a: {  	s14 =	sadd.s32 $0x0, s9;
	[bflag:$0x0] =	sbarrier.arrive $0xFFFF  }
0x1b: {  	[tilespmem:s3], [sflag:$0x1] =	stream.linear.gather [hbm4b:s14+s3], $0x80, $0x38;
	[tilespmem:$0x600] =	vst v63  }
0x1c: {  	_ =	swait.ge [sflag:s11], $0x80  }
0x1d: {  	[sflag:s11] =	ssyncset.done $0x0  }
0x1e: {  	[sflag:s11] =	ssyncadd.s32 $0xFFFFFF80  }
0x1f: {  	[spmem:s1] =	stream.indirect.scatter.add.f32 [tilespmem:s12], [sflag:$0x1], $0x1, s3, s12, $0xb8;
	[tilespmem:$0x600] =	vst v63  }
0x20: {  	_ =	swait.ge [sflag:s11], $0x80  }
0x21: {  	s15 =	simm.s32 $0x20;
	s14 =	simm.s32 $0x10;
	[sflag:s11] =	ssyncset.done $0x0  }
.LBB2_2:
0x22: {  	s16 =	sadd.s32 s14, s9  }
0x23: {  	[sflag:s11] =	ssyncadd.s32 $0xFFFFFF80;
	s14 =	smov.u32 s15;
	s17 =	sadd.s32 $0x10, s15  }
0x24: {  	[tilespmem:s3], [sflag:$0x1] =	stream.linear.gather [hbm4b:s16+s3], $0x80, $0x38;
	[tilespmem:$0x600] =	vst v63  }
0x25: {  	p0 =	sne.s32 s15, $0x4E0;
	_ =	swait.ge [sflag:s11], $0x80  }
.Ltmp0:
0x26: {  	[sflag:s11] =	ssyncset.done $0x0;
	(pc) =	sbr.rel @p0 .LBB2_2-.Ltmp0, $4  }
0x27: {  	[sflag:s11] =	ssyncadd.s32 $0xFFFFFF80  }
0x28: {  	[spmem:s1] =	stream.indirect.scatter.add.f32 [tilespmem:s12], [sflag:$0x1], $0x1, s3, s12, $0xb8;
	[tilespmem:$0x600] =	vst v63  }
0x29: {  	_ =	swait.ge [sflag:s11], $0x80  }
0x2a: {  	s15 =	smov.u32 s17;
	[sflag:s11] =	ssyncset.done $0x0  }
0x2b: {  	s14 =	sadd.s32 s14, s9;
	[sflag:s11] =	ssyncadd.s32 $0xFFFFFF80  }
0x2c: {  	[tilespmem:s3], [sflag:$0x1] =	stream.linear.gather [hbm4b:s14+s3], $0x80, $0x38;
	[tilespmem:$0x600] =	vst v63  }
0x2d: {  	_ =	swait.ge [sflag:s11], $0x80  }
0x2e: {  	[sflag:s11] =	ssyncset.done $0x0  }
0x2f: {  	[sflag:s11] =	ssyncadd.s32 $0xFFFFFF80  }
0x30: {  	[spmem:s1] =	stream.indirect.scatter.add.f32 [tilespmem:s12], [sflag:$0x1], $0x1, s3, s12, $0xb8;
	[tilespmem:$0x600] =	vst v63  }
0x31: {  	_ =	swait.ge [sflag:s11], $0x80  }
0x32: {  	[sflag:s11] =	ssyncset.done $0x0  }
0x33: {  	[sflag:s11] =	ssyncadd.s32 $0xFFFFFF80  }
0x34: {  	[bflag:$0x0] =	sbarrier.arrive $0xFFFF  }
0x35: {  	[tilespmem:s10], [sflag:$0x1] =	stream.linear.gather [spmem:s6], $0x280, $0x38;
	[tilespmem:$0x600] =	vst v63  }
0x36: {  	s13 =	sadd.s32 $0x1, s13;
	_ =	swait.ge [sflag:s11], $0x280  }
0x37: {  	p0 =	sne.s32 s13, s8;
	[sflag:s11] =	ssyncset.done $0x0  }
.Ltmp1:
0x38: {  	[sflag:s11] =	ssyncadd.s32 $0xFFFFFD80;
	(pc) =	sbr.rel @p0 .LBB2_1-.Ltmp1, $4  }
0x39: {  	[hbm4b:s7+s3] =	stream.linear.scatter [tilespmem:s10], [sflag:$0x1], $0x280, $0x38;
	[tilespmem:$0x600] =	vst v63  }
0x3a: {  	_ =	swait.ge [sflag:s11], $0x280  }
0x3b: {  	[sflag:s11] =	ssyncset.done $0x0  }
0x3c: {  	[sflag:s11] =	ssyncadd.s32 $0xFFFFFD80  }
0x3d: {  	_ =	sfence.sel $0x180000  }
0x3e: {  	[bflag:$0x0] =	sbarrier.arrive $0xFFFF  }
0x3f: {  	p0 =	sne.s32 s2, $0x0;
	_ =	strace $0x90000047  }
0x40: {  	s0 =	sadd.s32 @!p0 $0x100000, s0;
	[bflag:$0x2] =	sbarrier.arrive $0xFFFF  }
0x41: {  	[sflag:s0] =	ssyncadd.tile.s32 @!p0 $0x1;
	_ =	shalt  }
.Lfunc_end2:
_tile_overlayer_lowered:
.L_overlay_start_2:
0x42: {  	(tag) =	ssettag $0x2  }
0x43: {  	s0 =	rddreg [dreg:$0x0];
	s2 =	stileid.u32  }
0x44: {  	s1 =	rddreg [dreg:$0x1];
	p0 =	sne.s32 s2, $0x0  }
0x45: {  	s3 =	rddreg [dreg:$0x2];
	[bflag:$0x3] =	sbarrier.arrive $0xFFFF;
	s2 =	simm.s32 @!p0 $0x1C01  }
0x46: {  	[timem:s3], [sflag:s2] =	dma.local @!p0 [hbm:s0], s1  }
0x47: {  	s0 =	simm.s32 @!p0 $0x1  }
0x48: {  	_ =	swait.ge @!p0 [sflag:s0], s1  }
0x49: {  	s1 =	ssub.s32 @!p0 $0x0, s1;
	[sflag:s0] =	ssyncset.done @!p0 $0x0  }
0x4a: {  	[sflag:s0] =	ssyncadd.s32 @!p0 s1  }
0x4b: {  	[bflag:$0x3] =	sbarrier.arrive $0xFFFF  }
0x4c: {  	_ =	shalt  }

// kernel: kernel.20.cloned.1.call-start
scs
__scs_entry_jumppad:
0x0: {  	(pc) =	sbr.rel $0x88, $3  }
0x1: {  	(tag) =	ssettag $0x0;
	lr =	simm.s32 $0x1  }
0x2: {  	[smem:$0x3F94] =	sst lr;
	_ =	strace $0xD0000000  }
0x3: {  	_ = 	snop  }
0x4: {  	_ = 	snop  }
0x5: {  	_ = 	snop  }
0x6: {  	_ = 	snop  }
0x7: {  	_ = 	snop  }
__scs_overlays_trampoline_lowered:
0x8: {  	[smem:$0x3FA3] =	sst s0  }
0x9: {  	[smem:$0x3FA4] =	sst s1  }
0xa: {  	[smem:$0x3FA5] =	sst s2  }
0xb: {  	[smem:$0x3FA6] =	sst s3  }
0xc: {  	[smem:$0x3FA7] =	sst s4  }
0xd: {  	[smem:$0x3FA8] =	sst s5  }
0xe: {  	[smem:$0x3FA9] =	sst s6  }
0xf: {  	[smem:$0x3FAA] =	sst s7  }
0x10: {  	[smem:$0x3FAB] =	sst s8  }
0x11: {  	[smem:$0x3FAC] =	sst s9;
	s0 =	simm.s32 @!p0 $0x0  }
0x12: {  	s1 =	sld [smem:$0x3F92];
	s0 =	simm.s32 @p0 $0x1  }
0x13: {  	[smem:$0x3FAD] =	sst s0;
	s0 =	simm.s32 @!p1 $0x0  }
0x14: {  	s2 =	sld [smem:$0x3F91];
	s0 =	simm.s32 @p1 $0x1  }
0x15: {  	[smem:$0x3FAE] =	sst s0;
	s0 =	simm.s32 @!p2 $0x0  }
0x16: {  	s3 =	sld [smem:$0x3FDB];
	s0 =	simm.s32 @p2 $0x1  }
0x17: {  	s4 =	simm.s32 $0x1BF5;
	[smem:$0x3FB0] =	sst s0  }
0x18: {  	s0 =	sld [smem:$0x3F93];
	_ =	swait.ge [sflag:s4], $0x0  }
0x19: {  	s7 =	sld [smem:$0x3F94]  }
0x1a: {  	s8 =	sadd.s32 $0xFFFFE003, lr  }
0x1b: {  	s9 =	sadd.s32 $0xFFFFFEF7, lr;
	s5 =	simm.s32 $0xFFFFFFFF;
	p2 =	slt.u32 s8, $0xFFFFF086  }
0x1c: {  	p1 =	slt.u32 s9, $0xF7A;
	s5 =	simm.s32 @!p2 $0x0  }
0x1d: {  	s5 =	simm.s32 @p1 $0x1;
	p0 =	seq.s32 s7, s2  }
0x1e: {  	s7 =	smul.u32 @!p0 $0xF7A, s2;
	p2 =	seq.s32 @!p0 s5, $0x0  }
0x1f: {  	s9 =	smul.u32 $0xF7A, s1;
	s8 =	simm.s32 @!p0 $0x1BF5;
	p2 =	por !p2, p0  }
0x20: {  	[sflag:s8] =	ssyncset.s32 @!p0 $0xFFFFF086;
	s6 =	sadd.s32 @!p0 s3, s7;
	s7 =	simm.s32 @!p0 $0x108  }
0x21: {  	s3 =	sadd.s32 s3, s9;
	s6 =	sadd.s32 @!p0 $0x88, s6;
	s7 =	simm.s32 @p2 $0x1082  }
0x22: {  	[simem:s7], [sflag:s8] =	dma.local @!p0 [hbm:s6], $0xF7A  }
0x23: {  	s9 =	sor.u32 $0xD0000000, s2;
	s6 =	simm.s32 $0x108;
	_ =	swait.ge @!p0 [sflag:s8], $0x0  }
0x24: {  	s3 =	sadd.s32 $0x88, s3;
	s6 =	simm.s32 @!p1 $0x1082;
	[sflag:s4] =	ssyncset.s32 $0xFFFFF086  }
0x25: {  	[simem:s6], [sflag:s4] =	dma.local [hbm:s3], $0xF7A  }
0x26: {  	[smem:$0x3F94] =	sst s1;
	(tag) =	ssettag s2;
	_ =	strace s9  }
0x27: {  	s1 =	sld [smem:$0x3FA4]  }
0x28: {  	s2 =	sld [smem:$0x3FA5]  }
0x29: {  	s4 =	sld [smem:$0x3FA7]  }
0x2a: {  	p0 =	seq.s32 s5, $0x0;
	s5 =	sld [smem:$0x3FA8]  }
0x2b: {  	s6 =	sld [smem:$0x3FA9]  }
0x2c: {  	s7 =	sld [smem:$0x3FAA]  }
0x2d: {  	s3 =	simm.s32 $0x108;
	s8 =	sld [smem:$0x3FAB]  }
0x2e: {  	s3 =	simm.s32 @!p0 $0x1082;
	s9 =	sld [smem:$0x3FAC]  }
0x2f: {  	lr =	sadd.s32 s0, s3;
	s0 =	sld [smem:$0x3FA3]  }
0x30: {  	s3 =	sld [smem:$0x3FA6]  }
0x31: {  	[smem:$0x3FAF] =	sst s10  }
0x32: {  	s10 =	sld [smem:$0x3FAD];
	_ =	sdelay $0x3  }
0x33: {  	p0 =	seq.s32 s10, $0x1;
	s10 =	sld [smem:$0x3FAF];
	_ =	sdelay $0x3  }
0x34: {  	[smem:$0x3FAF] =	sst s10  }
0x35: {  	s10 =	sld [smem:$0x3FAE];
	_ =	sdelay $0x3  }
0x36: {  	p1 =	seq.s32 s10, $0x1;
	s10 =	sld [smem:$0x3FAF];
	_ =	sdelay $0x3  }
0x37: {  	[smem:$0x3FAF] =	sst s10  }
0x38: {  	s10 =	sld [smem:$0x3FB0]  }
0x39: {  	_ = 	snop;
	(pc) =	sbr.ind lr, $3  }
0x3a: {  	_ = 	snop  }
0x3b: {  	_ = 	snop  }
0x3c: {  	p2 =	seq.s32 s10, $0x1;
	s10 =	sld [smem:$0x3FAF]  }
0x3d: {  	_ =	shalt  }
0x3e: {  	_ =	shalt  }
0x3f: {  	_ =	shalt  }
0x40: {  	_ =	shalt  }
0x41: {  	_ =	shalt  }
0x42: {  	_ =	shalt  }
0x43: {  	_ =	shalt  }
0x44: {  	_ =	shalt  }
0x45: {  	_ =	shalt  }
0x46: {  	_ =	shalt  }
0x47: {  	_ =	shalt  }
0x48: {  	_ =	shalt  }
0x49: {  	_ =	shalt  }
0x4a: {  	_ =	shalt  }
0x4b: {  	_ =	shalt  }
0x4c: {  	_ =	shalt  }
0x4d: {  	_ =	shalt  }
0x4e: {  	_ =	shalt  }
0x4f: {  	_ =	shalt  }
0x50: {  	_ =	shalt  }
0x51: {  	_ =	shalt  }
0x52: {  	_ =	shalt  }
0x53: {  	_ =	shalt  }
0x54: {  	_ =	shalt  }
0x55: {  	_ =	shalt  }
0x56: {  	_ =	shalt  }
0x57: {  	_ =	shalt  }
0x58: {  	_ =	shalt  }
0x59: {  	_ =	shalt  }
0x5a: {  	_ =	shalt  }
0x5b: {  	_ =	shalt  }
0x5c: {  	_ =	shalt  }
0x5d: {  	_ =	shalt  }
0x5e: {  	_ =	shalt  }
0x5f: {  	_ =	shalt  }
0x60: {  	_ =	shalt  }
0x61: {  	_ =	shalt  }
0x62: {  	_ =	shalt  }
0x63: {  	_ =	shalt  }
0x64: {  	_ =	shalt  }
0x65: {  	_ =	shalt  }
0x66: {  	_ =	shalt  }
0x67: {  	_ =	shalt  }
0x68: {  	_ =	shalt  }
0x69: {  	_ =	shalt  }
0x6a: {  	_ =	shalt  }
0x6b: {  	_ =	shalt  }
0x6c: {  	_ =	shalt  }
0x6d: {  	_ =	shalt  }
0x6e: {  	_ =	shalt  }
0x6f: {  	_ =	shalt  }
0x70: {  	_ =	shalt  }
0x71: {  	_ =	shalt  }
0x72: {  	_ =	shalt  }
0x73: {  	_ =	shalt  }
0x74: {  	_ =	shalt  }
0x75: {  	_ =	shalt  }
0x76: {  	_ =	shalt  }
0x77: {  	_ =	shalt  }
0x78: {  	_ =	shalt  }
0x79: {  	_ =	shalt  }
0x7a: {  	_ =	shalt  }
0x7b: {  	_ =	shalt  }
0x7c: {  	_ =	shalt  }
0x7d: {  	_ =	shalt  }
0x7e: {  	_ =	shalt  }
0x7f: {  	_ =	shalt  }
0x80: {  	_ =	shalt  }
0x81: {  	_ =	shalt  }
0x82: {  	_ =	shalt  }
0x83: {  	_ =	shalt  }
0x84: {  	_ =	shalt  }
0x85: {  	_ =	shalt  }
0x86: {  	_ =	shalt  }
0x87: {  	_ =	shalt  }
.Lfunc_end0:
.L_simem_size_0:
called_computation.1_lowered:
.L_overlay_start_0:
0x88: {  	s2 =	sld [smem:$0x3FD9]  }
0x89: {  	s3 =	sld [smem:$0x3FFE];
	_ =	sdelay $0x1  }
0x8a: {  	s1 =	srdreg.scid  }
0x8b: {  	s0 =	sand.u32 $0x1, s1  }
0x8c: {  	s17 =	sshll.u32 s0, $0xA;
	s2 =	sadd.s32 s3, s2  }
0x8d: {  	s2 =	sadd.s32 s2, s17  }
0x8e: {  	[smem:$0x3FBB] =	sst s2  }
0x8f: {  	_ = 	snop  }
0x90: {  	s2 =	sld [smem:$0x3FD0];
	(tm) =	ssettm $0x1  }
0x91: {  	s18 =	sld [smem:$0x3FFB];
	_ =	sdelay $0x3  }
0x92: {  	_ =	strace s18  }
0x93: {  	s3 =	sld [smem:$0x3FFC];
	_ =	sdelay $0x3  }
0x94: {  	_ =	strace s3  }
0x95: {  	s3 =	sld [smem:$0x3FFD];
	_ =	sdelay $0x3  }
0x96: {  	_ =	strace s3  }
0x97: {  	_ =	strace $0x8FFFFFFF  }
0x98: {  	s19 =	sld [smem:$0x3FDB];
	_ =	sdelay $0x1  }
0x99: {  	s4 =	simm.s32 $_scs_section_size  }
0x9a: {  	s5 =	simm.s32 $_size__tile_overlayer_lowered;
	s6 =	simm.s32 $_tile_overlayer_lowered  }
0x9b: {  	s22 =	simm.s32 $0x1BFF;
	s21 =	sshll.u32 s6, $0x1;
	s3 =	sadd.s32 s4, s19  }
0x9c: {  	s7 =	simm.s32 $0x0;
	s20 =	sshll.u32 s5, $0x1;
	s5 =	sadd.s32 s21, s3  }
0x9d: {  	[timem:s7], [sflag:s22] =	dma.local [hbm:s5], s20  }
0x9e: {  	_ =	swait.ge [sflag:s22], s20  }
0x9f: {  	s4 =	ssub.s32 $0x0, s20;
	[sflag:s22] =	ssyncset.done $0x0  }
0xa0: {  	[sflag:s22] =	ssyncadd.s32 s4;
	_ =	sdelay $0x1  }
0xa1: {  	s23 =	simm.s32 $0x1B8B  }
0xa2: {  	_ =	swait.ge [sflag:s23], $0x1  }
0xa3: {  	[sflag:s23] =	ssyncset.done $0x0  }
0xa4: {  	s25 =	simm.s32 $0x1B8E;
	s24 =	sld [smem:$0x3FFE];
	[sflag:s23] =	ssyncadd.s32 $0xFFFFFFFF  }
0xa5: {  	s26 =	simm.s32 $execute0_lowered;
	[smem:$0x3FD2] =	sst s25  }
0xa6: {  	s5 =	sshll.u32 s26, $0x1;
	_ =	strace $0x80000049;
	[dreg:$0x1] =	wrdreg $0xFFFFFFFF  }
0xa7: {  	s28 =	simm.s32 $_size_execute0_lowered;
	s3 =	sadd.s32 s3, s5;
	[dreg:$0x0] =	wrdreg $0x0  }
0xa8: {  	s5 =	sshll.u32 s28, $0x1;
	[dreg:$0x2] =	wrdreg s3  }
0xa9: {  	[dreg:$0x3] =	wrdreg s5  }
0xaa: {  	[dreg:$0x4] =	wrdreg $0xC0  }
0xab: {  	_ =	task [dreg:s7], $0x5FFFF  }
0xac: {  	[dreg:$0x1] =	wrdreg $0xFFFFFFFF  }
0xad: {  	[dreg:$0x0] =	wrdreg $0x60  }
0xae: {  	[dreg:$0x2] =	wrdreg s24  }
0xaf: {  	[dreg:$0x3] =	wrdreg s2  }
0xb0: {  	[dreg:$0x4] =	wrdreg $0x83000  }
0xb1: {  	[dreg:$0x5] =	wrdreg $0x9  }
0xb2: {  	_ =	task.clear_ibuf [dreg:s7], $0x6FFFF;
	_ =	strace $0x90000049  }
0xb3: {  	s29 =	simm.s32 $0x9;
	_ =	strace $0x8000004B  }
0xb4: {  	_ =	swait.ge [sflag:s29], $0x1  }
0xb5: {  	[sflag:s29] =	ssyncadd.s32 $0xFFFFFFFF  }
0xb6: {  	_ =	strace $0x9000004B  }
0xb7: {  	_ =	sfence  }
0xb8: {  	s30 =	sld [smem:$0x0];
	_ =	sdelay $0x2  }
0xb9: {  	s31 =	sshll.u32 s1, $0xD;
	s1 =	sshrl.u32 s1, $0x2  }
0xba: {  	s3 =	sand.u32 $0x4000, s31;
	s1 =	sadd.s32 s1, s30  }
0xbb: {  	s0 =	sor.u32 s3, s0;
	s1 =	sshll.u32 s1, $0x11  }
0xbc: {  	s0 =	sor.u32 s1, s0  }
0xbd: {  	s0 =	sadd.s32 $0x8F2B, s0  }
0xbe: {  	[sflag:s0] =	ssyncadd.remote.s32 $0x1  }
0xbf: {  	_ =	sfence.sel $0xFFFF  }
0xc0: {  	[dreg:$0x0] =	wrdreg $0xFFFFFFFF;
	(pc) =	sbr.abs _section_cstart, $3  }
0xc1: {  	[dreg:$0x1] =	wrdreg $0xFFFFFFFF  }
0xc2: {  	_ =	task.clear_ibuf [dreg:s7], $0x2FFFF;
	_ =	strace $0x9FFFFFFF  }
0xc3: {  	(tm) =	ssettm $0x7FFFFFFF  }
tec
execute0_lowered:
.L_overlay_start_1:
0x0: {  	(tag) =	ssettag $0x1  }
0x1: {  	s0 =	rddreg [dreg:$0x0]  }
0x2: {  	s2 =	rddreg [dreg:$0x2]  }
0x3: {  	s3 =	simm.s32 $0x0;
	s1 =	srdreg.scid;
	s11 =	stileid.u32  }
0x4: {  	s29 =	simm.s32 $0x3;
	s30 =	simm.s32 $0x4;
	s31 =	simm.s32 $0x280  }
0x5: {  	s28 =	simm.s32 $0x0;
	[smem:$0x7FF] =	sst s3;
	s1 =	sand.u32 $0x1, s1  }
0x6: {  	s5 =	sadd.s32 $0x4C800, s0;
	s6 =	sadd.s32 $0x11A00, s0;
	s8 =	smul.u32 $0x1E, s11  }
0x7: {  	s0 =	sadd.s32 $0x73A00, s0;
	s9 =	smul.u32 $0x50000, s11;
	s10 =	sshll.u32 s11, $0x7  }
0x8: {  	s15 =	smul.u32 $0x14000, s11;
	_ =	strace $0x8000004A;
	s4 =	ssub.s32 $0x2, s1  }
0x9: {  	p0 =	seq.s32 s1, $0x0;
	s1 =	smul.u32 $0x140000, s1;
	s7 =	sshrl.u32 s4, $0x1  }
0xa: {  	s13 =	sor.u32 $0x800, s8;
	s8 =	simm.s32 $0x80;
	s9 =	sshrl.u32 s9, $0x2  }
0xb: {  	s16 =	sadd.s32 $0x4000, s15;
	s17 =	sadd.s32 $0x8000, s15;
	s18 =	sadd.s32 $0xC000, s15  }
0xc: {  	s19 =	sadd.s32 $0x10000, s15;
	s4 =	ssub.s32 s4, s7;
	s7 =	simm.s32 $0x80  }
0xd: {  	s13 =	smov.u32 @p0 s10;
	s10 =	sadd.s32 s9, s2;
	s11 =	sadd.s32 s16, s2  }
0xe: {  	s21 =	sadd.s32 s17, s2;
	s23 =	sadd.s32 s18, s2;
	s12 =	sadd.s32 s19, s2  }
0xf: {  	s15 =	sadd.s32 s15, s1;
	s16 =	sadd.s32 s1, s16;
	s25 =	sadd.s32 s1, s17  }
0x10: {  	s7 =	simm.s32 @!p0 $0x1E;
	s14 =	sshll.u32 s13, $0x5;
	[dreg:$0x7] =	wrdreg s21  }
0x11: {  	s15 =	sshrl.u32 s15, $0x3;
	s24 =	sshrl.u32 s16, $0x3;
	[dreg:$0x8] =	wrdreg s23  }
0x12: {  	s20 =	sadd.s32 s6, s14;
	s22 =	sadd.s32 s0, s15;
	s26 =	sadd.s32 s0, s24  }
0x13: {  	s14 =	sadd.s32 s1, s18;
	s1 =	sadd.s32 s1, s19;
	[dreg:$0x9] =	wrdreg s20  }
0x14: {  	s19 =	sadd.s32 $0xFFFFFFFE, s7;
	s24 =	smax.u32 s4, $0x1;
	[dreg:$0xc] =	wrdreg s22  }
0x15: {  	s4 =	simm.s32 $0x5;
	s9 =	sadd.s32 $0x20, s20;
	[dreg:$0xd] =	wrdreg s26  }
0x16: {  	s20 =	sshrl.u32 s7, $0x1;
	s17 =	sshrl.u32 s14, $0x3;
	[dreg:$0x4] =	wrdreg s19  }
0x17: {  	s1 =	sshrl.u32 s1, $0x3;
	s22 =	sadd.s32 $0xFFFFFFFD, s7;
	[dreg:$0x11] =	wrdreg s24  }
0x18: {  	s26 =	simm.s32 $0x200;
	s24 =	simm.s32 $0x300;
	[dreg:$0xb] =	wrdreg s9  }
0x19: {  	s9 =	sshrl.u32 s25, $0x3;
	s18 =	sadd.s32 s0, s17;
	[dreg:$0x6] =	wrdreg s22  }
0x1a: {  	s25 =	sshll.u32 s13, $0x8;
	s13 =	smov.u32 s12;
	[dreg:$0x5] =	wrdreg s26  }
0x1b: {  	s22 =	ssub.s32 $0x0, s20;
	s26 =	simm.s32 $0x1;
	[dreg:$0xf] =	wrdreg s18  }
0x1c: {  	s15 =	sadd.s32 s0, s9;
	s0 =	sadd.s32 s0, s1;
	[dreg:$0xa] =	wrdreg s13  }
0x1d: {  	s19 =	sadd.s32 $0x300, s25;
	s25 =	simm.s32 $0x7;
	[dreg:$0xe] =	wrdreg s15  }
0x1e: {  	s1 =	simm.s32 $0x6;
	[dreg:$0x10] =	wrdreg s0;
	s0 =	simm.s32 $0x4300  }
.LBB2_1:
0x1f: {  	s9 =	rddreg [dreg:$0x1]  }
0x20: {  	[tilespmem:s24], [sflag:$0x7] =	stream.linear.gather [hbm4b:s9+s3], $0x4000, $0x38;
	[tilespmem:$0x1C300] =	vst v63  }
0x21: {  	_ =	swait.ge [sflag:s25], $0x4000  }
0x22: {  	[sflag:s25] =	ssyncset.done $0x0  }
0x23: {  	[sflag:s25] =	ssyncadd.s32 $0xFFFFC000  }
0x24: {  	[spmem:s10] =	stream.linear.scatter [tilespmem:s24], [sflag:$0x1], $0x4000, $0x38;
	[tilespmem:$0x1C300] =	vst v63  }
0x25: {  	_ = 	snop  }
0x26: {  	[spmem:s11] =	stream.linear.scatter [tilespmem:s24], [sflag:$0x1], $0x4000, $0x38;
	[tilespmem:$0x1C300] =	vst v63  }
0x27: {  	_ = 	snop  }
0x28: {  	[spmem:s21] =	stream.linear.scatter [tilespmem:s24], [sflag:$0x1], $0x4000, $0x38;
	[tilespmem:$0x1C300] =	vst v63  }
0x29: {  	_ = 	snop  }
0x2a: {  	[spmem:s23] =	stream.linear.scatter [tilespmem:s24], [sflag:$0x1], $0x4000, $0x38;
	[tilespmem:$0x1C300] =	vst v63  }
0x2b: {  	_ = 	snop  }
0x2c: {  	[spmem:s13] =	stream.linear.scatter [tilespmem:s24], [sflag:$0x1], $0x4000, $0x38;
	[tilespmem:$0x1C300] =	vst v63  }
0x2d: {  	_ =	swait.ge [sflag:s26], $0x4000  }
0x2e: {  	[sflag:s26] =	ssyncset.done $0x0  }
0x2f: {  	[sflag:s26] =	ssyncadd.s32 $0xFFFFC000  }
0x30: {  	_ =	swait.ge [sflag:s26], $0x4000  }
0x31: {  	[sflag:s26] =	ssyncset.done $0x0  }
0x32: {  	[sflag:s26] =	ssyncadd.s32 $0xFFFFC000  }
0x33: {  	_ =	swait.ge [sflag:s26], $0x4000  }
0x34: {  	[sflag:s26] =	ssyncset.done $0x0  }
0x35: {  	[sflag:s26] =	ssyncadd.s32 $0xFFFFC000  }
0x36: {  	_ =	swait.ge [sflag:s26], $0x4000  }
0x37: {  	[sflag:s26] =	ssyncset.done $0x0  }
0x38: {  	[sflag:s26] =	ssyncadd.s32 $0xFFFFC000  }
0x39: {  	_ =	swait.ge [sflag:s26], $0x4000  }
0x3a: {  	[sflag:s26] =	ssyncset.done $0x0  }
0x3b: {  	[sflag:s26] =	ssyncadd.s32 $0xFFFFC000  }
0x3c: {  	[bflag:$0x0] =	sbarrier.arrive $0xFFFF  }
0x3d: {  	s18 =	rddreg [dreg:$0x9]  }
0x3e: {  	[tilespmem:s3], [sflag:$0x7] =	stream.linear.gather [hbm4b:s18+s3], $0x100, $0x38;
	[tilespmem:$0x1C300] =	vst v63  }
0x3f: {  	_ =	swait.ge [sflag:s25], $0x100  }
0x40: {  	[sflag:s25] =	ssyncset.done $0x0  }
0x41: {  	s21 =	simm.s32 $0x100;
	s20 =	rddreg [dreg:$0xb];
	[sflag:s25] =	ssyncadd.s32 $0xFFFFFF00  }
0x42: {  	[tilespmem:s21], [sflag:$0x2] =	stream.linear.gather [hbm4b:s20+s3], $0x100, $0x38;
	[tilespmem:$0x1C300] =	vst v63  }
0x43: {  	_ = 	snop  }
0x44: {  	[tilespmem:s24], [sflag:$0x3] =	stream.indirect.gather [hbm4b:s5+s8], $0x80, s3, s8, $0xb8;
	[tilespmem:$0x1C300] =	vst v63  }
0x45: {  	_ =	swait.ge [sflag:s29], $0x4000  }
0x46: {  	[sflag:s29] =	ssyncset.done $0x0  }
0x47: {  	[sflag:s29] =	ssyncadd.s32 $0xFFFFC000  }
0x48: {  	v0 =	vld [tilespmem:$0xC0]  }
0x49: {  	v1 =	vld [tilespmem:$0x80]  }
0x4a: {  	v2 =	vld [tilespmem:$0xA0]  }
0x4b: {  	v3 =	vld [tilespmem:$0x90]  }
0x4c: {  	v4 =	vld [tilespmem:$0xB0]  }
0x4d: {  	[tilespmem:$0x240] =	vst v0;
	v0 =	vld [tilespmem:$0xD0]  }
0x4e: {  	[tilespmem:$0x200] =	vst v1;
	v1 =	vld [tilespmem:$0xE0]  }
0x4f: {  	[tilespmem:$0x220] =	vst v2;
	v2 =	vld [tilespmem:$0xF0]  }
0x50: {  	s23 =	rddreg [dreg:$0x4];
	[tilespmem:$0x210] =	vst v3  }
0x51: {  	p0 =	sle.u32 s23, $0x0;
	[tilespmem:$0x230] =	vst v4  }
0x52: {  	s13 =	sadd.s32 @!p0 $0xFFFFFF00, s19;
	[tilespmem:$0x250] =	vst v0  }
0x53: {  	p1 =	sle.u32 s7, $0x1;
	s13 =	sshrl.u32 @!p0 s13, $0x3;
	[tilespmem:$0x260] =	vst v1  }
0x54: {  	s16 =	simm.s32 @!p1 $0x2;
	s15 =	simm.s32 @!p0 $0x0;
	s13 =	sadd.s32 @!p0 s6, s13;
	[tilespmem:$0x270] =	vst v2  }
0x55: {  	[tilespmem:s15], [sflag:$0x1] =	stream.linear.gather @!p0 [hbm4b:s13+s15], $0x100, $0x38;
	[tilespmem:$0x1C300] =	vst v63  }
0x56: {  	p2 =	por @!p1 $0x1, $0x1;
	_ =	swait.ge @!p1 [sflag:s16], $0x100  }
0x57: {  	p2 =	por p2, p1;
	[sflag:s16] =	ssyncset.done @!p1 $0x0  }
0x58: {  	s13 =	simm.s32 @!p2 $0x6;
	[sflag:s16] =	ssyncadd.s32 @!p1 $0xFFFFFF00  }
0x59: {  	_ =	swait.ge @!p2 [sflag:s13], $0x4000  }
0x5a: {  	s17 =	simm.s32 @!p1 $0x4300;
	[sflag:s13] =	ssyncset.done @!p2 $0x0  }
0x5b: {  	s16 =	simm.s32 @!p1 $0x100;
	[sflag:s13] =	ssyncadd.s32 @!p2 $0xFFFFC000;
	s13 =	simm.s32 @!p1 $0x80  }
0x5c: {  	[tilespmem:s17], [sflag:$0x4] =	stream.indirect.gather @!p1 [hbm4b:s5+s13], $0x80, s16, s13, $0xb8;
	[tilespmem:$0x1C300] =	vst v63  }
0x5d: {  	s18 =	rddreg [dreg:$0x5]  }
0x5e: {  	[spmem:s2] =	stream.indirect.scatter.add.f32 [tilespmem:s24], [sflag:$0x5], $0x80, s18, s8, $0xb8;
	[tilespmem:$0x1C300] =	vst v63  }
0x5f: {  	p1 =	sne.s32 s22, $0xFFFFFFFF;
	_ =	swait.ge [sflag:s30], $0x4000  }
.Ltmp0:
0x60: {  	[sflag:s30] =	ssyncset.done $0x0;
	(pc) =	sbr.rel @!p1 .LBB2_3-.Ltmp0, $4  }
0x61: {  	[sflag:s30] =	ssyncadd.s32 $0xFFFFC000  }
0x62: {  	s12 =	smov.u32 s10;
	v2 =	vld [tilespmem:$0x180]  }
0x63: {  	s14 =	smov.u32 s11;
	s23 =	smov.u32 s19;
	s13 =	simm.s32 $0xFFFFFFFF;
	v1 =	vld [tilespmem:$0x1F0]  }
0x64: {  	s16 =	smov.u32 s19;
	s17 =	simm.s32 $0x0;
	s18 =	simm.s32 $0x0;
	v0 =	vld [tilespmem:$0x1E0]  }
.LBB2_2:
0x65: {  	v3 =	vld [tilespmem:$0x190]  }
0x66: {  	v4 =	vld [tilespmem:$0x1B0]  }
0x67: {  	v5 =	vld [tilespmem:$0x1A0];
	[tilespmem:$0x280] =	vst v2  }
0x68: {  	v2 =	vld [tilespmem:$0x1D0];
	[tilespmem:$0x2F0] =	vst v1  }
0x69: {  	v1 =	vld [tilespmem:$0x1C0];
	[tilespmem:$0x2E0] =	vst v0  }
0x6a: {  	[tilespmem:$0x290] =	vst v3  }
0x6b: {  	s21 =	rddreg [dreg:$0x6];
	[tilespmem:$0x2B0] =	vst v4  }
0x6c: {  	p2 =	sge.u32 s17, s21;
	[tilespmem:$0x2A0] =	vst v5  }
0x6d: {  	s11 =	simm.s32 @!p0 $0x1;
	s21 =	sshrl.u32 @!p2 s23, $0x3;
	[tilespmem:$0x2D0] =	vst v2  }
0x6e: {  	s9 =	simm.s32 @!p2 $0x0;
	s10 =	simm.s32 @!p2 $0x100;
	s21 =	sadd.s32 @!p2 s6, s21;
	[tilespmem:$0x2C0] =	vst v1  }
0x6f: {  	[tilespmem:s10], [sflag:$0x2] =	stream.linear.gather @!p2 [hbm4b:s21+s9], $0x100, $0x38;
	[tilespmem:$0x1C300] =	vst v63  }
0x70: {  	_ =	swait.ge @!p0 [sflag:s11], $0x100  }
0x71: {  	[sflag:s11] =	ssyncset.done @!p0 $0x0  }
0x72: {  	s9 =	simm.s32 @!p0 $0x5;
	[sflag:s11] =	ssyncadd.s32 @!p0 $0xFFFFFF00  }
0x73: {  	_ =	swait.ge @!p0 [sflag:s9], $0x4000  }
0x74: {  	[sflag:s9] =	ssyncset.done @!p0 $0x0  }
0x75: {  	s10 =	simm.s32 @!p0 $0x80;
	s11 =	simm.s32 @!p0 $0x300;
	[sflag:s9] =	ssyncadd.s32 @!p0 $0xFFFFC000  }
0x76: {  	[tilespmem:s11], [sflag:$0x3] =	stream.indirect.gather @!p0 [hbm4b:s5+s10], $0x80, s15, s10, $0xb8;
	[tilespmem:$0x1C300] =	vst v63  }
0x77: {  	_ = 	snop  }
0x78: {  	[spmem:s2] =	stream.indirect.scatter.add.f32 [tilespmem:s0], [sflag:$0x6], $0x80, s31, s8, $0xb8;
	[tilespmem:$0x1C300] =	vst v63  }
0x79: {  	_ =	swait.ge [sflag:s29], $0x4000  }
0x7a: {  	[sflag:s29] =	ssyncset.done $0x0  }
0x7b: {  	[sflag:s29] =	ssyncadd.s32 $0xFFFFC000  }
0x7c: {  	v0 =	vld [tilespmem:$0xC0]  }
0x7d: {  	v1 =	vld [tilespmem:$0x80]  }
0x7e: {  	v2 =	vld [tilespmem:$0xA0]  }
0x7f: {  	v3 =	vld [tilespmem:$0x90]  }
0x80: {  	v63 =	vld [tilespmem:$0xB0]  }
0x81: {  	[tilespmem:$0x240] =	vst v0;
	v0 =	vld [tilespmem:$0xD0]  }
0x82: {  	[tilespmem:$0x200] =	vst v1;
	v1 =	vld [tilespmem:$0xE0]  }
0x83: {  	[tilespmem:$0x220] =	vst v2;
	v2 =	vld [tilespmem:$0xF0]  }
0x84: {  	s18 =	sadd.s32 $0x2, s18;
	s10 =	rddreg [dreg:$0x4];
	[tilespmem:$0x210] =	vst v3  }
0x85: {  	s16 =	sadd.s32 $0x200, s16;
	p0 =	sge.u32 s18, s10;
	[tilespmem:$0x230] =	vst v63  }
0x86: {  	s11 =	sadd.s32 $0x1, s18;
	s10 =	sadd.s32 @!p0 $0xFFFFFF00, s16;
	[tilespmem:$0x250] =	vst v0  }
0x87: {  	s20 =	smov.u32 s13;
	p2 =	sge.u32 s11, s7;
	s9 =	sshrl.u32 @!p0 s10, $0x3;
	[tilespmem:$0x260] =	vst v1  }
0x88: {  	s15 =	simm.s32 @!p0 $0x0;
	s10 =	simm.s32 @!p2 $0x2;
	s9 =	sadd.s32 @!p0 s6, s9;
	[tilespmem:$0x270] =	vst v2  }
0x89: {  	[tilespmem:s15], [sflag:$0x1] =	stream.linear.gather @!p0 [hbm4b:s9+s15], $0x100, $0x38;
	[tilespmem:$0x1C300] =	vst v63  }
0x8a: {  	p3 =	seq.s32 @!p2 s20, $0x0;
	_ =	swait.ge @!p2 [sflag:s10], $0x100  }
0x8b: {  	p3 =	por p3, p2;
	[sflag:s10] =	ssyncset.done @!p2 $0x0  }
0x8c: {  	s11 =	simm.s32 @!p3 $0x6;
	[sflag:s10] =	ssyncadd.s32 @!p2 $0xFFFFFF00  }
0x8d: {  	_ =	swait.ge @!p3 [sflag:s11], $0x4000  }
0x8e: {  	s9 =	simm.s32 @!p2 $0x100;
	[sflag:s11] =	ssyncset.done @!p3 $0x0  }
0x8f: {  	s10 =	simm.s32 @!p2 $0x4300;
	[sflag:s11] =	ssyncadd.s32 @!p3 $0xFFFFC000;
	s11 =	simm.s32 @!p2 $0x80  }
0x90: {  	[tilespmem:s10], [sflag:$0x4] =	stream.indirect.gather @!p2 [hbm4b:s5+s11], $0x80, s9, s11, $0xb8;
	[tilespmem:$0x1C300] =	vst v63  }
0x91: {  	s13 =	sadd.s32 $0xFFFFFFFF, s13;
	s21 =	rddreg [dreg:$0x5]  }
0x92: {  	[spmem:s2] =	stream.indirect.scatter.add.f32 [tilespmem:s24], [sflag:$0x5], $0x80, s21, s8, $0xb8;
	[tilespmem:$0x1C300] =	vst v63  }
0x93: {  	p1 =	sne.s32 s22, s13;
	_ =	swait.ge [sflag:s30], $0x4000  }
.Ltmp1:
0x94: {  	[sflag:s30] =	ssyncset.done $0x0;
	(pc) =	sbr.rel @p1 .LBB2_2-.Ltmp1, $4  }
0x95: {  	[sflag:s30] =	ssyncadd.s32 $0xFFFFC000  }
0x96: {  	v2 =	vld [tilespmem:$0x180]  }
0x97: {  	v1 =	vld [tilespmem:$0x1F0]  }
0x98: {  	s17 =	smov.u32 s18;
	s23 =	smov.u32 s16;
	v0 =	vld [tilespmem:$0x1E0]  }
.LBB2_3:
0x99: {  	v3 =	vld [tilespmem:$0x190]  }
0x9a: {  	v4 =	vld [tilespmem:$0x1B0]  }
0x9b: {  	v62 =	vld [tilespmem:$0x1D0];
	[tilespmem:$0x280] =	vst v2  }
0x9c: {  	v5 =	vld [tilespmem:$0x1A0];
	[tilespmem:$0x2F0] =	vst v1  }
0x9d: {  	v63 =	vld [tilespmem:$0x1C0];
	[tilespmem:$0x2E0] =	vst v0  }
0x9e: {  	[tilespmem:$0x290] =	vst v3  }
0x9f: {  	s9 =	rddreg [dreg:$0x6];
	[tilespmem:$0x2B0] =	vst v4  }
0xa0: {  	p1 =	sge.u32 s17, s9;
	[tilespmem:$0x2D0] =	vst v62  }
0xa1: {  	s9 =	sshrl.u32 @!p1 s23, $0x3;
	[tilespmem:$0x2A0] =	vst v5  }
0xa2: {  	s10 =	simm.s32 @!p1 $0x0;
	s11 =	simm.s32 @!p1 $0x100;
	s9 =	sadd.s32 @!p1 s6, s9;
	[tilespmem:$0x2C0] =	vst v63  }
0xa3: {  	[tilespmem:s11], [sflag:$0x2] =	stream.linear.gather @!p1 [hbm4b:s9+s10], $0x100, $0x38;
	[tilespmem:$0x1C300] =	vst v63  }
0xa4: {  	s9 =	simm.s32 @!p0 $0x1  }
0xa5: {  	_ =	swait.ge @!p0 [sflag:s9], $0x100  }
0xa6: {  	[sflag:s9] =	ssyncset.done @!p0 $0x0  }
0xa7: {  	s10 =	simm.s32 @!p0 $0x5;
	[sflag:s9] =	ssyncadd.s32 @!p0 $0xFFFFFF00  }
0xa8: {  	_ =	swait.ge @!p0 [sflag:s10], $0x4000  }
0xa9: {  	[sflag:s10] =	ssyncset.done @!p0 $0x0  }
0xaa: {  	s9 =	simm.s32 @!p0 $0x80;
	[sflag:s10] =	ssyncadd.s32 @!p0 $0xFFFFC000;
	s10 =	simm.s32 @!p0 $0x300  }
0xab: {  	[tilespmem:s10], [sflag:$0x3] =	stream.indirect.gather @!p0 [hbm4b:s5+s9], $0x80, s15, s9, $0xb8;
	[tilespmem:$0x1C300] =	vst v63  }
0xac: {  	_ = 	snop  }
0xad: {  	[spmem:s2] =	stream.indirect.scatter.add.f32 [tilespmem:s0], [sflag:$0x6], $0x80, s31, s8, $0xb8;
	[tilespmem:$0x1C300] =	vst v63  }
0xae: {  	_ =	swait.ge [sflag:s4], $0x4000  }
0xaf: {  	[sflag:s4] =	ssyncset.done $0x0  }
0xb0: {  	[sflag:s4] =	ssyncadd.s32 $0xFFFFC000  }
0xb1: {  	_ =	swait.ge [sflag:s1], $0x4000  }
0xb2: {  	[sflag:s1] =	ssyncset.done $0x0  }
0xb3: {  	[sflag:s1] =	ssyncadd.s32 $0xFFFFC000  }
0xb4: {  	[bflag:$0x0] =	sbarrier.arrive $0xFFFF  }
0xb5: {  	[tilespmem:s24], [sflag:$0x3] =	stream.linear.gather [spmem:s12], $0x4000, $0x38;
	[tilespmem:$0x1C300] =	vst v63  }
0xb6: {  	_ =	swait.ge [sflag:s29], $0x4000  }
0xb7: {  	[sflag:s29] =	ssyncset.done $0x0  }
0xb8: {  	s13 =	rddreg [dreg:$0xc];
	[sflag:s29] =	ssyncadd.s32 $0xFFFFC000  }
0xb9: {  	[hbm4b:s13+s3] =	stream.linear.scatter [tilespmem:s24], [sflag:$0x5], $0x4000, $0x38;
	[tilespmem:$0x1C300] =	vst v63  }
0xba: {  	_ = 	snop  }
0xbb: {  	[tilespmem:s0], [sflag:$0x4] =	stream.linear.gather [spmem:s14], $0x4000, $0x38;
	[tilespmem:$0x1C300] =	vst v63  }
0xbc: {  	_ =	swait.ge [sflag:s30], $0x4000  }
0xbd: {  	[sflag:s30] =	ssyncset.done $0x0  }
0xbe: {  	s15 =	rddreg [dreg:$0xd];
	[sflag:s30] =	ssyncadd.s32 $0xFFFFC000  }
0xbf: {  	[hbm4b:s15+s3] =	stream.linear.scatter [tilespmem:s0], [sflag:$0x6], $0x4000, $0x38;
	[tilespmem:$0x1C300] =	vst v63  }
0xc0: {  	_ =	swait.ge [sflag:s4], $0x4000  }
0xc1: {  	[sflag:s4] =	ssyncset.done $0x0  }
0xc2: {  	s21 =	rddreg [dreg:$0x7];
	[sflag:s4] =	ssyncadd.s32 $0xFFFFC000  }
0xc3: {  	[tilespmem:s24], [sflag:$0x3] =	stream.linear.gather [spmem:s21], $0x4000, $0x38;
	[tilespmem:$0x1C300] =	vst v63  }
0xc4: {  	_ =	swait.ge [sflag:s29], $0x4000  }
0xc5: {  	[sflag:s29] =	ssyncset.done $0x0  }
0xc6: {  	s16 =	rddreg [dreg:$0xe];
	[sflag:s29] =	ssyncadd.s32 $0xFFFFC000  }
0xc7: {  	[hbm4b:s16+s3] =	stream.linear.scatter [tilespmem:s24], [sflag:$0x5], $0x4000, $0x38;
	[tilespmem:$0x1C300] =	vst v63  }
0xc8: {  	_ =	swait.ge [sflag:s1], $0x4000  }
0xc9: {  	[sflag:s1] =	ssyncset.done $0x0  }
0xca: {  	s23 =	rddreg [dreg:$0x8];
	[sflag:s1] =	ssyncadd.s32 $0xFFFFC000  }
0xcb: {  	[tilespmem:s0], [sflag:$0x4] =	stream.linear.gather [spmem:s23], $0x4000, $0x38;
	[tilespmem:$0x1C300] =	vst v63  }
0xcc: {  	_ =	swait.ge [sflag:s30], $0x4000  }
0xcd: {  	[sflag:s30] =	ssyncset.done $0x0  }
0xce: {  	s17 =	rddreg [dreg:$0xf];
	[sflag:s30] =	ssyncadd.s32 $0xFFFFC000  }
0xcf: {  	[hbm4b:s17+s3] =	stream.linear.scatter [tilespmem:s0], [sflag:$0x6], $0x4000, $0x38;
	[tilespmem:$0x1C300] =	vst v63  }
0xd0: {  	_ =	swait.ge [sflag:s4], $0x4000  }
0xd1: {  	[sflag:s4] =	ssyncset.done $0x0  }
0xd2: {  	s13 =	rddreg [dreg:$0xa];
	[sflag:s4] =	ssyncadd.s32 $0xFFFFC000  }
0xd3: {  	[tilespmem:s24], [sflag:$0x3] =	stream.linear.gather [spmem:s13], $0x4000, $0x38;
	[tilespmem:$0x1C300] =	vst v63  }
0xd4: {  	_ =	swait.ge [sflag:s29], $0x4000  }
0xd5: {  	[sflag:s29] =	ssyncset.done $0x0  }
0xd6: {  	s18 =	rddreg [dreg:$0x10];
	[sflag:s29] =	ssyncadd.s32 $0xFFFFC000  }
0xd7: {  	[hbm4b:s18+s3] =	stream.linear.scatter [tilespmem:s24], [sflag:$0x5], $0x4000, $0x38;
	[tilespmem:$0x1C300] =	vst v63  }
0xd8: {  	_ =	swait.ge [sflag:s4], $0x4000  }
0xd9: {  	[sflag:s4] =	ssyncset.done $0x0  }
0xda: {  	[sflag:s4] =	ssyncadd.s32 $0xFFFFC000  }
0xdb: {  	_ =	swait.ge [sflag:s1], $0x4000  }
0xdc: {  	s28 =	sadd.s32 $0x1, s28;
	s20 =	rddreg [dreg:$0x11]  }
0xdd: {  	p0 =	sne.s32 s28, s20  }
.Ltmp2:
0xde: {  	_ = 	snop;
	(pc) =	sbr.rel @p0 .LBB2_1-.Ltmp2, $3  }
0xdf: {  	_ =	sdelay $0x1  }
0xe0: {  	[sflag:s1] =	ssyncset.done $0x0  }
0xe1: {  	s11 =	smov.u32 s14;
	s10 =	smov.u32 s12;
	[sflag:s1] =	ssyncadd.s32 $0xFFFFC000  }
0xe2: {  	_ =	sfence.sel $0x180000  }
0xe3: {  	[bflag:$0x0] =	sbarrier.arrive $0xFFFF  }
0xe4: {  	_ =	strace $0x9000004A  }
0xe5: {  	s0 =	stileid.u32;
	[bflag:$0x2] =	sbarrier.arrive $0xFFFF  }
0xe6: {  	p0 =	sne.s32 s0, $0x0;
	s0 =	rddreg [dreg:$0x3]  }
0xe7: {  	s0 =	sadd.s32 @!p0 $0x100000, s0  }
0xe8: {  	[sflag:s0] =	ssyncadd.tile.s32 @!p0 $0x1;
	_ =	shalt  }
.Lfunc_end2:
_tile_overlayer_lowered:
.L_overlay_start_2:
0xe9: {  	(tag) =	ssettag $0x2  }
0xea: {  	s0 =	rddreg [dreg:$0x0];
	s2 =	stileid.u32  }
0xeb: {  	s1 =	rddreg [dreg:$0x1];
	p0 =	sne.s32 s2, $0x0  }
0xec: {  	s3 =	rddreg [dreg:$0x2];
	[bflag:$0x3] =	sbarrier.arrive $0xFFFF;
	s2 =	simm.s32 @!p0 $0x1C07  }
0xed: {  	[timem:s3], [sflag:s2] =	dma.local @!p0 [hbm:s0], s1  }
0xee: {  	s0 =	simm.s32 @!p0 $0x7  }
0xef: {  	_ =	swait.ge @!p0 [sflag:s0], s1  }
0xf0: {  	s1 =	ssub.s32 @!p0 $0x0, s1;
	[sflag:s0] =	ssyncset.done @!p0 $0x0  }
0xf1: {  	[sflag:s0] =	ssyncadd.s32 @!p0 s1  }
0xf2: {  	[bflag:$0x3] =	sbarrier.arrive $0xFFFF  }
0xf3: {  	_ =	shalt  }

// kernel: kernel.23.cloned.1.call-start
scs
__scs_entry_jumppad:
0x0: {  	(pc) =	sbr.rel $0x88, $3  }
0x1: {  	(tag) =	ssettag $0x0;
	lr =	simm.s32 $0x1  }
0x2: {  	[smem:$0x3F94] =	sst lr;
	_ =	strace $0xD0000000  }
0x3: {  	_ = 	snop  }
0x4: {  	_ = 	snop  }
0x5: {  	_ = 	snop  }
0x6: {  	_ = 	snop  }
0x7: {  	_ = 	snop  }
__scs_overlays_trampoline_lowered:
0x8: {  	[smem:$0x3FA3] =	sst s0  }
0x9: {  	[smem:$0x3FA4] =	sst s1  }
0xa: {  	[smem:$0x3FA5] =	sst s2  }
0xb: {  	[smem:$0x3FA6] =	sst s3  }
0xc: {  	[smem:$0x3FA7] =	sst s4  }
0xd: {  	[smem:$0x3FA8] =	sst s5  }
0xe: {  	[smem:$0x3FA9] =	sst s6  }
0xf: {  	[smem:$0x3FAA] =	sst s7  }
0x10: {  	[smem:$0x3FAB] =	sst s8  }
0x11: {  	[smem:$0x3FAC] =	sst s9;
	s0 =	simm.s32 @!p0 $0x0  }
0x12: {  	s1 =	sld [smem:$0x3F92];
	s0 =	simm.s32 @p0 $0x1  }
0x13: {  	[smem:$0x3FAD] =	sst s0;
	s0 =	simm.s32 @!p1 $0x0  }
0x14: {  	s2 =	sld [smem:$0x3F91];
	s0 =	simm.s32 @p1 $0x1  }
0x15: {  	[smem:$0x3FAE] =	sst s0;
	s0 =	simm.s32 @!p2 $0x0  }
0x16: {  	s3 =	sld [smem:$0x3FDB];
	s0 =	simm.s32 @p2 $0x1  }
0x17: {  	s4 =	simm.s32 $0x1BF5;
	[smem:$0x3FB0] =	sst s0  }
0x18: {  	s0 =	sld [smem:$0x3F93];
	_ =	swait.ge [sflag:s4], $0x0  }
0x19: {  	s7 =	sld [smem:$0x3F94]  }
0x1a: {  	s8 =	sadd.s32 $0xFFFFE003, lr  }
0x1b: {  	s9 =	sadd.s32 $0xFFFFFEF7, lr;
	s5 =	simm.s32 $0xFFFFFFFF;
	p2 =	slt.u32 s8, $0xFFFFF086  }
0x1c: {  	p1 =	slt.u32 s9, $0xF7A;
	s5 =	simm.s32 @!p2 $0x0  }
0x1d: {  	s5 =	simm.s32 @p1 $0x1;
	p0 =	seq.s32 s7, s2  }
0x1e: {  	s7 =	smul.u32 @!p0 $0xF7A, s2;
	p2 =	seq.s32 @!p0 s5, $0x0  }
0x1f: {  	s9 =	smul.u32 $0xF7A, s1;
	s8 =	simm.s32 @!p0 $0x1BF5;
	p2 =	por !p2, p0  }
0x20: {  	[sflag:s8] =	ssyncset.s32 @!p0 $0xFFFFF086;
	s6 =	sadd.s32 @!p0 s3, s7;
	s7 =	simm.s32 @!p0 $0x108  }
0x21: {  	s3 =	sadd.s32 s3, s9;
	s6 =	sadd.s32 @!p0 $0x88, s6;
	s7 =	simm.s32 @p2 $0x1082  }
0x22: {  	[simem:s7], [sflag:s8] =	dma.local @!p0 [hbm:s6], $0xF7A  }
0x23: {  	s9 =	sor.u32 $0xD0000000, s2;
	s6 =	simm.s32 $0x108;
	_ =	swait.ge @!p0 [sflag:s8], $0x0  }
0x24: {  	s3 =	sadd.s32 $0x88, s3;
	s6 =	simm.s32 @!p1 $0x1082;
	[sflag:s4] =	ssyncset.s32 $0xFFFFF086  }
0x25: {  	[simem:s6], [sflag:s4] =	dma.local [hbm:s3], $0xF7A  }
0x26: {  	[smem:$0x3F94] =	sst s1;
	(tag) =	ssettag s2;
	_ =	strace s9  }
0x27: {  	s1 =	sld [smem:$0x3FA4]  }
0x28: {  	s2 =	sld [smem:$0x3FA5]  }
0x29: {  	s4 =	sld [smem:$0x3FA7]  }
0x2a: {  	p0 =	seq.s32 s5, $0x0;
	s5 =	sld [smem:$0x3FA8]  }
0x2b: {  	s6 =	sld [smem:$0x3FA9]  }
0x2c: {  	s7 =	sld [smem:$0x3FAA]  }
0x2d: {  	s3 =	simm.s32 $0x108;
	s8 =	sld [smem:$0x3FAB]  }
0x2e: {  	s3 =	simm.s32 @!p0 $0x1082;
	s9 =	sld [smem:$0x3FAC]  }
0x2f: {  	lr =	sadd.s32 s0, s3;
	s0 =	sld [smem:$0x3FA3]  }
0x30: {  	s3 =	sld [smem:$0x3FA6]  }
0x31: {  	[smem:$0x3FAF] =	sst s10  }
0x32: {  	s10 =	sld [smem:$0x3FAD];
	_ =	sdelay $0x3  }
0x33: {  	p0 =	seq.s32 s10, $0x1;
	s10 =	sld [smem:$0x3FAF];
	_ =	sdelay $0x3  }
0x34: {  	[smem:$0x3FAF] =	sst s10  }
0x35: {  	s10 =	sld [smem:$0x3FAE];
	_ =	sdelay $0x3  }
0x36: {  	p1 =	seq.s32 s10, $0x1;
	s10 =	sld [smem:$0x3FAF];
	_ =	sdelay $0x3  }
0x37: {  	[smem:$0x3FAF] =	sst s10  }
0x38: {  	s10 =	sld [smem:$0x3FB0]  }
0x39: {  	_ = 	snop;
	(pc) =	sbr.ind lr, $3  }
0x3a: {  	_ = 	snop  }
0x3b: {  	_ = 	snop  }
0x3c: {  	p2 =	seq.s32 s10, $0x1;
	s10 =	sld [smem:$0x3FAF]  }
0x3d: {  	_ =	shalt  }
0x3e: {  	_ =	shalt  }
0x3f: {  	_ =	shalt  }
0x40: {  	_ =	shalt  }
0x41: {  	_ =	shalt  }
0x42: {  	_ =	shalt  }
0x43: {  	_ =	shalt  }
0x44: {  	_ =	shalt  }
0x45: {  	_ =	shalt  }
0x46: {  	_ =	shalt  }
0x47: {  	_ =	shalt  }
0x48: {  	_ =	shalt  }
0x49: {  	_ =	shalt  }
0x4a: {  	_ =	shalt  }
0x4b: {  	_ =	shalt  }
0x4c: {  	_ =	shalt  }
0x4d: {  	_ =	shalt  }
0x4e: {  	_ =	shalt  }
0x4f: {  	_ =	shalt  }
0x50: {  	_ =	shalt  }
0x51: {  	_ =	shalt  }
0x52: {  	_ =	shalt  }
0x53: {  	_ =	shalt  }
0x54: {  	_ =	shalt  }
0x55: {  	_ =	shalt  }
0x56: {  	_ =	shalt  }
0x57: {  	_ =	shalt  }
0x58: {  	_ =	shalt  }
0x59: {  	_ =	shalt  }
0x5a: {  	_ =	shalt  }
0x5b: {  	_ =	shalt  }
0x5c: {  	_ =	shalt  }
0x5d: {  	_ =	shalt  }
0x5e: {  	_ =	shalt  }
0x5f: {  	_ =	shalt  }
0x60: {  	_ =	shalt  }
0x61: {  	_ =	shalt  }
0x62: {  	_ =	shalt  }
0x63: {  	_ =	shalt  }
0x64: {  	_ =	shalt  }
0x65: {  	_ =	shalt  }
0x66: {  	_ =	shalt  }
0x67: {  	_ =	shalt  }
0x68: {  	_ =	shalt  }
0x69: {  	_ =	shalt  }
0x6a: {  	_ =	shalt  }
0x6b: {  	_ =	shalt  }
0x6c: {  	_ =	shalt  }
0x6d: {  	_ =	shalt  }
0x6e: {  	_ =	shalt  }
0x6f: {  	_ =	shalt  }
0x70: {  	_ =	shalt  }
0x71: {  	_ =	shalt  }
0x72: {  	_ =	shalt  }
0x73: {  	_ =	shalt  }
0x74: {  	_ =	shalt  }
0x75: {  	_ =	shalt  }
0x76: {  	_ =	shalt  }
0x77: {  	_ =	shalt  }
0x78: {  	_ =	shalt  }
0x79: {  	_ =	shalt  }
0x7a: {  	_ =	shalt  }
0x7b: {  	_ =	shalt  }
0x7c: {  	_ =	shalt  }
0x7d: {  	_ =	shalt  }
0x7e: {  	_ =	shalt  }
0x7f: {  	_ =	shalt  }
0x80: {  	_ =	shalt  }
0x81: {  	_ =	shalt  }
0x82: {  	_ =	shalt  }
0x83: {  	_ =	shalt  }
0x84: {  	_ =	shalt  }
0x85: {  	_ =	shalt  }
0x86: {  	_ =	shalt  }
0x87: {  	_ =	shalt  }
.Lfunc_end0:
.L_simem_size_0:
called_computation.2_lowered:
.L_overlay_start_0:
0x88: {  	s2 =	sld [smem:$0x3FD9]  }
0x89: {  	s3 =	sld [smem:$0x3FFE];
	_ =	sdelay $0x1  }
0x8a: {  	s1 =	srdreg.scid  }
0x8b: {  	s0 =	sand.u32 $0x1, s1  }
0x8c: {  	s17 =	sshll.u32 s0, $0xA;
	s2 =	sadd.s32 s3, s2  }
0x8d: {  	s2 =	sadd.s32 s2, s17  }
0x8e: {  	[smem:$0x3FBB] =	sst s2  }
0x8f: {  	_ = 	snop  }
0x90: {  	s2 =	sld [smem:$0x3FD0];
	(tm) =	ssettm $0x1  }
0x91: {  	s18 =	sld [smem:$0x3FFB];
	_ =	sdelay $0x3  }
0x92: {  	_ =	strace s18  }
0x93: {  	s3 =	sld [smem:$0x3FFC];
	_ =	sdelay $0x3  }
0x94: {  	_ =	strace s3  }
0x95: {  	s3 =	sld [smem:$0x3FFD];
	_ =	sdelay $0x3  }
0x96: {  	_ =	strace s3  }
0x97: {  	_ =	strace $0x8FFFFFFF  }
0x98: {  	s19 =	sld [smem:$0x3FDB];
	_ =	sdelay $0x1  }
0x99: {  	s4 =	simm.s32 $_scs_section_size  }
0x9a: {  	s5 =	simm.s32 $_size__tile_overlayer_lowered;
	s6 =	simm.s32 $_tile_overlayer_lowered  }
0x9b: {  	s22 =	simm.s32 $0x1BFF;
	s21 =	sshll.u32 s6, $0x1;
	s3 =	sadd.s32 s4, s19  }
0x9c: {  	s7 =	simm.s32 $0x0;
	s20 =	sshll.u32 s5, $0x1;
	s5 =	sadd.s32 s21, s3  }
0x9d: {  	[timem:s7], [sflag:s22] =	dma.local [hbm:s5], s20  }
0x9e: {  	_ =	swait.ge [sflag:s22], s20  }
0x9f: {  	s4 =	ssub.s32 $0x0, s20;
	[sflag:s22] =	ssyncset.done $0x0  }
0xa0: {  	[sflag:s22] =	ssyncadd.s32 s4;
	_ =	sdelay $0x1  }
0xa1: {  	s23 =	simm.s32 $0x1B8B  }
0xa2: {  	_ =	swait.ge [sflag:s23], $0x1  }
0xa3: {  	[sflag:s23] =	ssyncset.done $0x0  }
0xa4: {  	s25 =	simm.s32 $0x1B8E;
	s24 =	sld [smem:$0x3FFE];
	[sflag:s23] =	ssyncadd.s32 $0xFFFFFFFF  }
0xa5: {  	s26 =	simm.s32 $execute0_lowered;
	[smem:$0x3FD2] =	sst s25  }
0xa6: {  	s5 =	sshll.u32 s26, $0x1;
	_ =	strace $0x8000004C;
	[dreg:$0x1] =	wrdreg $0xFFFFFFFF  }
0xa7: {  	s28 =	simm.s32 $_size_execute0_lowered;
	s3 =	sadd.s32 s3, s5;
	[dreg:$0x0] =	wrdreg $0x0  }
0xa8: {  	s5 =	sshll.u32 s28, $0x1;
	[dreg:$0x2] =	wrdreg s3  }
0xa9: {  	[dreg:$0x3] =	wrdreg s5  }
0xaa: {  	[dreg:$0x4] =	wrdreg $0xC0  }
0xab: {  	_ =	task [dreg:s7], $0x5FFFF  }
0xac: {  	[dreg:$0x1] =	wrdreg $0xFFFFFFFF  }
0xad: {  	[dreg:$0x0] =	wrdreg $0x60  }
0xae: {  	[dreg:$0x2] =	wrdreg s24  }
0xaf: {  	[dreg:$0x3] =	wrdreg s2  }
0xb0: {  	[dreg:$0x4] =	wrdreg $0x83000  }
0xb1: {  	[dreg:$0x5] =	wrdreg $0x9  }
0xb2: {  	_ =	task.clear_ibuf [dreg:s7], $0x6FFFF;
	_ =	strace $0x9000004C  }
0xb3: {  	s29 =	simm.s32 $0x9;
	_ =	strace $0x8000004E  }
0xb4: {  	_ =	swait.ge [sflag:s29], $0x1  }
0xb5: {  	[sflag:s29] =	ssyncadd.s32 $0xFFFFFFFF  }
0xb6: {  	_ =	strace $0x9000004E  }
0xb7: {  	_ =	sfence  }
0xb8: {  	s30 =	sld [smem:$0x0];
	_ =	sdelay $0x2  }
0xb9: {  	s31 =	sshll.u32 s1, $0xD;
	s1 =	sshrl.u32 s1, $0x2  }
0xba: {  	s3 =	sand.u32 $0x4000, s31;
	s1 =	sadd.s32 s1, s30  }
0xbb: {  	s0 =	sor.u32 s3, s0;
	s1 =	sshll.u32 s1, $0x11  }
0xbc: {  	s0 =	sor.u32 s1, s0  }
0xbd: {  	s0 =	sadd.s32 $0x8F2B, s0  }
0xbe: {  	[sflag:s0] =	ssyncadd.remote.s32 $0x1  }
0xbf: {  	_ =	sfence.sel $0xFFFF  }
0xc0: {  	[dreg:$0x0] =	wrdreg $0xFFFFFFFF;
	(pc) =	sbr.abs _section_cstart, $3  }
0xc1: {  	[dreg:$0x1] =	wrdreg $0xFFFFFFFF  }
0xc2: {  	_ =	task.clear_ibuf [dreg:s7], $0x2FFFF;
	_ =	strace $0x9FFFFFFF  }
0xc3: {  	(tm) =	ssettm $0x7FFFFFFF  }
tec
execute0_lowered:
.L_overlay_start_1:
0x0: {  	(tag) =	ssettag $0x1  }
0x1: {  	s0 =	rddreg [dreg:$0x0]  }
0x2: {  	s2 =	rddreg [dreg:$0x2]  }
0x3: {  	s3 =	simm.s32 $0x0;
	s1 =	srdreg.scid;
	s11 =	stileid.u32  }
0x4: {  	s29 =	simm.s32 $0x3;
	s30 =	simm.s32 $0x4;
	s31 =	simm.s32 $0x280  }
0x5: {  	s28 =	simm.s32 $0x0;
	[smem:$0x7FF] =	sst s3;
	s1 =	sand.u32 $0x1, s1  }
0x6: {  	s5 =	sadd.s32 $0x25600, s0;
	s6 =	sadd.s32 $0x11A00, s0;
	s8 =	smul.u32 $0x1E, s11  }
0x7: {  	s0 =	sadd.s32 $0x4C800, s0;
	s9 =	smul.u32 $0x50000, s11;
	s10 =	sshll.u32 s11, $0x7  }
0x8: {  	s15 =	smul.u32 $0x14000, s11;
	_ =	strace $0x8000004D;
	s4 =	ssub.s32 $0x2, s1  }
0x9: {  	p0 =	seq.s32 s1, $0x0;
	s1 =	smul.u32 $0x140000, s1;
	s7 =	sshrl.u32 s4, $0x1  }
0xa: {  	s13 =	sor.u32 $0x800, s8;
	s8 =	simm.s32 $0x80;
	s9 =	sshrl.u32 s9, $0x2  }
0xb: {  	s16 =	sadd.s32 $0x4000, s15;
	s17 =	sadd.s32 $0x8000, s15;
	s18 =	sadd.s32 $0xC000, s15  }
0xc: {  	s19 =	sadd.s32 $0x10000, s15;
	s4 =	ssub.s32 s4, s7;
	s7 =	simm.s32 $0x80  }
0xd: {  	s13 =	smov.u32 @p0 s10;
	s10 =	sadd.s32 s9, s2;
	s11 =	sadd.s32 s16, s2  }
0xe: {  	s21 =	sadd.s32 s17, s2;
	s23 =	sadd.s32 s18, s2;
	s12 =	sadd.s32 s19, s2  }
0xf: {  	s15 =	sadd.s32 s15, s1;
	s16 =	sadd.s32 s1, s16;
	s25 =	sadd.s32 s1, s17  }
0x10: {  	s7 =	simm.s32 @!p0 $0x1E;
	s14 =	sshll.u32 s13, $0x5;
	[dreg:$0x7] =	wrdreg s21  }
0x11: {  	s15 =	sshrl.u32 s15, $0x3;
	s24 =	sshrl.u32 s16, $0x3;
	[dreg:$0x8] =	wrdreg s23  }
0x12: {  	s20 =	sadd.s32 s6, s14;
	s22 =	sadd.s32 s0, s15;
	s26 =	sadd.s32 s0, s24  }
0x13: {  	s14 =	sadd.s32 s1, s18;
	s1 =	sadd.s32 s1, s19;
	[dreg:$0x9] =	wrdreg s20  }
0x14: {  	s19 =	sadd.s32 $0xFFFFFFFE, s7;
	s24 =	smax.u32 s4, $0x1;
	[dreg:$0xc] =	wrdreg s22  }
0x15: {  	s4 =	simm.s32 $0x5;
	s9 =	sadd.s32 $0x20, s20;
	[dreg:$0xd] =	wrdreg s26  }
0x16: {  	s20 =	sshrl.u32 s7, $0x1;
	s17 =	sshrl.u32 s14, $0x3;
	[dreg:$0x4] =	wrdreg s19  }
0x17: {  	s1 =	sshrl.u32 s1, $0x3;
	s22 =	sadd.s32 $0xFFFFFFFD, s7;
	[dreg:$0x11] =	wrdreg s24  }
0x18: {  	s26 =	simm.s32 $0x200;
	s24 =	simm.s32 $0x300;
	[dreg:$0xb] =	wrdreg s9  }
0x19: {  	s9 =	sshrl.u32 s25, $0x3;
	s18 =	sadd.s32 s0, s17;
	[dreg:$0x6] =	wrdreg s22  }
0x1a: {  	s25 =	sshll.u32 s13, $0x8;
	s13 =	smov.u32 s12;
	[dreg:$0x5] =	wrdreg s26  }
0x1b: {  	s22 =	ssub.s32 $0x0, s20;
	s26 =	simm.s32 $0x1;
	[dreg:$0xf] =	wrdreg s18  }
0x1c: {  	s15 =	sadd.s32 s0, s9;
	s0 =	sadd.s32 s0, s1;
	[dreg:$0xa] =	wrdreg s13  }
0x1d: {  	s19 =	sadd.s32 $0x300, s25;
	s25 =	simm.s32 $0x7;
	[dreg:$0xe] =	wrdreg s15  }
0x1e: {  	s1 =	simm.s32 $0x6;
	[dreg:$0x10] =	wrdreg s0;
	s0 =	simm.s32 $0x4300  }
.LBB2_1:
0x1f: {  	s9 =	rddreg [dreg:$0x1]  }
0x20: {  	[tilespmem:s24], [sflag:$0x7] =	stream.linear.gather [hbm4b:s9+s3], $0x4000, $0x38;
	[tilespmem:$0x1C300] =	vst v63  }
0x21: {  	_ =	swait.ge [sflag:s25], $0x4000  }
0x22: {  	[sflag:s25] =	ssyncset.done $0x0  }
0x23: {  	[sflag:s25] =	ssyncadd.s32 $0xFFFFC000  }
0x24: {  	[spmem:s10] =	stream.linear.scatter [tilespmem:s24], [sflag:$0x1], $0x4000, $0x38;
	[tilespmem:$0x1C300] =	vst v63  }
0x25: {  	_ = 	snop  }
0x26: {  	[spmem:s11] =	stream.linear.scatter [tilespmem:s24], [sflag:$0x1], $0x4000, $0x38;
	[tilespmem:$0x1C300] =	vst v63  }
0x27: {  	_ = 	snop  }
0x28: {  	[spmem:s21] =	stream.linear.scatter [tilespmem:s24], [sflag:$0x1], $0x4000, $0x38;
	[tilespmem:$0x1C300] =	vst v63  }
0x29: {  	_ = 	snop  }
0x2a: {  	[spmem:s23] =	stream.linear.scatter [tilespmem:s24], [sflag:$0x1], $0x4000, $0x38;
	[tilespmem:$0x1C300] =	vst v63  }
0x2b: {  	_ = 	snop  }
0x2c: {  	[spmem:s13] =	stream.linear.scatter [tilespmem:s24], [sflag:$0x1], $0x4000, $0x38;
	[tilespmem:$0x1C300] =	vst v63  }
0x2d: {  	_ =	swait.ge [sflag:s26], $0x4000  }
0x2e: {  	[sflag:s26] =	ssyncset.done $0x0  }
0x2f: {  	[sflag:s26] =	ssyncadd.s32 $0xFFFFC000  }
0x30: {  	_ =	swait.ge [sflag:s26], $0x4000  }
0x31: {  	[sflag:s26] =	ssyncset.done $0x0  }
0x32: {  	[sflag:s26] =	ssyncadd.s32 $0xFFFFC000  }
0x33: {  	_ =	swait.ge [sflag:s26], $0x4000  }
0x34: {  	[sflag:s26] =	ssyncset.done $0x0  }
0x35: {  	[sflag:s26] =	ssyncadd.s32 $0xFFFFC000  }
0x36: {  	_ =	swait.ge [sflag:s26], $0x4000  }
0x37: {  	[sflag:s26] =	ssyncset.done $0x0  }
0x38: {  	[sflag:s26] =	ssyncadd.s32 $0xFFFFC000  }
0x39: {  	_ =	swait.ge [sflag:s26], $0x4000  }
0x3a: {  	[sflag:s26] =	ssyncset.done $0x0  }
0x3b: {  	[sflag:s26] =	ssyncadd.s32 $0xFFFFC000  }
0x3c: {  	[bflag:$0x0] =	sbarrier.arrive $0xFFFF  }
0x3d: {  	s18 =	rddreg [dreg:$0x9]  }
0x3e: {  	[tilespmem:s3], [sflag:$0x7] =	stream.linear.gather [hbm4b:s18+s3], $0x100, $0x38;
	[tilespmem:$0x1C300] =	vst v63  }
0x3f: {  	_ =	swait.ge [sflag:s25], $0x100  }
0x40: {  	[sflag:s25] =	ssyncset.done $0x0  }
0x41: {  	s21 =	simm.s32 $0x100;
	s20 =	rddreg [dreg:$0xb];
	[sflag:s25] =	ssyncadd.s32 $0xFFFFFF00  }
0x42: {  	[tilespmem:s21], [sflag:$0x2] =	stream.linear.gather [hbm4b:s20+s3], $0x100, $0x38;
	[tilespmem:$0x1C300] =	vst v63  }
0x43: {  	_ = 	snop  }
0x44: {  	[tilespmem:s24], [sflag:$0x3] =	stream.indirect.gather [hbm4b:s5+s8], $0x80, s3, s8, $0xb8;
	[tilespmem:$0x1C300] =	vst v63  }
0x45: {  	_ =	swait.ge [sflag:s29], $0x4000  }
0x46: {  	[sflag:s29] =	ssyncset.done $0x0  }
0x47: {  	[sflag:s29] =	ssyncadd.s32 $0xFFFFC000  }
0x48: {  	v0 =	vld [tilespmem:$0xC0]  }
0x49: {  	v1 =	vld [tilespmem:$0x80]  }
0x4a: {  	v2 =	vld [tilespmem:$0xA0]  }
0x4b: {  	v3 =	vld [tilespmem:$0x90]  }
0x4c: {  	v4 =	vld [tilespmem:$0xB0]  }
0x4d: {  	[tilespmem:$0x240] =	vst v0;
	v0 =	vld [tilespmem:$0xD0]  }
0x4e: {  	[tilespmem:$0x200] =	vst v1;
	v1 =	vld [tilespmem:$0xE0]  }
0x4f: {  	[tilespmem:$0x220] =	vst v2;
	v2 =	vld [tilespmem:$0xF0]  }
0x50: {  	s23 =	rddreg [dreg:$0x4];
	[tilespmem:$0x210] =	vst v3  }
0x51: {  	p0 =	sle.u32 s23, $0x0;
	[tilespmem:$0x230] =	vst v4  }
0x52: {  	s13 =	sadd.s32 @!p0 $0xFFFFFF00, s19;
	[tilespmem:$0x250] =	vst v0  }
0x53: {  	p1 =	sle.u32 s7, $0x1;
	s13 =	sshrl.u32 @!p0 s13, $0x3;
	[tilespmem:$0x260] =	vst v1  }
0x54: {  	s16 =	simm.s32 @!p1 $0x2;
	s15 =	simm.s32 @!p0 $0x0;
	s13 =	sadd.s32 @!p0 s6, s13;
	[tilespmem:$0x270] =	vst v2  }
0x55: {  	[tilespmem:s15], [sflag:$0x1] =	stream.linear.gather @!p0 [hbm4b:s13+s15], $0x100, $0x38;
	[tilespmem:$0x1C300] =	vst v63  }
0x56: {  	p2 =	por @!p1 $0x1, $0x1;
	_ =	swait.ge @!p1 [sflag:s16], $0x100  }
0x57: {  	p2 =	por p2, p1;
	[sflag:s16] =	ssyncset.done @!p1 $0x0  }
0x58: {  	s13 =	simm.s32 @!p2 $0x6;
	[sflag:s16] =	ssyncadd.s32 @!p1 $0xFFFFFF00  }
0x59: {  	_ =	swait.ge @!p2 [sflag:s13], $0x4000  }
0x5a: {  	s17 =	simm.s32 @!p1 $0x4300;
	[sflag:s13] =	ssyncset.done @!p2 $0x0  }
0x5b: {  	s16 =	simm.s32 @!p1 $0x100;
	[sflag:s13] =	ssyncadd.s32 @!p2 $0xFFFFC000;
	s13 =	simm.s32 @!p1 $0x80  }
0x5c: {  	[tilespmem:s17], [sflag:$0x4] =	stream.indirect.gather @!p1 [hbm4b:s5+s13], $0x80, s16, s13, $0xb8;
	[tilespmem:$0x1C300] =	vst v63  }
0x5d: {  	s18 =	rddreg [dreg:$0x5]  }
0x5e: {  	[spmem:s2] =	stream.indirect.scatter.add.f32 [tilespmem:s24], [sflag:$0x5], $0x80, s18, s8, $0xb8;
	[tilespmem:$0x1C300] =	vst v63  }
0x5f: {  	p1 =	sne.s32 s22, $0xFFFFFFFF;
	_ =	swait.ge [sflag:s30], $0x4000  }
.Ltmp0:
0x60: {  	[sflag:s30] =	ssyncset.done $0x0;
	(pc) =	sbr.rel @!p1 .LBB2_3-.Ltmp0, $4  }
0x61: {  	[sflag:s30] =	ssyncadd.s32 $0xFFFFC000  }
0x62: {  	s12 =	smov.u32 s10;
	v2 =	vld [tilespmem:$0x180]  }
0x63: {  	s14 =	smov.u32 s11;
	s23 =	smov.u32 s19;
	s13 =	simm.s32 $0xFFFFFFFF;
	v1 =	vld [tilespmem:$0x1F0]  }
0x64: {  	s16 =	smov.u32 s19;
	s17 =	simm.s32 $0x0;
	s18 =	simm.s32 $0x0;
	v0 =	vld [tilespmem:$0x1E0]  }
.LBB2_2:
0x65: {  	v3 =	vld [tilespmem:$0x190]  }
0x66: {  	v4 =	vld [tilespmem:$0x1B0]  }
0x67: {  	v5 =	vld [tilespmem:$0x1A0];
	[tilespmem:$0x280] =	vst v2  }
0x68: {  	v2 =	vld [tilespmem:$0x1D0];
	[tilespmem:$0x2F0] =	vst v1  }
0x69: {  	v1 =	vld [tilespmem:$0x1C0];
	[tilespmem:$0x2E0] =	vst v0  }
0x6a: {  	[tilespmem:$0x290] =	vst v3  }
0x6b: {  	s21 =	rddreg [dreg:$0x6];
	[tilespmem:$0x2B0] =	vst v4  }
0x6c: {  	p2 =	sge.u32 s17, s21;
	[tilespmem:$0x2A0] =	vst v5  }
0x6d: {  	s11 =	simm.s32 @!p0 $0x1;
	s21 =	sshrl.u32 @!p2 s23, $0x3;
	[tilespmem:$0x2D0] =	vst v2  }
0x6e: {  	s9 =	simm.s32 @!p2 $0x0;
	s10 =	simm.s32 @!p2 $0x100;
	s21 =	sadd.s32 @!p2 s6, s21;
	[tilespmem:$0x2C0] =	vst v1  }
0x6f: {  	[tilespmem:s10], [sflag:$0x2] =	stream.linear.gather @!p2 [hbm4b:s21+s9], $0x100, $0x38;
	[tilespmem:$0x1C300] =	vst v63  }
0x70: {  	_ =	swait.ge @!p0 [sflag:s11], $0x100  }
0x71: {  	[sflag:s11] =	ssyncset.done @!p0 $0x0  }
0x72: {  	s9 =	simm.s32 @!p0 $0x5;
	[sflag:s11] =	ssyncadd.s32 @!p0 $0xFFFFFF00  }
0x73: {  	_ =	swait.ge @!p0 [sflag:s9], $0x4000  }
0x74: {  	[sflag:s9] =	ssyncset.done @!p0 $0x0  }
0x75: {  	s10 =	simm.s32 @!p0 $0x80;
	s11 =	simm.s32 @!p0 $0x300;
	[sflag:s9] =	ssyncadd.s32 @!p0 $0xFFFFC000  }
0x76: {  	[tilespmem:s11], [sflag:$0x3] =	stream.indirect.gather @!p0 [hbm4b:s5+s10], $0x80, s15, s10, $0xb8;
	[tilespmem:$0x1C300] =	vst v63  }
0x77: {  	_ = 	snop  }
0x78: {  	[spmem:s2] =	stream.indirect.scatter.add.f32 [tilespmem:s0], [sflag:$0x6], $0x80, s31, s8, $0xb8;
	[tilespmem:$0x1C300] =	vst v63  }
0x79: {  	_ =	swait.ge [sflag:s29], $0x4000  }
0x7a: {  	[sflag:s29] =	ssyncset.done $0x0  }
0x7b: {  	[sflag:s29] =	ssyncadd.s32 $0xFFFFC000  }
0x7c: {  	v0 =	vld [tilespmem:$0xC0]  }
0x7d: {  	v1 =	vld [tilespmem:$0x80]  }
0x7e: {  	v2 =	vld [tilespmem:$0xA0]  }
0x7f: {  	v3 =	vld [tilespmem:$0x90]  }
0x80: {  	v63 =	vld [tilespmem:$0xB0]  }
0x81: {  	[tilespmem:$0x240] =	vst v0;
	v0 =	vld [tilespmem:$0xD0]  }
0x82: {  	[tilespmem:$0x200] =	vst v1;
	v1 =	vld [tilespmem:$0xE0]  }
0x83: {  	[tilespmem:$0x220] =	vst v2;
	v2 =	vld [tilespmem:$0xF0]  }
0x84: {  	s18 =	sadd.s32 $0x2, s18;
	s10 =	rddreg [dreg:$0x4];
	[tilespmem:$0x210] =	vst v3  }
0x85: {  	s16 =	sadd.s32 $0x200, s16;
	p0 =	sge.u32 s18, s10;
	[tilespmem:$0x230] =	vst v63  }
0x86: {  	s11 =	sadd.s32 $0x1, s18;
	s10 =	sadd.s32 @!p0 $0xFFFFFF00, s16;
	[tilespmem:$0x250] =	vst v0  }
0x87: {  	s20 =	smov.u32 s13;
	p2 =	sge.u32 s11, s7;
	s9 =	sshrl.u32 @!p0 s10, $0x3;
	[tilespmem:$0x260] =	vst v1  }
0x88: {  	s15 =	simm.s32 @!p0 $0x0;
	s10 =	simm.s32 @!p2 $0x2;
	s9 =	sadd.s32 @!p0 s6, s9;
	[tilespmem:$0x270] =	vst v2  }
0x89: {  	[tilespmem:s15], [sflag:$0x1] =	stream.linear.gather @!p0 [hbm4b:s9+s15], $0x100, $0x38;
	[tilespmem:$0x1C300] =	vst v63  }
0x8a: {  	p3 =	seq.s32 @!p2 s20, $0x0;
	_ =	swait.ge @!p2 [sflag:s10], $0x100  }
0x8b: {  	p3 =	por p3, p2;
	[sflag:s10] =	ssyncset.done @!p2 $0x0  }
0x8c: {  	s11 =	simm.s32 @!p3 $0x6;
	[sflag:s10] =	ssyncadd.s32 @!p2 $0xFFFFFF00  }
0x8d: {  	_ =	swait.ge @!p3 [sflag:s11], $0x4000  }
0x8e: {  	s9 =	simm.s32 @!p2 $0x100;
	[sflag:s11] =	ssyncset.done @!p3 $0x0  }
0x8f: {  	s10 =	simm.s32 @!p2 $0x4300;
	[sflag:s11] =	ssyncadd.s32 @!p3 $0xFFFFC000;
	s11 =	simm.s32 @!p2 $0x80  }
0x90: {  	[tilespmem:s10], [sflag:$0x4] =	stream.indirect.gather @!p2 [hbm4b:s5+s11], $0x80, s9, s11, $0xb8;
	[tilespmem:$0x1C300] =	vst v63  }
0x91: {  	s13 =	sadd.s32 $0xFFFFFFFF, s13;
	s21 =	rddreg [dreg:$0x5]  }
0x92: {  	[spmem:s2] =	stream.indirect.scatter.add.f32 [tilespmem:s24], [sflag:$0x5], $0x80, s21, s8, $0xb8;
	[tilespmem:$0x1C300] =	vst v63  }
0x93: {  	p1 =	sne.s32 s22, s13;
	_ =	swait.ge [sflag:s30], $0x4000  }
.Ltmp1:
0x94: {  	[sflag:s30] =	ssyncset.done $0x0;
	(pc) =	sbr.rel @p1 .LBB2_2-.Ltmp1, $4  }
0x95: {  	[sflag:s30] =	ssyncadd.s32 $0xFFFFC000  }
0x96: {  	v2 =	vld [tilespmem:$0x180]  }
0x97: {  	v1 =	vld [tilespmem:$0x1F0]  }
0x98: {  	s17 =	smov.u32 s18;
	s23 =	smov.u32 s16;
	v0 =	vld [tilespmem:$0x1E0]  }
.LBB2_3:
0x99: {  	v3 =	vld [tilespmem:$0x190]  }
0x9a: {  	v4 =	vld [tilespmem:$0x1B0]  }
0x9b: {  	v62 =	vld [tilespmem:$0x1D0];
	[tilespmem:$0x280] =	vst v2  }
0x9c: {  	v5 =	vld [tilespmem:$0x1A0];
	[tilespmem:$0x2F0] =	vst v1  }
0x9d: {  	v63 =	vld [tilespmem:$0x1C0];
	[tilespmem:$0x2E0] =	vst v0  }
0x9e: {  	[tilespmem:$0x290] =	vst v3  }
0x9f: {  	s9 =	rddreg [dreg:$0x6];
	[tilespmem:$0x2B0] =	vst v4  }
0xa0: {  	p1 =	sge.u32 s17, s9;
	[tilespmem:$0x2D0] =	vst v62  }
0xa1: {  	s9 =	sshrl.u32 @!p1 s23, $0x3;
	[tilespmem:$0x2A0] =	vst v5  }
0xa2: {  	s10 =	simm.s32 @!p1 $0x0;
	s11 =	simm.s32 @!p1 $0x100;
	s9 =	sadd.s32 @!p1 s6, s9;
	[tilespmem:$0x2C0] =	vst v63  }
0xa3: {  	[tilespmem:s11], [sflag:$0x2] =	stream.linear.gather @!p1 [hbm4b:s9+s10], $0x100, $0x38;
	[tilespmem:$0x1C300] =	vst v63  }
0xa4: {  	s9 =	simm.s32 @!p0 $0x1  }
0xa5: {  	_ =	swait.ge @!p0 [sflag:s9], $0x100  }
0xa6: {  	[sflag:s9] =	ssyncset.done @!p0 $0x0  }
0xa7: {  	s10 =	simm.s32 @!p0 $0x5;
	[sflag:s9] =	ssyncadd.s32 @!p0 $0xFFFFFF00  }
0xa8: {  	_ =	swait.ge @!p0 [sflag:s10], $0x4000  }
0xa9: {  	[sflag:s10] =	ssyncset.done @!p0 $0x0  }
0xaa: {  	s9 =	simm.s32 @!p0 $0x80;
	[sflag:s10] =	ssyncadd.s32 @!p0 $0xFFFFC000;
	s10 =	simm.s32 @!p0 $0x300  }
0xab: {  	[tilespmem:s10], [sflag:$0x3] =	stream.indirect.gather @!p0 [hbm4b:s5+s9], $0x80, s15, s9, $0xb8;
	[tilespmem:$0x1C300] =	vst v63  }
0xac: {  	_ = 	snop  }
0xad: {  	[spmem:s2] =	stream.indirect.scatter.add.f32 [tilespmem:s0], [sflag:$0x6], $0x80, s31, s8, $0xb8;
	[tilespmem:$0x1C300] =	vst v63  }
0xae: {  	_ =	swait.ge [sflag:s4], $0x4000  }
0xaf: {  	[sflag:s4] =	ssyncset.done $0x0  }
0xb0: {  	[sflag:s4] =	ssyncadd.s32 $0xFFFFC000  }
0xb1: {  	_ =	swait.ge [sflag:s1], $0x4000  }
0xb2: {  	[sflag:s1] =	ssyncset.done $0x0  }
0xb3: {  	[sflag:s1] =	ssyncadd.s32 $0xFFFFC000  }
0xb4: {  	[bflag:$0x0] =	sbarrier.arrive $0xFFFF  }
0xb5: {  	[tilespmem:s24], [sflag:$0x3] =	stream.linear.gather [spmem:s12], $0x4000, $0x38;
	[tilespmem:$0x1C300] =	vst v63  }
0xb6: {  	_ =	swait.ge [sflag:s29], $0x4000  }
0xb7: {  	[sflag:s29] =	ssyncset.done $0x0  }
0xb8: {  	s13 =	rddreg [dreg:$0xc];
	[sflag:s29] =	ssyncadd.s32 $0xFFFFC000  }
0xb9: {  	[hbm4b:s13+s3] =	stream.linear.scatter [tilespmem:s24], [sflag:$0x5], $0x4000, $0x38;
	[tilespmem:$0x1C300] =	vst v63  }
0xba: {  	_ = 	snop  }
0xbb: {  	[tilespmem:s0], [sflag:$0x4] =	stream.linear.gather [spmem:s14], $0x4000, $0x38;
	[tilespmem:$0x1C300] =	vst v63  }
0xbc: {  	_ =	swait.ge [sflag:s30], $0x4000  }
0xbd: {  	[sflag:s30] =	ssyncset.done $0x0  }
0xbe: {  	s15 =	rddreg [dreg:$0xd];
	[sflag:s30] =	ssyncadd.s32 $0xFFFFC000  }
0xbf: {  	[hbm4b:s15+s3] =	stream.linear.scatter [tilespmem:s0], [sflag:$0x6], $0x4000, $0x38;
	[tilespmem:$0x1C300] =	vst v63  }
0xc0: {  	_ =	swait.ge [sflag:s4], $0x4000  }
0xc1: {  	[sflag:s4] =	ssyncset.done $0x0  }
0xc2: {  	s21 =	rddreg [dreg:$0x7];
	[sflag:s4] =	ssyncadd.s32 $0xFFFFC000  }
0xc3: {  	[tilespmem:s24], [sflag:$0x3] =	stream.linear.gather [spmem:s21], $0x4000, $0x38;
	[tilespmem:$0x1C300] =	vst v63  }
0xc4: {  	_ =	swait.ge [sflag:s29], $0x4000  }
0xc5: {  	[sflag:s29] =	ssyncset.done $0x0  }
0xc6: {  	s16 =	rddreg [dreg:$0xe];
	[sflag:s29] =	ssyncadd.s32 $0xFFFFC000  }
0xc7: {  	[hbm4b:s16+s3] =	stream.linear.scatter [tilespmem:s24], [sflag:$0x5], $0x4000, $0x38;
	[tilespmem:$0x1C300] =	vst v63  }
0xc8: {  	_ =	swait.ge [sflag:s1], $0x4000  }
0xc9: {  	[sflag:s1] =	ssyncset.done $0x0  }
0xca: {  	s23 =	rddreg [dreg:$0x8];
	[sflag:s1] =	ssyncadd.s32 $0xFFFFC000  }
0xcb: {  	[tilespmem:s0], [sflag:$0x4] =	stream.linear.gather [spmem:s23], $0x4000, $0x38;
	[tilespmem:$0x1C300] =	vst v63  }
0xcc: {  	_ =	swait.ge [sflag:s30], $0x4000  }
0xcd: {  	[sflag:s30] =	ssyncset.done $0x0  }
0xce: {  	s17 =	rddreg [dreg:$0xf];
	[sflag:s30] =	ssyncadd.s32 $0xFFFFC000  }
0xcf: {  	[hbm4b:s17+s3] =	stream.linear.scatter [tilespmem:s0], [sflag:$0x6], $0x4000, $0x38;
	[tilespmem:$0x1C300] =	vst v63  }
0xd0: {  	_ =	swait.ge [sflag:s4], $0x4000  }
0xd1: {  	[sflag:s4] =	ssyncset.done $0x0  }
0xd2: {  	s13 =	rddreg [dreg:$0xa];
	[sflag:s4] =	ssyncadd.s32 $0xFFFFC000  }
0xd3: {  	[tilespmem:s24], [sflag:$0x3] =	stream.linear.gather [spmem:s13], $0x4000, $0x38;
	[tilespmem:$0x1C300] =	vst v63  }
0xd4: {  	_ =	swait.ge [sflag:s29], $0x4000  }
0xd5: {  	[sflag:s29] =	ssyncset.done $0x0  }
0xd6: {  	s18 =	rddreg [dreg:$0x10];
	[sflag:s29] =	ssyncadd.s32 $0xFFFFC000  }
0xd7: {  	[hbm4b:s18+s3] =	stream.linear.scatter [tilespmem:s24], [sflag:$0x5], $0x4000, $0x38;
	[tilespmem:$0x1C300] =	vst v63  }
0xd8: {  	_ =	swait.ge [sflag:s4], $0x4000  }
0xd9: {  	[sflag:s4] =	ssyncset.done $0x0  }
0xda: {  	[sflag:s4] =	ssyncadd.s32 $0xFFFFC000  }
0xdb: {  	_ =	swait.ge [sflag:s1], $0x4000  }
0xdc: {  	s28 =	sadd.s32 $0x1, s28;
	s20 =	rddreg [dreg:$0x11]  }
0xdd: {  	p0 =	sne.s32 s28, s20  }
.Ltmp2:
0xde: {  	_ = 	snop;
	(pc) =	sbr.rel @p0 .LBB2_1-.Ltmp2, $3  }
0xdf: {  	_ =	sdelay $0x1  }
0xe0: {  	[sflag:s1] =	ssyncset.done $0x0  }
0xe1: {  	s11 =	smov.u32 s14;
	s10 =	smov.u32 s12;
	[sflag:s1] =	ssyncadd.s32 $0xFFFFC000  }
0xe2: {  	_ =	sfence.sel $0x180000  }
0xe3: {  	[bflag:$0x0] =	sbarrier.arrive $0xFFFF  }
0xe4: {  	_ =	strace $0x9000004D  }
0xe5: {  	s0 =	stileid.u32;
	[bflag:$0x2] =	sbarrier.arrive $0xFFFF  }
0xe6: {  	p0 =	sne.s32 s0, $0x0;
	s0 =	rddreg [dreg:$0x3]  }
0xe7: {  	s0 =	sadd.s32 @!p0 $0x100000, s0  }
0xe8: {  	[sflag:s0] =	ssyncadd.tile.s32 @!p0 $0x1;
	_ =	shalt  }
.Lfunc_end2:
_tile_overlayer_lowered:
.L_overlay_start_2:
0xe9: {  	(tag) =	ssettag $0x2  }
0xea: {  	s0 =	rddreg [dreg:$0x0];
	s2 =	stileid.u32  }
0xeb: {  	s1 =	rddreg [dreg:$0x1];
	p0 =	sne.s32 s2, $0x0  }
0xec: {  	s3 =	rddreg [dreg:$0x2];
	[bflag:$0x3] =	sbarrier.arrive $0xFFFF;
	s2 =	simm.s32 @!p0 $0x1C07  }
0xed: {  	[timem:s3], [sflag:s2] =	dma.local @!p0 [hbm:s0], s1  }
0xee: {  	s0 =	simm.s32 @!p0 $0x7  }
0xef: {  	_ =	swait.ge @!p0 [sflag:s0], s1  }
0xf0: {  	s1 =	ssub.s32 @!p0 $0x0, s1;
	[sflag:s0] =	ssyncset.done @!p0 $0x0  }
0xf1: {  	[sflag:s0] =	ssyncadd.s32 @!p0 s1  }
0xf2: {  	[bflag:$0x3] =	sbarrier.arrive $0xFFFF  }
0xf3: {  	_ =	shalt  }

// kernel: kernel.26.cloned.1.call-start
scs
__scs_entry_jumppad:
0x0: {  	(pc) =	sbr.rel $0x88, $3  }
0x1: {  	(tag) =	ssettag $0x0;
	lr =	simm.s32 $0x1  }
0x2: {  	[smem:$0x3F94] =	sst lr;
	_ =	strace $0xD0000000  }
0x3: {  	_ = 	snop  }
0x4: {  	_ = 	snop  }
0x5: {  	_ = 	snop  }
0x6: {  	_ = 	snop  }
0x7: {  	_ = 	snop  }
__scs_overlays_trampoline_lowered:
0x8: {  	[smem:$0x3FA3] =	sst s0  }
0x9: {  	[smem:$0x3FA4] =	sst s1  }
0xa: {  	[smem:$0x3FA5] =	sst s2  }
0xb: {  	[smem:$0x3FA6] =	sst s3  }
0xc: {  	[smem:$0x3FA7] =	sst s4  }
0xd: {  	[smem:$0x3FA8] =	sst s5  }
0xe: {  	[smem:$0x3FA9] =	sst s6  }
0xf: {  	[smem:$0x3FAA] =	sst s7  }
0x10: {  	[smem:$0x3FAB] =	sst s8  }
0x11: {  	[smem:$0x3FAC] =	sst s9;
	s0 =	simm.s32 @!p0 $0x0  }
0x12: {  	s1 =	sld [smem:$0x3F92];
	s0 =	simm.s32 @p0 $0x1  }
0x13: {  	[smem:$0x3FAD] =	sst s0;
	s0 =	simm.s32 @!p1 $0x0  }
0x14: {  	s2 =	sld [smem:$0x3F91];
	s0 =	simm.s32 @p1 $0x1  }
0x15: {  	[smem:$0x3FAE] =	sst s0;
	s0 =	simm.s32 @!p2 $0x0  }
0x16: {  	s3 =	sld [smem:$0x3FDB];
	s0 =	simm.s32 @p2 $0x1  }
0x17: {  	s4 =	simm.s32 $0x1BF5;
	[smem:$0x3FB0] =	sst s0  }
0x18: {  	s0 =	sld [smem:$0x3F93];
	_ =	swait.ge [sflag:s4], $0x0  }
0x19: {  	s7 =	sld [smem:$0x3F94]  }
0x1a: {  	s8 =	sadd.s32 $0xFFFFE003, lr  }
0x1b: {  	s9 =	sadd.s32 $0xFFFFFEF7, lr;
	s5 =	simm.s32 $0xFFFFFFFF;
	p2 =	slt.u32 s8, $0xFFFFF086  }
0x1c: {  	p1 =	slt.u32 s9, $0xF7A;
	s5 =	simm.s32 @!p2 $0x0  }
0x1d: {  	s5 =	simm.s32 @p1 $0x1;
	p0 =	seq.s32 s7, s2  }
0x1e: {  	s7 =	smul.u32 @!p0 $0xF7A, s2;
	p2 =	seq.s32 @!p0 s5, $0x0  }
0x1f: {  	s9 =	smul.u32 $0xF7A, s1;
	s8 =	simm.s32 @!p0 $0x1BF5;
	p2 =	por !p2, p0  }
0x20: {  	[sflag:s8] =	ssyncset.s32 @!p0 $0xFFFFF086;
	s6 =	sadd.s32 @!p0 s3, s7;
	s7 =	simm.s32 @!p0 $0x108  }
0x21: {  	s3 =	sadd.s32 s3, s9;
	s6 =	sadd.s32 @!p0 $0x88, s6;
	s7 =	simm.s32 @p2 $0x1082  }
0x22: {  	[simem:s7], [sflag:s8] =	dma.local @!p0 [hbm:s6], $0xF7A  }
0x23: {  	s9 =	sor.u32 $0xD0000000, s2;
	s6 =	simm.s32 $0x108;
	_ =	swait.ge @!p0 [sflag:s8], $0x0  }
0x24: {  	s3 =	sadd.s32 $0x88, s3;
	s6 =	simm.s32 @!p1 $0x1082;
	[sflag:s4] =	ssyncset.s32 $0xFFFFF086  }
0x25: {  	[simem:s6], [sflag:s4] =	dma.local [hbm:s3], $0xF7A  }
0x26: {  	[smem:$0x3F94] =	sst s1;
	(tag) =	ssettag s2;
	_ =	strace s9  }
0x27: {  	s1 =	sld [smem:$0x3FA4]  }
0x28: {  	s2 =	sld [smem:$0x3FA5]  }
0x29: {  	s4 =	sld [smem:$0x3FA7]  }
0x2a: {  	p0 =	seq.s32 s5, $0x0;
	s5 =	sld [smem:$0x3FA8]  }
0x2b: {  	s6 =	sld [smem:$0x3FA9]  }
0x2c: {  	s7 =	sld [smem:$0x3FAA]  }
0x2d: {  	s3 =	simm.s32 $0x108;
	s8 =	sld [smem:$0x3FAB]  }
0x2e: {  	s3 =	simm.s32 @!p0 $0x1082;
	s9 =	sld [smem:$0x3FAC]  }
0x2f: {  	lr =	sadd.s32 s0, s3;
	s0 =	sld [smem:$0x3FA3]  }
0x30: {  	s3 =	sld [smem:$0x3FA6]  }
0x31: {  	[smem:$0x3FAF] =	sst s10  }
0x32: {  	s10 =	sld [smem:$0x3FAD];
	_ =	sdelay $0x3  }
0x33: {  	p0 =	seq.s32 s10, $0x1;
	s10 =	sld [smem:$0x3FAF];
	_ =	sdelay $0x3  }
0x34: {  	[smem:$0x3FAF] =	sst s10  }
0x35: {  	s10 =	sld [smem:$0x3FAE];
	_ =	sdelay $0x3  }
0x36: {  	p1 =	seq.s32 s10, $0x1;
	s10 =	sld [smem:$0x3FAF];
	_ =	sdelay $0x3  }
0x37: {  	[smem:$0x3FAF] =	sst s10  }
0x38: {  	s10 =	sld [smem:$0x3FB0]  }
0x39: {  	_ = 	snop;
	(pc) =	sbr.ind lr, $3  }
0x3a: {  	_ = 	snop  }
0x3b: {  	_ = 	snop  }
0x3c: {  	p2 =	seq.s32 s10, $0x1;
	s10 =	sld [smem:$0x3FAF]  }
0x3d: {  	_ =	shalt  }
0x3e: {  	_ =	shalt  }
0x3f: {  	_ =	shalt  }
0x40: {  	_ =	shalt  }
0x41: {  	_ =	shalt  }
0x42: {  	_ =	shalt  }
0x43: {  	_ =	shalt  }
0x44: {  	_ =	shalt  }
0x45: {  	_ =	shalt  }
0x46: {  	_ =	shalt  }
0x47: {  	_ =	shalt  }
0x48: {  	_ =	shalt  }
0x49: {  	_ =	shalt  }
0x4a: {  	_ =	shalt  }
0x4b: {  	_ =	shalt  }
0x4c: {  	_ =	shalt  }
0x4d: {  	_ =	shalt  }
0x4e: {  	_ =	shalt  }
0x4f: {  	_ =	shalt  }
0x50: {  	_ =	shalt  }
0x51: {  	_ =	shalt  }
0x52: {  	_ =	shalt  }
0x53: {  	_ =	shalt  }
0x54: {  	_ =	shalt  }
0x55: {  	_ =	shalt  }
0x56: {  	_ =	shalt  }
0x57: {  	_ =	shalt  }
0x58: {  	_ =	shalt  }
0x59: {  	_ =	shalt  }
0x5a: {  	_ =	shalt  }
0x5b: {  	_ =	shalt  }
0x5c: {  	_ =	shalt  }
0x5d: {  	_ =	shalt  }
0x5e: {  	_ =	shalt  }
0x5f: {  	_ =	shalt  }
0x60: {  	_ =	shalt  }
0x61: {  	_ =	shalt  }
0x62: {  	_ =	shalt  }
0x63: {  	_ =	shalt  }
0x64: {  	_ =	shalt  }
0x65: {  	_ =	shalt  }
0x66: {  	_ =	shalt  }
0x67: {  	_ =	shalt  }
0x68: {  	_ =	shalt  }
0x69: {  	_ =	shalt  }
0x6a: {  	_ =	shalt  }
0x6b: {  	_ =	shalt  }
0x6c: {  	_ =	shalt  }
0x6d: {  	_ =	shalt  }
0x6e: {  	_ =	shalt  }
0x6f: {  	_ =	shalt  }
0x70: {  	_ =	shalt  }
0x71: {  	_ =	shalt  }
0x72: {  	_ =	shalt  }
0x73: {  	_ =	shalt  }
0x74: {  	_ =	shalt  }
0x75: {  	_ =	shalt  }
0x76: {  	_ =	shalt  }
0x77: {  	_ =	shalt  }
0x78: {  	_ =	shalt  }
0x79: {  	_ =	shalt  }
0x7a: {  	_ =	shalt  }
0x7b: {  	_ =	shalt  }
0x7c: {  	_ =	shalt  }
0x7d: {  	_ =	shalt  }
0x7e: {  	_ =	shalt  }
0x7f: {  	_ =	shalt  }
0x80: {  	_ =	shalt  }
0x81: {  	_ =	shalt  }
0x82: {  	_ =	shalt  }
0x83: {  	_ =	shalt  }
0x84: {  	_ =	shalt  }
0x85: {  	_ =	shalt  }
0x86: {  	_ =	shalt  }
0x87: {  	_ =	shalt  }
.Lfunc_end0:
.L_simem_size_0:
called_computation.3_lowered:
.L_overlay_start_0:
0x88: {  	s2 =	sld [smem:$0x3FD9]  }
0x89: {  	s3 =	sld [smem:$0x3FFE];
	_ =	sdelay $0x1  }
0x8a: {  	s1 =	srdreg.scid  }
0x8b: {  	s0 =	sand.u32 $0x1, s1  }
0x8c: {  	s17 =	sshll.u32 s0, $0xA;
	s2 =	sadd.s32 s3, s2  }
0x8d: {  	s2 =	sadd.s32 s2, s17  }
0x8e: {  	[smem:$0x3FBB] =	sst s2  }
0x8f: {  	_ = 	snop  }
0x90: {  	s2 =	sld [smem:$0x3FD0];
	(tm) =	ssettm $0x1  }
0x91: {  	s18 =	sld [smem:$0x3FFB];
	_ =	sdelay $0x3  }
0x92: {  	_ =	strace s18  }
0x93: {  	s3 =	sld [smem:$0x3FFC];
	_ =	sdelay $0x3  }
0x94: {  	_ =	strace s3  }
0x95: {  	s3 =	sld [smem:$0x3FFD];
	_ =	sdelay $0x3  }
0x96: {  	_ =	strace s3  }
0x97: {  	_ =	strace $0x8FFFFFFF  }
0x98: {  	s19 =	sld [smem:$0x3FDB];
	_ =	sdelay $0x1  }
0x99: {  	s4 =	simm.s32 $_scs_section_size  }
0x9a: {  	s5 =	simm.s32 $_size__tile_overlayer_lowered;
	s6 =	simm.s32 $_tile_overlayer_lowered  }
0x9b: {  	s22 =	simm.s32 $0x1BFF;
	s21 =	sshll.u32 s6, $0x1;
	s3 =	sadd.s32 s4, s19  }
0x9c: {  	s7 =	simm.s32 $0x0;
	s20 =	sshll.u32 s5, $0x1;
	s5 =	sadd.s32 s21, s3  }
0x9d: {  	[timem:s7], [sflag:s22] =	dma.local [hbm:s5], s20  }
0x9e: {  	_ =	swait.ge [sflag:s22], s20  }
0x9f: {  	s4 =	ssub.s32 $0x0, s20;
	[sflag:s22] =	ssyncset.done $0x0  }
0xa0: {  	[sflag:s22] =	ssyncadd.s32 s4;
	_ =	sdelay $0x1  }
0xa1: {  	s23 =	simm.s32 $0x1B8B  }
0xa2: {  	_ =	swait.ge [sflag:s23], $0x1  }
0xa3: {  	[sflag:s23] =	ssyncset.done $0x0  }
0xa4: {  	s25 =	simm.s32 $0x1B8E;
	s24 =	sld [smem:$0x3FFE];
	[sflag:s23] =	ssyncadd.s32 $0xFFFFFFFF  }
0xa5: {  	s26 =	simm.s32 $execute0_lowered;
	[smem:$0x3FD2] =	sst s25  }
0xa6: {  	s5 =	sshll.u32 s26, $0x1;
	_ =	strace $0x8000004F;
	[dreg:$0x1] =	wrdreg $0xFFFFFFFF  }
0xa7: {  	s28 =	simm.s32 $_size_execute0_lowered;
	s3 =	sadd.s32 s3, s5;
	[dreg:$0x0] =	wrdreg $0x0  }
0xa8: {  	s5 =	sshll.u32 s28, $0x1;
	[dreg:$0x2] =	wrdreg s3  }
0xa9: {  	[dreg:$0x3] =	wrdreg s5  }
0xaa: {  	[dreg:$0x4] =	wrdreg $0xC0  }
0xab: {  	_ =	task [dreg:s7], $0x5FFFF  }
0xac: {  	[dreg:$0x1] =	wrdreg $0xFFFFFFFF  }
0xad: {  	[dreg:$0x0] =	wrdreg $0x60  }
0xae: {  	[dreg:$0x2] =	wrdreg s24  }
0xaf: {  	[dreg:$0x3] =	wrdreg s2  }
0xb0: {  	[dreg:$0x4] =	wrdreg $0x83000  }
0xb1: {  	[dreg:$0x5] =	wrdreg $0x9  }
0xb2: {  	_ =	task.clear_ibuf [dreg:s7], $0x6FFFF;
	_ =	strace $0x9000004F  }
0xb3: {  	s29 =	simm.s32 $0x9;
	_ =	strace $0x80000051  }
0xb4: {  	_ =	swait.ge [sflag:s29], $0x1  }
0xb5: {  	[sflag:s29] =	ssyncadd.s32 $0xFFFFFFFF  }
0xb6: {  	_ =	strace $0x90000051  }
0xb7: {  	_ =	sfence  }
0xb8: {  	s30 =	sld [smem:$0x0];
	_ =	sdelay $0x2  }
0xb9: {  	s31 =	sshll.u32 s1, $0xD;
	s1 =	sshrl.u32 s1, $0x2  }
0xba: {  	s3 =	sand.u32 $0x4000, s31;
	s1 =	sadd.s32 s1, s30  }
0xbb: {  	s0 =	sor.u32 s3, s0;
	s1 =	sshll.u32 s1, $0x11  }
0xbc: {  	s0 =	sor.u32 s1, s0  }
0xbd: {  	s0 =	sadd.s32 $0x8F2B, s0  }
0xbe: {  	[sflag:s0] =	ssyncadd.remote.s32 $0x1  }
0xbf: {  	_ =	sfence.sel $0xFFFF  }
0xc0: {  	[dreg:$0x0] =	wrdreg $0xFFFFFFFF;
	(pc) =	sbr.abs _section_cstart, $3  }
0xc1: {  	[dreg:$0x1] =	wrdreg $0xFFFFFFFF  }
0xc2: {  	_ =	task.clear_ibuf [dreg:s7], $0x2FFFF;
	_ =	strace $0x9FFFFFFF  }
0xc3: {  	(tm) =	ssettm $0x7FFFFFFF  }
tec
execute0_lowered:
.L_overlay_start_1:
0x0: {  	(tag) =	ssettag $0x1  }
0x1: {  	s0 =	rddreg [dreg:$0x0]  }
0x2: {  	s2 =	rddreg [dreg:$0x2]  }
0x3: {  	s3 =	simm.s32 $0x0;
	s1 =	srdreg.scid;
	s11 =	stileid.u32  }
0x4: {  	s29 =	simm.s32 $0x3;
	s30 =	simm.s32 $0x4;
	s31 =	simm.s32 $0x280  }
0x5: {  	s28 =	simm.s32 $0x0;
	[smem:$0x7FF] =	sst s3;
	s1 =	sand.u32 $0x1, s1  }
0x6: {  	s5 =	sadd.s32 $0x4C800, s0;
	s6 =	sadd.s32 $0x11A00, s0;
	s8 =	smul.u32 $0x1E, s11  }
0x7: {  	s0 =	sadd.s32 $0x73A00, s0;
	s9 =	smul.u32 $0x50000, s11;
	s10 =	sshll.u32 s11, $0x7  }
0x8: {  	s15 =	smul.u32 $0x14000, s11;
	_ =	strace $0x80000050;
	s4 =	ssub.s32 $0x2, s1  }
0x9: {  	p0 =	seq.s32 s1, $0x0;
	s1 =	smul.u32 $0x140000, s1;
	s7 =	sshrl.u32 s4, $0x1  }
0xa: {  	s13 =	sor.u32 $0x800, s8;
	s8 =	simm.s32 $0x80;
	s9 =	sshrl.u32 s9, $0x2  }
0xb: {  	s16 =	sadd.s32 $0x4000, s15;
	s17 =	sadd.s32 $0x8000, s15;
	s18 =	sadd.s32 $0xC000, s15  }
0xc: {  	s19 =	sadd.s32 $0x10000, s15;
	s4 =	ssub.s32 s4, s7;
	s7 =	simm.s32 $0x80  }
0xd: {  	s13 =	smov.u32 @p0 s10;
	s10 =	sadd.s32 s9, s2;
	s11 =	sadd.s32 s16, s2  }
0xe: {  	s21 =	sadd.s32 s17, s2;
	s23 =	sadd.s32 s18, s2;
	s12 =	sadd.s32 s19, s2  }
0xf: {  	s15 =	sadd.s32 s15, s1;
	s16 =	sadd.s32 s1, s16;
	s25 =	sadd.s32 s1, s17  }
0x10: {  	s7 =	simm.s32 @!p0 $0x1E;
	s14 =	sshll.u32 s13, $0x5;
	[dreg:$0x7] =	wrdreg s21  }
0x11: {  	s15 =	sshrl.u32 s15, $0x3;
	s24 =	sshrl.u32 s16, $0x3;
	[dreg:$0x8] =	wrdreg s23  }
0x12: {  	s20 =	sadd.s32 s6, s14;
	s22 =	sadd.s32 s0, s15;
	s26 =	sadd.s32 s0, s24  }
0x13: {  	s14 =	sadd.s32 s1, s18;
	s1 =	sadd.s32 s1, s19;
	[dreg:$0x9] =	wrdreg s20  }
0x14: {  	s19 =	sadd.s32 $0xFFFFFFFE, s7;
	s24 =	smax.u32 s4, $0x1;
	[dreg:$0xc] =	wrdreg s22  }
0x15: {  	s4 =	simm.s32 $0x5;
	s9 =	sadd.s32 $0x20, s20;
	[dreg:$0xd] =	wrdreg s26  }
0x16: {  	s20 =	sshrl.u32 s7, $0x1;
	s17 =	sshrl.u32 s14, $0x3;
	[dreg:$0x4] =	wrdreg s19  }
0x17: {  	s1 =	sshrl.u32 s1, $0x3;
	s22 =	sadd.s32 $0xFFFFFFFD, s7;
	[dreg:$0x11] =	wrdreg s24  }
0x18: {  	s26 =	simm.s32 $0x200;
	s24 =	simm.s32 $0x300;
	[dreg:$0xb] =	wrdreg s9  }
0x19: {  	s9 =	sshrl.u32 s25, $0x3;
	s18 =	sadd.s32 s0, s17;
	[dreg:$0x6] =	wrdreg s22  }
0x1a: {  	s25 =	sshll.u32 s13, $0x8;
	s13 =	smov.u32 s12;
	[dreg:$0x5] =	wrdreg s26  }
0x1b: {  	s22 =	ssub.s32 $0x0, s20;
	s26 =	simm.s32 $0x1;
	[dreg:$0xf] =	wrdreg s18  }
0x1c: {  	s15 =	sadd.s32 s0, s9;
	s0 =	sadd.s32 s0, s1;
	[dreg:$0xa] =	wrdreg s13  }
0x1d: {  	s19 =	sadd.s32 $0x300, s25;
	s25 =	simm.s32 $0x7;
	[dreg:$0xe] =	wrdreg s15  }
0x1e: {  	s1 =	simm.s32 $0x6;
	[dreg:$0x10] =	wrdreg s0;
	s0 =	simm.s32 $0x4300  }
.LBB2_1:
0x1f: {  	s9 =	rddreg [dreg:$0x1]  }
0x20: {  	[tilespmem:s24], [sflag:$0x7] =	stream.linear.gather [hbm4b:s9+s3], $0x4000, $0x38;
	[tilespmem:$0x1C300] =	vst v63  }
0x21: {  	_ =	swait.ge [sflag:s25], $0x4000  }
0x22: {  	[sflag:s25] =	ssyncset.done $0x0  }
0x23: {  	[sflag:s25] =	ssyncadd.s32 $0xFFFFC000  }
0x24: {  	[spmem:s10] =	stream.linear.scatter [tilespmem:s24], [sflag:$0x1], $0x4000, $0x38;
	[tilespmem:$0x1C300] =	vst v63  }
0x25: {  	_ = 	snop  }
0x26: {  	[spmem:s11] =	stream.linear.scatter [tilespmem:s24], [sflag:$0x1], $0x4000, $0x38;
	[tilespmem:$0x1C300] =	vst v63  }
0x27: {  	_ = 	snop  }
0x28: {  	[spmem:s21] =	stream.linear.scatter [tilespmem:s24], [sflag:$0x1], $0x4000, $0x38;
	[tilespmem:$0x1C300] =	vst v63  }
0x29: {  	_ = 	snop  }
0x2a: {  	[spmem:s23] =	stream.linear.scatter [tilespmem:s24], [sflag:$0x1], $0x4000, $0x38;
	[tilespmem:$0x1C300] =	vst v63  }
0x2b: {  	_ = 	snop  }
0x2c: {  	[spmem:s13] =	stream.linear.scatter [tilespmem:s24], [sflag:$0x1], $0x4000, $0x38;
	[tilespmem:$0x1C300] =	vst v63  }
0x2d: {  	_ =	swait.ge [sflag:s26], $0x4000  }
0x2e: {  	[sflag:s26] =	ssyncset.done $0x0  }
0x2f: {  	[sflag:s26] =	ssyncadd.s32 $0xFFFFC000  }
0x30: {  	_ =	swait.ge [sflag:s26], $0x4000  }
0x31: {  	[sflag:s26] =	ssyncset.done $0x0  }
0x32: {  	[sflag:s26] =	ssyncadd.s32 $0xFFFFC000  }
0x33: {  	_ =	swait.ge [sflag:s26], $0x4000  }
0x34: {  	[sflag:s26] =	ssyncset.done $0x0  }
0x35: {  	[sflag:s26] =	ssyncadd.s32 $0xFFFFC000  }
0x36: {  	_ =	swait.ge [sflag:s26], $0x4000  }
0x37: {  	[sflag:s26] =	ssyncset.done $0x0  }
0x38: {  	[sflag:s26] =	ssyncadd.s32 $0xFFFFC000  }
0x39: {  	_ =	swait.ge [sflag:s26], $0x4000  }
0x3a: {  	[sflag:s26] =	ssyncset.done $0x0  }
0x3b: {  	[sflag:s26] =	ssyncadd.s32 $0xFFFFC000  }
0x3c: {  	[bflag:$0x0] =	sbarrier.arrive $0xFFFF  }
0x3d: {  	s18 =	rddreg [dreg:$0x9]  }
0x3e: {  	[tilespmem:s3], [sflag:$0x7] =	stream.linear.gather [hbm4b:s18+s3], $0x100, $0x38;
	[tilespmem:$0x1C300] =	vst v63  }
0x3f: {  	_ =	swait.ge [sflag:s25], $0x100  }
0x40: {  	[sflag:s25] =	ssyncset.done $0x0  }
0x41: {  	s21 =	simm.s32 $0x100;
	s20 =	rddreg [dreg:$0xb];
	[sflag:s25] =	ssyncadd.s32 $0xFFFFFF00  }
0x42: {  	[tilespmem:s21], [sflag:$0x2] =	stream.linear.gather [hbm4b:s20+s3], $0x100, $0x38;
	[tilespmem:$0x1C300] =	vst v63  }
0x43: {  	_ = 	snop  }
0x44: {  	[tilespmem:s24], [sflag:$0x3] =	stream.indirect.gather [hbm4b:s5+s8], $0x80, s3, s8, $0xb8;
	[tilespmem:$0x1C300] =	vst v63  }
0x45: {  	_ =	swait.ge [sflag:s29], $0x4000  }
0x46: {  	[sflag:s29] =	ssyncset.done $0x0  }
0x47: {  	[sflag:s29] =	ssyncadd.s32 $0xFFFFC000  }
0x48: {  	v0 =	vld [tilespmem:$0xC0]  }
0x49: {  	v1 =	vld [tilespmem:$0x80]  }
0x4a: {  	v2 =	vld [tilespmem:$0xA0]  }
0x4b: {  	v3 =	vld [tilespmem:$0x90]  }
0x4c: {  	v4 =	vld [tilespmem:$0xB0]  }
0x4d: {  	[tilespmem:$0x240] =	vst v0;
	v0 =	vld [tilespmem:$0xD0]  }
0x4e: {  	[tilespmem:$0x200] =	vst v1;
	v1 =	vld [tilespmem:$0xE0]  }
0x4f: {  	[tilespmem:$0x220] =	vst v2;
	v2 =	vld [tilespmem:$0xF0]  }
0x50: {  	s23 =	rddreg [dreg:$0x4];
	[tilespmem:$0x210] =	vst v3  }
0x51: {  	p0 =	sle.u32 s23, $0x0;
	[tilespmem:$0x230] =	vst v4  }
0x52: {  	s13 =	sadd.s32 @!p0 $0xFFFFFF00, s19;
	[tilespmem:$0x250] =	vst v0  }
0x53: {  	p1 =	sle.u32 s7, $0x1;
	s13 =	sshrl.u32 @!p0 s13, $0x3;
	[tilespmem:$0x260] =	vst v1  }
0x54: {  	s16 =	simm.s32 @!p1 $0x2;
	s15 =	simm.s32 @!p0 $0x0;
	s13 =	sadd.s32 @!p0 s6, s13;
	[tilespmem:$0x270] =	vst v2  }
0x55: {  	[tilespmem:s15], [sflag:$0x1] =	stream.linear.gather @!p0 [hbm4b:s13+s15], $0x100, $0x38;
	[tilespmem:$0x1C300] =	vst v63  }
0x56: {  	p2 =	por @!p1 $0x1, $0x1;
	_ =	swait.ge @!p1 [sflag:s16], $0x100  }
0x57: {  	p2 =	por p2, p1;
	[sflag:s16] =	ssyncset.done @!p1 $0x0  }
0x58: {  	s13 =	simm.s32 @!p2 $0x6;
	[sflag:s16] =	ssyncadd.s32 @!p1 $0xFFFFFF00  }
0x59: {  	_ =	swait.ge @!p2 [sflag:s13], $0x4000  }
0x5a: {  	s17 =	simm.s32 @!p1 $0x4300;
	[sflag:s13] =	ssyncset.done @!p2 $0x0  }
0x5b: {  	s16 =	simm.s32 @!p1 $0x100;
	[sflag:s13] =	ssyncadd.s32 @!p2 $0xFFFFC000;
	s13 =	simm.s32 @!p1 $0x80  }
0x5c: {  	[tilespmem:s17], [sflag:$0x4] =	stream.indirect.gather @!p1 [hbm4b:s5+s13], $0x80, s16, s13, $0xb8;
	[tilespmem:$0x1C300] =	vst v63  }
0x5d: {  	s18 =	rddreg [dreg:$0x5]  }
0x5e: {  	[spmem:s2] =	stream.indirect.scatter.add.f32 [tilespmem:s24], [sflag:$0x5], $0x80, s18, s8, $0xb8;
	[tilespmem:$0x1C300] =	vst v63  }
0x5f: {  	p1 =	sne.s32 s22, $0xFFFFFFFF;
	_ =	swait.ge [sflag:s30], $0x4000  }
.Ltmp0:
0x60: {  	[sflag:s30] =	ssyncset.done $0x0;
	(pc) =	sbr.rel @!p1 .LBB2_3-.Ltmp0, $4  }
0x61: {  	[sflag:s30] =	ssyncadd.s32 $0xFFFFC000  }
0x62: {  	s12 =	smov.u32 s10;
	v2 =	vld [tilespmem:$0x180]  }
0x63: {  	s14 =	smov.u32 s11;
	s23 =	smov.u32 s19;
	s13 =	simm.s32 $0xFFFFFFFF;
	v1 =	vld [tilespmem:$0x1F0]  }
0x64: {  	s16 =	smov.u32 s19;
	s17 =	simm.s32 $0x0;
	s18 =	simm.s32 $0x0;
	v0 =	vld [tilespmem:$0x1E0]  }
.LBB2_2:
0x65: {  	v3 =	vld [tilespmem:$0x190]  }
0x66: {  	v4 =	vld [tilespmem:$0x1B0]  }
0x67: {  	v5 =	vld [tilespmem:$0x1A0];
	[tilespmem:$0x280] =	vst v2  }
0x68: {  	v2 =	vld [tilespmem:$0x1D0];
	[tilespmem:$0x2F0] =	vst v1  }
0x69: {  	v1 =	vld [tilespmem:$0x1C0];
	[tilespmem:$0x2E0] =	vst v0  }
0x6a: {  	[tilespmem:$0x290] =	vst v3  }
0x6b: {  	s21 =	rddreg [dreg:$0x6];
	[tilespmem:$0x2B0] =	vst v4  }
0x6c: {  	p2 =	sge.u32 s17, s21;
	[tilespmem:$0x2A0] =	vst v5  }
0x6d: {  	s11 =	simm.s32 @!p0 $0x1;
	s21 =	sshrl.u32 @!p2 s23, $0x3;
	[tilespmem:$0x2D0] =	vst v2  }
0x6e: {  	s9 =	simm.s32 @!p2 $0x0;
	s10 =	simm.s32 @!p2 $0x100;
	s21 =	sadd.s32 @!p2 s6, s21;
	[tilespmem:$0x2C0] =	vst v1  }
0x6f: {  	[tilespmem:s10], [sflag:$0x2] =	stream.linear.gather @!p2 [hbm4b:s21+s9], $0x100, $0x38;
	[tilespmem:$0x1C300] =	vst v63  }
0x70: {  	_ =	swait.ge @!p0 [sflag:s11], $0x100  }
0x71: {  	[sflag:s11] =	ssyncset.done @!p0 $0x0  }
0x72: {  	s9 =	simm.s32 @!p0 $0x5;
	[sflag:s11] =	ssyncadd.s32 @!p0 $0xFFFFFF00  }
0x73: {  	_ =	swait.ge @!p0 [sflag:s9], $0x4000  }
0x74: {  	[sflag:s9] =	ssyncset.done @!p0 $0x0  }
0x75: {  	s10 =	simm.s32 @!p0 $0x80;
	s11 =	simm.s32 @!p0 $0x300;
	[sflag:s9] =	ssyncadd.s32 @!p0 $0xFFFFC000  }
0x76: {  	[tilespmem:s11], [sflag:$0x3] =	stream.indirect.gather @!p0 [hbm4b:s5+s10], $0x80, s15, s10, $0xb8;
	[tilespmem:$0x1C300] =	vst v63  }
0x77: {  	_ = 	snop  }
0x78: {  	[spmem:s2] =	stream.indirect.scatter.add.f32 [tilespmem:s0], [sflag:$0x6], $0x80, s31, s8, $0xb8;
	[tilespmem:$0x1C300] =	vst v63  }
0x79: {  	_ =	swait.ge [sflag:s29], $0x4000  }
0x7a: {  	[sflag:s29] =	ssyncset.done $0x0  }
0x7b: {  	[sflag:s29] =	ssyncadd.s32 $0xFFFFC000  }
0x7c: {  	v0 =	vld [tilespmem:$0xC0]  }
0x7d: {  	v1 =	vld [tilespmem:$0x80]  }
0x7e: {  	v2 =	vld [tilespmem:$0xA0]  }
0x7f: {  	v3 =	vld [tilespmem:$0x90]  }
0x80: {  	v63 =	vld [tilespmem:$0xB0]  }
0x81: {  	[tilespmem:$0x240] =	vst v0;
	v0 =	vld [tilespmem:$0xD0]  }
0x82: {  	[tilespmem:$0x200] =	vst v1;
	v1 =	vld [tilespmem:$0xE0]  }
0x83: {  	[tilespmem:$0x220] =	vst v2;
	v2 =	vld [tilespmem:$0xF0]  }
0x84: {  	s18 =	sadd.s32 $0x2, s18;
	s10 =	rddreg [dreg:$0x4];
	[tilespmem:$0x210] =	vst v3  }
0x85: {  	s16 =	sadd.s32 $0x200, s16;
	p0 =	sge.u32 s18, s10;
	[tilespmem:$0x230] =	vst v63  }
0x86: {  	s11 =	sadd.s32 $0x1, s18;
	s10 =	sadd.s32 @!p0 $0xFFFFFF00, s16;
	[tilespmem:$0x250] =	vst v0  }
0x87: {  	s20 =	smov.u32 s13;
	p2 =	sge.u32 s11, s7;
	s9 =	sshrl.u32 @!p0 s10, $0x3;
	[tilespmem:$0x260] =	vst v1  }
0x88: {  	s15 =	simm.s32 @!p0 $0x0;
	s10 =	simm.s32 @!p2 $0x2;
	s9 =	sadd.s32 @!p0 s6, s9;
	[tilespmem:$0x270] =	vst v2  }
0x89: {  	[tilespmem:s15], [sflag:$0x1] =	stream.linear.gather @!p0 [hbm4b:s9+s15], $0x100, $0x38;
	[tilespmem:$0x1C300] =	vst v63  }
0x8a: {  	p3 =	seq.s32 @!p2 s20, $0x0;
	_ =	swait.ge @!p2 [sflag:s10], $0x100  }
0x8b: {  	p3 =	por p3, p2;
	[sflag:s10] =	ssyncset.done @!p2 $0x0  }
0x8c: {  	s11 =	simm.s32 @!p3 $0x6;
	[sflag:s10] =	ssyncadd.s32 @!p2 $0xFFFFFF00  }
0x8d: {  	_ =	swait.ge @!p3 [sflag:s11], $0x4000  }
0x8e: {  	s9 =	simm.s32 @!p2 $0x100;
	[sflag:s11] =	ssyncset.done @!p3 $0x0  }
0x8f: {  	s10 =	simm.s32 @!p2 $0x4300;
	[sflag:s11] =	ssyncadd.s32 @!p3 $0xFFFFC000;
	s11 =	simm.s32 @!p2 $0x80  }
0x90: {  	[tilespmem:s10], [sflag:$0x4] =	stream.indirect.gather @!p2 [hbm4b:s5+s11], $0x80, s9, s11, $0xb8;
	[tilespmem:$0x1C300] =	vst v63  }
0x91: {  	s13 =	sadd.s32 $0xFFFFFFFF, s13;
	s21 =	rddreg [dreg:$0x5]  }
0x92: {  	[spmem:s2] =	stream.indirect.scatter.add.f32 [tilespmem:s24], [sflag:$0x5], $0x80, s21, s8, $0xb8;
	[tilespmem:$0x1C300] =	vst v63  }
0x93: {  	p1 =	sne.s32 s22, s13;
	_ =	swait.ge [sflag:s30], $0x4000  }
.Ltmp1:
0x94: {  	[sflag:s30] =	ssyncset.done $0x0;
	(pc) =	sbr.rel @p1 .LBB2_2-.Ltmp1, $4  }
0x95: {  	[sflag:s30] =	ssyncadd.s32 $0xFFFFC000  }
0x96: {  	v2 =	vld [tilespmem:$0x180]  }
0x97: {  	v1 =	vld [tilespmem:$0x1F0]  }
0x98: {  	s17 =	smov.u32 s18;
	s23 =	smov.u32 s16;
	v0 =	vld [tilespmem:$0x1E0]  }
.LBB2_3:
0x99: {  	v3 =	vld [tilespmem:$0x190]  }
0x9a: {  	v4 =	vld [tilespmem:$0x1B0]  }
0x9b: {  	v62 =	vld [tilespmem:$0x1D0];
	[tilespmem:$0x280] =	vst v2  }
0x9c: {  	v5 =	vld [tilespmem:$0x1A0];
	[tilespmem:$0x2F0] =	vst v1  }
0x9d: {  	v63 =	vld [tilespmem:$0x1C0];
	[tilespmem:$0x2E0] =	vst v0  }
0x9e: {  	[tilespmem:$0x290] =	vst v3  }
0x9f: {  	s9 =	rddreg [dreg:$0x6];
	[tilespmem:$0x2B0] =	vst v4  }
0xa0: {  	p1 =	sge.u32 s17, s9;
	[tilespmem:$0x2D0] =	vst v62  }
0xa1: {  	s9 =	sshrl.u32 @!p1 s23, $0x3;
	[tilespmem:$0x2A0] =	vst v5  }
0xa2: {  	s10 =	simm.s32 @!p1 $0x0;
	s11 =	simm.s32 @!p1 $0x100;
	s9 =	sadd.s32 @!p1 s6, s9;
	[tilespmem:$0x2C0] =	vst v63  }
0xa3: {  	[tilespmem:s11], [sflag:$0x2] =	stream.linear.gather @!p1 [hbm4b:s9+s10], $0x100, $0x38;
	[tilespmem:$0x1C300] =	vst v63  }
0xa4: {  	s9 =	simm.s32 @!p0 $0x1  }
0xa5: {  	_ =	swait.ge @!p0 [sflag:s9], $0x100  }
0xa6: {  	[sflag:s9] =	ssyncset.done @!p0 $0x0  }
0xa7: {  	s10 =	simm.s32 @!p0 $0x5;
	[sflag:s9] =	ssyncadd.s32 @!p0 $0xFFFFFF00  }
0xa8: {  	_ =	swait.ge @!p0 [sflag:s10], $0x4000  }
0xa9: {  	[sflag:s10] =	ssyncset.done @!p0 $0x0  }
0xaa: {  	s9 =	simm.s32 @!p0 $0x80;
	[sflag:s10] =	ssyncadd.s32 @!p0 $0xFFFFC000;
	s10 =	simm.s32 @!p0 $0x300  }
0xab: {  	[tilespmem:s10], [sflag:$0x3] =	stream.indirect.gather @!p0 [hbm4b:s5+s9], $0x80, s15, s9, $0xb8;
	[tilespmem:$0x1C300] =	vst v63  }
0xac: {  	_ = 	snop  }
0xad: {  	[spmem:s2] =	stream.indirect.scatter.add.f32 [tilespmem:s0], [sflag:$0x6], $0x80, s31, s8, $0xb8;
	[tilespmem:$0x1C300] =	vst v63  }
0xae: {  	_ =	swait.ge [sflag:s4], $0x4000  }
0xaf: {  	[sflag:s4] =	ssyncset.done $0x0  }
0xb0: {  	[sflag:s4] =	ssyncadd.s32 $0xFFFFC000  }
0xb1: {  	_ =	swait.ge [sflag:s1], $0x4000  }
0xb2: {  	[sflag:s1] =	ssyncset.done $0x0  }
0xb3: {  	[sflag:s1] =	ssyncadd.s32 $0xFFFFC000  }
0xb4: {  	[bflag:$0x0] =	sbarrier.arrive $0xFFFF  }
0xb5: {  	[tilespmem:s24], [sflag:$0x3] =	stream.linear.gather [spmem:s12], $0x4000, $0x38;
	[tilespmem:$0x1C300] =	vst v63  }
0xb6: {  	_ =	swait.ge [sflag:s29], $0x4000  }
0xb7: {  	[sflag:s29] =	ssyncset.done $0x0  }
0xb8: {  	s13 =	rddreg [dreg:$0xc];
	[sflag:s29] =	ssyncadd.s32 $0xFFFFC000  }
0xb9: {  	[hbm4b:s13+s3] =	stream.linear.scatter [tilespmem:s24], [sflag:$0x5], $0x4000, $0x38;
	[tilespmem:$0x1C300] =	vst v63  }
0xba: {  	_ = 	snop  }
0xbb: {  	[tilespmem:s0], [sflag:$0x4] =	stream.linear.gather [spmem:s14], $0x4000, $0x38;
	[tilespmem:$0x1C300] =	vst v63  }
0xbc: {  	_ =	swait.ge [sflag:s30], $0x4000  }
0xbd: {  	[sflag:s30] =	ssyncset.done $0x0  }
0xbe: {  	s15 =	rddreg [dreg:$0xd];
	[sflag:s30] =	ssyncadd.s32 $0xFFFFC000  }
0xbf: {  	[hbm4b:s15+s3] =	stream.linear.scatter [tilespmem:s0], [sflag:$0x6], $0x4000, $0x38;
	[tilespmem:$0x1C300] =	vst v63  }
0xc0: {  	_ =	swait.ge [sflag:s4], $0x4000  }
0xc1: {  	[sflag:s4] =	ssyncset.done $0x0  }
0xc2: {  	s21 =	rddreg [dreg:$0x7];
	[sflag:s4] =	ssyncadd.s32 $0xFFFFC000  }
0xc3: {  	[tilespmem:s24], [sflag:$0x3] =	stream.linear.gather [spmem:s21], $0x4000, $0x38;
	[tilespmem:$0x1C300] =	vst v63  }
0xc4: {  	_ =	swait.ge [sflag:s29], $0x4000  }
0xc5: {  	[sflag:s29] =	ssyncset.done $0x0  }
0xc6: {  	s16 =	rddreg [dreg:$0xe];
	[sflag:s29] =	ssyncadd.s32 $0xFFFFC000  }
0xc7: {  	[hbm4b:s16+s3] =	stream.linear.scatter [tilespmem:s24], [sflag:$0x5], $0x4000, $0x38;
	[tilespmem:$0x1C300] =	vst v63  }
0xc8: {  	_ =	swait.ge [sflag:s1], $0x4000  }
0xc9: {  	[sflag:s1] =	ssyncset.done $0x0  }
0xca: {  	s23 =	rddreg [dreg:$0x8];
	[sflag:s1] =	ssyncadd.s32 $0xFFFFC000  }
0xcb: {  	[tilespmem:s0], [sflag:$0x4] =	stream.linear.gather [spmem:s23], $0x4000, $0x38;
	[tilespmem:$0x1C300] =	vst v63  }
0xcc: {  	_ =	swait.ge [sflag:s30], $0x4000  }
0xcd: {  	[sflag:s30] =	ssyncset.done $0x0  }
0xce: {  	s17 =	rddreg [dreg:$0xf];
	[sflag:s30] =	ssyncadd.s32 $0xFFFFC000  }
0xcf: {  	[hbm4b:s17+s3] =	stream.linear.scatter [tilespmem:s0], [sflag:$0x6], $0x4000, $0x38;
	[tilespmem:$0x1C300] =	vst v63  }
0xd0: {  	_ =	swait.ge [sflag:s4], $0x4000  }
0xd1: {  	[sflag:s4] =	ssyncset.done $0x0  }
0xd2: {  	s13 =	rddreg [dreg:$0xa];
	[sflag:s4] =	ssyncadd.s32 $0xFFFFC000  }
0xd3: {  	[tilespmem:s24], [sflag:$0x3] =	stream.linear.gather [spmem:s13], $0x4000, $0x38;
	[tilespmem:$0x1C300] =	vst v63  }
0xd4: {  	_ =	swait.ge [sflag:s29], $0x4000  }
0xd5: {  	[sflag:s29] =	ssyncset.done $0x0  }
0xd6: {  	s18 =	rddreg [dreg:$0x10];
	[sflag:s29] =	ssyncadd.s32 $0xFFFFC000  }
0xd7: {  	[hbm4b:s18+s3] =	stream.linear.scatter [tilespmem:s24], [sflag:$0x5], $0x4000, $0x38;
	[tilespmem:$0x1C300] =	vst v63  }
0xd8: {  	_ =	swait.ge [sflag:s4], $0x4000  }
0xd9: {  	[sflag:s4] =	ssyncset.done $0x0  }
0xda: {  	[sflag:s4] =	ssyncadd.s32 $0xFFFFC000  }
0xdb: {  	_ =	swait.ge [sflag:s1], $0x4000  }
0xdc: {  	s28 =	sadd.s32 $0x1, s28;
	s20 =	rddreg [dreg:$0x11]  }
0xdd: {  	p0 =	sne.s32 s28, s20  }
.Ltmp2:
0xde: {  	_ = 	snop;
	(pc) =	sbr.rel @p0 .LBB2_1-.Ltmp2, $3  }
0xdf: {  	_ =	sdelay $0x1  }
0xe0: {  	[sflag:s1] =	ssyncset.done $0x0  }
0xe1: {  	s11 =	smov.u32 s14;
	s10 =	smov.u32 s12;
	[sflag:s1] =	ssyncadd.s32 $0xFFFFC000  }
0xe2: {  	_ =	sfence.sel $0x180000  }
0xe3: {  	[bflag:$0x0] =	sbarrier.arrive $0xFFFF  }
0xe4: {  	_ =	strace $0x90000050  }
0xe5: {  	s0 =	stileid.u32;
	[bflag:$0x2] =	sbarrier.arrive $0xFFFF  }
0xe6: {  	p0 =	sne.s32 s0, $0x0;
	s0 =	rddreg [dreg:$0x3]  }
0xe7: {  	s0 =	sadd.s32 @!p0 $0x100000, s0  }
0xe8: {  	[sflag:s0] =	ssyncadd.tile.s32 @!p0 $0x1;
	_ =	shalt  }
.Lfunc_end2:
_tile_overlayer_lowered:
.L_overlay_start_2:
0xe9: {  	(tag) =	ssettag $0x2  }
0xea: {  	s0 =	rddreg [dreg:$0x0];
	s2 =	stileid.u32  }
0xeb: {  	s1 =	rddreg [dreg:$0x1];
	p0 =	sne.s32 s2, $0x0  }
0xec: {  	s3 =	rddreg [dreg:$0x2];
	[bflag:$0x3] =	sbarrier.arrive $0xFFFF;
	s2 =	simm.s32 @!p0 $0x1C07  }
0xed: {  	[timem:s3], [sflag:s2] =	dma.local @!p0 [hbm:s0], s1  }
0xee: {  	s0 =	simm.s32 @!p0 $0x7  }
0xef: {  	_ =	swait.ge @!p0 [sflag:s0], s1  }
0xf0: {  	s1 =	ssub.s32 @!p0 $0x0, s1;
	[sflag:s0] =	ssyncset.done @!p0 $0x0  }
0xf1: {  	[sflag:s0] =	ssyncadd.s32 @!p0 s1  }
0xf2: {  	[bflag:$0x3] =	sbarrier.arrive $0xFFFF  }
0xf3: {  	_ =	shalt  }

// kernel: kernel.29.cloned.1.call-start
scs
__scs_entry_jumppad:
0x0: {  	(pc) =	sbr.rel $0x88, $3  }
0x1: {  	(tag) =	ssettag $0x0;
	lr =	simm.s32 $0x1  }
0x2: {  	[smem:$0x3F94] =	sst lr;
	_ =	strace $0xD0000000  }
0x3: {  	_ = 	snop  }
0x4: {  	_ = 	snop  }
0x5: {  	_ = 	snop  }
0x6: {  	_ = 	snop  }
0x7: {  	_ = 	snop  }
__scs_overlays_trampoline_lowered:
0x8: {  	[smem:$0x3FA3] =	sst s0  }
0x9: {  	[smem:$0x3FA4] =	sst s1  }
0xa: {  	[smem:$0x3FA5] =	sst s2  }
0xb: {  	[smem:$0x3FA6] =	sst s3  }
0xc: {  	[smem:$0x3FA7] =	sst s4  }
0xd: {  	[smem:$0x3FA8] =	sst s5  }
0xe: {  	[smem:$0x3FA9] =	sst s6  }
0xf: {  	[smem:$0x3FAA] =	sst s7  }
0x10: {  	[smem:$0x3FAB] =	sst s8  }
0x11: {  	[smem:$0x3FAC] =	sst s9;
	s0 =	simm.s32 @!p0 $0x0  }
0x12: {  	s1 =	sld [smem:$0x3F92];
	s0 =	simm.s32 @p0 $0x1  }
0x13: {  	[smem:$0x3FAD] =	sst s0;
	s0 =	simm.s32 @!p1 $0x0  }
0x14: {  	s2 =	sld [smem:$0x3F91];
	s0 =	simm.s32 @p1 $0x1  }
0x15: {  	[smem:$0x3FAE] =	sst s0;
	s0 =	simm.s32 @!p2 $0x0  }
0x16: {  	s3 =	sld [smem:$0x3FDB];
	s0 =	simm.s32 @p2 $0x1  }
0x17: {  	s4 =	simm.s32 $0x1BF5;
	[smem:$0x3FB0] =	sst s0  }
0x18: {  	s0 =	sld [smem:$0x3F93];
	_ =	swait.ge [sflag:s4], $0x0  }
0x19: {  	s7 =	sld [smem:$0x3F94]  }
0x1a: {  	s8 =	sadd.s32 $0xFFFFE003, lr  }
0x1b: {  	s9 =	sadd.s32 $0xFFFFFEF7, lr;
	s5 =	simm.s32 $0xFFFFFFFF;
	p2 =	slt.u32 s8, $0xFFFFF086  }
0x1c: {  	p1 =	slt.u32 s9, $0xF7A;
	s5 =	simm.s32 @!p2 $0x0  }
0x1d: {  	s5 =	simm.s32 @p1 $0x1;
	p0 =	seq.s32 s7, s2  }
0x1e: {  	s7 =	smul.u32 @!p0 $0xF7A, s2;
	p2 =	seq.s32 @!p0 s5, $0x0  }
0x1f: {  	s9 =	smul.u32 $0xF7A, s1;
	s8 =	simm.s32 @!p0 $0x1BF5;
	p2 =	por !p2, p0  }
0x20: {  	[sflag:s8] =	ssyncset.s32 @!p0 $0xFFFFF086;
	s6 =	sadd.s32 @!p0 s3, s7;
	s7 =	simm.s32 @!p0 $0x108  }
0x21: {  	s3 =	sadd.s32 s3, s9;
	s6 =	sadd.s32 @!p0 $0x88, s6;
	s7 =	simm.s32 @p2 $0x1082  }
0x22: {  	[simem:s7], [sflag:s8] =	dma.local @!p0 [hbm:s6], $0xF7A  }
0x23: {  	s9 =	sor.u32 $0xD0000000, s2;
	s6 =	simm.s32 $0x108;
	_ =	swait.ge @!p0 [sflag:s8], $0x0  }
0x24: {  	s3 =	sadd.s32 $0x88, s3;
	s6 =	simm.s32 @!p1 $0x1082;
	[sflag:s4] =	ssyncset.s32 $0xFFFFF086  }
0x25: {  	[simem:s6], [sflag:s4] =	dma.local [hbm:s3], $0xF7A  }
0x26: {  	[smem:$0x3F94] =	sst s1;
	(tag) =	ssettag s2;
	_ =	strace s9  }
0x27: {  	s1 =	sld [smem:$0x3FA4]  }
0x28: {  	s2 =	sld [smem:$0x3FA5]  }
0x29: {  	s4 =	sld [smem:$0x3FA7]  }
0x2a: {  	p0 =	seq.s32 s5, $0x0;
	s5 =	sld [smem:$0x3FA8]  }
0x2b: {  	s6 =	sld [smem:$0x3FA9]  }
0x2c: {  	s7 =	sld [smem:$0x3FAA]  }
0x2d: {  	s3 =	simm.s32 $0x108;
	s8 =	sld [smem:$0x3FAB]  }
0x2e: {  	s3 =	simm.s32 @!p0 $0x1082;
	s9 =	sld [smem:$0x3FAC]  }
0x2f: {  	lr =	sadd.s32 s0, s3;
	s0 =	sld [smem:$0x3FA3]  }
0x30: {  	s3 =	sld [smem:$0x3FA6]  }
0x31: {  	[smem:$0x3FAF] =	sst s10  }
0x32: {  	s10 =	sld [smem:$0x3FAD];
	_ =	sdelay $0x3  }
0x33: {  	p0 =	seq.s32 s10, $0x1;
	s10 =	sld [smem:$0x3FAF];
	_ =	sdelay $0x3  }
0x34: {  	[smem:$0x3FAF] =	sst s10  }
0x35: {  	s10 =	sld [smem:$0x3FAE];
	_ =	sdelay $0x3  }
0x36: {  	p1 =	seq.s32 s10, $0x1;
	s10 =	sld [smem:$0x3FAF];
	_ =	sdelay $0x3  }
0x37: {  	[smem:$0x3FAF] =	sst s10  }
0x38: {  	s10 =	sld [smem:$0x3FB0]  }
0x39: {  	_ = 	snop;
	(pc) =	sbr.ind lr, $3  }
0x3a: {  	_ = 	snop  }
0x3b: {  	_ = 	snop  }
0x3c: {  	p2 =	seq.s32 s10, $0x1;
	s10 =	sld [smem:$0x3FAF]  }
0x3d: {  	_ =	shalt  }
0x3e: {  	_ =	shalt  }
0x3f: {  	_ =	shalt  }
0x40: {  	_ =	shalt  }
0x41: {  	_ =	shalt  }
0x42: {  	_ =	shalt  }
0x43: {  	_ =	shalt  }
0x44: {  	_ =	shalt  }
0x45: {  	_ =	shalt  }
0x46: {  	_ =	shalt  }
0x47: {  	_ =	shalt  }
0x48: {  	_ =	shalt  }
0x49: {  	_ =	shalt  }
0x4a: {  	_ =	shalt  }
0x4b: {  	_ =	shalt  }
0x4c: {  	_ =	shalt  }
0x4d: {  	_ =	shalt  }
0x4e: {  	_ =	shalt  }
0x4f: {  	_ =	shalt  }
0x50: {  	_ =	shalt  }
0x51: {  	_ =	shalt  }
0x52: {  	_ =	shalt  }
0x53: {  	_ =	shalt  }
0x54: {  	_ =	shalt  }
0x55: {  	_ =	shalt  }
0x56: {  	_ =	shalt  }
0x57: {  	_ =	shalt  }
0x58: {  	_ =	shalt  }
0x59: {  	_ =	shalt  }
0x5a: {  	_ =	shalt  }
0x5b: {  	_ =	shalt  }
0x5c: {  	_ =	shalt  }
0x5d: {  	_ =	shalt  }
0x5e: {  	_ =	shalt  }
0x5f: {  	_ =	shalt  }
0x60: {  	_ =	shalt  }
0x61: {  	_ =	shalt  }
0x62: {  	_ =	shalt  }
0x63: {  	_ =	shalt  }
0x64: {  	_ =	shalt  }
0x65: {  	_ =	shalt  }
0x66: {  	_ =	shalt  }
0x67: {  	_ =	shalt  }
0x68: {  	_ =	shalt  }
0x69: {  	_ =	shalt  }
0x6a: {  	_ =	shalt  }
0x6b: {  	_ =	shalt  }
0x6c: {  	_ =	shalt  }
0x6d: {  	_ =	shalt  }
0x6e: {  	_ =	shalt  }
0x6f: {  	_ =	shalt  }
0x70: {  	_ =	shalt  }
0x71: {  	_ =	shalt  }
0x72: {  	_ =	shalt  }
0x73: {  	_ =	shalt  }
0x74: {  	_ =	shalt  }
0x75: {  	_ =	shalt  }
0x76: {  	_ =	shalt  }
0x77: {  	_ =	shalt  }
0x78: {  	_ =	shalt  }
0x79: {  	_ =	shalt  }
0x7a: {  	_ =	shalt  }
0x7b: {  	_ =	shalt  }
0x7c: {  	_ =	shalt  }
0x7d: {  	_ =	shalt  }
0x7e: {  	_ =	shalt  }
0x7f: {  	_ =	shalt  }
0x80: {  	_ =	shalt  }
0x81: {  	_ =	shalt  }
0x82: {  	_ =	shalt  }
0x83: {  	_ =	shalt  }
0x84: {  	_ =	shalt  }
0x85: {  	_ =	shalt  }
0x86: {  	_ =	shalt  }
0x87: {  	_ =	shalt  }
.Lfunc_end0:
.L_simem_size_0:
called_computation.4_lowered:
.L_overlay_start_0:
0x88: {  	s2 =	sld [smem:$0x3FD9]  }
0x89: {  	s3 =	sld [smem:$0x3FFE];
	_ =	sdelay $0x1  }
0x8a: {  	s1 =	srdreg.scid  }
0x8b: {  	s0 =	sand.u32 $0x1, s1  }
0x8c: {  	s17 =	sshll.u32 s0, $0xA;
	s2 =	sadd.s32 s3, s2  }
0x8d: {  	s2 =	sadd.s32 s2, s17  }
0x8e: {  	[smem:$0x3FBB] =	sst s2  }
0x8f: {  	_ = 	snop  }
0x90: {  	s2 =	sld [smem:$0x3FD0];
	(tm) =	ssettm $0x1  }
0x91: {  	s18 =	sld [smem:$0x3FFB];
	_ =	sdelay $0x3  }
0x92: {  	_ =	strace s18  }
0x93: {  	s3 =	sld [smem:$0x3FFC];
	_ =	sdelay $0x3  }
0x94: {  	_ =	strace s3  }
0x95: {  	s3 =	sld [smem:$0x3FFD];
	_ =	sdelay $0x3  }
0x96: {  	_ =	strace s3  }
0x97: {  	_ =	strace $0x8FFFFFFF  }
0x98: {  	s19 =	sld [smem:$0x3FDB];
	_ =	sdelay $0x1  }
0x99: {  	s4 =	simm.s32 $_scs_section_size  }
0x9a: {  	s5 =	simm.s32 $_size__tile_overlayer_lowered;
	s6 =	simm.s32 $_tile_overlayer_lowered  }
0x9b: {  	s22 =	simm.s32 $0x1BFF;
	s21 =	sshll.u32 s6, $0x1;
	s3 =	sadd.s32 s4, s19  }
0x9c: {  	s7 =	simm.s32 $0x0;
	s20 =	sshll.u32 s5, $0x1;
	s5 =	sadd.s32 s21, s3  }
0x9d: {  	[timem:s7], [sflag:s22] =	dma.local [hbm:s5], s20  }
0x9e: {  	_ =	swait.ge [sflag:s22], s20  }
0x9f: {  	s4 =	ssub.s32 $0x0, s20;
	[sflag:s22] =	ssyncset.done $0x0  }
0xa0: {  	[sflag:s22] =	ssyncadd.s32 s4;
	_ =	sdelay $0x1  }
0xa1: {  	s23 =	simm.s32 $0x1B8B  }
0xa2: {  	_ =	swait.ge [sflag:s23], $0x1  }
0xa3: {  	[sflag:s23] =	ssyncset.done $0x0  }
0xa4: {  	s25 =	simm.s32 $0x1B8E;
	s24 =	sld [smem:$0x3FFE];
	[sflag:s23] =	ssyncadd.s32 $0xFFFFFFFF  }
0xa5: {  	s26 =	simm.s32 $execute0_lowered;
	[smem:$0x3FD2] =	sst s25  }
0xa6: {  	s5 =	sshll.u32 s26, $0x1;
	_ =	strace $0x80000052;
	[dreg:$0x1] =	wrdreg $0xFFFFFFFF  }
0xa7: {  	s28 =	simm.s32 $_size_execute0_lowered;
	s3 =	sadd.s32 s3, s5;
	[dreg:$0x0] =	wrdreg $0x0  }
0xa8: {  	s5 =	sshll.u32 s28, $0x1;
	[dreg:$0x2] =	wrdreg s3  }
0xa9: {  	[dreg:$0x3] =	wrdreg s5  }
0xaa: {  	[dreg:$0x4] =	wrdreg $0xC0  }
0xab: {  	_ =	task [dreg:s7], $0x5FFFF  }
0xac: {  	[dreg:$0x1] =	wrdreg $0xFFFFFFFF  }
0xad: {  	[dreg:$0x0] =	wrdreg $0x60  }
0xae: {  	[dreg:$0x2] =	wrdreg s24  }
0xaf: {  	[dreg:$0x3] =	wrdreg s2  }
0xb0: {  	[dreg:$0x4] =	wrdreg $0x83000  }
0xb1: {  	[dreg:$0x5] =	wrdreg $0x9  }
0xb2: {  	_ =	task.clear_ibuf [dreg:s7], $0x6FFFF;
	_ =	strace $0x90000052  }
0xb3: {  	s29 =	simm.s32 $0x9;
	_ =	strace $0x80000054  }
0xb4: {  	_ =	swait.ge [sflag:s29], $0x1  }
0xb5: {  	[sflag:s29] =	ssyncadd.s32 $0xFFFFFFFF  }
0xb6: {  	_ =	strace $0x90000054  }
0xb7: {  	_ =	sfence  }
0xb8: {  	s30 =	sld [smem:$0x0];
	_ =	sdelay $0x2  }
0xb9: {  	s31 =	sshll.u32 s1, $0xD;
	s1 =	sshrl.u32 s1, $0x2  }
0xba: {  	s3 =	sand.u32 $0x4000, s31;
	s1 =	sadd.s32 s1, s30  }
0xbb: {  	s0 =	sor.u32 s3, s0;
	s1 =	sshll.u32 s1, $0x11  }
0xbc: {  	s0 =	sor.u32 s1, s0  }
0xbd: {  	s0 =	sadd.s32 $0x8F2B, s0  }
0xbe: {  	[sflag:s0] =	ssyncadd.remote.s32 $0x1  }
0xbf: {  	_ =	sfence.sel $0xFFFF  }
0xc0: {  	[dreg:$0x0] =	wrdreg $0xFFFFFFFF;
	(pc) =	sbr.abs _section_cstart, $3  }
0xc1: {  	[dreg:$0x1] =	wrdreg $0xFFFFFFFF  }
0xc2: {  	_ =	task.clear_ibuf [dreg:s7], $0x2FFFF;
	_ =	strace $0x9FFFFFFF  }
0xc3: {  	(tm) =	ssettm $0x7FFFFFFF  }
tec
execute0_lowered:
.L_overlay_start_1:
0x0: {  	(tag) =	ssettag $0x1  }
0x1: {  	s0 =	rddreg [dreg:$0x0]  }
0x2: {  	s2 =	rddreg [dreg:$0x2]  }
0x3: {  	s3 =	simm.s32 $0x0;
	s1 =	srdreg.scid;
	s11 =	stileid.u32  }
0x4: {  	s29 =	simm.s32 $0x3;
	s30 =	simm.s32 $0x4;
	s31 =	simm.s32 $0x280  }
0x5: {  	s28 =	simm.s32 $0x0;
	[smem:$0x7FF] =	sst s3;
	s1 =	sand.u32 $0x1, s1  }
0x6: {  	s5 =	sadd.s32 $0x25600, s0;
	s6 =	sadd.s32 $0x11A00, s0;
	s8 =	smul.u32 $0x1E, s11  }
0x7: {  	s0 =	sadd.s32 $0x4C800, s0;
	s9 =	smul.u32 $0x50000, s11;
	s10 =	sshll.u32 s11, $0x7  }
0x8: {  	s15 =	smul.u32 $0x14000, s11;
	_ =	strace $0x80000053;
	s4 =	ssub.s32 $0x2, s1  }
0x9: {  	p0 =	seq.s32 s1, $0x0;
	s1 =	smul.u32 $0x140000, s1;
	s7 =	sshrl.u32 s4, $0x1  }
0xa: {  	s13 =	sor.u32 $0x800, s8;
	s8 =	simm.s32 $0x80;
	s9 =	sshrl.u32 s9, $0x2  }
0xb: {  	s16 =	sadd.s32 $0x4000, s15;
	s17 =	sadd.s32 $0x8000, s15;
	s18 =	sadd.s32 $0xC000, s15  }
0xc: {  	s19 =	sadd.s32 $0x10000, s15;
	s4 =	ssub.s32 s4, s7;
	s7 =	simm.s32 $0x80  }
0xd: {  	s13 =	smov.u32 @p0 s10;
	s10 =	sadd.s32 s9, s2;
	s11 =	sadd.s32 s16, s2  }
0xe: {  	s21 =	sadd.s32 s17, s2;
	s23 =	sadd.s32 s18, s2;
	s12 =	sadd.s32 s19, s2  }
0xf: {  	s15 =	sadd.s32 s15, s1;
	s16 =	sadd.s32 s1, s16;
	s25 =	sadd.s32 s1, s17  }
0x10: {  	s7 =	simm.s32 @!p0 $0x1E;
	s14 =	sshll.u32 s13, $0x5;
	[dreg:$0x7] =	wrdreg s21  }
0x11: {  	s15 =	sshrl.u32 s15, $0x3;
	s24 =	sshrl.u32 s16, $0x3;
	[dreg:$0x8] =	wrdreg s23  }
0x12: {  	s20 =	sadd.s32 s6, s14;
	s22 =	sadd.s32 s0, s15;
	s26 =	sadd.s32 s0, s24  }
0x13: {  	s14 =	sadd.s32 s1, s18;
	s1 =	sadd.s32 s1, s19;
	[dreg:$0x9] =	wrdreg s20  }
0x14: {  	s19 =	sadd.s32 $0xFFFFFFFE, s7;
	s24 =	smax.u32 s4, $0x1;
	[dreg:$0xc] =	wrdreg s22  }
0x15: {  	s4 =	simm.s32 $0x5;
	s9 =	sadd.s32 $0x20, s20;
	[dreg:$0xd] =	wrdreg s26  }
0x16: {  	s20 =	sshrl.u32 s7, $0x1;
	s17 =	sshrl.u32 s14, $0x3;
	[dreg:$0x4] =	wrdreg s19  }
0x17: {  	s1 =	sshrl.u32 s1, $0x3;
	s22 =	sadd.s32 $0xFFFFFFFD, s7;
	[dreg:$0x11] =	wrdreg s24  }
0x18: {  	s26 =	simm.s32 $0x200;
	s24 =	simm.s32 $0x300;
	[dreg:$0xb] =	wrdreg s9  }
0x19: {  	s9 =	sshrl.u32 s25, $0x3;
	s18 =	sadd.s32 s0, s17;
	[dreg:$0x6] =	wrdreg s22  }
0x1a: {  	s25 =	sshll.u32 s13, $0x8;
	s13 =	smov.u32 s12;
	[dreg:$0x5] =	wrdreg s26  }
0x1b: {  	s22 =	ssub.s32 $0x0, s20;
	s26 =	simm.s32 $0x1;
	[dreg:$0xf] =	wrdreg s18  }
0x1c: {  	s15 =	sadd.s32 s0, s9;
	s0 =	sadd.s32 s0, s1;
	[dreg:$0xa] =	wrdreg s13  }
0x1d: {  	s19 =	sadd.s32 $0x300, s25;
	s25 =	simm.s32 $0x7;
	[dreg:$0xe] =	wrdreg s15  }
0x1e: {  	s1 =	simm.s32 $0x6;
	[dreg:$0x10] =	wrdreg s0;
	s0 =	simm.s32 $0x4300  }
.LBB2_1:
0x1f: {  	s9 =	rddreg [dreg:$0x1]  }
0x20: {  	[tilespmem:s24], [sflag:$0x7] =	stream.linear.gather [hbm4b:s9+s3], $0x4000, $0x38;
	[tilespmem:$0x1C300] =	vst v63  }
0x21: {  	_ =	swait.ge [sflag:s25], $0x4000  }
0x22: {  	[sflag:s25] =	ssyncset.done $0x0  }
0x23: {  	[sflag:s25] =	ssyncadd.s32 $0xFFFFC000  }
0x24: {  	[spmem:s10] =	stream.linear.scatter [tilespmem:s24], [sflag:$0x1], $0x4000, $0x38;
	[tilespmem:$0x1C300] =	vst v63  }
0x25: {  	_ = 	snop  }
0x26: {  	[spmem:s11] =	stream.linear.scatter [tilespmem:s24], [sflag:$0x1], $0x4000, $0x38;
	[tilespmem:$0x1C300] =	vst v63  }
0x27: {  	_ = 	snop  }
0x28: {  	[spmem:s21] =	stream.linear.scatter [tilespmem:s24], [sflag:$0x1], $0x4000, $0x38;
	[tilespmem:$0x1C300] =	vst v63  }
0x29: {  	_ = 	snop  }
0x2a: {  	[spmem:s23] =	stream.linear.scatter [tilespmem:s24], [sflag:$0x1], $0x4000, $0x38;
	[tilespmem:$0x1C300] =	vst v63  }
0x2b: {  	_ = 	snop  }
0x2c: {  	[spmem:s13] =	stream.linear.scatter [tilespmem:s24], [sflag:$0x1], $0x4000, $0x38;
	[tilespmem:$0x1C300] =	vst v63  }
0x2d: {  	_ =	swait.ge [sflag:s26], $0x4000  }
0x2e: {  	[sflag:s26] =	ssyncset.done $0x0  }
0x2f: {  	[sflag:s26] =	ssyncadd.s32 $0xFFFFC000  }
0x30: {  	_ =	swait.ge [sflag:s26], $0x4000  }
0x31: {  	[sflag:s26] =	ssyncset.done $0x0  }
0x32: {  	[sflag:s26] =	ssyncadd.s32 $0xFFFFC000  }
0x33: {  	_ =	swait.ge [sflag:s26], $0x4000  }
0x34: {  	[sflag:s26] =	ssyncset.done $0x0  }
0x35: {  	[sflag:s26] =	ssyncadd.s32 $0xFFFFC000  }
0x36: {  	_ =	swait.ge [sflag:s26], $0x4000  }
0x37: {  	[sflag:s26] =	ssyncset.done $0x0  }
0x38: {  	[sflag:s26] =	ssyncadd.s32 $0xFFFFC000  }
0x39: {  	_ =	swait.ge [sflag:s26], $0x4000  }
0x3a: {  	[sflag:s26] =	ssyncset.done $0x0  }
0x3b: {  	[sflag:s26] =	ssyncadd.s32 $0xFFFFC000  }
0x3c: {  	[bflag:$0x0] =	sbarrier.arrive $0xFFFF  }
0x3d: {  	s18 =	rddreg [dreg:$0x9]  }
0x3e: {  	[tilespmem:s3], [sflag:$0x7] =	stream.linear.gather [hbm4b:s18+s3], $0x100, $0x38;
	[tilespmem:$0x1C300] =	vst v63  }
0x3f: {  	_ =	swait.ge [sflag:s25], $0x100  }
0x40: {  	[sflag:s25] =	ssyncset.done $0x0  }
0x41: {  	s21 =	simm.s32 $0x100;
	s20 =	rddreg [dreg:$0xb];
	[sflag:s25] =	ssyncadd.s32 $0xFFFFFF00  }
0x42: {  	[tilespmem:s21], [sflag:$0x2] =	stream.linear.gather [hbm4b:s20+s3], $0x100, $0x38;
	[tilespmem:$0x1C300] =	vst v63  }
0x43: {  	_ = 	snop  }
0x44: {  	[tilespmem:s24], [sflag:$0x3] =	stream.indirect.gather [hbm4b:s5+s8], $0x80, s3, s8, $0xb8;
	[tilespmem:$0x1C300] =	vst v63  }
0x45: {  	_ =	swait.ge [sflag:s29], $0x4000  }
0x46: {  	[sflag:s29] =	ssyncset.done $0x0  }
0x47: {  	[sflag:s29] =	ssyncadd.s32 $0xFFFFC000  }
0x48: {  	v0 =	vld [tilespmem:$0xC0]  }
0x49: {  	v1 =	vld [tilespmem:$0x80]  }
0x4a: {  	v2 =	vld [tilespmem:$0xA0]  }
0x4b: {  	v3 =	vld [tilespmem:$0x90]  }
0x4c: {  	v4 =	vld [tilespmem:$0xB0]  }
0x4d: {  	[tilespmem:$0x240] =	vst v0;
	v0 =	vld [tilespmem:$0xD0]  }
0x4e: {  	[tilespmem:$0x200] =	vst v1;
	v1 =	vld [tilespmem:$0xE0]  }
0x4f: {  	[tilespmem:$0x220] =	vst v2;
	v2 =	vld [tilespmem:$0xF0]  }
0x50: {  	s23 =	rddreg [dreg:$0x4];
	[tilespmem:$0x210] =	vst v3  }
0x51: {  	p0 =	sle.u32 s23, $0x0;
	[tilespmem:$0x230] =	vst v4  }
0x52: {  	s13 =	sadd.s32 @!p0 $0xFFFFFF00, s19;
	[tilespmem:$0x250] =	vst v0  }
0x53: {  	p1 =	sle.u32 s7, $0x1;
	s13 =	sshrl.u32 @!p0 s13, $0x3;
	[tilespmem:$0x260] =	vst v1  }
0x54: {  	s16 =	simm.s32 @!p1 $0x2;
	s15 =	simm.s32 @!p0 $0x0;
	s13 =	sadd.s32 @!p0 s6, s13;
	[tilespmem:$0x270] =	vst v2  }
0x55: {  	[tilespmem:s15], [sflag:$0x1] =	stream.linear.gather @!p0 [hbm4b:s13+s15], $0x100, $0x38;
	[tilespmem:$0x1C300] =	vst v63  }
0x56: {  	p2 =	por @!p1 $0x1, $0x1;
	_ =	swait.ge @!p1 [sflag:s16], $0x100  }
0x57: {  	p2 =	por p2, p1;
	[sflag:s16] =	ssyncset.done @!p1 $0x0  }
0x58: {  	s13 =	simm.s32 @!p2 $0x6;
	[sflag:s16] =	ssyncadd.s32 @!p1 $0xFFFFFF00  }
0x59: {  	_ =	swait.ge @!p2 [sflag:s13], $0x4000  }
0x5a: {  	s17 =	simm.s32 @!p1 $0x4300;
	[sflag:s13] =	ssyncset.done @!p2 $0x0  }
0x5b: {  	s16 =	simm.s32 @!p1 $0x100;
	[sflag:s13] =	ssyncadd.s32 @!p2 $0xFFFFC000;
	s13 =	simm.s32 @!p1 $0x80  }
0x5c: {  	[tilespmem:s17], [sflag:$0x4] =	stream.indirect.gather @!p1 [hbm4b:s5+s13], $0x80, s16, s13, $0xb8;
	[tilespmem:$0x1C300] =	vst v63  }
0x5d: {  	s18 =	rddreg [dreg:$0x5]  }
0x5e: {  	[spmem:s2] =	stream.indirect.scatter.add.f32 [tilespmem:s24], [sflag:$0x5], $0x80, s18, s8, $0xb8;
	[tilespmem:$0x1C300] =	vst v63  }
0x5f: {  	p1 =	sne.s32 s22, $0xFFFFFFFF;
	_ =	swait.ge [sflag:s30], $0x4000  }
.Ltmp0:
0x60: {  	[sflag:s30] =	ssyncset.done $0x0;
	(pc) =	sbr.rel @!p1 .LBB2_3-.Ltmp0, $4  }
0x61: {  	[sflag:s30] =	ssyncadd.s32 $0xFFFFC000  }
0x62: {  	s12 =	smov.u32 s10;
	v2 =	vld [tilespmem:$0x180]  }
0x63: {  	s14 =	smov.u32 s11;
	s23 =	smov.u32 s19;
	s13 =	simm.s32 $0xFFFFFFFF;
	v1 =	vld [tilespmem:$0x1F0]  }
0x64: {  	s16 =	smov.u32 s19;
	s17 =	simm.s32 $0x0;
	s18 =	simm.s32 $0x0;
	v0 =	vld [tilespmem:$0x1E0]  }
.LBB2_2:
0x65: {  	v3 =	vld [tilespmem:$0x190]  }
0x66: {  	v4 =	vld [tilespmem:$0x1B0]  }
0x67: {  	v5 =	vld [tilespmem:$0x1A0];
	[tilespmem:$0x280] =	vst v2  }
0x68: {  	v2 =	vld [tilespmem:$0x1D0];
	[tilespmem:$0x2F0] =	vst v1  }
0x69: {  	v1 =	vld [tilespmem:$0x1C0];
	[tilespmem:$0x2E0] =	vst v0  }
0x6a: {  	[tilespmem:$0x290] =	vst v3  }
0x6b: {  	s21 =	rddreg [dreg:$0x6];
	[tilespmem:$0x2B0] =	vst v4  }
0x6c: {  	p2 =	sge.u32 s17, s21;
	[tilespmem:$0x2A0] =	vst v5  }
0x6d: {  	s11 =	simm.s32 @!p0 $0x1;
	s21 =	sshrl.u32 @!p2 s23, $0x3;
	[tilespmem:$0x2D0] =	vst v2  }
0x6e: {  	s9 =	simm.s32 @!p2 $0x0;
	s10 =	simm.s32 @!p2 $0x100;
	s21 =	sadd.s32 @!p2 s6, s21;
	[tilespmem:$0x2C0] =	vst v1  }
0x6f: {  	[tilespmem:s10], [sflag:$0x2] =	stream.linear.gather @!p2 [hbm4b:s21+s9], $0x100, $0x38;
	[tilespmem:$0x1C300] =	vst v63  }
0x70: {  	_ =	swait.ge @!p0 [sflag:s11], $0x100  }
0x71: {  	[sflag:s11] =	ssyncset.done @!p0 $0x0  }
0x72: {  	s9 =	simm.s32 @!p0 $0x5;
	[sflag:s11] =	ssyncadd.s32 @!p0 $0xFFFFFF00  }
0x73: {  	_ =	swait.ge @!p0 [sflag:s9], $0x4000  }
0x74: {  	[sflag:s9] =	ssyncset.done @!p0 $0x0  }
0x75: {  	s10 =	simm.s32 @!p0 $0x80;
	s11 =	simm.s32 @!p0 $0x300;
	[sflag:s9] =	ssyncadd.s32 @!p0 $0xFFFFC000  }
0x76: {  	[tilespmem:s11], [sflag:$0x3] =	stream.indirect.gather @!p0 [hbm4b:s5+s10], $0x80, s15, s10, $0xb8;
	[tilespmem:$0x1C300] =	vst v63  }
0x77: {  	_ = 	snop  }
0x78: {  	[spmem:s2] =	stream.indirect.scatter.add.f32 [tilespmem:s0], [sflag:$0x6], $0x80, s31, s8, $0xb8;
	[tilespmem:$0x1C300] =	vst v63  }
0x79: {  	_ =	swait.ge [sflag:s29], $0x4000  }
0x7a: {  	[sflag:s29] =	ssyncset.done $0x0  }
0x7b: {  	[sflag:s29] =	ssyncadd.s32 $0xFFFFC000  }
0x7c: {  	v0 =	vld [tilespmem:$0xC0]  }
0x7d: {  	v1 =	vld [tilespmem:$0x80]  }
0x7e: {  	v2 =	vld [tilespmem:$0xA0]  }
0x7f: {  	v3 =	vld [tilespmem:$0x90]  }
0x80: {  	v63 =	vld [tilespmem:$0xB0]  }
0x81: {  	[tilespmem:$0x240] =	vst v0;
	v0 =	vld [tilespmem:$0xD0]  }
0x82: {  	[tilespmem:$0x200] =	vst v1;
	v1 =	vld [tilespmem:$0xE0]  }
0x83: {  	[tilespmem:$0x220] =	vst v2;
	v2 =	vld [tilespmem:$0xF0]  }
0x84: {  	s18 =	sadd.s32 $0x2, s18;
	s10 =	rddreg [dreg:$0x4];
	[tilespmem:$0x210] =	vst v3  }
0x85: {  	s16 =	sadd.s32 $0x200, s16;
	p0 =	sge.u32 s18, s10;
	[tilespmem:$0x230] =	vst v63  }
0x86: {  	s11 =	sadd.s32 $0x1, s18;
	s10 =	sadd.s32 @!p0 $0xFFFFFF00, s16;
	[tilespmem:$0x250] =	vst v0  }
0x87: {  	s20 =	smov.u32 s13;
	p2 =	sge.u32 s11, s7;
	s9 =	sshrl.u32 @!p0 s10, $0x3;
	[tilespmem:$0x260] =	vst v1  }
0x88: {  	s15 =	simm.s32 @!p0 $0x0;
	s10 =	simm.s32 @!p2 $0x2;
	s9 =	sadd.s32 @!p0 s6, s9;
	[tilespmem:$0x270] =	vst v2  }
0x89: {  	[tilespmem:s15], [sflag:$0x1] =	stream.linear.gather @!p0 [hbm4b:s9+s15], $0x100, $0x38;
	[tilespmem:$0x1C300] =	vst v63  }
0x8a: {  	p3 =	seq.s32 @!p2 s20, $0x0;
	_ =	swait.ge @!p2 [sflag:s10], $0x100  }
0x8b: {  	p3 =	por p3, p2;
	[sflag:s10] =	ssyncset.done @!p2 $0x0  }
0x8c: {  	s11 =	simm.s32 @!p3 $0x6;
	[sflag:s10] =	ssyncadd.s32 @!p2 $0xFFFFFF00  }
0x8d: {  	_ =	swait.ge @!p3 [sflag:s11], $0x4000  }
0x8e: {  	s9 =	simm.s32 @!p2 $0x100;
	[sflag:s11] =	ssyncset.done @!p3 $0x0  }
0x8f: {  	s10 =	simm.s32 @!p2 $0x4300;
	[sflag:s11] =	ssyncadd.s32 @!p3 $0xFFFFC000;
	s11 =	simm.s32 @!p2 $0x80  }
0x90: {  	[tilespmem:s10], [sflag:$0x4] =	stream.indirect.gather @!p2 [hbm4b:s5+s11], $0x80, s9, s11, $0xb8;
	[tilespmem:$0x1C300] =	vst v63  }
0x91: {  	s13 =	sadd.s32 $0xFFFFFFFF, s13;
	s21 =	rddreg [dreg:$0x5]  }
0x92: {  	[spmem:s2] =	stream.indirect.scatter.add.f32 [tilespmem:s24], [sflag:$0x5], $0x80, s21, s8, $0xb8;
	[tilespmem:$0x1C300] =	vst v63  }
0x93: {  	p1 =	sne.s32 s22, s13;
	_ =	swait.ge [sflag:s30], $0x4000  }
.Ltmp1:
0x94: {  	[sflag:s30] =	ssyncset.done $0x0;
	(pc) =	sbr.rel @p1 .LBB2_2-.Ltmp1, $4  }
0x95: {  	[sflag:s30] =	ssyncadd.s32 $0xFFFFC000  }
0x96: {  	v2 =	vld [tilespmem:$0x180]  }
0x97: {  	v1 =	vld [tilespmem:$0x1F0]  }
0x98: {  	s17 =	smov.u32 s18;
	s23 =	smov.u32 s16;
	v0 =	vld [tilespmem:$0x1E0]  }
.LBB2_3:
0x99: {  	v3 =	vld [tilespmem:$0x190]  }
0x9a: {  	v4 =	vld [tilespmem:$0x1B0]  }
0x9b: {  	v62 =	vld [tilespmem:$0x1D0];
	[tilespmem:$0x280] =	vst v2  }
0x9c: {  	v5 =	vld [tilespmem:$0x1A0];
	[tilespmem:$0x2F0] =	vst v1  }
0x9d: {  	v63 =	vld [tilespmem:$0x1C0];
	[tilespmem:$0x2E0] =	vst v0  }
0x9e: {  	[tilespmem:$0x290] =	vst v3  }
0x9f: {  	s9 =	rddreg [dreg:$0x6];
	[tilespmem:$0x2B0] =	vst v4  }
0xa0: {  	p1 =	sge.u32 s17, s9;
	[tilespmem:$0x2D0] =	vst v62  }
0xa1: {  	s9 =	sshrl.u32 @!p1 s23, $0x3;
	[tilespmem:$0x2A0] =	vst v5  }
0xa2: {  	s10 =	simm.s32 @!p1 $0x0;
	s11 =	simm.s32 @!p1 $0x100;
	s9 =	sadd.s32 @!p1 s6, s9;
	[tilespmem:$0x2C0] =	vst v63  }
0xa3: {  	[tilespmem:s11], [sflag:$0x2] =	stream.linear.gather @!p1 [hbm4b:s9+s10], $0x100, $0x38;
	[tilespmem:$0x1C300] =	vst v63  }
0xa4: {  	s9 =	simm.s32 @!p0 $0x1  }
0xa5: {  	_ =	swait.ge @!p0 [sflag:s9], $0x100  }
0xa6: {  	[sflag:s9] =	ssyncset.done @!p0 $0x0  }
0xa7: {  	s10 =	simm.s32 @!p0 $0x5;
	[sflag:s9] =	ssyncadd.s32 @!p0 $0xFFFFFF00  }
0xa8: {  	_ =	swait.ge @!p0 [sflag:s10], $0x4000  }
0xa9: {  	[sflag:s10] =	ssyncset.done @!p0 $0x0  }
0xaa: {  	s9 =	simm.s32 @!p0 $0x80;
	[sflag:s10] =	ssyncadd.s32 @!p0 $0xFFFFC000;
	s10 =	simm.s32 @!p0 $0x300  }
0xab: {  	[tilespmem:s10], [sflag:$0x3] =	stream.indirect.gather @!p0 [hbm4b:s5+s9], $0x80, s15, s9, $0xb8;
	[tilespmem:$0x1C300] =	vst v63  }
0xac: {  	_ = 	snop  }
0xad: {  	[spmem:s2] =	stream.indirect.scatter.add.f32 [tilespmem:s0], [sflag:$0x6], $0x80, s31, s8, $0xb8;
	[tilespmem:$0x1C300] =	vst v63  }
0xae: {  	_ =	swait.ge [sflag:s4], $0x4000  }
0xaf: {  	[sflag:s4] =	ssyncset.done $0x0  }
0xb0: {  	[sflag:s4] =	ssyncadd.s32 $0xFFFFC000  }
0xb1: {  	_ =	swait.ge [sflag:s1], $0x4000  }
0xb2: {  	[sflag:s1] =	ssyncset.done $0x0  }
0xb3: {  	[sflag:s1] =	ssyncadd.s32 $0xFFFFC000  }
0xb4: {  	[bflag:$0x0] =	sbarrier.arrive $0xFFFF  }
0xb5: {  	[tilespmem:s24], [sflag:$0x3] =	stream.linear.gather [spmem:s12], $0x4000, $0x38;
	[tilespmem:$0x1C300] =	vst v63  }
0xb6: {  	_ =	swait.ge [sflag:s29], $0x4000  }
0xb7: {  	[sflag:s29] =	ssyncset.done $0x0  }
0xb8: {  	s13 =	rddreg [dreg:$0xc];
	[sflag:s29] =	ssyncadd.s32 $0xFFFFC000  }
0xb9: {  	[hbm4b:s13+s3] =	stream.linear.scatter [tilespmem:s24], [sflag:$0x5], $0x4000, $0x38;
	[tilespmem:$0x1C300] =	vst v63  }
0xba: {  	_ = 	snop  }
0xbb: {  	[tilespmem:s0], [sflag:$0x4] =	stream.linear.gather [spmem:s14], $0x4000, $0x38;
	[tilespmem:$0x1C300] =	vst v63  }
0xbc: {  	_ =	swait.ge [sflag:s30], $0x4000  }
0xbd: {  	[sflag:s30] =	ssyncset.done $0x0  }
0xbe: {  	s15 =	rddreg [dreg:$0xd];
	[sflag:s30] =	ssyncadd.s32 $0xFFFFC000  }
0xbf: {  	[hbm4b:s15+s3] =	stream.linear.scatter [tilespmem:s0], [sflag:$0x6], $0x4000, $0x38;
	[tilespmem:$0x1C300] =	vst v63  }
0xc0: {  	_ =	swait.ge [sflag:s4], $0x4000  }
0xc1: {  	[sflag:s4] =	ssyncset.done $0x0  }
0xc2: {  	s21 =	rddreg [dreg:$0x7];
	[sflag:s4] =	ssyncadd.s32 $0xFFFFC000  }
0xc3: {  	[tilespmem:s24], [sflag:$0x3] =	stream.linear.gather [spmem:s21], $0x4000, $0x38;
	[tilespmem:$0x1C300] =	vst v63  }
0xc4: {  	_ =	swait.ge [sflag:s29], $0x4000  }
0xc5: {  	[sflag:s29] =	ssyncset.done $0x0  }
0xc6: {  	s16 =	rddreg [dreg:$0xe];
	[sflag:s29] =	ssyncadd.s32 $0xFFFFC000  }
0xc7: {  	[hbm4b:s16+s3] =	stream.linear.scatter [tilespmem:s24], [sflag:$0x5], $0x4000, $0x38;
	[tilespmem:$0x1C300] =	vst v63  }
0xc8: {  	_ =	swait.ge [sflag:s1], $0x4000  }
0xc9: {  	[sflag:s1] =	ssyncset.done $0x0  }
0xca: {  	s23 =	rddreg [dreg:$0x8];
	[sflag:s1] =	ssyncadd.s32 $0xFFFFC000  }
0xcb: {  	[tilespmem:s0], [sflag:$0x4] =	stream.linear.gather [spmem:s23], $0x4000, $0x38;
	[tilespmem:$0x1C300] =	vst v63  }
0xcc: {  	_ =	swait.ge [sflag:s30], $0x4000  }
0xcd: {  	[sflag:s30] =	ssyncset.done $0x0  }
0xce: {  	s17 =	rddreg [dreg:$0xf];
	[sflag:s30] =	ssyncadd.s32 $0xFFFFC000  }
0xcf: {  	[hbm4b:s17+s3] =	stream.linear.scatter [tilespmem:s0], [sflag:$0x6], $0x4000, $0x38;
	[tilespmem:$0x1C300] =	vst v63  }
0xd0: {  	_ =	swait.ge [sflag:s4], $0x4000  }
0xd1: {  	[sflag:s4] =	ssyncset.done $0x0  }
0xd2: {  	s13 =	rddreg [dreg:$0xa];
	[sflag:s4] =	ssyncadd.s32 $0xFFFFC000  }
0xd3: {  	[tilespmem:s24], [sflag:$0x3] =	stream.linear.gather [spmem:s13], $0x4000, $0x38;
	[tilespmem:$0x1C300] =	vst v63  }
0xd4: {  	_ =	swait.ge [sflag:s29], $0x4000  }
0xd5: {  	[sflag:s29] =	ssyncset.done $0x0  }
0xd6: {  	s18 =	rddreg [dreg:$0x10];
	[sflag:s29] =	ssyncadd.s32 $0xFFFFC000  }
0xd7: {  	[hbm4b:s18+s3] =	stream.linear.scatter [tilespmem:s24], [sflag:$0x5], $0x4000, $0x38;
	[tilespmem:$0x1C300] =	vst v63  }
0xd8: {  	_ =	swait.ge [sflag:s4], $0x4000  }
0xd9: {  	[sflag:s4] =	ssyncset.done $0x0  }
0xda: {  	[sflag:s4] =	ssyncadd.s32 $0xFFFFC000  }
0xdb: {  	_ =	swait.ge [sflag:s1], $0x4000  }
0xdc: {  	s28 =	sadd.s32 $0x1, s28;
	s20 =	rddreg [dreg:$0x11]  }
0xdd: {  	p0 =	sne.s32 s28, s20  }
.Ltmp2:
0xde: {  	_ = 	snop;
	(pc) =	sbr.rel @p0 .LBB2_1-.Ltmp2, $3  }
0xdf: {  	_ =	sdelay $0x1  }
0xe0: {  	[sflag:s1] =	ssyncset.done $0x0  }
0xe1: {  	s11 =	smov.u32 s14;
	s10 =	smov.u32 s12;
	[sflag:s1] =	ssyncadd.s32 $0xFFFFC000  }
0xe2: {  	_ =	sfence.sel $0x180000  }
0xe3: {  	[bflag:$0x0] =	sbarrier.arrive $0xFFFF  }
0xe4: {  	_ =	strace $0x90000053  }
0xe5: {  	s0 =	stileid.u32;
	[bflag:$0x2] =	sbarrier.arrive $0xFFFF  }
0xe6: {  	p0 =	sne.s32 s0, $0x0;
	s0 =	rddreg [dreg:$0x3]  }
0xe7: {  	s0 =	sadd.s32 @!p0 $0x100000, s0  }
0xe8: {  	[sflag:s0] =	ssyncadd.tile.s32 @!p0 $0x1;
	_ =	shalt  }
.Lfunc_end2:
_tile_overlayer_lowered:
.L_overlay_start_2:
0xe9: {  	(tag) =	ssettag $0x2  }
0xea: {  	s0 =	rddreg [dreg:$0x0];
	s2 =	stileid.u32  }
0xeb: {  	s1 =	rddreg [dreg:$0x1];
	p0 =	sne.s32 s2, $0x0  }
0xec: {  	s3 =	rddreg [dreg:$0x2];
	[bflag:$0x3] =	sbarrier.arrive $0xFFFF;
	s2 =	simm.s32 @!p0 $0x1C07  }
0xed: {  	[timem:s3], [sflag:s2] =	dma.local @!p0 [hbm:s0], s1  }
0xee: {  	s0 =	simm.s32 @!p0 $0x7  }
0xef: {  	_ =	swait.ge @!p0 [sflag:s0], s1  }
0xf0: {  	s1 =	ssub.s32 @!p0 $0x0, s1;
	[sflag:s0] =	ssyncset.done @!p0 $0x0  }
0xf1: {  	[sflag:s0] =	ssyncadd.s32 @!p0 s1  }
0xf2: {  	[bflag:$0x3] =	sbarrier.arrive $0xFFFF  }
0xf3: {  	_ =	shalt  }

</sc_bundles>
